<compile_context>
chip_gen: v7x
topology: tpu7x:2x2x1
jax: 0.10.2.dev20260603
libtpu: 0.0.44.dev20260713+nightly
codegen_flags: <defaults>
</compile_context>

<pallas_src>
import functools

import jax
import jax.numpy as jnp
from jax import lax
from jax.experimental import pallas as pl
from jax.experimental.pallas import tpu as pltpu
from jax.experimental.pallas import tpu_sc as plsc

N, E, D, ED = 10000, 320000, 128, 16

NC, NS, L = 2, 16, 16
NW = NC * NS
CH = 80
NCHUNK = E // CH
TLOC = NCHUNK // NW
N_PAD = 10240
ROWS_PER_TILE = N_PAD // NS



def _edge_emb_body(ea_ref, we_ref, be_ref, out_ref):
    out_ref[...] = (
        jnp.dot(ea_ref[...], we_ref[...], preferred_element_type=jnp.float32)
        + be_ref[...]
    )


def _edge_emb(ea, We, be2d):
    BE = 2560
    return pl.pallas_call(
        _edge_emb_body,
        grid=(E // BE,),
        in_specs=[
            pl.BlockSpec((BE, ED), lambda i: (i, 0)),
            pl.BlockSpec((ED, D), lambda i: (0, 0)),
            pl.BlockSpec((1, D), lambda i: (0, 0)),
        ],
        out_specs=pl.BlockSpec((BE, D), lambda i: (i, 0)),
        out_shape=jax.ShapeDtypeStruct((E, D), jnp.float32),
    )(ea, We, be2d)



def _sc_aggr_body(src_hbm, dst_hbm, eemb_hbm, h_hbm, out_hbm,
                  si0, si1, si2, si3, di0, di1, di2, di3,
                  emb0, emb1, hr0, hr1,
                  aggr_sh, sx0, sx1, sx2, sx3, se0, se1, sg0, sg1):
    cid = lax.axis_index("c")
    sid = lax.axis_index("s")
    wid = sid * NC + cid

    sis = (si0, si1, si2, si3)
    dis = (di0, di1, di2, di3)
    embs = (emb0, emb1)
    hrs = (hr0, hr1)
    sxs = (sx0, sx1, sx2, sx3)
    ses = (se0, se1)
    sgs = (sg0, sg1)

    def zbody(r, _):
        for j in range(D // L):
            emb0[r, pl.ds(j * L, L)] = jnp.zeros((L,), jnp.float32)
        return 0
    lax.fori_loop(0, CH, zbody, 0)

    row0 = sid * ROWS_PER_TILE
    for k in range(ROWS_PER_TILE // CH):
        pltpu.sync_copy(emb0, aggr_sh.at[pl.ds(row0 + k * CH, CH)])
    plsc.subcore_barrier()

    def base_of(t):
        return (wid + t * NW) * CH

    def issue_idx(t, s):
        base = base_of(t)
        pltpu.async_copy(src_hbm.at[pl.ds(base, CH)], sis[s], sxs[s])
        pltpu.async_copy(dst_hbm.at[pl.ds(base, CH)], dis[s], sxs[s])

    def wait_idx(s):
        pltpu.make_async_copy(src_hbm.at[pl.ds(0, CH)], sis[s], sxs[s]).wait()
        pltpu.make_async_copy(dst_hbm.at[pl.ds(0, CH)], dis[s], sxs[s]).wait()

    def issue_fill(t, s, b):
        pltpu.async_copy(h_hbm.at[sis[s]], hrs[b], sgs[b])
        pltpu.async_copy(eemb_hbm.at[pl.ds(base_of(t), CH)], embs[b], ses[b])

    def wait_fill(s, b):
        pltpu.make_async_copy(h_hbm.at[sis[s]], hrs[b], sgs[b]).wait()
        pltpu.make_async_copy(eemb_hbm.at[pl.ds(0, CH)], embs[b], ses[b]).wait()

    def compute_scatter(s, b):
        emb_v, hrow_v = embs[b], hrs[b]

        def rbody(r, _):
            for j in range(D // L):
                sl = pl.ds(j * L, L)
                emb_v[r, sl] = jnp.maximum(emb_v[r, sl] + hrow_v[r, sl], 0.0)
            return 0
        lax.fori_loop(0, CH, rbody, 0, unroll=4)
        pltpu.sync_copy(emb_v, aggr_sh.at[dis[s]], add=True)

    issue_idx(0, 0)
    issue_idx(1, 1)
    wait_idx(0)
    issue_fill(0, 0, 0)

    def step(t, ti):
        s = ti % 4
        sq = (ti + 1) % 4
        sn = (ti + 2) % 4
        b = ti % 2
        bq = (ti + 1) % 2

        @pl.when(t + 2 < TLOC)
        def _():
            issue_idx(t + 2, sn)

        @pl.when(t + 1 < TLOC)
        def _():
            wait_idx(sq)
            issue_fill(t + 1, sq, bq)

        @pl.when(t < TLOC)
        def _():
            wait_fill(s, b)
            compute_scatter(s, b)

    def loop_body(k, _):
        t0 = k * 4
        for i in range(4):
            step(t0 + i, i)
        return 0
    lax.fori_loop(0, (TLOC + 3) // 4, loop_body, 0)
    plsc.subcore_barrier()

    pltpu.sync_copy(aggr_sh.at[pl.ds(row0, ROWS_PER_TILE)],
                    out_hbm.at[cid, pl.ds(row0, ROWS_PER_TILE)])


def _sc_aggregate(src, dst, e_emb, h):
    mesh = plsc.VectorSubcoreMesh(core_axis_name="c", subcore_axis_name="s",
                                  num_cores=NC, num_subcores=NS)
    fn = pl.kernel(
        _sc_aggr_body,
        out_type=jax.ShapeDtypeStruct((NC, N_PAD, D), jnp.float32),
        mesh=mesh,
        scratch_types=(
            [pltpu.VMEM((CH,), jnp.int32)] * 8
            + [pltpu.VMEM((CH, D), jnp.float32)] * 4
            + [pltpu.VMEM_SHARED((N_PAD, D), jnp.float32)]
            + [pltpu.SemaphoreType.DMA] * 8
        ),
    )
    return fn(src, dst, e_emb, h)



def _node_body(h_ref, a_ref, eps_ref, w1_ref, b1_ref, w2_ref, b2_ref,
               g_ref, bt_ref, vf_ref, out_ref):
    h = h_ref[...]
    aggr = a_ref[0, :N] + a_ref[1, :N]
    z = (1.0 + eps_ref[...]) * h + aggr
    z = jnp.maximum(
        jnp.dot(z, w1_ref[...], preferred_element_type=jnp.float32)
        + b1_ref[...], 0.0)
    z = (jnp.dot(z, w2_ref[...], preferred_element_type=jnp.float32)
         + b2_ref[...])
    z = jnp.maximum(z, 0.0)
    mean = jnp.mean(z, axis=0, keepdims=True)
    var = jnp.mean(jnp.square(z - mean), axis=0, keepdims=True)
    z = g_ref[...] * (z - mean) * lax.rsqrt(var + 1e-5) + bt_ref[...]
    out_ref[...] = (h + z) * vf_ref[...]


def _node_update(h, aggr2, eps2d, W1, b1_2d, W2, b2_2d, g2d, bt2d, valid_f):
    return pl.pallas_call(
        _node_body,
        out_shape=jax.ShapeDtypeStruct((N, D), jnp.float32),
    )(h, aggr2, eps2d, W1, b1_2d, W2, b2_2d, g2d, bt2d, valid_f)



@jax.jit
def kernel(h, ei, ea, valid_f, eps, We, be, W1, b1, W2, b2, gamma, beta):
    e_emb = _edge_emb(ea, We, be.reshape(1, D))
    src = ei[0]
    dst = ei[1]
    aggr2 = _sc_aggregate(src, dst, e_emb, h)
    return _node_update(
        h, aggr2, eps.reshape(1, 1), W1, b1.reshape(1, D), W2,
        b2.reshape(1, D), gamma.reshape(1, D), beta.reshape(1, D), valid_f)

# --- scband reference (transcript-rebuilt; emitter-appended) ---
"""Pipeline reference for scband-local-ginelayer-9921374453964 (READ-ONLY COPY).

The authoritative reference and input builder live on the scoring server;
editing this copy changes nothing except your own understanding.
"""

import jax, jax.numpy as jnp
import numpy as np

N, E, D, ED = 10000, 320000, 128, 16


def setup_inputs(seed: int = 0) -> dict:
    key = jax.random.key(seed)
    ks = jax.random.split(key, 12)
    h = jax.random.normal(ks[0], (N, D), dtype=jnp.float32)
    ei = jax.random.randint(ks[1], (2, E), 0, N, dtype=jnp.int32)
    ea = jax.random.normal(ks[2], (E, ED), dtype=jnp.float32)
    valid_f = jnp.ones((N, 1), dtype=jnp.float32)
    # GINEConv learned eps (train_eps=True, init 0)
    eps = jnp.zeros((), dtype=jnp.float32)
    # edge_dim -> hidden linear inside GINEConv
    We = jax.random.normal(ks[3], (ED, D), dtype=jnp.float32) * (1.0 / np.sqrt(ED))
    be = jnp.zeros((D,), dtype=jnp.float32)
    # 2-layer MLP (hidden -> hidden -> hidden)
    W1 = jax.random.normal(ks[4], (D, D), dtype=jnp.float32) * (1.0 / np.sqrt(D))
    b1 = jnp.zeros((D,), dtype=jnp.float32)
    W2 = jax.random.normal(ks[5], (D, D), dtype=jnp.float32) * (1.0 / np.sqrt(D))
    b2 = jnp.zeros((D,), dtype=jnp.float32)
    # BatchNorm affine params
    gamma = jnp.ones((D,), dtype=jnp.float32)
    beta = jnp.zeros((D,), dtype=jnp.float32)
    return {"h": h, "ei": ei, "ea": ea, "valid_f": valid_f, "eps": eps,
            "We": We, "be": be, "W1": W1, "b1": b1, "W2": W2, "b2": b2,
            "gamma": gamma, "beta": beta}


def reference(h, ei, ea, valid_f, eps, We, be, W1, b1, W2, b2, gamma, beta):
    src = ei[0]
    dst = ei[1]
    # GINEConv message: relu(x_j + lin(edge_attr))
    e_emb = ea @ We + be
    msg = jax.nn.relu(jnp.take(h, src, axis=0) + e_emb)
    # scatter-add aggregation at destination nodes
    aggr = jnp.zeros((N, D), dtype=h.dtype).at[dst].add(msg)
    # GIN update: mlp((1+eps)*x + aggr)
    z = (1.0 + eps) * h + aggr
    z = jax.nn.relu(z @ W1 + b1)
    z = z @ W2 + b2
    # F.relu after conv
    z = jax.nn.relu(z)
    # BatchNorm over node dimension (batch statistics)
    mean = jnp.mean(z, axis=0)
    var = jnp.var(z, axis=0)
    z = gamma * (z - mean) * jax.lax.rsqrt(var + 1e-5) + beta
    # dropout p=0.0 is identity
    # residual + valid mask
    return (h + z) * valid_f

if __name__ == "__main__":
    import jax
    _d = setup_inputs()
    print(jax.jit(kernel)(*tuple(_d.values())))

</pallas_src>

<mosaic_0001>
#map = affine_map<(d0, d1) -> (0)>
#map1 = affine_map<(d0, d1) -> (0, 0)>
#map2 = affine_map<(d0, d1) -> (0, 0, 0)>
module attributes {stable_mosaic.version = 14 : i64} {
  func.func @_sc_aggr_body(%arg0: i32, %arg1: i32, %arg2: memref<320000xi32, #tpu.memory_space<hbm>>, %arg3: memref<320000xi32, #tpu.memory_space<hbm>>, %arg4: memref<320000x128xf32, #tpu.memory_space<hbm>>, %arg5: memref<10000x128xf32, #tpu.memory_space<hbm>>, %arg6: memref<2x10240x128xf32, #tpu.memory_space<hbm>>, %arg7: memref<80xi32, #tpu.memory_space<vmem>>, %arg8: memref<80xi32, #tpu.memory_space<vmem>>, %arg9: memref<80xi32, #tpu.memory_space<vmem>>, %arg10: memref<80xi32, #tpu.memory_space<vmem>>, %arg11: memref<80xi32, #tpu.memory_space<vmem>>, %arg12: memref<80xi32, #tpu.memory_space<vmem>>, %arg13: memref<80xi32, #tpu.memory_space<vmem>>, %arg14: memref<80xi32, #tpu.memory_space<vmem>>, %arg15: memref<80x128xf32, #tpu.memory_space<vmem>>, %arg16: memref<80x128xf32, #tpu.memory_space<vmem>>, %arg17: memref<80x128xf32, #tpu.memory_space<vmem>>, %arg18: memref<80x128xf32, #tpu.memory_space<vmem>>, %arg19: memref<10240x128xf32, #tpu.memory_space<vmem_shared>>, %arg20: memref<!tpu.dma_semaphore, #tpu.memory_space<semaphore_mem>>, %arg21: memref<!tpu.dma_semaphore, #tpu.memory_space<semaphore_mem>>, %arg22: memref<!tpu.dma_semaphore, #tpu.memory_space<semaphore_mem>>, %arg23: memref<!tpu.dma_semaphore, #tpu.memory_space<semaphore_mem>>, %arg24: memref<!tpu.dma_semaphore, #tpu.memory_space<semaphore_mem>>, %arg25: memref<!tpu.dma_semaphore, #tpu.memory_space<semaphore_mem>>, %arg26: memref<!tpu.dma_semaphore, #tpu.memory_space<semaphore_mem>>, %arg27: memref<!tpu.dma_semaphore, #tpu.memory_space<semaphore_mem>>) attributes {dimension_semantics = [#tpu.dimension_semantics<core_parallel>, #tpu.dimension_semantics<subcore_parallel>], iteration_bounds = array<i64: 2, 16>, scalar_prefetch = 0 : i64, scratch_operands = 21 : i64, tpu.core_type = #tpu.core_type<sc_vector_subcore>, window_params = [{transform_indices = #map}, {transform_indices = #map}, {transform_indices = #map1}, {transform_indices = #map1}, {transform_indices = #map2}]} {
    %mul3A = arith.constant 2 : i32
    %mul3A_0 = arith.muli %arg1, %mul3A : i32
    %add3A = arith.addi %mul3A_0, %arg0 : i32
    %scan3A = arith.constant 0 : i32
    %scan3A_1 = arith.constant 0 : i32
    %scan3A_2 = arith.constant 80 : i32
    %scan3A_3 = arith.addi %scan3A_1, %scan3A_2 : i32
    %scan3A_4 = arith.constant 1 : i32
    %scan3A_5 = scf.for %scan3A_66 = %scan3A_1 to %scan3A_3 step %scan3A_4 iter_args(%scan3A_67 = %scan3A) -> (i32)  : i32 {
      %broadcast_in_dim3A = arith.constant 0.000000e+00 : f32
      %broadcast_in_dim3A_68 = vector.broadcast %broadcast_in_dim3A : f32 to vector<16xf32>
      %swap3A = arith.index_cast %scan3A_66 : i32 to index
      %swap3A_69 = arith.constant 0 : index
      %swap3A_70 = tpu.vector_load %arg15[%swap3A, %swap3A_69] {strides = array<i32>} : memref<80x128xf32, #tpu.memory_space<vmem>>, vector<1x16xf32>,
      %swap3A_71 = vector.shape_cast %swap3A_70 : vector<1x16xf32> to vector<16xf32>
      %swap3A_72 = vector.shape_cast %broadcast_in_dim3A_68 : vector<16xf32> to vector<1x16xf32>
      tpu.vector_store %arg15[%swap3A, %swap3A_69], %swap3A_72 {strides = array<i32>} : memref<80x128xf32, #tpu.memory_space<vmem>>, vector<1x16xf32>,
      %broadcast_in_dim3A_73 = arith.constant 0.000000e+00 : f32
      %broadcast_in_dim3A_74 = vector.broadcast %broadcast_in_dim3A_73 : f32 to vector<16xf32>
      %swap3A_75 = arith.index_cast %scan3A_66 : i32 to index
      %swap3A_76 = arith.constant 16 : index
      %swap3A_77 = tpu.vector_load %arg15[%swap3A_75, %swap3A_76] {strides = array<i32>} : memref<80x128xf32, #tpu.memory_space<vmem>>, vector<1x16xf32>,
      %swap3A_78 = vector.shape_cast %swap3A_77 : vector<1x16xf32> to vector<16xf32>
      %swap3A_79 = vector.shape_cast %broadcast_in_dim3A_74 : vector<16xf32> to vector<1x16xf32>
      tpu.vector_store %arg15[%swap3A_75, %swap3A_76], %swap3A_79 {strides = array<i32>} : memref<80x128xf32, #tpu.memory_space<vmem>>, vector<1x16xf32>,
      %broadcast_in_dim3A_80 = arith.constant 0.000000e+00 : f32
      %broadcast_in_dim3A_81 = vector.broadcast %broadcast_in_dim3A_80 : f32 to vector<16xf32>
      %swap3A_82 = arith.index_cast %scan3A_66 : i32 to index
      %swap3A_83 = arith.constant 32 : index
      %swap3A_84 = tpu.vector_load %arg15[%swap3A_82, %swap3A_83] {strides = array<i32>} : memref<80x128xf32, #tpu.memory_space<vmem>>, vector<1x16xf32>,
      %swap3A_85 = vector.shape_cast %swap3A_84 : vector<1x16xf32> to vector<16xf32>
      %swap3A_86 = vector.shape_cast %broadcast_in_dim3A_81 : vector<16xf32> to vector<1x16xf32>
      tpu.vector_store %arg15[%swap3A_82, %swap3A_83], %swap3A_86 {strides = array<i32>} : memref<80x128xf32, #tpu.memory_space<vmem>>, vector<1x16xf32>,
      %broadcast_in_dim3A_87 = arith.constant 0.000000e+00 : f32
      %broadcast_in_dim3A_88 = vector.broadcast %broadcast_in_dim3A_87 : f32 to vector<16xf32>
      %swap3A_89 = arith.index_cast %scan3A_66 : i32 to index
      %swap3A_90 = arith.constant 48 : index
      %swap3A_91 = tpu.vector_load %arg15[%swap3A_89, %swap3A_90] {strides = array<i32>} : memref<80x128xf32, #tpu.memory_space<vmem>>, vector<1x16xf32>,
      %swap3A_92 = vector.shape_cast %swap3A_91 : vector<1x16xf32> to vector<16xf32>
      %swap3A_93 = vector.shape_cast %broadcast_in_dim3A_88 : vector<16xf32> to vector<1x16xf32>
      tpu.vector_store %arg15[%swap3A_89, %swap3A_90], %swap3A_93 {strides = array<i32>} : memref<80x128xf32, #tpu.memory_space<vmem>>, vector<1x16xf32>,
      %broadcast_in_dim3A_94 = arith.constant 0.000000e+00 : f32
      %broadcast_in_dim3A_95 = vector.broadcast %broadcast_in_dim3A_94 : f32 to vector<16xf32>
      %swap3A_96 = arith.index_cast %scan3A_66 : i32 to index
      %swap3A_97 = arith.constant 64 : index
      %swap3A_98 = tpu.vector_load %arg15[%swap3A_96, %swap3A_97] {strides = array<i32>} : memref<80x128xf32, #tpu.memory_space<vmem>>, vector<1x16xf32>,
      %swap3A_99 = vector.shape_cast %swap3A_98 : vector<1x16xf32> to vector<16xf32>
      %swap3A_100 = vector.shape_cast %broadcast_in_dim3A_95 : vector<16xf32> to vector<1x16xf32>
      tpu.vector_store %arg15[%swap3A_96, %swap3A_97], %swap3A_100 {strides = array<i32>} : memref<80x128xf32, #tpu.memory_space<vmem>>, vector<1x16xf32>,
      %broadcast_in_dim3A_101 = arith.constant 0.000000e+00 : f32
      %broadcast_in_dim3A_102 = vector.broadcast %broadcast_in_dim3A_101 : f32 to vector<16xf32>
      %swap3A_103 = arith.index_cast %scan3A_66 : i32 to index
      %swap3A_104 = arith.constant 80 : index
      %swap3A_105 = tpu.vector_load %arg15[%swap3A_103, %swap3A_104] {strides = array<i32>} : memref<80x128xf32, #tpu.memory_space<vmem>>, vector<1x16xf32>,
      %swap3A_106 = vector.shape_cast %swap3A_105 : vector<1x16xf32> to vector<16xf32>
      %swap3A_107 = vector.shape_cast %broadcast_in_dim3A_102 : vector<16xf32> to vector<1x16xf32>
      tpu.vector_store %arg15[%swap3A_103, %swap3A_104], %swap3A_107 {strides = array<i32>} : memref<80x128xf32, #tpu.memory_space<vmem>>, vector<1x16xf32>,
      %broadcast_in_dim3A_108 = arith.constant 0.000000e+00 : f32
      %broadcast_in_dim3A_109 = vector.broadcast %broadcast_in_dim3A_108 : f32 to vector<16xf32>
      %swap3A_110 = arith.index_cast %scan3A_66 : i32 to index
      %swap3A_111 = arith.constant 96 : index
      %swap3A_112 = tpu.vector_load %arg15[%swap3A_110, %swap3A_111] {strides = array<i32>} : memref<80x128xf32, #tpu.memory_space<vmem>>, vector<1x16xf32>,
      %swap3A_113 = vector.shape_cast %swap3A_112 : vector<1x16xf32> to vector<16xf32>
      %swap3A_114 = vector.shape_cast %broadcast_in_dim3A_109 : vector<16xf32> to vector<1x16xf32>
      tpu.vector_store %arg15[%swap3A_110, %swap3A_111], %swap3A_114 {strides = array<i32>} : memref<80x128xf32, #tpu.memory_space<vmem>>, vector<1x16xf32>,
      %broadcast_in_dim3A_115 = arith.constant 0.000000e+00 : f32
      %broadcast_in_dim3A_116 = vector.broadcast %broadcast_in_dim3A_115 : f32 to vector<16xf32>
      %swap3A_117 = arith.index_cast %scan3A_66 : i32 to index
      %swap3A_118 = arith.constant 112 : index
      %swap3A_119 = tpu.vector_load %arg15[%swap3A_117, %swap3A_118] {strides = array<i32>} : memref<80x128xf32, #tpu.memory_space<vmem>>, vector<1x16xf32>,
      %swap3A_120 = vector.shape_cast %swap3A_119 : vector<1x16xf32> to vector<16xf32>
      %swap3A_121 = vector.shape_cast %broadcast_in_dim3A_116 : vector<16xf32> to vector<1x16xf32>
      tpu.vector_store %arg15[%swap3A_117, %swap3A_118], %swap3A_121 {strides = array<i32>} : memref<80x128xf32, #tpu.memory_space<vmem>>, vector<1x16xf32>,
      %scan3A_122 = arith.constant 0 : i32
      scf.yield %scan3A_122 : i32
    }
    %scan3A_6 = arith.constant 80 : i32
    %mul3A_7 = arith.constant 640 : i32
    %mul3A_8 = arith.muli %arg1, %mul3A_7 : i32
    %add3A_9 = arith.constant 0 : i32
    %add3A_10 = arith.addi %mul3A_8, %add3A_9 : i32
    "tpu.region"() ({
      %run_scoped3A = tpu.sem_alloc : memref<!tpu.dma_semaphore, #tpu.memory_space<semaphore_mem>>
      %dma_start3A_66 = arith.constant 0 : i32
      %dma_start3A_67 = tpu.memref_slice %arg19[%add3A_10, %dma_start3A_66] : memref<10240x128xf32, #tpu.memory_space<vmem_shared>> -> memref<80x128xf32, #tpu.memory_space<vmem_shared>>
      %dma_start3A_68 = arith.constant 0 : i32
      %dma_start3A_69 = tpu.memref_slice %arg19[%add3A_10, %dma_start3A_68] : memref<10240x128xf32, #tpu.memory_space<vmem_shared>> -> memref<80x128xf32, #tpu.memory_space<vmem_shared>>
      tpu.enqueue_dma source(%arg15 : memref<80x128xf32, #tpu.memory_space<vmem>>) target(%dma_start3A_69 : memref<80x128xf32, #tpu.memory_space<vmem_shared>>) target_semaphore(%run_scoped3A : memref<!tpu.dma_semaphore, #tpu.memory_space<semaphore_mem>>)
      %dma_wait3A_70 = arith.constant 0 : i32
      %dma_wait3A_71 = tpu.memref_slice %arg19[%add3A_10, %dma_wait3A_70] : memref<10240x128xf32, #tpu.memory_space<vmem_shared>> -> memref<80x128xf32, #tpu.memory_space<vmem_shared>>
      %dma_wait3A_72 = arith.constant 0 : i32
      %dma_wait3A_73 = tpu.memref_slice %arg19[%add3A_10, %dma_wait3A_72] : memref<10240x128xf32, #tpu.memory_space<vmem_shared>> -> memref<80x128xf32, #tpu.memory_space<vmem_shared>>
      tpu.wait_dma2 semaphore(%run_scoped3A : memref<!tpu.dma_semaphore, #tpu.memory_space<semaphore_mem>>) src(%arg15 : memref<80x128xf32, #tpu.memory_space<vmem>>) dst(%dma_wait3A_73 : memref<80x128xf32, #tpu.memory_space<vmem_shared>>)
      tpu.yield
    }) : () -> ()
    %add3A_11 = arith.constant 80 : i32
    %add3A_12 = arith.addi %mul3A_8, %add3A_11 : i32
    "tpu.region"() ({
      %run_scoped3A = tpu.sem_alloc : memref<!tpu.dma_semaphore, #tpu.memory_space<semaphore_mem>>
      %dma_start3A_66 = arith.constant 0 : i32
      %dma_start3A_67 = tpu.memref_slice %arg19[%add3A_12, %dma_start3A_66] : memref<10240x128xf32, #tpu.memory_space<vmem_shared>> -> memref<80x128xf32, #tpu.memory_space<vmem_shared>>
      %dma_start3A_68 = arith.constant 0 : i32
      %dma_start3A_69 = tpu.memref_slice %arg19[%add3A_12, %dma_start3A_68] : memref<10240x128xf32, #tpu.memory_space<vmem_shared>> -> memref<80x128xf32, #tpu.memory_space<vmem_shared>>
      tpu.enqueue_dma source(%arg15 : memref<80x128xf32, #tpu.memory_space<vmem>>) target(%dma_start3A_69 : memref<80x128xf32, #tpu.memory_space<vmem_shared>>) target_semaphore(%run_scoped3A : memref<!tpu.dma_semaphore, #tpu.memory_space<semaphore_mem>>)
      %dma_wait3A_70 = arith.constant 0 : i32
      %dma_wait3A_71 = tpu.memref_slice %arg19[%add3A_12, %dma_wait3A_70] : memref<10240x128xf32, #tpu.memory_space<vmem_shared>> -> memref<80x128xf32, #tpu.memory_space<vmem_shared>>
      %dma_wait3A_72 = arith.constant 0 : i32
      %dma_wait3A_73 = tpu.memref_slice %arg19[%add3A_12, %dma_wait3A_72] : memref<10240x128xf32, #tpu.memory_space<vmem_shared>> -> memref<80x128xf32, #tpu.memory_space<vmem_shared>>
      tpu.wait_dma2 semaphore(%run_scoped3A : memref<!tpu.dma_semaphore, #tpu.memory_space<semaphore_mem>>) src(%arg15 : memref<80x128xf32, #tpu.memory_space<vmem>>) dst(%dma_wait3A_73 : memref<80x128xf32, #tpu.memory_space<vmem_shared>>)
      tpu.yield
    }) : () -> ()
    %add3A_13 = arith.constant 160 : i32
    %add3A_14 = arith.addi %mul3A_8, %add3A_13 : i32
    "tpu.region"() ({
      %run_scoped3A = tpu.sem_alloc : memref<!tpu.dma_semaphore, #tpu.memory_space<semaphore_mem>>
      %dma_start3A_66 = arith.constant 0 : i32
      %dma_start3A_67 = tpu.memref_slice %arg19[%add3A_14, %dma_start3A_66] : memref<10240x128xf32, #tpu.memory_space<vmem_shared>> -> memref<80x128xf32, #tpu.memory_space<vmem_shared>>
      %dma_start3A_68 = arith.constant 0 : i32
      %dma_start3A_69 = tpu.memref_slice %arg19[%add3A_14, %dma_start3A_68] : memref<10240x128xf32, #tpu.memory_space<vmem_shared>> -> memref<80x128xf32, #tpu.memory_space<vmem_shared>>
      tpu.enqueue_dma source(%arg15 : memref<80x128xf32, #tpu.memory_space<vmem>>) target(%dma_start3A_69 : memref<80x128xf32, #tpu.memory_space<vmem_shared>>) target_semaphore(%run_scoped3A : memref<!tpu.dma_semaphore, #tpu.memory_space<semaphore_mem>>)
      %dma_wait3A_70 = arith.constant 0 : i32
      %dma_wait3A_71 = tpu.memref_slice %arg19[%add3A_14, %dma_wait3A_70] : memref<10240x128xf32, #tpu.memory_space<vmem_shared>> -> memref<80x128xf32, #tpu.memory_space<vmem_shared>>
      %dma_wait3A_72 = arith.constant 0 : i32
      %dma_wait3A_73 = tpu.memref_slice %arg19[%add3A_14, %dma_wait3A_72] : memref<10240x128xf32, #tpu.memory_space<vmem_shared>> -> memref<80x128xf32, #tpu.memory_space<vmem_shared>>
      tpu.wait_dma2 semaphore(%run_scoped3A : memref<!tpu.dma_semaphore, #tpu.memory_space<semaphore_mem>>) src(%arg15 : memref<80x128xf32, #tpu.memory_space<vmem>>) dst(%dma_wait3A_73 : memref<80x128xf32, #tpu.memory_space<vmem_shared>>)
      tpu.yield
    }) : () -> ()
    %add3A_15 = arith.constant 240 : i32
    %add3A_16 = arith.addi %mul3A_8, %add3A_15 : i32
    "tpu.region"() ({
      %run_scoped3A = tpu.sem_alloc : memref<!tpu.dma_semaphore, #tpu.memory_space<semaphore_mem>>
      %dma_start3A_66 = arith.constant 0 : i32
      %dma_start3A_67 = tpu.memref_slice %arg19[%add3A_16, %dma_start3A_66] : memref<10240x128xf32, #tpu.memory_space<vmem_shared>> -> memref<80x128xf32, #tpu.memory_space<vmem_shared>>
      %dma_start3A_68 = arith.constant 0 : i32
      %dma_start3A_69 = tpu.memref_slice %arg19[%add3A_16, %dma_start3A_68] : memref<10240x128xf32, #tpu.memory_space<vmem_shared>> -> memref<80x128xf32, #tpu.memory_space<vmem_shared>>
      tpu.enqueue_dma source(%arg15 : memref<80x128xf32, #tpu.memory_space<vmem>>) target(%dma_start3A_69 : memref<80x128xf32, #tpu.memory_space<vmem_shared>>) target_semaphore(%run_scoped3A : memref<!tpu.dma_semaphore, #tpu.memory_space<semaphore_mem>>)
      %dma_wait3A_70 = arith.constant 0 : i32
      %dma_wait3A_71 = tpu.memref_slice %arg19[%add3A_16, %dma_wait3A_70] : memref<10240x128xf32, #tpu.memory_space<vmem_shared>> -> memref<80x128xf32, #tpu.memory_space<vmem_shared>>
      %dma_wait3A_72 = arith.constant 0 : i32
      %dma_wait3A_73 = tpu.memref_slice %arg19[%add3A_16, %dma_wait3A_72] : memref<10240x128xf32, #tpu.memory_space<vmem_shared>> -> memref<80x128xf32, #tpu.memory_space<vmem_shared>>
      tpu.wait_dma2 semaphore(%run_scoped3A : memref<!tpu.dma_semaphore, #tpu.memory_space<semaphore_mem>>) src(%arg15 : memref<80x128xf32, #tpu.memory_space<vmem>>) dst(%dma_wait3A_73 : memref<80x128xf32, #tpu.memory_space<vmem_shared>>)
      tpu.yield
    }) : () -> ()
    %add3A_17 = arith.constant 320 : i32
    %add3A_18 = arith.addi %mul3A_8, %add3A_17 : i32
    "tpu.region"() ({
      %run_scoped3A = tpu.sem_alloc : memref<!tpu.dma_semaphore, #tpu.memory_space<semaphore_mem>>
      %dma_start3A_66 = arith.constant 0 : i32
      %dma_start3A_67 = tpu.memref_slice %arg19[%add3A_18, %dma_start3A_66] : memref<10240x128xf32, #tpu.memory_space<vmem_shared>> -> memref<80x128xf32, #tpu.memory_space<vmem_shared>>
      %dma_start3A_68 = arith.constant 0 : i32
      %dma_start3A_69 = tpu.memref_slice %arg19[%add3A_18, %dma_start3A_68] : memref<10240x128xf32, #tpu.memory_space<vmem_shared>> -> memref<80x128xf32, #tpu.memory_space<vmem_shared>>
      tpu.enqueue_dma source(%arg15 : memref<80x128xf32, #tpu.memory_space<vmem>>) target(%dma_start3A_69 : memref<80x128xf32, #tpu.memory_space<vmem_shared>>) target_semaphore(%run_scoped3A : memref<!tpu.dma_semaphore, #tpu.memory_space<semaphore_mem>>)
      %dma_wait3A_70 = arith.constant 0 : i32
      %dma_wait3A_71 = tpu.memref_slice %arg19[%add3A_18, %dma_wait3A_70] : memref<10240x128xf32, #tpu.memory_space<vmem_shared>> -> memref<80x128xf32, #tpu.memory_space<vmem_shared>>
      %dma_wait3A_72 = arith.constant 0 : i32
      %dma_wait3A_73 = tpu.memref_slice %arg19[%add3A_18, %dma_wait3A_72] : memref<10240x128xf32, #tpu.memory_space<vmem_shared>> -> memref<80x128xf32, #tpu.memory_space<vmem_shared>>
      tpu.wait_dma2 semaphore(%run_scoped3A : memref<!tpu.dma_semaphore, #tpu.memory_space<semaphore_mem>>) src(%arg15 : memref<80x128xf32, #tpu.memory_space<vmem>>) dst(%dma_wait3A_73 : memref<80x128xf32, #tpu.memory_space<vmem_shared>>)
      tpu.yield
    }) : () -> ()
    %add3A_19 = arith.constant 400 : i32
    %add3A_20 = arith.addi %mul3A_8, %add3A_19 : i32
    "tpu.region"() ({
      %run_scoped3A = tpu.sem_alloc : memref<!tpu.dma_semaphore, #tpu.memory_space<semaphore_mem>>
      %dma_start3A_66 = arith.constant 0 : i32
      %dma_start3A_67 = tpu.memref_slice %arg19[%add3A_20, %dma_start3A_66] : memref<10240x128xf32, #tpu.memory_space<vmem_shared>> -> memref<80x128xf32, #tpu.memory_space<vmem_shared>>
      %dma_start3A_68 = arith.constant 0 : i32
      %dma_start3A_69 = tpu.memref_slice %arg19[%add3A_20, %dma_start3A_68] : memref<10240x128xf32, #tpu.memory_space<vmem_shared>> -> memref<80x128xf32, #tpu.memory_space<vmem_shared>>
      tpu.enqueue_dma source(%arg15 : memref<80x128xf32, #tpu.memory_space<vmem>>) target(%dma_start3A_69 : memref<80x128xf32, #tpu.memory_space<vmem_shared>>) target_semaphore(%run_scoped3A : memref<!tpu.dma_semaphore, #tpu.memory_space<semaphore_mem>>)
      %dma_wait3A_70 = arith.constant 0 : i32
      %dma_wait3A_71 = tpu.memref_slice %arg19[%add3A_20, %dma_wait3A_70] : memref<10240x128xf32, #tpu.memory_space<vmem_shared>> -> memref<80x128xf32, #tpu.memory_space<vmem_shared>>
      %dma_wait3A_72 = arith.constant 0 : i32
      %dma_wait3A_73 = tpu.memref_slice %arg19[%add3A_20, %dma_wait3A_72] : memref<10240x128xf32, #tpu.memory_space<vmem_shared>> -> memref<80x128xf32, #tpu.memory_space<vmem_shared>>
      tpu.wait_dma2 semaphore(%run_scoped3A : memref<!tpu.dma_semaphore, #tpu.memory_space<semaphore_mem>>) src(%arg15 : memref<80x128xf32, #tpu.memory_space<vmem>>) dst(%dma_wait3A_73 : memref<80x128xf32, #tpu.memory_space<vmem_shared>>)
      tpu.yield
    }) : () -> ()
    %add3A_21 = arith.constant 480 : i32
    %add3A_22 = arith.addi %mul3A_8, %add3A_21 : i32
    "tpu.region"() ({
      %run_scoped3A = tpu.sem_alloc : memref<!tpu.dma_semaphore, #tpu.memory_space<semaphore_mem>>
      %dma_start3A_66 = arith.constant 0 : i32
      %dma_start3A_67 = tpu.memref_slice %arg19[%add3A_22, %dma_start3A_66] : memref<10240x128xf32, #tpu.memory_space<vmem_shared>> -> memref<80x128xf32, #tpu.memory_space<vmem_shared>>
      %dma_start3A_68 = arith.constant 0 : i32
      %dma_start3A_69 = tpu.memref_slice %arg19[%add3A_22, %dma_start3A_68] : memref<10240x128xf32, #tpu.memory_space<vmem_shared>> -> memref<80x128xf32, #tpu.memory_space<vmem_shared>>
      tpu.enqueue_dma source(%arg15 : memref<80x128xf32, #tpu.memory_space<vmem>>) target(%dma_start3A_69 : memref<80x128xf32, #tpu.memory_space<vmem_shared>>) target_semaphore(%run_scoped3A : memref<!tpu.dma_semaphore, #tpu.memory_space<semaphore_mem>>)
      %dma_wait3A_70 = arith.constant 0 : i32
      %dma_wait3A_71 = tpu.memref_slice %arg19[%add3A_22, %dma_wait3A_70] : memref<10240x128xf32, #tpu.memory_space<vmem_shared>> -> memref<80x128xf32, #tpu.memory_space<vmem_shared>>
      %dma_wait3A_72 = arith.constant 0 : i32
      %dma_wait3A_73 = tpu.memref_slice %arg19[%add3A_22, %dma_wait3A_72] : memref<10240x128xf32, #tpu.memory_space<vmem_shared>> -> memref<80x128xf32, #tpu.memory_space<vmem_shared>>
      tpu.wait_dma2 semaphore(%run_scoped3A : memref<!tpu.dma_semaphore, #tpu.memory_space<semaphore_mem>>) src(%arg15 : memref<80x128xf32, #tpu.memory_space<vmem>>) dst(%dma_wait3A_73 : memref<80x128xf32, #tpu.memory_space<vmem_shared>>)
      tpu.yield
    }) : () -> ()
    %add3A_23 = arith.constant 560 : i32
    %add3A_24 = arith.addi %mul3A_8, %add3A_23 : i32
    "tpu.region"() ({
      %run_scoped3A = tpu.sem_alloc : memref<!tpu.dma_semaphore, #tpu.memory_space<semaphore_mem>>
      %dma_start3A_66 = arith.constant 0 : i32
      %dma_start3A_67 = tpu.memref_slice %arg19[%add3A_24, %dma_start3A_66] : memref<10240x128xf32, #tpu.memory_space<vmem_shared>> -> memref<80x128xf32, #tpu.memory_space<vmem_shared>>
      %dma_start3A_68 = arith.constant 0 : i32
      %dma_start3A_69 = tpu.memref_slice %arg19[%add3A_24, %dma_start3A_68] : memref<10240x128xf32, #tpu.memory_space<vmem_shared>> -> memref<80x128xf32, #tpu.memory_space<vmem_shared>>
      tpu.enqueue_dma source(%arg15 : memref<80x128xf32, #tpu.memory_space<vmem>>) target(%dma_start3A_69 : memref<80x128xf32, #tpu.memory_space<vmem_shared>>) target_semaphore(%run_scoped3A : memref<!tpu.dma_semaphore, #tpu.memory_space<semaphore_mem>>)
      %dma_wait3A_70 = arith.constant 0 : i32
      %dma_wait3A_71 = tpu.memref_slice %arg19[%add3A_24, %dma_wait3A_70] : memref<10240x128xf32, #tpu.memory_space<vmem_shared>> -> memref<80x128xf32, #tpu.memory_space<vmem_shared>>
      %dma_wait3A_72 = arith.constant 0 : i32
      %dma_wait3A_73 = tpu.memref_slice %arg19[%add3A_24, %dma_wait3A_72] : memref<10240x128xf32, #tpu.memory_space<vmem_shared>> -> memref<80x128xf32, #tpu.memory_space<vmem_shared>>
      tpu.wait_dma2 semaphore(%run_scoped3A : memref<!tpu.dma_semaphore, #tpu.memory_space<semaphore_mem>>) src(%arg15 : memref<80x128xf32, #tpu.memory_space<vmem>>) dst(%dma_wait3A_73 : memref<80x128xf32, #tpu.memory_space<vmem_shared>>)
      tpu.yield
    }) : () -> ()
    %barrier3A = arith.constant 0 : index
    tpu.barrier barrier_id(%barrier3A)
    %add3A_25 = arith.constant 0 : i32
    %add3A_26 = arith.addi %add3A, %add3A_25 : i32
    %mul3A_27 = arith.constant 80 : i32
    %mul3A_28 = arith.muli %add3A_26, %mul3A_27 : i32
    %dma_start3A = tpu.memref_slice %arg2[%mul3A_28] : memref<320000xi32, #tpu.memory_space<hbm>> -> memref<80xi32, #tpu.memory_space<hbm>>
    %dma_start3A_29 = tpu.memref_slice %arg2[%mul3A_28] : memref<320000xi32, #tpu.memory_space<hbm>> -> memref<80xi32, #tpu.memory_space<hbm>>
    tpu.enqueue_dma source(%dma_start3A_29 : memref<80xi32, #tpu.memory_space<hbm>>) target(%arg7 : memref<80xi32, #tpu.memory_space<vmem>>) target_semaphore(%arg20 : memref<!tpu.dma_semaphore, #tpu.memory_space<semaphore_mem>>)
    %dma_start3A_30 = tpu.memref_slice %arg3[%mul3A_28] : memref<320000xi32, #tpu.memory_space<hbm>> -> memref<80xi32, #tpu.memory_space<hbm>>
    %dma_start3A_31 = tpu.memref_slice %arg3[%mul3A_28] : memref<320000xi32, #tpu.memory_space<hbm>> -> memref<80xi32, #tpu.memory_space<hbm>>
    tpu.enqueue_dma source(%dma_start3A_31 : memref<80xi32, #tpu.memory_space<hbm>>) target(%arg11 : memref<80xi32, #tpu.memory_space<vmem>>) target_semaphore(%arg20 : memref<!tpu.dma_semaphore, #tpu.memory_space<semaphore_mem>>)
    %add3A_32 = arith.constant 32 : i32
    %add3A_33 = arith.addi %add3A, %add3A_32 : i32
    %mul3A_34 = arith.constant 80 : i32
    %mul3A_35 = arith.muli %add3A_33, %mul3A_34 : i32
    %dma_start3A_36 = tpu.memref_slice %arg2[%mul3A_35] : memref<320000xi32, #tpu.memory_space<hbm>> -> memref<80xi32, #tpu.memory_space<hbm>>
    %dma_start3A_37 = tpu.memref_slice %arg2[%mul3A_35] : memref<320000xi32, #tpu.memory_space<hbm>> -> memref<80xi32, #tpu.memory_space<hbm>>
    tpu.enqueue_dma source(%dma_start3A_37 : memref<80xi32, #tpu.memory_space<hbm>>) target(%arg8 : memref<80xi32, #tpu.memory_space<vmem>>) target_semaphore(%arg21 : memref<!tpu.dma_semaphore, #tpu.memory_space<semaphore_mem>>)
    %dma_start3A_38 = tpu.memref_slice %arg3[%mul3A_35] : memref<320000xi32, #tpu.memory_space<hbm>> -> memref<80xi32, #tpu.memory_space<hbm>>
    %dma_start3A_39 = tpu.memref_slice %arg3[%mul3A_35] : memref<320000xi32, #tpu.memory_space<hbm>> -> memref<80xi32, #tpu.memory_space<hbm>>
    tpu.enqueue_dma source(%dma_start3A_39 : memref<80xi32, #tpu.memory_space<hbm>>) target(%arg12 : memref<80xi32, #tpu.memory_space<vmem>>) target_semaphore(%arg21 : memref<!tpu.dma_semaphore, #tpu.memory_space<semaphore_mem>>)
    %dma_wait3A = arith.constant 0 : i32
    %dma_wait3A_40 = tpu.memref_slice %arg2[%dma_wait3A] : memref<320000xi32, #tpu.memory_space<hbm>> -> memref<80xi32, #tpu.memory_space<hbm>>
    %dma_wait3A_41 = arith.constant 0 : i32
    %dma_wait3A_42 = tpu.memref_slice %arg2[%dma_wait3A_41] : memref<320000xi32, #tpu.memory_space<hbm>> -> memref<80xi32, #tpu.memory_space<hbm>>
    tpu.wait_dma2 semaphore(%arg20 : memref<!tpu.dma_semaphore, #tpu.memory_space<semaphore_mem>>) src(%dma_wait3A_42 : memref<80xi32, #tpu.memory_space<hbm>>) dst(%arg7 : memref<80xi32, #tpu.memory_space<vmem>>)
    %dma_wait3A_43 = arith.constant 0 : i32
    %dma_wait3A_44 = tpu.memref_slice %arg3[%dma_wait3A_43] : memref<320000xi32, #tpu.memory_space<hbm>> -> memref<80xi32, #tpu.memory_space<hbm>>
    %dma_wait3A_45 = arith.constant 0 : i32
    %dma_wait3A_46 = tpu.memref_slice %arg3[%dma_wait3A_45] : memref<320000xi32, #tpu.memory_space<hbm>> -> memref<80xi32, #tpu.memory_space<hbm>>
    tpu.wait_dma2 semaphore(%arg20 : memref<!tpu.dma_semaphore, #tpu.memory_space<semaphore_mem>>) src(%dma_wait3A_46 : memref<80xi32, #tpu.memory_space<hbm>>) dst(%arg11 : memref<80xi32, #tpu.memory_space<vmem>>)
    %dma_start3A_47 = arith.constant 0 : i32
    %dma_start3A_48 = arith.constant 0 : i32
    %dma_start3A_49 = tpu.memref_slice %arg5[%dma_start3A_47, %dma_start3A_48] : memref<10000x128xf32, #tpu.memory_space<hbm>> -> memref<10000x128xf32, #tpu.memory_space<hbm>>
    tpu.enqueue_indirect_dma source(%dma_start3A_49 : memref<10000x128xf32, #tpu.memory_space<hbm>>) target(%arg17 : memref<80x128xf32, #tpu.memory_space<vmem>>) offsets(%arg7 : memref<80xi32, #tpu.memory_space<vmem>>) semaphore(%arg26 : memref<!tpu.dma_semaphore, #tpu.memory_space<semaphore_mem>>)
    %add3A_50 = arith.constant 0 : i32
    %add3A_51 = arith.addi %add3A, %add3A_50 : i32
    %mul3A_52 = arith.constant 80 : i32
    %mul3A_53 = arith.muli %add3A_51, %mul3A_52 : i32
    %dma_start3A_54 = arith.constant 0 : i32
    %dma_start3A_55 = tpu.memref_slice %arg4[%mul3A_53, %dma_start3A_54] : memref<320000x128xf32, #tpu.memory_space<hbm>> -> memref<80x128xf32, #tpu.memory_space<hbm>>
    %dma_start3A_56 = arith.constant 0 : i32
    %dma_start3A_57 = tpu.memref_slice %arg4[%mul3A_53, %dma_start3A_56] : memref<320000x128xf32, #tpu.memory_space<hbm>> -> memref<80x128xf32, #tpu.memory_space<hbm>>
    tpu.enqueue_dma source(%dma_start3A_57 : memref<80x128xf32, #tpu.memory_space<hbm>>) target(%arg15 : memref<80x128xf32, #tpu.memory_space<vmem>>) target_semaphore(%arg24 : memref<!tpu.dma_semaphore, #tpu.memory_space<semaphore_mem>>)
    %scan3A_58 = arith.constant 0 : i32
    %scan3A_59 = arith.constant 0 : i32
    %scan3A_60 = arith.constant 32 : i32
    %scan3A_61 = arith.addi %scan3A_59, %scan3A_60 : i32
    %scan3A_62 = arith.constant 1 : i32
    %scan3A_63 = scf.for %scan3A_66 = %scan3A_59 to %scan3A_61 step %scan3A_62 iter_args(%scan3A_67 = %scan3A_58) -> (i32)  : i32 {
      %mul3A_68 = arith.constant 4 : i32
      %mul3A_69 = arith.muli %scan3A_66, %mul3A_68 : i32
      %add3A_70 = arith.constant 0 : i32
      %add3A_71 = arith.addi %mul3A_69, %add3A_70 : i32
      %add3A_72 = arith.constant 2 : i32
      %add3A_73 = arith.addi %add3A_71, %add3A_72 : i32
      %lt3A = arith.constant 125 : i32
      %lt3A_74 = arith.cmpi slt, %add3A_73, %lt3A : i32
      %convert_element_type3A = arith.extui %lt3A_74 : i1 to i32
      %cond3A = arith.constant 0 : i32
      %cond3A_75 = arith.cmpi ne, %convert_element_type3A, %cond3A : i32
      scf.if %cond3A_75 {
        %add3A_152 = arith.constant 2 : i32
        %add3A_153 = arith.addi %add3A_71, %add3A_152 : i32
        %mul3A_154 = arith.constant 32 : i32
        %mul3A_155 = arith.muli %add3A_153, %mul3A_154 : i32
        %add3A_156 = arith.addi %add3A, %mul3A_155 : i32
        %mul3A_157 = arith.constant 80 : i32
        %mul3A_158 = arith.muli %add3A_156, %mul3A_157 : i32
        %dma_start3A_159 = tpu.memref_slice %arg2[%mul3A_158] : memref<320000xi32, #tpu.memory_space<hbm>> -> memref<80xi32, #tpu.memory_space<hbm>>
        %dma_start3A_160 = tpu.memref_slice %arg2[%mul3A_158] : memref<320000xi32, #tpu.memory_space<hbm>> -> memref<80xi32, #tpu.memory_space<hbm>>
        tpu.enqueue_dma source(%dma_start3A_160 : memref<80xi32, #tpu.memory_space<hbm>>) target(%arg9 : memref<80xi32, #tpu.memory_space<vmem>>) target_semaphore(%arg22 : memref<!tpu.dma_semaphore, #tpu.memory_space<semaphore_mem>>)
        %dma_start3A_161 = tpu.memref_slice %arg3[%mul3A_158] : memref<320000xi32, #tpu.memory_space<hbm>> -> memref<80xi32, #tpu.memory_space<hbm>>
        %dma_start3A_162 = tpu.memref_slice %arg3[%mul3A_158] : memref<320000xi32, #tpu.memory_space<hbm>> -> memref<80xi32, #tpu.memory_space<hbm>>
        tpu.enqueue_dma source(%dma_start3A_162 : memref<80xi32, #tpu.memory_space<hbm>>) target(%arg13 : memref<80xi32, #tpu.memory_space<vmem>>) target_semaphore(%arg22 : memref<!tpu.dma_semaphore, #tpu.memory_space<semaphore_mem>>)
      } else {
      }
      %add3A_76 = arith.constant 1 : i32
      %add3A_77 = arith.addi %add3A_71, %add3A_76 : i32
      %lt3A_78 = arith.constant 125 : i32
      %lt3A_79 = arith.cmpi slt, %add3A_77, %lt3A_78 : i32
      %convert_element_type3A_80 = arith.extui %lt3A_79 : i1 to i32
      %cond3A_81 = arith.constant 0 : i32
      %cond3A_82 = arith.cmpi ne, %convert_element_type3A_80, %cond3A_81 : i32
      scf.if %cond3A_82 {
        %dma_wait3A_152 = arith.constant 0 : i32
        %dma_wait3A_153 = tpu.memref_slice %arg2[%dma_wait3A_152] : memref<320000xi32, #tpu.memory_space<hbm>> -> memref<80xi32, #tpu.memory_space<hbm>>
        %dma_wait3A_154 = arith.constant 0 : i32
        %dma_wait3A_155 = tpu.memref_slice %arg2[%dma_wait3A_154] : memref<320000xi32, #tpu.memory_space<hbm>> -> memref<80xi32, #tpu.memory_space<hbm>>
        tpu.wait_dma2 semaphore(%arg21 : memref<!tpu.dma_semaphore, #tpu.memory_space<semaphore_mem>>) src(%dma_wait3A_155 : memref<80xi32, #tpu.memory_space<hbm>>) dst(%arg8 : memref<80xi32, #tpu.memory_space<vmem>>)
        %dma_wait3A_156 = arith.constant 0 : i32
        %dma_wait3A_157 = tpu.memref_slice %arg3[%dma_wait3A_156] : memref<320000xi32, #tpu.memory_space<hbm>> -> memref<80xi32, #tpu.memory_space<hbm>>
        %dma_wait3A_158 = arith.constant 0 : i32
        %dma_wait3A_159 = tpu.memref_slice %arg3[%dma_wait3A_158] : memref<320000xi32, #tpu.memory_space<hbm>> -> memref<80xi32, #tpu.memory_space<hbm>>
        tpu.wait_dma2 semaphore(%arg21 : memref<!tpu.dma_semaphore, #tpu.memory_space<semaphore_mem>>) src(%dma_wait3A_159 : memref<80xi32, #tpu.memory_space<hbm>>) dst(%arg12 : memref<80xi32, #tpu.memory_space<vmem>>)
        %add3A_160 = arith.constant 1 : i32
        %add3A_161 = arith.addi %add3A_71, %add3A_160 : i32
        %dma_start3A_162 = arith.constant 0 : i32
        %dma_start3A_163 = arith.constant 0 : i32
        %dma_start3A_164 = tpu.memref_slice %arg5[%dma_start3A_162, %dma_start3A_163] : memref<10000x128xf32, #tpu.memory_space<hbm>> -> memref<10000x128xf32, #tpu.memory_space<hbm>>
        tpu.enqueue_indirect_dma source(%dma_start3A_164 : memref<10000x128xf32, #tpu.memory_space<hbm>>) target(%arg18 : memref<80x128xf32, #tpu.memory_space<vmem>>) offsets(%arg8 : memref<80xi32, #tpu.memory_space<vmem>>) semaphore(%arg27 : memref<!tpu.dma_semaphore, #tpu.memory_space<semaphore_mem>>)
        %mul3A_165 = arith.constant 32 : i32
        %mul3A_166 = arith.muli %add3A_161, %mul3A_165 : i32
        %add3A_167 = arith.addi %add3A, %mul3A_166 : i32
        %mul3A_168 = arith.constant 80 : i32
        %mul3A_169 = arith.muli %add3A_167, %mul3A_168 : i32
        %dma_start3A_170 = arith.constant 0 : i32
        %dma_start3A_171 = tpu.memref_slice %arg4[%mul3A_169, %dma_start3A_170] : memref<320000x128xf32, #tpu.memory_space<hbm>> -> memref<80x128xf32, #tpu.memory_space<hbm>>
        %dma_start3A_172 = arith.constant 0 : i32
        %dma_start3A_173 = tpu.memref_slice %arg4[%mul3A_169, %dma_start3A_172] : memref<320000x128xf32, #tpu.memory_space<hbm>> -> memref<80x128xf32, #tpu.memory_space<hbm>>
        tpu.enqueue_dma source(%dma_start3A_173 : memref<80x128xf32, #tpu.memory_space<hbm>>) target(%arg16 : memref<80x128xf32, #tpu.memory_space<vmem>>) target_semaphore(%arg25 : memref<!tpu.dma_semaphore, #tpu.memory_space<semaphore_mem>>)
      } else {
      }
      %lt3A_83 = arith.constant 125 : i32
      %lt3A_84 = arith.cmpi slt, %add3A_71, %lt3A_83 : i32
      %convert_element_type3A_85 = arith.extui %lt3A_84 : i1 to i32
      %cond3A_86 = arith.constant 0 : i32
      %cond3A_87 = arith.cmpi ne, %convert_element_type3A_85, %cond3A_86 : i32
      scf.if %cond3A_87 {
        %dma_wait3A_152 = arith.constant 0 : i32
        %dma_wait3A_153 = arith.constant 0 : i32
        %dma_wait3A_154 = tpu.memref_slice %arg5[%dma_wait3A_152, %dma_wait3A_153] : memref<10000x128xf32, #tpu.memory_space<hbm>> -> memref<10000x128xf32, #tpu.memory_space<hbm>>
        tpu.wait_indirect_dma semaphore(%arg26 : memref<!tpu.dma_semaphore, #tpu.memory_space<semaphore_mem>>) src(%dma_wait3A_154 : memref<10000x128xf32, #tpu.memory_space<hbm>>) dst(%arg17 : memref<80x128xf32, #tpu.memory_space<vmem>>)
        %dma_wait3A_155 = arith.constant 0 : i32
        %dma_wait3A_156 = arith.constant 0 : i32
        %dma_wait3A_157 = tpu.memref_slice %arg4[%dma_wait3A_155, %dma_wait3A_156] : memref<320000x128xf32, #tpu.memory_space<hbm>> -> memref<80x128xf32, #tpu.memory_space<hbm>>
        %dma_wait3A_158 = arith.constant 0 : i32
        %dma_wait3A_159 = arith.constant 0 : i32
        %dma_wait3A_160 = tpu.memref_slice %arg4[%dma_wait3A_158, %dma_wait3A_159] : memref<320000x128xf32, #tpu.memory_space<hbm>> -> memref<80x128xf32, #tpu.memory_space<hbm>>
        tpu.wait_dma2 semaphore(%arg24 : memref<!tpu.dma_semaphore, #tpu.memory_space<semaphore_mem>>) src(%dma_wait3A_160 : memref<80x128xf32, #tpu.memory_space<hbm>>) dst(%arg15 : memref<80x128xf32, #tpu.memory_space<vmem>>)
        %scan3A_161 = arith.constant 0 : i32
        %scan3A_162 = arith.constant 0 : i32
        %scan3A_163 = arith.constant 80 : i32
        %scan3A_164 = arith.addi %scan3A_162, %scan3A_163 : i32
        %scan3A_165 = arith.constant 4 : i32
        %scan3A_166 = scf.for %scan3A_168 = %scan3A_162 to %scan3A_164 step %scan3A_165 iter_args(%scan3A_169 = %scan3A_161) -> (i32)  : i32 {
          %get3A = arith.index_cast %scan3A_168 : i32 to index
          %get3A_170 = arith.constant 0 : index
          %get3A_171 = tpu.vector_load %arg15[%get3A, %get3A_170] {strides = array<i32>} : memref<80x128xf32, #tpu.memory_space<vmem>>, vector<1x16xf32>,
          %get3A_172 = vector.shape_cast %get3A_171 : vector<1x16xf32> to vector<16xf32>
          %get3A_173 = arith.index_cast %scan3A_168 : i32 to index
          %get3A_174 = arith.constant 0 : index
          %get3A_175 = tpu.vector_load %arg17[%get3A_173, %get3A_174] {strides = array<i32>} : memref<80x128xf32, #tpu.memory_space<vmem>>, vector<1x16xf32>,
          %get3A_176 = vector.shape_cast %get3A_175 : vector<1x16xf32> to vector<16xf32>
          %add3A_177 = arith.addf %get3A_172, %get3A_176 : vector<16xf32>
          %max3A = arith.constant 0.000000e+00 : f32
          %max3A_178 = vector.broadcast %max3A : f32 to vector<16xf32>
          %max3A_179 = arith.maximumf %add3A_177, %max3A_178 : vector<16xf32>
          %swap3A = arith.index_cast %scan3A_168 : i32 to index
          %swap3A_180 = arith.constant 0 : index
          %swap3A_181 = tpu.vector_load %arg15[%swap3A, %swap3A_180] {strides = array<i32>} : memref<80x128xf32, #tpu.memory_space<vmem>>, vector<1x16xf32>,
          %swap3A_182 = vector.shape_cast %swap3A_181 : vector<1x16xf32> to vector<16xf32>
          %swap3A_183 = vector.shape_cast %max3A_179 : vector<16xf32> to vector<1x16xf32>
          tpu.vector_store %arg15[%swap3A, %swap3A_180], %swap3A_183 {strides = array<i32>} : memref<80x128xf32, #tpu.memory_space<vmem>>, vector<1x16xf32>,
          %get3A_184 = arith.index_cast %scan3A_168 : i32 to index
          %get3A_185 = arith.constant 16 : index
          %get3A_186 = tpu.vector_load %arg15[%get3A_184, %get3A_185] {strides = array<i32>} : memref<80x128xf32, #tpu.memory_space<vmem>>, vector<1x16xf32>,
          %get3A_187 = vector.shape_cast %get3A_186 : vector<1x16xf32> to vector<16xf32>
          %get3A_188 = arith.index_cast %scan3A_168 : i32 to index
          %get3A_189 = arith.constant 16 : index
          %get3A_190 = tpu.vector_load %arg17[%get3A_188, %get3A_189] {strides = array<i32>} : memref<80x128xf32, #tpu.memory_space<vmem>>, vector<1x16xf32>,
          %get3A_191 = vector.shape_cast %get3A_190 : vector<1x16xf32> to vector<16xf32>
          %add3A_192 = arith.addf %get3A_187, %get3A_191 : vector<16xf32>
          %max3A_193 = arith.constant 0.000000e+00 : f32
          %max3A_194 = vector.broadcast %max3A_193 : f32 to vector<16xf32>
          %max3A_195 = arith.maximumf %add3A_192, %max3A_194 : vector<16xf32>
          %swap3A_196 = arith.index_cast %scan3A_168 : i32 to index
          %swap3A_197 = arith.constant 16 : index
          %swap3A_198 = tpu.vector_load %arg15[%swap3A_196, %swap3A_197] {strides = array<i32>} : memref<80x128xf32, #tpu.memory_space<vmem>>, vector<1x16xf32>,
          %swap3A_199 = vector.shape_cast %swap3A_198 : vector<1x16xf32> to vector<16xf32>
          %swap3A_200 = vector.shape_cast %max3A_195 : vector<16xf32> to vector<1x16xf32>
          tpu.vector_store %arg15[%swap3A_196, %swap3A_197], %swap3A_200 {strides = array<i32>} : memref<80x128xf32, #tpu.memory_space<vmem>>, vector<1x16xf32>,
          %get3A_201 = arith.index_cast %scan3A_168 : i32 to index
          %get3A_202 = arith.constant 32 : index
          %get3A_203 = tpu.vector_load %arg15[%get3A_201, %get3A_202] {strides = array<i32>} : memref<80x128xf32, #tpu.memory_space<vmem>>, vector<1x16xf32>,
          %get3A_204 = vector.shape_cast %get3A_203 : vector<1x16xf32> to vector<16xf32>
          %get3A_205 = arith.index_cast %scan3A_168 : i32 to index
          %get3A_206 = arith.constant 32 : index
          %get3A_207 = tpu.vector_load %arg17[%get3A_205, %get3A_206] {strides = array<i32>} : memref<80x128xf32, #tpu.memory_space<vmem>>, vector<1x16xf32>,
          %get3A_208 = vector.shape_cast %get3A_207 : vector<1x16xf32> to vector<16xf32>
          %add3A_209 = arith.addf %get3A_204, %get3A_208 : vector<16xf32>
          %max3A_210 = arith.constant 0.000000e+00 : f32
          %max3A_211 = vector.broadcast %max3A_210 : f32 to vector<16xf32>
          %max3A_212 = arith.maximumf %add3A_209, %max3A_211 : vector<16xf32>
          %swap3A_213 = arith.index_cast %scan3A_168 : i32 to index
          %swap3A_214 = arith.constant 32 : index
          %swap3A_215 = tpu.vector_load %arg15[%swap3A_213, %swap3A_214] {strides = array<i32>} : memref<80x128xf32, #tpu.memory_space<vmem>>, vector<1x16xf32>,
          %swap3A_216 = vector.shape_cast %swap3A_215 : vector<1x16xf32> to vector<16xf32>
          %swap3A_217 = vector.shape_cast %max3A_212 : vector<16xf32> to vector<1x16xf32>
          tpu.vector_store %arg15[%swap3A_213, %swap3A_214], %swap3A_217 {strides = array<i32>} : memref<80x128xf32, #tpu.memory_space<vmem>>, vector<1x16xf32>,
          %get3A_218 = arith.index_cast %scan3A_168 : i32 to index
          %get3A_219 = arith.constant 48 : index
          %get3A_220 = tpu.vector_load %arg15[%get3A_218, %get3A_219] {strides = array<i32>} : memref<80x128xf32, #tpu.memory_space<vmem>>, vector<1x16xf32>,
          %get3A_221 = vector.shape_cast %get3A_220 : vector<1x16xf32> to vector<16xf32>
          %get3A_222 = arith.index_cast %scan3A_168 : i32 to index
          %get3A_223 = arith.constant 48 : index
          %get3A_224 = tpu.vector_load %arg17[%get3A_222, %get3A_223] {strides = array<i32>} : memref<80x128xf32, #tpu.memory_space<vmem>>, vector<1x16xf32>,
          %get3A_225 = vector.shape_cast %get3A_224 : vector<1x16xf32> to vector<16xf32>
          %add3A_226 = arith.addf %get3A_221, %get3A_225 : vector<16xf32>
          %max3A_227 = arith.constant 0.000000e+00 : f32
          %max3A_228 = vector.broadcast %max3A_227 : f32 to vector<16xf32>
          %max3A_229 = arith.maximumf %add3A_226, %max3A_228 : vector<16xf32>
          %swap3A_230 = arith.index_cast %scan3A_168 : i32 to index
          %swap3A_231 = arith.constant 48 : index
          %swap3A_232 = tpu.vector_load %arg15[%swap3A_230, %swap3A_231] {strides = array<i32>} : memref<80x128xf32, #tpu.memory_space<vmem>>, vector<1x16xf32>,
          %swap3A_233 = vector.shape_cast %swap3A_232 : vector<1x16xf32> to vector<16xf32>
          %swap3A_234 = vector.shape_cast %max3A_229 : vector<16xf32> to vector<1x16xf32>
          tpu.vector_store %arg15[%swap3A_230, %swap3A_231], %swap3A_234 {strides = array<i32>} : memref<80x128xf32, #tpu.memory_space<vmem>>, vector<1x16xf32>,
          %get3A_235 = arith.index_cast %scan3A_168 : i32 to index
          %get3A_236 = arith.constant 64 : index
          %get3A_237 = tpu.vector_load %arg15[%get3A_235, %get3A_236] {strides = array<i32>} : memref<80x128xf32, #tpu.memory_space<vmem>>, vector<1x16xf32>,
          %get3A_238 = vector.shape_cast %get3A_237 : vector<1x16xf32> to vector<16xf32>
          %get3A_239 = arith.index_cast %scan3A_168 : i32 to index
          %get3A_240 = arith.constant 64 : index
          %get3A_241 = tpu.vector_load %arg17[%get3A_239, %get3A_240] {strides = array<i32>} : memref<80x128xf32, #tpu.memory_space<vmem>>, vector<1x16xf32>,
          %get3A_242 = vector.shape_cast %get3A_241 : vector<1x16xf32> to vector<16xf32>
          %add3A_243 = arith.addf %get3A_238, %get3A_242 : vector<16xf32>
          %max3A_244 = arith.constant 0.000000e+00 : f32
          %max3A_245 = vector.broadcast %max3A_244 : f32 to vector<16xf32>
          %max3A_246 = arith.maximumf %add3A_243, %max3A_245 : vector<16xf32>
          %swap3A_247 = arith.index_cast %scan3A_168 : i32 to index
          %swap3A_248 = arith.constant 64 : index
          %swap3A_249 = tpu.vector_load %arg15[%swap3A_247, %swap3A_248] {strides = array<i32>} : memref<80x128xf32, #tpu.memory_space<vmem>>, vector<1x16xf32>,
          %swap3A_250 = vector.shape_cast %swap3A_249 : vector<1x16xf32> to vector<16xf32>
          %swap3A_251 = vector.shape_cast %max3A_246 : vector<16xf32> to vector<1x16xf32>
          tpu.vector_store %arg15[%swap3A_247, %swap3A_248], %swap3A_251 {strides = array<i32>} : memref<80x128xf32, #tpu.memory_space<vmem>>, vector<1x16xf32>,
          %get3A_252 = arith.index_cast %scan3A_168 : i32 to index
          %get3A_253 = arith.constant 80 : index
          %get3A_254 = tpu.vector_load %arg15[%get3A_252, %get3A_253] {strides = array<i32>} : memref<80x128xf32, #tpu.memory_space<vmem>>, vector<1x16xf32>,
          %get3A_255 = vector.shape_cast %get3A_254 : vector<1x16xf32> to vector<16xf32>
          %get3A_256 = arith.index_cast %scan3A_168 : i32 to index
          %get3A_257 = arith.constant 80 : index
          %get3A_258 = tpu.vector_load %arg17[%get3A_256, %get3A_257] {strides = array<i32>} : memref<80x128xf32, #tpu.memory_space<vmem>>, vector<1x16xf32>,
          %get3A_259 = vector.shape_cast %get3A_258 : vector<1x16xf32> to vector<16xf32>
          %add3A_260 = arith.addf %get3A_255, %get3A_259 : vector<16xf32>
          %max3A_261 = arith.constant 0.000000e+00 : f32
          %max3A_262 = vector.broadcast %max3A_261 : f32 to vector<16xf32>
          %max3A_263 = arith.maximumf %add3A_260, %max3A_262 : vector<16xf32>
          %swap3A_264 = arith.index_cast %scan3A_168 : i32 to index
          %swap3A_265 = arith.constant 80 : index
          %swap3A_266 = tpu.vector_load %arg15[%swap3A_264, %swap3A_265] {strides = array<i32>} : memref<80x128xf32, #tpu.memory_space<vmem>>, vector<1x16xf32>,
          %swap3A_267 = vector.shape_cast %swap3A_266 : vector<1x16xf32> to vector<16xf32>
          %swap3A_268 = vector.shape_cast %max3A_263 : vector<16xf32> to vector<1x16xf32>
          tpu.vector_store %arg15[%swap3A_264, %swap3A_265], %swap3A_268 {strides = array<i32>} : memref<80x128xf32, #tpu.memory_space<vmem>>, vector<1x16xf32>,
          %get3A_269 = arith.index_cast %scan3A_168 : i32 to index
          %get3A_270 = arith.constant 96 : index
          %get3A_271 = tpu.vector_load %arg15[%get3A_269, %get3A_270] {strides = array<i32>} : memref<80x128xf32, #tpu.memory_space<vmem>>, vector<1x16xf32>,
          %get3A_272 = vector.shape_cast %get3A_271 : vector<1x16xf32> to vector<16xf32>
          %get3A_273 = arith.index_cast %scan3A_168 : i32 to index
          %get3A_274 = arith.constant 96 : index
          %get3A_275 = tpu.vector_load %arg17[%get3A_273, %get3A_274] {strides = array<i32>} : memref<80x128xf32, #tpu.memory_space<vmem>>, vector<1x16xf32>,
          %get3A_276 = vector.shape_cast %get3A_275 : vector<1x16xf32> to vector<16xf32>
          %add3A_277 = arith.addf %get3A_272, %get3A_276 : vector<16xf32>
          %max3A_278 = arith.constant 0.000000e+00 : f32
          %max3A_279 = vector.broadcast %max3A_278 : f32 to vector<16xf32>
          %max3A_280 = arith.maximumf %add3A_277, %max3A_279 : vector<16xf32>
          %swap3A_281 = arith.index_cast %scan3A_168 : i32 to index
          %swap3A_282 = arith.constant 96 : index
          %swap3A_283 = tpu.vector_load %arg15[%swap3A_281, %swap3A_282] {strides = array<i32>} : memref<80x128xf32, #tpu.memory_space<vmem>>, vector<1x16xf32>,
          %swap3A_284 = vector.shape_cast %swap3A_283 : vector<1x16xf32> to vector<16xf32>
          %swap3A_285 = vector.shape_cast %max3A_280 : vector<16xf32> to vector<1x16xf32>
          tpu.vector_store %arg15[%swap3A_281, %swap3A_282], %swap3A_285 {strides = array<i32>} : memref<80x128xf32, #tpu.memory_space<vmem>>, vector<1x16xf32>,
          %get3A_286 = arith.index_cast %scan3A_168 : i32 to index
          %get3A_287 = arith.constant 112 : index
          %get3A_288 = tpu.vector_load %arg15[%get3A_286, %get3A_287] {strides = array<i32>} : memref<80x128xf32, #tpu.memory_space<vmem>>, vector<1x16xf32>,
          %get3A_289 = vector.shape_cast %get3A_288 : vector<1x16xf32> to vector<16xf32>
          %get3A_290 = arith.index_cast %scan3A_168 : i32 to index
          %get3A_291 = arith.constant 112 : index
          %get3A_292 = tpu.vector_load %arg17[%get3A_290, %get3A_291] {strides = array<i32>} : memref<80x128xf32, #tpu.memory_space<vmem>>, vector<1x16xf32>,
          %get3A_293 = vector.shape_cast %get3A_292 : vector<1x16xf32> to vector<16xf32>
          %add3A_294 = arith.addf %get3A_289, %get3A_293 : vector<16xf32>
          %max3A_295 = arith.constant 0.000000e+00 : f32
          %max3A_296 = vector.broadcast %max3A_295 : f32 to vector<16xf32>
          %max3A_297 = arith.maximumf %add3A_294, %max3A_296 : vector<16xf32>
          %swap3A_298 = arith.index_cast %scan3A_168 : i32 to index
          %swap3A_299 = arith.constant 112 : index
          %swap3A_300 = tpu.vector_load %arg15[%swap3A_298, %swap3A_299] {strides = array<i32>} : memref<80x128xf32, #tpu.memory_space<vmem>>, vector<1x16xf32>,
          %swap3A_301 = vector.shape_cast %swap3A_300 : vector<1x16xf32> to vector<16xf32>
          %swap3A_302 = vector.shape_cast %max3A_297 : vector<16xf32> to vector<1x16xf32>
          tpu.vector_store %arg15[%swap3A_298, %swap3A_299], %swap3A_302 {strides = array<i32>} : memref<80x128xf32, #tpu.memory_space<vmem>>, vector<1x16xf32>,
          %scan3A_303 = arith.constant 0 : i32
          %scan3A_304 = arith.constant 1 : i32
          %scan3A_305 = arith.addi %scan3A_168, %scan3A_304 : i32
          %get3A_306 = arith.index_cast %scan3A_305 : i32 to index
          %get3A_307 = arith.constant 0 : index
          %get3A_308 = tpu.vector_load %arg15[%get3A_306, %get3A_307] {strides = array<i32>} : memref<80x128xf32, #tpu.memory_space<vmem>>, vector<1x16xf32>,
          %get3A_309 = vector.shape_cast %get3A_308 : vector<1x16xf32> to vector<16xf32>
          %get3A_310 = arith.index_cast %scan3A_305 : i32 to index
          %get3A_311 = arith.constant 0 : index
          %get3A_312 = tpu.vector_load %arg17[%get3A_310, %get3A_311] {strides = array<i32>} : memref<80x128xf32, #tpu.memory_space<vmem>>, vector<1x16xf32>,
          %get3A_313 = vector.shape_cast %get3A_312 : vector<1x16xf32> to vector<16xf32>
          %add3A_314 = arith.addf %get3A_309, %get3A_313 : vector<16xf32>
          %max3A_315 = arith.constant 0.000000e+00 : f32
          %max3A_316 = vector.broadcast %max3A_315 : f32 to vector<16xf32>
          %max3A_317 = arith.maximumf %add3A_314, %max3A_316 : vector<16xf32>
          %swap3A_318 = arith.index_cast %scan3A_305 : i32 to index
          %swap3A_319 = arith.constant 0 : index
          %swap3A_320 = tpu.vector_load %arg15[%swap3A_318, %swap3A_319] {strides = array<i32>} : memref<80x128xf32, #tpu.memory_space<vmem>>, vector<1x16xf32>,
          %swap3A_321 = vector.shape_cast %swap3A_320 : vector<1x16xf32> to vector<16xf32>
          %swap3A_322 = vector.shape_cast %max3A_317 : vector<16xf32> to vector<1x16xf32>
          tpu.vector_store %arg15[%swap3A_318, %swap3A_319], %swap3A_322 {strides = array<i32>} : memref<80x128xf32, #tpu.memory_space<vmem>>, vector<1x16xf32>,
          %get3A_323 = arith.index_cast %scan3A_305 : i32 to index
          %get3A_324 = arith.constant 16 : index
          %get3A_325 = tpu.vector_load %arg15[%get3A_323, %get3A_324] {strides = array<i32>} : memref<80x128xf32, #tpu.memory_space<vmem>>, vector<1x16xf32>,
          %get3A_326 = vector.shape_cast %get3A_325 : vector<1x16xf32> to vector<16xf32>
          %get3A_327 = arith.index_cast %scan3A_305 : i32 to index
          %get3A_328 = arith.constant 16 : index
          %get3A_329 = tpu.vector_load %arg17[%get3A_327, %get3A_328] {strides = array<i32>} : memref<80x128xf32, #tpu.memory_space<vmem>>, vector<1x16xf32>,
          %get3A_330 = vector.shape_cast %get3A_329 : vector<1x16xf32> to vector<16xf32>
          %add3A_331 = arith.addf %get3A_326, %get3A_330 : vector<16xf32>
          %max3A_332 = arith.constant 0.000000e+00 : f32
          %max3A_333 = vector.broadcast %max3A_332 : f32 to vector<16xf32>
          %max3A_334 = arith.maximumf %add3A_331, %max3A_333 : vector<16xf32>
          %swap3A_335 = arith.index_cast %scan3A_305 : i32 to index
          %swap3A_336 = arith.constant 16 : index
          %swap3A_337 = tpu.vector_load %arg15[%swap3A_335, %swap3A_336] {strides = array<i32>} : memref<80x128xf32, #tpu.memory_space<vmem>>, vector<1x16xf32>,
          %swap3A_338 = vector.shape_cast %swap3A_337 : vector<1x16xf32> to vector<16xf32>
          %swap3A_339 = vector.shape_cast %max3A_334 : vector<16xf32> to vector<1x16xf32>
          tpu.vector_store %arg15[%swap3A_335, %swap3A_336], %swap3A_339 {strides = array<i32>} : memref<80x128xf32, #tpu.memory_space<vmem>>, vector<1x16xf32>,
          %get3A_340 = arith.index_cast %scan3A_305 : i32 to index
          %get3A_341 = arith.constant 32 : index
          %get3A_342 = tpu.vector_load %arg15[%get3A_340, %get3A_341] {strides = array<i32>} : memref<80x128xf32, #tpu.memory_space<vmem>>, vector<1x16xf32>,
          %get3A_343 = vector.shape_cast %get3A_342 : vector<1x16xf32> to vector<16xf32>
          %get3A_344 = arith.index_cast %scan3A_305 : i32 to index
          %get3A_345 = arith.constant 32 : index
          %get3A_346 = tpu.vector_load %arg17[%get3A_344, %get3A_345] {strides = array<i32>} : memref<80x128xf32, #tpu.memory_space<vmem>>, vector<1x16xf32>,
          %get3A_347 = vector.shape_cast %get3A_346 : vector<1x16xf32> to vector<16xf32>
          %add3A_348 = arith.addf %get3A_343, %get3A_347 : vector<16xf32>
          %max3A_349 = arith.constant 0.000000e+00 : f32
          %max3A_350 = vector.broadcast %max3A_349 : f32 to vector<16xf32>
          %max3A_351 = arith.maximumf %add3A_348, %max3A_350 : vector<16xf32>
          %swap3A_352 = arith.index_cast %scan3A_305 : i32 to index
          %swap3A_353 = arith.constant 32 : index
          %swap3A_354 = tpu.vector_load %arg15[%swap3A_352, %swap3A_353] {strides = array<i32>} : memref<80x128xf32, #tpu.memory_space<vmem>>, vector<1x16xf32>,
          %swap3A_355 = vector.shape_cast %swap3A_354 : vector<1x16xf32> to vector<16xf32>
          %swap3A_356 = vector.shape_cast %max3A_351 : vector<16xf32> to vector<1x16xf32>
          tpu.vector_store %arg15[%swap3A_352, %swap3A_353], %swap3A_356 {strides = array<i32>} : memref<80x128xf32, #tpu.memory_space<vmem>>, vector<1x16xf32>,
          %get3A_357 = arith.index_cast %scan3A_305 : i32 to index
          %get3A_358 = arith.constant 48 : index
          %get3A_359 = tpu.vector_load %arg15[%get3A_357, %get3A_358] {strides = array<i32>} : memref<80x128xf32, #tpu.memory_space<vmem>>, vector<1x16xf32>,
          %get3A_360 = vector.shape_cast %get3A_359 : vector<1x16xf32> to vector<16xf32>
          %get3A_361 = arith.index_cast %scan3A_305 : i32 to index
          %get3A_362 = arith.constant 48 : index
          %get3A_363 = tpu.vector_load %arg17[%get3A_361, %get3A_362] {strides = array<i32>} : memref<80x128xf32, #tpu.memory_space<vmem>>, vector<1x16xf32>,
          %get3A_364 = vector.shape_cast %get3A_363 : vector<1x16xf32> to vector<16xf32>
          %add3A_365 = arith.addf %get3A_360, %get3A_364 : vector<16xf32>
          %max3A_366 = arith.constant 0.000000e+00 : f32
          %max3A_367 = vector.broadcast %max3A_366 : f32 to vector<16xf32>
          %max3A_368 = arith.maximumf %add3A_365, %max3A_367 : vector<16xf32>
          %swap3A_369 = arith.index_cast %scan3A_305 : i32 to index
          %swap3A_370 = arith.constant 48 : index
          %swap3A_371 = tpu.vector_load %arg15[%swap3A_369, %swap3A_370] {strides = array<i32>} : memref<80x128xf32, #tpu.memory_space<vmem>>, vector<1x16xf32>,
          %swap3A_372 = vector.shape_cast %swap3A_371 : vector<1x16xf32> to vector<16xf32>
          %swap3A_373 = vector.shape_cast %max3A_368 : vector<16xf32> to vector<1x16xf32>
          tpu.vector_store %arg15[%swap3A_369, %swap3A_370], %swap3A_373 {strides = array<i32>} : memref<80x128xf32, #tpu.memory_space<vmem>>, vector<1x16xf32>,
          %get3A_374 = arith.index_cast %scan3A_305 : i32 to index
          %get3A_375 = arith.constant 64 : index
          %get3A_376 = tpu.vector_load %arg15[%get3A_374, %get3A_375] {strides = array<i32>} : memref<80x128xf32, #tpu.memory_space<vmem>>, vector<1x16xf32>,
          %get3A_377 = vector.shape_cast %get3A_376 : vector<1x16xf32> to vector<16xf32>
          %get3A_378 = arith.index_cast %scan3A_305 : i32 to index
          %get3A_379 = arith.constant 64 : index
          %get3A_380 = tpu.vector_load %arg17[%get3A_378, %get3A_379] {strides = array<i32>} : memref<80x128xf32, #tpu.memory_space<vmem>>, vector<1x16xf32>,
          %get3A_381 = vector.shape_cast %get3A_380 : vector<1x16xf32> to vector<16xf32>
          %add3A_382 = arith.addf %get3A_377, %get3A_381 : vector<16xf32>
          %max3A_383 = arith.constant 0.000000e+00 : f32
          %max3A_384 = vector.broadcast %max3A_383 : f32 to vector<16xf32>
          %max3A_385 = arith.maximumf %add3A_382, %max3A_384 : vector<16xf32>
          %swap3A_386 = arith.index_cast %scan3A_305 : i32 to index
          %swap3A_387 = arith.constant 64 : index
          %swap3A_388 = tpu.vector_load %arg15[%swap3A_386, %swap3A_387] {strides = array<i32>} : memref<80x128xf32, #tpu.memory_space<vmem>>, vector<1x16xf32>,
          %swap3A_389 = vector.shape_cast %swap3A_388 : vector<1x16xf32> to vector<16xf32>
          %swap3A_390 = vector.shape_cast %max3A_385 : vector<16xf32> to vector<1x16xf32>
          tpu.vector_store %arg15[%swap3A_386, %swap3A_387], %swap3A_390 {strides = array<i32>} : memref<80x128xf32, #tpu.memory_space<vmem>>, vector<1x16xf32>,
          %get3A_391 = arith.index_cast %scan3A_305 : i32 to index
          %get3A_392 = arith.constant 80 : index
          %get3A_393 = tpu.vector_load %arg15[%get3A_391, %get3A_392] {strides = array<i32>} : memref<80x128xf32, #tpu.memory_space<vmem>>, vector<1x16xf32>,
          %get3A_394 = vector.shape_cast %get3A_393 : vector<1x16xf32> to vector<16xf32>
          %get3A_395 = arith.index_cast %scan3A_305 : i32 to index
          %get3A_396 = arith.constant 80 : index
          %get3A_397 = tpu.vector_load %arg17[%get3A_395, %get3A_396] {strides = array<i32>} : memref<80x128xf32, #tpu.memory_space<vmem>>, vector<1x16xf32>,
          %get3A_398 = vector.shape_cast %get3A_397 : vector<1x16xf32> to vector<16xf32>
          %add3A_399 = arith.addf %get3A_394, %get3A_398 : vector<16xf32>
          %max3A_400 = arith.constant 0.000000e+00 : f32
          %max3A_401 = vector.broadcast %max3A_400 : f32 to vector<16xf32>
          %max3A_402 = arith.maximumf %add3A_399, %max3A_401 : vector<16xf32>
          %swap3A_403 = arith.index_cast %scan3A_305 : i32 to index
          %swap3A_404 = arith.constant 80 : index
          %swap3A_405 = tpu.vector_load %arg15[%swap3A_403, %swap3A_404] {strides = array<i32>} : memref<80x128xf32, #tpu.memory_space<vmem>>, vector<1x16xf32>,
          %swap3A_406 = vector.shape_cast %swap3A_405 : vector<1x16xf32> to vector<16xf32>
          %swap3A_407 = vector.shape_cast %max3A_402 : vector<16xf32> to vector<1x16xf32>
          tpu.vector_store %arg15[%swap3A_403, %swap3A_404], %swap3A_407 {strides = array<i32>} : memref<80x128xf32, #tpu.memory_space<vmem>>, vector<1x16xf32>,
          %get3A_408 = arith.index_cast %scan3A_305 : i32 to index
          %get3A_409 = arith.constant 96 : index
          %get3A_410 = tpu.vector_load %arg15[%get3A_408, %get3A_409] {strides = array<i32>} : memref<80x128xf32, #tpu.memory_space<vmem>>, vector<1x16xf32>,
          %get3A_411 = vector.shape_cast %get3A_410 : vector<1x16xf32> to vector<16xf32>
          %get3A_412 = arith.index_cast %scan3A_305 : i32 to index
          %get3A_413 = arith.constant 96 : index
          %get3A_414 = tpu.vector_load %arg17[%get3A_412, %get3A_413] {strides = array<i32>} : memref<80x128xf32, #tpu.memory_space<vmem>>, vector<1x16xf32>,
          %get3A_415 = vector.shape_cast %get3A_414 : vector<1x16xf32> to vector<16xf32>
          %add3A_416 = arith.addf %get3A_411, %get3A_415 : vector<16xf32>
          %max3A_417 = arith.constant 0.000000e+00 : f32
          %max3A_418 = vector.broadcast %max3A_417 : f32 to vector<16xf32>
          %max3A_419 = arith.maximumf %add3A_416, %max3A_418 : vector<16xf32>
          %swap3A_420 = arith.index_cast %scan3A_305 : i32 to index
          %swap3A_421 = arith.constant 96 : index
          %swap3A_422 = tpu.vector_load %arg15[%swap3A_420, %swap3A_421] {strides = array<i32>} : memref<80x128xf32, #tpu.memory_space<vmem>>, vector<1x16xf32>,
          %swap3A_423 = vector.shape_cast %swap3A_422 : vector<1x16xf32> to vector<16xf32>
          %swap3A_424 = vector.shape_cast %max3A_419 : vector<16xf32> to vector<1x16xf32>
          tpu.vector_store %arg15[%swap3A_420, %swap3A_421], %swap3A_424 {strides = array<i32>} : memref<80x128xf32, #tpu.memory_space<vmem>>, vector<1x16xf32>,
          %get3A_425 = arith.index_cast %scan3A_305 : i32 to index
          %get3A_426 = arith.constant 112 : index
          %get3A_427 = tpu.vector_load %arg15[%get3A_425, %get3A_426] {strides = array<i32>} : memref<80x128xf32, #tpu.memory_space<vmem>>, vector<1x16xf32>,
          %get3A_428 = vector.shape_cast %get3A_427 : vector<1x16xf32> to vector<16xf32>
          %get3A_429 = arith.index_cast %scan3A_305 : i32 to index
          %get3A_430 = arith.constant 112 : index
          %get3A_431 = tpu.vector_load %arg17[%get3A_429, %get3A_430] {strides = array<i32>} : memref<80x128xf32, #tpu.memory_space<vmem>>, vector<1x16xf32>,
          %get3A_432 = vector.shape_cast %get3A_431 : vector<1x16xf32> to vector<16xf32>
          %add3A_433 = arith.addf %get3A_428, %get3A_432 : vector<16xf32>
          %max3A_434 = arith.constant 0.000000e+00 : f32
          %max3A_435 = vector.broadcast %max3A_434 : f32 to vector<16xf32>
          %max3A_436 = arith.maximumf %add3A_433, %max3A_435 : vector<16xf32>
          %swap3A_437 = arith.index_cast %scan3A_305 : i32 to index
          %swap3A_438 = arith.constant 112 : index
          %swap3A_439 = tpu.vector_load %arg15[%swap3A_437, %swap3A_438] {strides = array<i32>} : memref<80x128xf32, #tpu.memory_space<vmem>>, vector<1x16xf32>,
          %swap3A_440 = vector.shape_cast %swap3A_439 : vector<1x16xf32> to vector<16xf32>
          %swap3A_441 = vector.shape_cast %max3A_436 : vector<16xf32> to vector<1x16xf32>
          tpu.vector_store %arg15[%swap3A_437, %swap3A_438], %swap3A_441 {strides = array<i32>} : memref<80x128xf32, #tpu.memory_space<vmem>>, vector<1x16xf32>,
          %scan3A_442 = arith.constant 0 : i32
          %scan3A_443 = arith.constant 2 : i32
          %scan3A_444 = arith.addi %scan3A_168, %scan3A_443 : i32
          %get3A_445 = arith.index_cast %scan3A_444 : i32 to index
          %get3A_446 = arith.constant 0 : index
          %get3A_447 = tpu.vector_load %arg15[%get3A_445, %get3A_446] {strides = array<i32>} : memref<80x128xf32, #tpu.memory_space<vmem>>, vector<1x16xf32>,
          %get3A_448 = vector.shape_cast %get3A_447 : vector<1x16xf32> to vector<16xf32>
          %get3A_449 = arith.index_cast %scan3A_444 : i32 to index
          %get3A_450 = arith.constant 0 : index
          %get3A_451 = tpu.vector_load %arg17[%get3A_449, %get3A_450] {strides = array<i32>} : memref<80x128xf32, #tpu.memory_space<vmem>>, vector<1x16xf32>,
          %get3A_452 = vector.shape_cast %get3A_451 : vector<1x16xf32> to vector<16xf32>
          %add3A_453 = arith.addf %get3A_448, %get3A_452 : vector<16xf32>
          %max3A_454 = arith.constant 0.000000e+00 : f32
          %max3A_455 = vector.broadcast %max3A_454 : f32 to vector<16xf32>
          %max3A_456 = arith.maximumf %add3A_453, %max3A_455 : vector<16xf32>
          %swap3A_457 = arith.index_cast %scan3A_444 : i32 to index
          %swap3A_458 = arith.constant 0 : index
          %swap3A_459 = tpu.vector_load %arg15[%swap3A_457, %swap3A_458] {strides = array<i32>} : memref<80x128xf32, #tpu.memory_space<vmem>>, vector<1x16xf32>,
          %swap3A_460 = vector.shape_cast %swap3A_459 : vector<1x16xf32> to vector<16xf32>
          %swap3A_461 = vector.shape_cast %max3A_456 : vector<16xf32> to vector<1x16xf32>
          tpu.vector_store %arg15[%swap3A_457, %swap3A_458], %swap3A_461 {strides = array<i32>} : memref<80x128xf32, #tpu.memory_space<vmem>>, vector<1x16xf32>,
          %get3A_462 = arith.index_cast %scan3A_444 : i32 to index
          %get3A_463 = arith.constant 16 : index
          %get3A_464 = tpu.vector_load %arg15[%get3A_462, %get3A_463] {strides = array<i32>} : memref<80x128xf32, #tpu.memory_space<vmem>>, vector<1x16xf32>,
          %get3A_465 = vector.shape_cast %get3A_464 : vector<1x16xf32> to vector<16xf32>
          %get3A_466 = arith.index_cast %scan3A_444 : i32 to index
          %get3A_467 = arith.constant 16 : index
          %get3A_468 = tpu.vector_load %arg17[%get3A_466, %get3A_467] {strides = array<i32>} : memref<80x128xf32, #tpu.memory_space<vmem>>, vector<1x16xf32>,
          %get3A_469 = vector.shape_cast %get3A_468 : vector<1x16xf32> to vector<16xf32>
          %add3A_470 = arith.addf %get3A_465, %get3A_469 : vector<16xf32>
          %max3A_471 = arith.constant 0.000000e+00 : f32
          %max3A_472 = vector.broadcast %max3A_471 : f32 to vector<16xf32>
          %max3A_473 = arith.maximumf %add3A_470, %max3A_472 : vector<16xf32>
          %swap3A_474 = arith.index_cast %scan3A_444 : i32 to index
          %swap3A_475 = arith.constant 16 : index
          %swap3A_476 = tpu.vector_load %arg15[%swap3A_474, %swap3A_475] {strides = array<i32>} : memref<80x128xf32, #tpu.memory_space<vmem>>, vector<1x16xf32>,
          %swap3A_477 = vector.shape_cast %swap3A_476 : vector<1x16xf32> to vector<16xf32>
          %swap3A_478 = vector.shape_cast %max3A_473 : vector<16xf32> to vector<1x16xf32>
          tpu.vector_store %arg15[%swap3A_474, %swap3A_475], %swap3A_478 {strides = array<i32>} : memref<80x128xf32, #tpu.memory_space<vmem>>, vector<1x16xf32>,
          %get3A_479 = arith.index_cast %scan3A_444 : i32 to index
          %get3A_480 = arith.constant 32 : index
          %get3A_481 = tpu.vector_load %arg15[%get3A_479, %get3A_480] {strides = array<i32>} : memref<80x128xf32, #tpu.memory_space<vmem>>, vector<1x16xf32>,
          %get3A_482 = vector.shape_cast %get3A_481 : vector<1x16xf32> to vector<16xf32>
          %get3A_483 = arith.index_cast %scan3A_444 : i32 to index
          %get3A_484 = arith.constant 32 : index
          %get3A_485 = tpu.vector_load %arg17[%get3A_483, %get3A_484] {strides = array<i32>} : memref<80x128xf32, #tpu.memory_space<vmem>>, vector<1x16xf32>,
          %get3A_486 = vector.shape_cast %get3A_485 : vector<1x16xf32> to vector<16xf32>
          %add3A_487 = arith.addf %get3A_482, %get3A_486 : vector<16xf32>
          %max3A_488 = arith.constant 0.000000e+00 : f32
          %max3A_489 = vector.broadcast %max3A_488 : f32 to vector<16xf32>
          %max3A_490 = arith.maximumf %add3A_487, %max3A_489 : vector<16xf32>
          %swap3A_491 = arith.index_cast %scan3A_444 : i32 to index
          %swap3A_492 = arith.constant 32 : index
          %swap3A_493 = tpu.vector_load %arg15[%swap3A_491, %swap3A_492] {strides = array<i32>} : memref<80x128xf32, #tpu.memory_space<vmem>>, vector<1x16xf32>,
          %swap3A_494 = vector.shape_cast %swap3A_493 : vector<1x16xf32> to vector<16xf32>
          %swap3A_495 = vector.shape_cast %max3A_490 : vector<16xf32> to vector<1x16xf32>
          tpu.vector_store %arg15[%swap3A_491, %swap3A_492], %swap3A_495 {strides = array<i32>} : memref<80x128xf32, #tpu.memory_space<vmem>>, vector<1x16xf32>,
          %get3A_496 = arith.index_cast %scan3A_444 : i32 to index
          %get3A_497 = arith.constant 48 : index
          %get3A_498 = tpu.vector_load %arg15[%get3A_496, %get3A_497] {strides = array<i32>} : memref<80x128xf32, #tpu.memory_space<vmem>>, vector<1x16xf32>,
          %get3A_499 = vector.shape_cast %get3A_498 : vector<1x16xf32> to vector<16xf32>
          %get3A_500 = arith.index_cast %scan3A_444 : i32 to index
          %get3A_501 = arith.constant 48 : index
          %get3A_502 = tpu.vector_load %arg17[%get3A_500, %get3A_501] {strides = array<i32>} : memref<80x128xf32, #tpu.memory_space<vmem>>, vector<1x16xf32>,
          %get3A_503 = vector.shape_cast %get3A_502 : vector<1x16xf32> to vector<16xf32>
          %add3A_504 = arith.addf %get3A_499, %get3A_503 : vector<16xf32>
          %max3A_505 = arith.constant 0.000000e+00 : f32
          %max3A_506 = vector.broadcast %max3A_505 : f32 to vector<16xf32>
          %max3A_507 = arith.maximumf %add3A_504, %max3A_506 : vector<16xf32>
          %swap3A_508 = arith.index_cast %scan3A_444 : i32 to index
          %swap3A_509 = arith.constant 48 : index
          %swap3A_510 = tpu.vector_load %arg15[%swap3A_508, %swap3A_509] {strides = array<i32>} : memref<80x128xf32, #tpu.memory_space<vmem>>, vector<1x16xf32>,
          %swap3A_511 = vector.shape_cast %swap3A_510 : vector<1x16xf32> to vector<16xf32>
          %swap3A_512 = vector.shape_cast %max3A_507 : vector<16xf32> to vector<1x16xf32>
          tpu.vector_store %arg15[%swap3A_508, %swap3A_509], %swap3A_512 {strides = array<i32>} : memref<80x128xf32, #tpu.memory_space<vmem>>, vector<1x16xf32>,
          %get3A_513 = arith.index_cast %scan3A_444 : i32 to index
          %get3A_514 = arith.constant 64 : index
          %get3A_515 = tpu.vector_load %arg15[%get3A_513, %get3A_514] {strides = array<i32>} : memref<80x128xf32, #tpu.memory_space<vmem>>, vector<1x16xf32>,
          %get3A_516 = vector.shape_cast %get3A_515 : vector<1x16xf32> to vector<16xf32>
          %get3A_517 = arith.index_cast %scan3A_444 : i32 to index
          %get3A_518 = arith.constant 64 : index
          %get3A_519 = tpu.vector_load %arg17[%get3A_517, %get3A_518] {strides = array<i32>} : memref<80x128xf32, #tpu.memory_space<vmem>>, vector<1x16xf32>,
          %get3A_520 = vector.shape_cast %get3A_519 : vector<1x16xf32> to vector<16xf32>
          %add3A_521 = arith.addf %get3A_516, %get3A_520 : vector<16xf32>
          %max3A_522 = arith.constant 0.000000e+00 : f32
          %max3A_523 = vector.broadcast %max3A_522 : f32 to vector<16xf32>
          %max3A_524 = arith.maximumf %add3A_521, %max3A_523 : vector<16xf32>
          %swap3A_525 = arith.index_cast %scan3A_444 : i32 to index
          %swap3A_526 = arith.constant 64 : index
          %swap3A_527 = tpu.vector_load %arg15[%swap3A_525, %swap3A_526] {strides = array<i32>} : memref<80x128xf32, #tpu.memory_space<vmem>>, vector<1x16xf32>,
          %swap3A_528 = vector.shape_cast %swap3A_527 : vector<1x16xf32> to vector<16xf32>
          %swap3A_529 = vector.shape_cast %max3A_524 : vector<16xf32> to vector<1x16xf32>
          tpu.vector_store %arg15[%swap3A_525, %swap3A_526], %swap3A_529 {strides = array<i32>} : memref<80x128xf32, #tpu.memory_space<vmem>>, vector<1x16xf32>,
          %get3A_530 = arith.index_cast %scan3A_444 : i32 to index
          %get3A_531 = arith.constant 80 : index
          %get3A_532 = tpu.vector_load %arg15[%get3A_530, %get3A_531] {strides = array<i32>} : memref<80x128xf32, #tpu.memory_space<vmem>>, vector<1x16xf32>,
          %get3A_533 = vector.shape_cast %get3A_532 : vector<1x16xf32> to vector<16xf32>
          %get3A_534 = arith.index_cast %scan3A_444 : i32 to index
          %get3A_535 = arith.constant 80 : index
          %get3A_536 = tpu.vector_load %arg17[%get3A_534, %get3A_535] {strides = array<i32>} : memref<80x128xf32, #tpu.memory_space<vmem>>, vector<1x16xf32>,
          %get3A_537 = vector.shape_cast %get3A_536 : vector<1x16xf32> to vector<16xf32>
          %add3A_538 = arith.addf %get3A_533, %get3A_537 : vector<16xf32>
          %max3A_539 = arith.constant 0.000000e+00 : f32
          %max3A_540 = vector.broadcast %max3A_539 : f32 to vector<16xf32>
          %max3A_541 = arith.maximumf %add3A_538, %max3A_540 : vector<16xf32>
          %swap3A_542 = arith.index_cast %scan3A_444 : i32 to index
          %swap3A_543 = arith.constant 80 : index
          %swap3A_544 = tpu.vector_load %arg15[%swap3A_542, %swap3A_543] {strides = array<i32>} : memref<80x128xf32, #tpu.memory_space<vmem>>, vector<1x16xf32>,
          %swap3A_545 = vector.shape_cast %swap3A_544 : vector<1x16xf32> to vector<16xf32>
          %swap3A_546 = vector.shape_cast %max3A_541 : vector<16xf32> to vector<1x16xf32>
          tpu.vector_store %arg15[%swap3A_542, %swap3A_543], %swap3A_546 {strides = array<i32>} : memref<80x128xf32, #tpu.memory_space<vmem>>, vector<1x16xf32>,
          %get3A_547 = arith.index_cast %scan3A_444 : i32 to index
          %get3A_548 = arith.constant 96 : index
          %get3A_549 = tpu.vector_load %arg15[%get3A_547, %get3A_548] {strides = array<i32>} : memref<80x128xf32, #tpu.memory_space<vmem>>, vector<1x16xf32>,
          %get3A_550 = vector.shape_cast %get3A_549 : vector<1x16xf32> to vector<16xf32>
          %get3A_551 = arith.index_cast %scan3A_444 : i32 to index
          %get3A_552 = arith.constant 96 : index
          %get3A_553 = tpu.vector_load %arg17[%get3A_551, %get3A_552] {strides = array<i32>} : memref<80x128xf32, #tpu.memory_space<vmem>>, vector<1x16xf32>,
          %get3A_554 = vector.shape_cast %get3A_553 : vector<1x16xf32> to vector<16xf32>
          %add3A_555 = arith.addf %get3A_550, %get3A_554 : vector<16xf32>
          %max3A_556 = arith.constant 0.000000e+00 : f32
          %max3A_557 = vector.broadcast %max3A_556 : f32 to vector<16xf32>
          %max3A_558 = arith.maximumf %add3A_555, %max3A_557 : vector<16xf32>
          %swap3A_559 = arith.index_cast %scan3A_444 : i32 to index
          %swap3A_560 = arith.constant 96 : index
          %swap3A_561 = tpu.vector_load %arg15[%swap3A_559, %swap3A_560] {strides = array<i32>} : memref<80x128xf32, #tpu.memory_space<vmem>>, vector<1x16xf32>,
          %swap3A_562 = vector.shape_cast %swap3A_561 : vector<1x16xf32> to vector<16xf32>
          %swap3A_563 = vector.shape_cast %max3A_558 : vector<16xf32> to vector<1x16xf32>
          tpu.vector_store %arg15[%swap3A_559, %swap3A_560], %swap3A_563 {strides = array<i32>} : memref<80x128xf32, #tpu.memory_space<vmem>>, vector<1x16xf32>,
          %get3A_564 = arith.index_cast %scan3A_444 : i32 to index
          %get3A_565 = arith.constant 112 : index
          %get3A_566 = tpu.vector_load %arg15[%get3A_564, %get3A_565] {strides = array<i32>} : memref<80x128xf32, #tpu.memory_space<vmem>>, vector<1x16xf32>,
          %get3A_567 = vector.shape_cast %get3A_566 : vector<1x16xf32> to vector<16xf32>
          %get3A_568 = arith.index_cast %scan3A_444 : i32 to index
          %get3A_569 = arith.constant 112 : index
          %get3A_570 = tpu.vector_load %arg17[%get3A_568, %get3A_569] {strides = array<i32>} : memref<80x128xf32, #tpu.memory_space<vmem>>, vector<1x16xf32>,
          %get3A_571 = vector.shape_cast %get3A_570 : vector<1x16xf32> to vector<16xf32>
          %add3A_572 = arith.addf %get3A_567, %get3A_571 : vector<16xf32>
          %max3A_573 = arith.constant 0.000000e+00 : f32
          %max3A_574 = vector.broadcast %max3A_573 : f32 to vector<16xf32>
          %max3A_575 = arith.maximumf %add3A_572, %max3A_574 : vector<16xf32>
          %swap3A_576 = arith.index_cast %scan3A_444 : i32 to index
          %swap3A_577 = arith.constant 112 : index
          %swap3A_578 = tpu.vector_load %arg15[%swap3A_576, %swap3A_577] {strides = array<i32>} : memref<80x128xf32, #tpu.memory_space<vmem>>, vector<1x16xf32>,
          %swap3A_579 = vector.shape_cast %swap3A_578 : vector<1x16xf32> to vector<16xf32>
          %swap3A_580 = vector.shape_cast %max3A_575 : vector<16xf32> to vector<1x16xf32>
          tpu.vector_store %arg15[%swap3A_576, %swap3A_577], %swap3A_580 {strides = array<i32>} : memref<80x128xf32, #tpu.memory_space<vmem>>, vector<1x16xf32>,
          %scan3A_581 = arith.constant 0 : i32
          %scan3A_582 = arith.constant 3 : i32
          %scan3A_583 = arith.addi %scan3A_168, %scan3A_582 : i32
          %get3A_584 = arith.index_cast %scan3A_583 : i32 to index
          %get3A_585 = arith.constant 0 : index
          %get3A_586 = tpu.vector_load %arg15[%get3A_584, %get3A_585] {strides = array<i32>} : memref<80x128xf32, #tpu.memory_space<vmem>>, vector<1x16xf32>,
          %get3A_587 = vector.shape_cast %get3A_586 : vector<1x16xf32> to vector<16xf32>
          %get3A_588 = arith.index_cast %scan3A_583 : i32 to index
          %get3A_589 = arith.constant 0 : index
          %get3A_590 = tpu.vector_load %arg17[%get3A_588, %get3A_589] {strides = array<i32>} : memref<80x128xf32, #tpu.memory_space<vmem>>, vector<1x16xf32>,
          %get3A_591 = vector.shape_cast %get3A_590 : vector<1x16xf32> to vector<16xf32>
          %add3A_592 = arith.addf %get3A_587, %get3A_591 : vector<16xf32>
          %max3A_593 = arith.constant 0.000000e+00 : f32
          %max3A_594 = vector.broadcast %max3A_593 : f32 to vector<16xf32>
          %max3A_595 = arith.maximumf %add3A_592, %max3A_594 : vector<16xf32>
          %swap3A_596 = arith.index_cast %scan3A_583 : i32 to index
          %swap3A_597 = arith.constant 0 : index
          %swap3A_598 = tpu.vector_load %arg15[%swap3A_596, %swap3A_597] {strides = array<i32>} : memref<80x128xf32, #tpu.memory_space<vmem>>, vector<1x16xf32>,
          %swap3A_599 = vector.shape_cast %swap3A_598 : vector<1x16xf32> to vector<16xf32>
          %swap3A_600 = vector.shape_cast %max3A_595 : vector<16xf32> to vector<1x16xf32>
          tpu.vector_store %arg15[%swap3A_596, %swap3A_597], %swap3A_600 {strides = array<i32>} : memref<80x128xf32, #tpu.memory_space<vmem>>, vector<1x16xf32>,
          %get3A_601 = arith.index_cast %scan3A_583 : i32 to index
          %get3A_602 = arith.constant 16 : index
          %get3A_603 = tpu.vector_load %arg15[%get3A_601, %get3A_602] {strides = array<i32>} : memref<80x128xf32, #tpu.memory_space<vmem>>, vector<1x16xf32>,
          %get3A_604 = vector.shape_cast %get3A_603 : vector<1x16xf32> to vector<16xf32>
          %get3A_605 = arith.index_cast %scan3A_583 : i32 to index
          %get3A_606 = arith.constant 16 : index
          %get3A_607 = tpu.vector_load %arg17[%get3A_605, %get3A_606] {strides = array<i32>} : memref<80x128xf32, #tpu.memory_space<vmem>>, vector<1x16xf32>,
          %get3A_608 = vector.shape_cast %get3A_607 : vector<1x16xf32> to vector<16xf32>
          %add3A_609 = arith.addf %get3A_604, %get3A_608 : vector<16xf32>
          %max3A_610 = arith.constant 0.000000e+00 : f32
          %max3A_611 = vector.broadcast %max3A_610 : f32 to vector<16xf32>
          %max3A_612 = arith.maximumf %add3A_609, %max3A_611 : vector<16xf32>
          %swap3A_613 = arith.index_cast %scan3A_583 : i32 to index
          %swap3A_614 = arith.constant 16 : index
          %swap3A_615 = tpu.vector_load %arg15[%swap3A_613, %swap3A_614] {strides = array<i32>} : memref<80x128xf32, #tpu.memory_space<vmem>>, vector<1x16xf32>,
          %swap3A_616 = vector.shape_cast %swap3A_615 : vector<1x16xf32> to vector<16xf32>
          %swap3A_617 = vector.shape_cast %max3A_612 : vector<16xf32> to vector<1x16xf32>
          tpu.vector_store %arg15[%swap3A_613, %swap3A_614], %swap3A_617 {strides = array<i32>} : memref<80x128xf32, #tpu.memory_space<vmem>>, vector<1x16xf32>,
          %get3A_618 = arith.index_cast %scan3A_583 : i32 to index
          %get3A_619 = arith.constant 32 : index
          %get3A_620 = tpu.vector_load %arg15[%get3A_618, %get3A_619] {strides = array<i32>} : memref<80x128xf32, #tpu.memory_space<vmem>>, vector<1x16xf32>,
          %get3A_621 = vector.shape_cast %get3A_620 : vector<1x16xf32> to vector<16xf32>
          %get3A_622 = arith.index_cast %scan3A_583 : i32 to index
          %get3A_623 = arith.constant 32 : index
          %get3A_624 = tpu.vector_load %arg17[%get3A_622, %get3A_623] {strides = array<i32>} : memref<80x128xf32, #tpu.memory_space<vmem>>, vector<1x16xf32>,
          %get3A_625 = vector.shape_cast %get3A_624 : vector<1x16xf32> to vector<16xf32>
          %add3A_626 = arith.addf %get3A_621, %get3A_625 : vector<16xf32>
          %max3A_627 = arith.constant 0.000000e+00 : f32
          %max3A_628 = vector.broadcast %max3A_627 : f32 to vector<16xf32>
          %max3A_629 = arith.maximumf %add3A_626, %max3A_628 : vector<16xf32>
          %swap3A_630 = arith.index_cast %scan3A_583 : i32 to index
          %swap3A_631 = arith.constant 32 : index
          %swap3A_632 = tpu.vector_load %arg15[%swap3A_630, %swap3A_631] {strides = array<i32>} : memref<80x128xf32, #tpu.memory_space<vmem>>, vector<1x16xf32>,
          %swap3A_633 = vector.shape_cast %swap3A_632 : vector<1x16xf32> to vector<16xf32>
          %swap3A_634 = vector.shape_cast %max3A_629 : vector<16xf32> to vector<1x16xf32>
          tpu.vector_store %arg15[%swap3A_630, %swap3A_631], %swap3A_634 {strides = array<i32>} : memref<80x128xf32, #tpu.memory_space<vmem>>, vector<1x16xf32>,
          %get3A_635 = arith.index_cast %scan3A_583 : i32 to index
          %get3A_636 = arith.constant 48 : index
          %get3A_637 = tpu.vector_load %arg15[%get3A_635, %get3A_636] {strides = array<i32>} : memref<80x128xf32, #tpu.memory_space<vmem>>, vector<1x16xf32>,
          %get3A_638 = vector.shape_cast %get3A_637 : vector<1x16xf32> to vector<16xf32>
          %get3A_639 = arith.index_cast %scan3A_583 : i32 to index
          %get3A_640 = arith.constant 48 : index
          %get3A_641 = tpu.vector_load %arg17[%get3A_639, %get3A_640] {strides = array<i32>} : memref<80x128xf32, #tpu.memory_space<vmem>>, vector<1x16xf32>,
          %get3A_642 = vector.shape_cast %get3A_641 : vector<1x16xf32> to vector<16xf32>
          %add3A_643 = arith.addf %get3A_638, %get3A_642 : vector<16xf32>
          %max3A_644 = arith.constant 0.000000e+00 : f32
          %max3A_645 = vector.broadcast %max3A_644 : f32 to vector<16xf32>
          %max3A_646 = arith.maximumf %add3A_643, %max3A_645 : vector<16xf32>
          %swap3A_647 = arith.index_cast %scan3A_583 : i32 to index
          %swap3A_648 = arith.constant 48 : index
          %swap3A_649 = tpu.vector_load %arg15[%swap3A_647, %swap3A_648] {strides = array<i32>} : memref<80x128xf32, #tpu.memory_space<vmem>>, vector<1x16xf32>,
          %swap3A_650 = vector.shape_cast %swap3A_649 : vector<1x16xf32> to vector<16xf32>
          %swap3A_651 = vector.shape_cast %max3A_646 : vector<16xf32> to vector<1x16xf32>
          tpu.vector_store %arg15[%swap3A_647, %swap3A_648], %swap3A_651 {strides = array<i32>} : memref<80x128xf32, #tpu.memory_space<vmem>>, vector<1x16xf32>,
          %get3A_652 = arith.index_cast %scan3A_583 : i32 to index
          %get3A_653 = arith.constant 64 : index
          %get3A_654 = tpu.vector_load %arg15[%get3A_652, %get3A_653] {strides = array<i32>} : memref<80x128xf32, #tpu.memory_space<vmem>>, vector<1x16xf32>,
          %get3A_655 = vector.shape_cast %get3A_654 : vector<1x16xf32> to vector<16xf32>
          %get3A_656 = arith.index_cast %scan3A_583 : i32 to index
          %get3A_657 = arith.constant 64 : index
          %get3A_658 = tpu.vector_load %arg17[%get3A_656, %get3A_657] {strides = array<i32>} : memref<80x128xf32, #tpu.memory_space<vmem>>, vector<1x16xf32>,
          %get3A_659 = vector.shape_cast %get3A_658 : vector<1x16xf32> to vector<16xf32>
          %add3A_660 = arith.addf %get3A_655, %get3A_659 : vector<16xf32>
          %max3A_661 = arith.constant 0.000000e+00 : f32
          %max3A_662 = vector.broadcast %max3A_661 : f32 to vector<16xf32>
          %max3A_663 = arith.maximumf %add3A_660, %max3A_662 : vector<16xf32>
          %swap3A_664 = arith.index_cast %scan3A_583 : i32 to index
          %swap3A_665 = arith.constant 64 : index
          %swap3A_666 = tpu.vector_load %arg15[%swap3A_664, %swap3A_665] {strides = array<i32>} : memref<80x128xf32, #tpu.memory_space<vmem>>, vector<1x16xf32>,
          %swap3A_667 = vector.shape_cast %swap3A_666 : vector<1x16xf32> to vector<16xf32>
          %swap3A_668 = vector.shape_cast %max3A_663 : vector<16xf32> to vector<1x16xf32>
          tpu.vector_store %arg15[%swap3A_664, %swap3A_665], %swap3A_668 {strides = array<i32>} : memref<80x128xf32, #tpu.memory_space<vmem>>, vector<1x16xf32>,
          %get3A_669 = arith.index_cast %scan3A_583 : i32 to index
          %get3A_670 = arith.constant 80 : index
          %get3A_671 = tpu.vector_load %arg15[%get3A_669, %get3A_670] {strides = array<i32>} : memref<80x128xf32, #tpu.memory_space<vmem>>, vector<1x16xf32>,
          %get3A_672 = vector.shape_cast %get3A_671 : vector<1x16xf32> to vector<16xf32>
          %get3A_673 = arith.index_cast %scan3A_583 : i32 to index
          %get3A_674 = arith.constant 80 : index
          %get3A_675 = tpu.vector_load %arg17[%get3A_673, %get3A_674] {strides = array<i32>} : memref<80x128xf32, #tpu.memory_space<vmem>>, vector<1x16xf32>,
          %get3A_676 = vector.shape_cast %get3A_675 : vector<1x16xf32> to vector<16xf32>
          %add3A_677 = arith.addf %get3A_672, %get3A_676 : vector<16xf32>
          %max3A_678 = arith.constant 0.000000e+00 : f32
          %max3A_679 = vector.broadcast %max3A_678 : f32 to vector<16xf32>
          %max3A_680 = arith.maximumf %add3A_677, %max3A_679 : vector<16xf32>
          %swap3A_681 = arith.index_cast %scan3A_583 : i32 to index
          %swap3A_682 = arith.constant 80 : index
          %swap3A_683 = tpu.vector_load %arg15[%swap3A_681, %swap3A_682] {strides = array<i32>} : memref<80x128xf32, #tpu.memory_space<vmem>>, vector<1x16xf32>,
          %swap3A_684 = vector.shape_cast %swap3A_683 : vector<1x16xf32> to vector<16xf32>
          %swap3A_685 = vector.shape_cast %max3A_680 : vector<16xf32> to vector<1x16xf32>
          tpu.vector_store %arg15[%swap3A_681, %swap3A_682], %swap3A_685 {strides = array<i32>} : memref<80x128xf32, #tpu.memory_space<vmem>>, vector<1x16xf32>,
          %get3A_686 = arith.index_cast %scan3A_583 : i32 to index
          %get3A_687 = arith.constant 96 : index
          %get3A_688 = tpu.vector_load %arg15[%get3A_686, %get3A_687] {strides = array<i32>} : memref<80x128xf32, #tpu.memory_space<vmem>>, vector<1x16xf32>,
          %get3A_689 = vector.shape_cast %get3A_688 : vector<1x16xf32> to vector<16xf32>
          %get3A_690 = arith.index_cast %scan3A_583 : i32 to index
          %get3A_691 = arith.constant 96 : index
          %get3A_692 = tpu.vector_load %arg17[%get3A_690, %get3A_691] {strides = array<i32>} : memref<80x128xf32, #tpu.memory_space<vmem>>, vector<1x16xf32>,
          %get3A_693 = vector.shape_cast %get3A_692 : vector<1x16xf32> to vector<16xf32>
          %add3A_694 = arith.addf %get3A_689, %get3A_693 : vector<16xf32>
          %max3A_695 = arith.constant 0.000000e+00 : f32
          %max3A_696 = vector.broadcast %max3A_695 : f32 to vector<16xf32>
          %max3A_697 = arith.maximumf %add3A_694, %max3A_696 : vector<16xf32>
          %swap3A_698 = arith.index_cast %scan3A_583 : i32 to index
          %swap3A_699 = arith.constant 96 : index
          %swap3A_700 = tpu.vector_load %arg15[%swap3A_698, %swap3A_699] {strides = array<i32>} : memref<80x128xf32, #tpu.memory_space<vmem>>, vector<1x16xf32>,
          %swap3A_701 = vector.shape_cast %swap3A_700 : vector<1x16xf32> to vector<16xf32>
          %swap3A_702 = vector.shape_cast %max3A_697 : vector<16xf32> to vector<1x16xf32>
          tpu.vector_store %arg15[%swap3A_698, %swap3A_699], %swap3A_702 {strides = array<i32>} : memref<80x128xf32, #tpu.memory_space<vmem>>, vector<1x16xf32>,
          %get3A_703 = arith.index_cast %scan3A_583 : i32 to index
          %get3A_704 = arith.constant 112 : index
          %get3A_705 = tpu.vector_load %arg15[%get3A_703, %get3A_704] {strides = array<i32>} : memref<80x128xf32, #tpu.memory_space<vmem>>, vector<1x16xf32>,
          %get3A_706 = vector.shape_cast %get3A_705 : vector<1x16xf32> to vector<16xf32>
          %get3A_707 = arith.index_cast %scan3A_583 : i32 to index
          %get3A_708 = arith.constant 112 : index
          %get3A_709 = tpu.vector_load %arg17[%get3A_707, %get3A_708] {strides = array<i32>} : memref<80x128xf32, #tpu.memory_space<vmem>>, vector<1x16xf32>,
          %get3A_710 = vector.shape_cast %get3A_709 : vector<1x16xf32> to vector<16xf32>
          %add3A_711 = arith.addf %get3A_706, %get3A_710 : vector<16xf32>
          %max3A_712 = arith.constant 0.000000e+00 : f32
          %max3A_713 = vector.broadcast %max3A_712 : f32 to vector<16xf32>
          %max3A_714 = arith.maximumf %add3A_711, %max3A_713 : vector<16xf32>
          %swap3A_715 = arith.index_cast %scan3A_583 : i32 to index
          %swap3A_716 = arith.constant 112 : index
          %swap3A_717 = tpu.vector_load %arg15[%swap3A_715, %swap3A_716] {strides = array<i32>} : memref<80x128xf32, #tpu.memory_space<vmem>>, vector<1x16xf32>,
          %swap3A_718 = vector.shape_cast %swap3A_717 : vector<1x16xf32> to vector<16xf32>
          %swap3A_719 = vector.shape_cast %max3A_714 : vector<16xf32> to vector<1x16xf32>
          tpu.vector_store %arg15[%swap3A_715, %swap3A_716], %swap3A_719 {strides = array<i32>} : memref<80x128xf32, #tpu.memory_space<vmem>>, vector<1x16xf32>,
          %scan3A_720 = arith.constant 0 : i32
          scf.yield %scan3A_720 : i32
        }
        %scan3A_167 = arith.constant 80 : i32
        "tpu.region"() ({
          %run_scoped3A = tpu.sem_alloc : memref<!tpu.dma_semaphore, #tpu.memory_space<semaphore_mem>>
          %dma_start3A_168 = arith.constant 0 : i32
          %dma_start3A_169 = arith.constant 0 : i32
          %dma_start3A_170 = tpu.memref_slice %arg19[%dma_start3A_168, %dma_start3A_169] : memref<10240x128xf32, #tpu.memory_space<vmem_shared>> -> memref<10240x128xf32, #tpu.memory_space<vmem_shared>>
          tpu.enqueue_indirect_dma source(%arg15 : memref<80x128xf32, #tpu.memory_space<vmem>>) target(%dma_start3A_170 : memref<10240x128xf32, #tpu.memory_space<vmem_shared>>) offsets(%arg11 : memref<80xi32, #tpu.memory_space<vmem>>) semaphore(%run_scoped3A : memref<!tpu.dma_semaphore, #tpu.memory_space<semaphore_mem>>) {add = true}
          %dma_wait3A_171 = arith.constant 0 : i32
          %dma_wait3A_172 = arith.constant 0 : i32
          %dma_wait3A_173 = tpu.memref_slice %arg19[%dma_wait3A_171, %dma_wait3A_172] : memref<10240x128xf32, #tpu.memory_space<vmem_shared>> -> memref<10240x128xf32, #tpu.memory_space<vmem_shared>>
          tpu.wait_indirect_dma semaphore(%run_scoped3A : memref<!tpu.dma_semaphore, #tpu.memory_space<semaphore_mem>>) src(%arg15 : memref<80x128xf32, #tpu.memory_space<vmem>>) dst(%dma_wait3A_173 : memref<10240x128xf32, #tpu.memory_space<vmem_shared>>)
          tpu.yield
        }) : () -> ()
      } else {
      }
      %add3A_88 = arith.constant 1 : i32
      %add3A_89 = arith.addi %mul3A_69, %add3A_88 : i32
      %add3A_90 = arith.constant 2 : i32
      %add3A_91 = arith.addi %add3A_89, %add3A_90 : i32
      %lt3A_92 = arith.constant 125 : i32
      %lt3A_93 = arith.cmpi slt, %add3A_91, %lt3A_92 : i32
      %convert_element_type3A_94 = arith.extui %lt3A_93 : i1 to i32
      %cond3A_95 = arith.constant 0 : i32
      %cond3A_96 = arith.cmpi ne, %convert_element_type3A_94, %cond3A_95 : i32
      scf.if %cond3A_96 {
        %add3A_152 = arith.constant 2 : i32
        %add3A_153 = arith.addi %add3A_89, %add3A_152 : i32
        %mul3A_154 = arith.constant 32 : i32
        %mul3A_155 = arith.muli %add3A_153, %mul3A_154 : i32
        %add3A_156 = arith.addi %add3A, %mul3A_155 : i32
        %mul3A_157 = arith.constant 80 : i32
        %mul3A_158 = arith.muli %add3A_156, %mul3A_157 : i32
        %dma_start3A_159 = tpu.memref_slice %arg2[%mul3A_158] : memref<320000xi32, #tpu.memory_space<hbm>> -> memref<80xi32, #tpu.memory_space<hbm>>
        %dma_start3A_160 = tpu.memref_slice %arg2[%mul3A_158] : memref<320000xi32, #tpu.memory_space<hbm>> -> memref<80xi32, #tpu.memory_space<hbm>>
        tpu.enqueue_dma source(%dma_start3A_160 : memref<80xi32, #tpu.memory_space<hbm>>) target(%arg10 : memref<80xi32, #tpu.memory_space<vmem>>) target_semaphore(%arg23 : memref<!tpu.dma_semaphore, #tpu.memory_space<semaphore_mem>>)
        %dma_start3A_161 = tpu.memref_slice %arg3[%mul3A_158] : memref<320000xi32, #tpu.memory_space<hbm>> -> memref<80xi32, #tpu.memory_space<hbm>>
        %dma_start3A_162 = tpu.memref_slice %arg3[%mul3A_158] : memref<320000xi32, #tpu.memory_space<hbm>> -> memref<80xi32, #tpu.memory_space<hbm>>
        tpu.enqueue_dma source(%dma_start3A_162 : memref<80xi32, #tpu.memory_space<hbm>>) target(%arg14 : memref<80xi32, #tpu.memory_space<vmem>>) target_semaphore(%arg23 : memref<!tpu.dma_semaphore, #tpu.memory_space<semaphore_mem>>)
      } else {
      }
      %add3A_97 = arith.constant 1 : i32
      %add3A_98 = arith.addi %add3A_89, %add3A_97 : i32
      %lt3A_99 = arith.constant 125 : i32
      %lt3A_100 = arith.cmpi slt, %add3A_98, %lt3A_99 : i32
      %convert_element_type3A_101 = arith.extui %lt3A_100 : i1 to i32
      %cond3A_102 = arith.constant 0 : i32
      %cond3A_103 = arith.cmpi ne, %convert_element_type3A_101, %cond3A_102 : i32
      scf.if %cond3A_103 {
        %dma_wait3A_152 = arith.constant 0 : i32
        %dma_wait3A_153 = tpu.memref_slice %arg2[%dma_wait3A_152] : memref<320000xi32, #tpu.memory_space<hbm>> -> memref<80xi32, #tpu.memory_space<hbm>>
        %dma_wait3A_154 = arith.constant 0 : i32
        %dma_wait3A_155 = tpu.memref_slice %arg2[%dma_wait3A_154] : memref<320000xi32, #tpu.memory_space<hbm>> -> memref<80xi32, #tpu.memory_space<hbm>>
        tpu.wait_dma2 semaphore(%arg22 : memref<!tpu.dma_semaphore, #tpu.memory_space<semaphore_mem>>) src(%dma_wait3A_155 : memref<80xi32, #tpu.memory_space<hbm>>) dst(%arg9 : memref<80xi32, #tpu.memory_space<vmem>>)
        %dma_wait3A_156 = arith.constant 0 : i32
        %dma_wait3A_157 = tpu.memref_slice %arg3[%dma_wait3A_156] : memref<320000xi32, #tpu.memory_space<hbm>> -> memref<80xi32, #tpu.memory_space<hbm>>
        %dma_wait3A_158 = arith.constant 0 : i32
        %dma_wait3A_159 = tpu.memref_slice %arg3[%dma_wait3A_158] : memref<320000xi32, #tpu.memory_space<hbm>> -> memref<80xi32, #tpu.memory_space<hbm>>
        tpu.wait_dma2 semaphore(%arg22 : memref<!tpu.dma_semaphore, #tpu.memory_space<semaphore_mem>>) src(%dma_wait3A_159 : memref<80xi32, #tpu.memory_space<hbm>>) dst(%arg13 : memref<80xi32, #tpu.memory_space<vmem>>)
        %add3A_160 = arith.constant 1 : i32
        %add3A_161 = arith.addi %add3A_89, %add3A_160 : i32
        %dma_start3A_162 = arith.constant 0 : i32
        %dma_start3A_163 = arith.constant 0 : i32
        %dma_start3A_164 = tpu.memref_slice %arg5[%dma_start3A_162, %dma_start3A_163] : memref<10000x128xf32, #tpu.memory_space<hbm>> -> memref<10000x128xf32, #tpu.memory_space<hbm>>
        tpu.enqueue_indirect_dma source(%dma_start3A_164 : memref<10000x128xf32, #tpu.memory_space<hbm>>) target(%arg17 : memref<80x128xf32, #tpu.memory_space<vmem>>) offsets(%arg9 : memref<80xi32, #tpu.memory_space<vmem>>) semaphore(%arg26 : memref<!tpu.dma_semaphore, #tpu.memory_space<semaphore_mem>>)
        %mul3A_165 = arith.constant 32 : i32
        %mul3A_166 = arith.muli %add3A_161, %mul3A_165 : i32
        %add3A_167 = arith.addi %add3A, %mul3A_166 : i32
        %mul3A_168 = arith.constant 80 : i32
        %mul3A_169 = arith.muli %add3A_167, %mul3A_168 : i32
        %dma_start3A_170 = arith.constant 0 : i32
        %dma_start3A_171 = tpu.memref_slice %arg4[%mul3A_169, %dma_start3A_170] : memref<320000x128xf32, #tpu.memory_space<hbm>> -> memref<80x128xf32, #tpu.memory_space<hbm>>
        %dma_start3A_172 = arith.constant 0 : i32
        %dma_start3A_173 = tpu.memref_slice %arg4[%mul3A_169, %dma_start3A_172] : memref<320000x128xf32, #tpu.memory_space<hbm>> -> memref<80x128xf32, #tpu.memory_space<hbm>>
        tpu.enqueue_dma source(%dma_start3A_173 : memref<80x128xf32, #tpu.memory_space<hbm>>) target(%arg15 : memref<80x128xf32, #tpu.memory_space<vmem>>) target_semaphore(%arg24 : memref<!tpu.dma_semaphore, #tpu.memory_space<semaphore_mem>>)
      } else {
      }
      %lt3A_104 = arith.constant 125 : i32
      %lt3A_105 = arith.cmpi slt, %add3A_89, %lt3A_104 : i32
      %convert_element_type3A_106 = arith.extui %lt3A_105 : i1 to i32
      %cond3A_107 = arith.constant 0 : i32
      %cond3A_108 = arith.cmpi ne, %convert_element_type3A_106, %cond3A_107 : i32
      scf.if %cond3A_108 {
        %dma_wait3A_152 = arith.constant 0 : i32
        %dma_wait3A_153 = arith.constant 0 : i32
        %dma_wait3A_154 = tpu.memref_slice %arg5[%dma_wait3A_152, %dma_wait3A_153] : memref<10000x128xf32, #tpu.memory_space<hbm>> -> memref<10000x128xf32, #tpu.memory_space<hbm>>
        tpu.wait_indirect_dma semaphore(%arg27 : memref<!tpu.dma_semaphore, #tpu.memory_space<semaphore_mem>>) src(%dma_wait3A_154 : memref<10000x128xf32, #tpu.memory_space<hbm>>) dst(%arg18 : memref<80x128xf32, #tpu.memory_space<vmem>>)
        %dma_wait3A_155 = arith.constant 0 : i32
        %dma_wait3A_156 = arith.constant 0 : i32
        %dma_wait3A_157 = tpu.memref_slice %arg4[%dma_wait3A_155, %dma_wait3A_156] : memref<320000x128xf32, #tpu.memory_space<hbm>> -> memref<80x128xf32, #tpu.memory_space<hbm>>
        %dma_wait3A_158 = arith.constant 0 : i32
        %dma_wait3A_159 = arith.constant 0 : i32
        %dma_wait3A_160 = tpu.memref_slice %arg4[%dma_wait3A_158, %dma_wait3A_159] : memref<320000x128xf32, #tpu.memory_space<hbm>> -> memref<80x128xf32, #tpu.memory_space<hbm>>
        tpu.wait_dma2 semaphore(%arg25 : memref<!tpu.dma_semaphore, #tpu.memory_space<semaphore_mem>>) src(%dma_wait3A_160 : memref<80x128xf32, #tpu.memory_space<hbm>>) dst(%arg16 : memref<80x128xf32, #tpu.memory_space<vmem>>)
        %scan3A_161 = arith.constant 0 : i32
        %scan3A_162 = arith.constant 0 : i32
        %scan3A_163 = arith.constant 80 : i32
        %scan3A_164 = arith.addi %scan3A_162, %scan3A_163 : i32
        %scan3A_165 = arith.constant 4 : i32
        %scan3A_166 = scf.for %scan3A_168 = %scan3A_162 to %scan3A_164 step %scan3A_165 iter_args(%scan3A_169 = %scan3A_161) -> (i32)  : i32 {
          %get3A = arith.index_cast %scan3A_168 : i32 to index
          %get3A_170 = arith.constant 0 : index
          %get3A_171 = tpu.vector_load %arg16[%get3A, %get3A_170] {strides = array<i32>} : memref<80x128xf32, #tpu.memory_space<vmem>>, vector<1x16xf32>,
          %get3A_172 = vector.shape_cast %get3A_171 : vector<1x16xf32> to vector<16xf32>
          %get3A_173 = arith.index_cast %scan3A_168 : i32 to index
          %get3A_174 = arith.constant 0 : index
          %get3A_175 = tpu.vector_load %arg18[%get3A_173, %get3A_174] {strides = array<i32>} : memref<80x128xf32, #tpu.memory_space<vmem>>, vector<1x16xf32>,
          %get3A_176 = vector.shape_cast %get3A_175 : vector<1x16xf32> to vector<16xf32>
          %add3A_177 = arith.addf %get3A_172, %get3A_176 : vector<16xf32>
          %max3A = arith.constant 0.000000e+00 : f32
          %max3A_178 = vector.broadcast %max3A : f32 to vector<16xf32>
          %max3A_179 = arith.maximumf %add3A_177, %max3A_178 : vector<16xf32>
          %swap3A = arith.index_cast %scan3A_168 : i32 to index
          %swap3A_180 = arith.constant 0 : index
          %swap3A_181 = tpu.vector_load %arg16[%swap3A, %swap3A_180] {strides = array<i32>} : memref<80x128xf32, #tpu.memory_space<vmem>>, vector<1x16xf32>,
          %swap3A_182 = vector.shape_cast %swap3A_181 : vector<1x16xf32> to vector<16xf32>
          %swap3A_183 = vector.shape_cast %max3A_179 : vector<16xf32> to vector<1x16xf32>
          tpu.vector_store %arg16[%swap3A, %swap3A_180], %swap3A_183 {strides = array<i32>} : memref<80x128xf32, #tpu.memory_space<vmem>>, vector<1x16xf32>,
          %get3A_184 = arith.index_cast %scan3A_168 : i32 to index
          %get3A_185 = arith.constant 16 : index
          %get3A_186 = tpu.vector_load %arg16[%get3A_184, %get3A_185] {strides = array<i32>} : memref<80x128xf32, #tpu.memory_space<vmem>>, vector<1x16xf32>,
          %get3A_187 = vector.shape_cast %get3A_186 : vector<1x16xf32> to vector<16xf32>
          %get3A_188 = arith.index_cast %scan3A_168 : i32 to index
          %get3A_189 = arith.constant 16 : index
          %get3A_190 = tpu.vector_load %arg18[%get3A_188, %get3A_189] {strides = array<i32>} : memref<80x128xf32, #tpu.memory_space<vmem>>, vector<1x16xf32>,
          %get3A_191 = vector.shape_cast %get3A_190 : vector<1x16xf32> to vector<16xf32>
          %add3A_192 = arith.addf %get3A_187, %get3A_191 : vector<16xf32>
          %max3A_193 = arith.constant 0.000000e+00 : f32
          %max3A_194 = vector.broadcast %max3A_193 : f32 to vector<16xf32>
          %max3A_195 = arith.maximumf %add3A_192, %max3A_194 : vector<16xf32>
          %swap3A_196 = arith.index_cast %scan3A_168 : i32 to index
          %swap3A_197 = arith.constant 16 : index
          %swap3A_198 = tpu.vector_load %arg16[%swap3A_196, %swap3A_197] {strides = array<i32>} : memref<80x128xf32, #tpu.memory_space<vmem>>, vector<1x16xf32>,
          %swap3A_199 = vector.shape_cast %swap3A_198 : vector<1x16xf32> to vector<16xf32>
          %swap3A_200 = vector.shape_cast %max3A_195 : vector<16xf32> to vector<1x16xf32>
          tpu.vector_store %arg16[%swap3A_196, %swap3A_197], %swap3A_200 {strides = array<i32>} : memref<80x128xf32, #tpu.memory_space<vmem>>, vector<1x16xf32>,
          %get3A_201 = arith.index_cast %scan3A_168 : i32 to index
          %get3A_202 = arith.constant 32 : index
          %get3A_203 = tpu.vector_load %arg16[%get3A_201, %get3A_202] {strides = array<i32>} : memref<80x128xf32, #tpu.memory_space<vmem>>, vector<1x16xf32>,
          %get3A_204 = vector.shape_cast %get3A_203 : vector<1x16xf32> to vector<16xf32>
          %get3A_205 = arith.index_cast %scan3A_168 : i32 to index
          %get3A_206 = arith.constant 32 : index
          %get3A_207 = tpu.vector_load %arg18[%get3A_205, %get3A_206] {strides = array<i32>} : memref<80x128xf32, #tpu.memory_space<vmem>>, vector<1x16xf32>,
          %get3A_208 = vector.shape_cast %get3A_207 : vector<1x16xf32> to vector<16xf32>
          %add3A_209 = arith.addf %get3A_204, %get3A_208 : vector<16xf32>
          %max3A_210 = arith.constant 0.000000e+00 : f32
          %max3A_211 = vector.broadcast %max3A_210 : f32 to vector<16xf32>
          %max3A_212 = arith.maximumf %add3A_209, %max3A_211 : vector<16xf32>
          %swap3A_213 = arith.index_cast %scan3A_168 : i32 to index
          %swap3A_214 = arith.constant 32 : index
          %swap3A_215 = tpu.vector_load %arg16[%swap3A_213, %swap3A_214] {strides = array<i32>} : memref<80x128xf32, #tpu.memory_space<vmem>>, vector<1x16xf32>,
          %swap3A_216 = vector.shape_cast %swap3A_215 : vector<1x16xf32> to vector<16xf32>
          %swap3A_217 = vector.shape_cast %max3A_212 : vector<16xf32> to vector<1x16xf32>
          tpu.vector_store %arg16[%swap3A_213, %swap3A_214], %swap3A_217 {strides = array<i32>} : memref<80x128xf32, #tpu.memory_space<vmem>>, vector<1x16xf32>,
          %get3A_218 = arith.index_cast %scan3A_168 : i32 to index
          %get3A_219 = arith.constant 48 : index
          %get3A_220 = tpu.vector_load %arg16[%get3A_218, %get3A_219] {strides = array<i32>} : memref<80x128xf32, #tpu.memory_space<vmem>>, vector<1x16xf32>,
          %get3A_221 = vector.shape_cast %get3A_220 : vector<1x16xf32> to vector<16xf32>
          %get3A_222 = arith.index_cast %scan3A_168 : i32 to index
          %get3A_223 = arith.constant 48 : index
          %get3A_224 = tpu.vector_load %arg18[%get3A_222, %get3A_223] {strides = array<i32>} : memref<80x128xf32, #tpu.memory_space<vmem>>, vector<1x16xf32>,
          %get3A_225 = vector.shape_cast %get3A_224 : vector<1x16xf32> to vector<16xf32>
          %add3A_226 = arith.addf %get3A_221, %get3A_225 : vector<16xf32>
          %max3A_227 = arith.constant 0.000000e+00 : f32
          %max3A_228 = vector.broadcast %max3A_227 : f32 to vector<16xf32>
          %max3A_229 = arith.maximumf %add3A_226, %max3A_228 : vector<16xf32>
          %swap3A_230 = arith.index_cast %scan3A_168 : i32 to index
          %swap3A_231 = arith.constant 48 : index
          %swap3A_232 = tpu.vector_load %arg16[%swap3A_230, %swap3A_231] {strides = array<i32>} : memref<80x128xf32, #tpu.memory_space<vmem>>, vector<1x16xf32>,
          %swap3A_233 = vector.shape_cast %swap3A_232 : vector<1x16xf32> to vector<16xf32>
          %swap3A_234 = vector.shape_cast %max3A_229 : vector<16xf32> to vector<1x16xf32>
          tpu.vector_store %arg16[%swap3A_230, %swap3A_231], %swap3A_234 {strides = array<i32>} : memref<80x128xf32, #tpu.memory_space<vmem>>, vector<1x16xf32>,
          %get3A_235 = arith.index_cast %scan3A_168 : i32 to index
          %get3A_236 = arith.constant 64 : index
          %get3A_237 = tpu.vector_load %arg16[%get3A_235, %get3A_236] {strides = array<i32>} : memref<80x128xf32, #tpu.memory_space<vmem>>, vector<1x16xf32>,
          %get3A_238 = vector.shape_cast %get3A_237 : vector<1x16xf32> to vector<16xf32>
          %get3A_239 = arith.index_cast %scan3A_168 : i32 to index
          %get3A_240 = arith.constant 64 : index
          %get3A_241 = tpu.vector_load %arg18[%get3A_239, %get3A_240] {strides = array<i32>} : memref<80x128xf32, #tpu.memory_space<vmem>>, vector<1x16xf32>,
          %get3A_242 = vector.shape_cast %get3A_241 : vector<1x16xf32> to vector<16xf32>
          %add3A_243 = arith.addf %get3A_238, %get3A_242 : vector<16xf32>
          %max3A_244 = arith.constant 0.000000e+00 : f32
          %max3A_245 = vector.broadcast %max3A_244 : f32 to vector<16xf32>
          %max3A_246 = arith.maximumf %add3A_243, %max3A_245 : vector<16xf32>
          %swap3A_247 = arith.index_cast %scan3A_168 : i32 to index
          %swap3A_248 = arith.constant 64 : index
          %swap3A_249 = tpu.vector_load %arg16[%swap3A_247, %swap3A_248] {strides = array<i32>} : memref<80x128xf32, #tpu.memory_space<vmem>>, vector<1x16xf32>,
          %swap3A_250 = vector.shape_cast %swap3A_249 : vector<1x16xf32> to vector<16xf32>
          %swap3A_251 = vector.shape_cast %max3A_246 : vector<16xf32> to vector<1x16xf32>
          tpu.vector_store %arg16[%swap3A_247, %swap3A_248], %swap3A_251 {strides = array<i32>} : memref<80x128xf32, #tpu.memory_space<vmem>>, vector<1x16xf32>,
          %get3A_252 = arith.index_cast %scan3A_168 : i32 to index
          %get3A_253 = arith.constant 80 : index
          %get3A_254 = tpu.vector_load %arg16[%get3A_252, %get3A_253] {strides = array<i32>} : memref<80x128xf32, #tpu.memory_space<vmem>>, vector<1x16xf32>,
          %get3A_255 = vector.shape_cast %get3A_254 : vector<1x16xf32> to vector<16xf32>
          %get3A_256 = arith.index_cast %scan3A_168 : i32 to index
          %get3A_257 = arith.constant 80 : index
          %get3A_258 = tpu.vector_load %arg18[%get3A_256, %get3A_257] {strides = array<i32>} : memref<80x128xf32, #tpu.memory_space<vmem>>, vector<1x16xf32>,
          %get3A_259 = vector.shape_cast %get3A_258 : vector<1x16xf32> to vector<16xf32>
          %add3A_260 = arith.addf %get3A_255, %get3A_259 : vector<16xf32>
          %max3A_261 = arith.constant 0.000000e+00 : f32
          %max3A_262 = vector.broadcast %max3A_261 : f32 to vector<16xf32>
          %max3A_263 = arith.maximumf %add3A_260, %max3A_262 : vector<16xf32>
          %swap3A_264 = arith.index_cast %scan3A_168 : i32 to index
          %swap3A_265 = arith.constant 80 : index
          %swap3A_266 = tpu.vector_load %arg16[%swap3A_264, %swap3A_265] {strides = array<i32>} : memref<80x128xf32, #tpu.memory_space<vmem>>, vector<1x16xf32>,
          %swap3A_267 = vector.shape_cast %swap3A_266 : vector<1x16xf32> to vector<16xf32>
          %swap3A_268 = vector.shape_cast %max3A_263 : vector<16xf32> to vector<1x16xf32>
          tpu.vector_store %arg16[%swap3A_264, %swap3A_265], %swap3A_268 {strides = array<i32>} : memref<80x128xf32, #tpu.memory_space<vmem>>, vector<1x16xf32>,
          %get3A_269 = arith.index_cast %scan3A_168 : i32 to index
          %get3A_270 = arith.constant 96 : index
          %get3A_271 = tpu.vector_load %arg16[%get3A_269, %get3A_270] {strides = array<i32>} : memref<80x128xf32, #tpu.memory_space<vmem>>, vector<1x16xf32>,
          %get3A_272 = vector.shape_cast %get3A_271 : vector<1x16xf32> to vector<16xf32>
          %get3A_273 = arith.index_cast %scan3A_168 : i32 to index
          %get3A_274 = arith.constant 96 : index
          %get3A_275 = tpu.vector_load %arg18[%get3A_273, %get3A_274] {strides = array<i32>} : memref<80x128xf32, #tpu.memory_space<vmem>>, vector<1x16xf32>,
          %get3A_276 = vector.shape_cast %get3A_275 : vector<1x16xf32> to vector<16xf32>
          %add3A_277 = arith.addf %get3A_272, %get3A_276 : vector<16xf32>
          %max3A_278 = arith.constant 0.000000e+00 : f32
          %max3A_279 = vector.broadcast %max3A_278 : f32 to vector<16xf32>
          %max3A_280 = arith.maximumf %add3A_277, %max3A_279 : vector<16xf32>
          %swap3A_281 = arith.index_cast %scan3A_168 : i32 to index
          %swap3A_282 = arith.constant 96 : index
          %swap3A_283 = tpu.vector_load %arg16[%swap3A_281, %swap3A_282] {strides = array<i32>} : memref<80x128xf32, #tpu.memory_space<vmem>>, vector<1x16xf32>,
          %swap3A_284 = vector.shape_cast %swap3A_283 : vector<1x16xf32> to vector<16xf32>
          %swap3A_285 = vector.shape_cast %max3A_280 : vector<16xf32> to vector<1x16xf32>
          tpu.vector_store %arg16[%swap3A_281, %swap3A_282], %swap3A_285 {strides = array<i32>} : memref<80x128xf32, #tpu.memory_space<vmem>>, vector<1x16xf32>,
          %get3A_286 = arith.index_cast %scan3A_168 : i32 to index
          %get3A_287 = arith.constant 112 : index
          %get3A_288 = tpu.vector_load %arg16[%get3A_286, %get3A_287] {strides = array<i32>} : memref<80x128xf32, #tpu.memory_space<vmem>>, vector<1x16xf32>,
          %get3A_289 = vector.shape_cast %get3A_288 : vector<1x16xf32> to vector<16xf32>
          %get3A_290 = arith.index_cast %scan3A_168 : i32 to index
          %get3A_291 = arith.constant 112 : index
          %get3A_292 = tpu.vector_load %arg18[%get3A_290, %get3A_291] {strides = array<i32>} : memref<80x128xf32, #tpu.memory_space<vmem>>, vector<1x16xf32>,
          %get3A_293 = vector.shape_cast %get3A_292 : vector<1x16xf32> to vector<16xf32>
          %add3A_294 = arith.addf %get3A_289, %get3A_293 : vector<16xf32>
          %max3A_295 = arith.constant 0.000000e+00 : f32
          %max3A_296 = vector.broadcast %max3A_295 : f32 to vector<16xf32>
          %max3A_297 = arith.maximumf %add3A_294, %max3A_296 : vector<16xf32>
          %swap3A_298 = arith.index_cast %scan3A_168 : i32 to index
          %swap3A_299 = arith.constant 112 : index
          %swap3A_300 = tpu.vector_load %arg16[%swap3A_298, %swap3A_299] {strides = array<i32>} : memref<80x128xf32, #tpu.memory_space<vmem>>, vector<1x16xf32>,
          %swap3A_301 = vector.shape_cast %swap3A_300 : vector<1x16xf32> to vector<16xf32>
          %swap3A_302 = vector.shape_cast %max3A_297 : vector<16xf32> to vector<1x16xf32>
          tpu.vector_store %arg16[%swap3A_298, %swap3A_299], %swap3A_302 {strides = array<i32>} : memref<80x128xf32, #tpu.memory_space<vmem>>, vector<1x16xf32>,
          %scan3A_303 = arith.constant 0 : i32
          %scan3A_304 = arith.constant 1 : i32
          %scan3A_305 = arith.addi %scan3A_168, %scan3A_304 : i32
          %get3A_306 = arith.index_cast %scan3A_305 : i32 to index
          %get3A_307 = arith.constant 0 : index
          %get3A_308 = tpu.vector_load %arg16[%get3A_306, %get3A_307] {strides = array<i32>} : memref<80x128xf32, #tpu.memory_space<vmem>>, vector<1x16xf32>,
          %get3A_309 = vector.shape_cast %get3A_308 : vector<1x16xf32> to vector<16xf32>
          %get3A_310 = arith.index_cast %scan3A_305 : i32 to index
          %get3A_311 = arith.constant 0 : index
          %get3A_312 = tpu.vector_load %arg18[%get3A_310, %get3A_311] {strides = array<i32>} : memref<80x128xf32, #tpu.memory_space<vmem>>, vector<1x16xf32>,
          %get3A_313 = vector.shape_cast %get3A_312 : vector<1x16xf32> to vector<16xf32>
          %add3A_314 = arith.addf %get3A_309, %get3A_313 : vector<16xf32>
          %max3A_315 = arith.constant 0.000000e+00 : f32
          %max3A_316 = vector.broadcast %max3A_315 : f32 to vector<16xf32>
          %max3A_317 = arith.maximumf %add3A_314, %max3A_316 : vector<16xf32>
          %swap3A_318 = arith.index_cast %scan3A_305 : i32 to index
          %swap3A_319 = arith.constant 0 : index
          %swap3A_320 = tpu.vector_load %arg16[%swap3A_318, %swap3A_319] {strides = array<i32>} : memref<80x128xf32, #tpu.memory_space<vmem>>, vector<1x16xf32>,
          %swap3A_321 = vector.shape_cast %swap3A_320 : vector<1x16xf32> to vector<16xf32>
          %swap3A_322 = vector.shape_cast %max3A_317 : vector<16xf32> to vector<1x16xf32>
          tpu.vector_store %arg16[%swap3A_318, %swap3A_319], %swap3A_322 {strides = array<i32>} : memref<80x128xf32, #tpu.memory_space<vmem>>, vector<1x16xf32>,
          %get3A_323 = arith.index_cast %scan3A_305 : i32 to index
          %get3A_324 = arith.constant 16 : index
          %get3A_325 = tpu.vector_load %arg16[%get3A_323, %get3A_324] {strides = array<i32>} : memref<80x128xf32, #tpu.memory_space<vmem>>, vector<1x16xf32>,
          %get3A_326 = vector.shape_cast %get3A_325 : vector<1x16xf32> to vector<16xf32>
          %get3A_327 = arith.index_cast %scan3A_305 : i32 to index
          %get3A_328 = arith.constant 16 : index
          %get3A_329 = tpu.vector_load %arg18[%get3A_327, %get3A_328] {strides = array<i32>} : memref<80x128xf32, #tpu.memory_space<vmem>>, vector<1x16xf32>,
          %get3A_330 = vector.shape_cast %get3A_329 : vector<1x16xf32> to vector<16xf32>
          %add3A_331 = arith.addf %get3A_326, %get3A_330 : vector<16xf32>
          %max3A_332 = arith.constant 0.000000e+00 : f32
          %max3A_333 = vector.broadcast %max3A_332 : f32 to vector<16xf32>
          %max3A_334 = arith.maximumf %add3A_331, %max3A_333 : vector<16xf32>
          %swap3A_335 = arith.index_cast %scan3A_305 : i32 to index
          %swap3A_336 = arith.constant 16 : index
          %swap3A_337 = tpu.vector_load %arg16[%swap3A_335, %swap3A_336] {strides = array<i32>} : memref<80x128xf32, #tpu.memory_space<vmem>>, vector<1x16xf32>,
          %swap3A_338 = vector.shape_cast %swap3A_337 : vector<1x16xf32> to vector<16xf32>
          %swap3A_339 = vector.shape_cast %max3A_334 : vector<16xf32> to vector<1x16xf32>
          tpu.vector_store %arg16[%swap3A_335, %swap3A_336], %swap3A_339 {strides = array<i32>} : memref<80x128xf32, #tpu.memory_space<vmem>>, vector<1x16xf32>,
          %get3A_340 = arith.index_cast %scan3A_305 : i32 to index
          %get3A_341 = arith.constant 32 : index
          %get3A_342 = tpu.vector_load %arg16[%get3A_340, %get3A_341] {strides = array<i32>} : memref<80x128xf32, #tpu.memory_space<vmem>>, vector<1x16xf32>,
          %get3A_343 = vector.shape_cast %get3A_342 : vector<1x16xf32> to vector<16xf32>
          %get3A_344 = arith.index_cast %scan3A_305 : i32 to index
          %get3A_345 = arith.constant 32 : index
          %get3A_346 = tpu.vector_load %arg18[%get3A_344, %get3A_345] {strides = array<i32>} : memref<80x128xf32, #tpu.memory_space<vmem>>, vector<1x16xf32>,
          %get3A_347 = vector.shape_cast %get3A_346 : vector<1x16xf32> to vector<16xf32>
          %add3A_348 = arith.addf %get3A_343, %get3A_347 : vector<16xf32>
          %max3A_349 = arith.constant 0.000000e+00 : f32
          %max3A_350 = vector.broadcast %max3A_349 : f32 to vector<16xf32>
          %max3A_351 = arith.maximumf %add3A_348, %max3A_350 : vector<16xf32>
          %swap3A_352 = arith.index_cast %scan3A_305 : i32 to index
          %swap3A_353 = arith.constant 32 : index
          %swap3A_354 = tpu.vector_load %arg16[%swap3A_352, %swap3A_353] {strides = array<i32>} : memref<80x128xf32, #tpu.memory_space<vmem>>, vector<1x16xf32>,
          %swap3A_355 = vector.shape_cast %swap3A_354 : vector<1x16xf32> to vector<16xf32>
          %swap3A_356 = vector.shape_cast %max3A_351 : vector<16xf32> to vector<1x16xf32>
          tpu.vector_store %arg16[%swap3A_352, %swap3A_353], %swap3A_356 {strides = array<i32>} : memref<80x128xf32, #tpu.memory_space<vmem>>, vector<1x16xf32>,
          %get3A_357 = arith.index_cast %scan3A_305 : i32 to index
          %get3A_358 = arith.constant 48 : index
          %get3A_359 = tpu.vector_load %arg16[%get3A_357, %get3A_358] {strides = array<i32>} : memref<80x128xf32, #tpu.memory_space<vmem>>, vector<1x16xf32>,
          %get3A_360 = vector.shape_cast %get3A_359 : vector<1x16xf32> to vector<16xf32>
          %get3A_361 = arith.index_cast %scan3A_305 : i32 to index
          %get3A_362 = arith.constant 48 : index
          %get3A_363 = tpu.vector_load %arg18[%get3A_361, %get3A_362] {strides = array<i32>} : memref<80x128xf32, #tpu.memory_space<vmem>>, vector<1x16xf32>,
          %get3A_364 = vector.shape_cast %get3A_363 : vector<1x16xf32> to vector<16xf32>
          %add3A_365 = arith.addf %get3A_360, %get3A_364 : vector<16xf32>
          %max3A_366 = arith.constant 0.000000e+00 : f32
          %max3A_367 = vector.broadcast %max3A_366 : f32 to vector<16xf32>
          %max3A_368 = arith.maximumf %add3A_365, %max3A_367 : vector<16xf32>
          %swap3A_369 = arith.index_cast %scan3A_305 : i32 to index
          %swap3A_370 = arith.constant 48 : index
          %swap3A_371 = tpu.vector_load %arg16[%swap3A_369, %swap3A_370] {strides = array<i32>} : memref<80x128xf32, #tpu.memory_space<vmem>>, vector<1x16xf32>,
          %swap3A_372 = vector.shape_cast %swap3A_371 : vector<1x16xf32> to vector<16xf32>
          %swap3A_373 = vector.shape_cast %max3A_368 : vector<16xf32> to vector<1x16xf32>
          tpu.vector_store %arg16[%swap3A_369, %swap3A_370], %swap3A_373 {strides = array<i32>} : memref<80x128xf32, #tpu.memory_space<vmem>>, vector<1x16xf32>,
          %get3A_374 = arith.index_cast %scan3A_305 : i32 to index
          %get3A_375 = arith.constant 64 : index
          %get3A_376 = tpu.vector_load %arg16[%get3A_374, %get3A_375] {strides = array<i32>} : memref<80x128xf32, #tpu.memory_space<vmem>>, vector<1x16xf32>,
          %get3A_377 = vector.shape_cast %get3A_376 : vector<1x16xf32> to vector<16xf32>
          %get3A_378 = arith.index_cast %scan3A_305 : i32 to index
          %get3A_379 = arith.constant 64 : index
          %get3A_380 = tpu.vector_load %arg18[%get3A_378, %get3A_379] {strides = array<i32>} : memref<80x128xf32, #tpu.memory_space<vmem>>, vector<1x16xf32>,
          %get3A_381 = vector.shape_cast %get3A_380 : vector<1x16xf32> to vector<16xf32>
          %add3A_382 = arith.addf %get3A_377, %get3A_381 : vector<16xf32>
          %max3A_383 = arith.constant 0.000000e+00 : f32
          %max3A_384 = vector.broadcast %max3A_383 : f32 to vector<16xf32>
          %max3A_385 = arith.maximumf %add3A_382, %max3A_384 : vector<16xf32>
          %swap3A_386 = arith.index_cast %scan3A_305 : i32 to index
          %swap3A_387 = arith.constant 64 : index
          %swap3A_388 = tpu.vector_load %arg16[%swap3A_386, %swap3A_387] {strides = array<i32>} : memref<80x128xf32, #tpu.memory_space<vmem>>, vector<1x16xf32>,
          %swap3A_389 = vector.shape_cast %swap3A_388 : vector<1x16xf32> to vector<16xf32>
          %swap3A_390 = vector.shape_cast %max3A_385 : vector<16xf32> to vector<1x16xf32>
          tpu.vector_store %arg16[%swap3A_386, %swap3A_387], %swap3A_390 {strides = array<i32>} : memref<80x128xf32, #tpu.memory_space<vmem>>, vector<1x16xf32>,
          %get3A_391 = arith.index_cast %scan3A_305 : i32 to index
          %get3A_392 = arith.constant 80 : index
          %get3A_393 = tpu.vector_load %arg16[%get3A_391, %get3A_392] {strides = array<i32>} : memref<80x128xf32, #tpu.memory_space<vmem>>, vector<1x16xf32>,
          %get3A_394 = vector.shape_cast %get3A_393 : vector<1x16xf32> to vector<16xf32>
          %get3A_395 = arith.index_cast %scan3A_305 : i32 to index
          %get3A_396 = arith.constant 80 : index
          %get3A_397 = tpu.vector_load %arg18[%get3A_395, %get3A_396] {strides = array<i32>} : memref<80x128xf32, #tpu.memory_space<vmem>>, vector<1x16xf32>,
          %get3A_398 = vector.shape_cast %get3A_397 : vector<1x16xf32> to vector<16xf32>
          %add3A_399 = arith.addf %get3A_394, %get3A_398 : vector<16xf32>
          %max3A_400 = arith.constant 0.000000e+00 : f32
          %max3A_401 = vector.broadcast %max3A_400 : f32 to vector<16xf32>
          %max3A_402 = arith.maximumf %add3A_399, %max3A_401 : vector<16xf32>
          %swap3A_403 = arith.index_cast %scan3A_305 : i32 to index
          %swap3A_404 = arith.constant 80 : index
          %swap3A_405 = tpu.vector_load %arg16[%swap3A_403, %swap3A_404] {strides = array<i32>} : memref<80x128xf32, #tpu.memory_space<vmem>>, vector<1x16xf32>,
          %swap3A_406 = vector.shape_cast %swap3A_405 : vector<1x16xf32> to vector<16xf32>
          %swap3A_407 = vector.shape_cast %max3A_402 : vector<16xf32> to vector<1x16xf32>
          tpu.vector_store %arg16[%swap3A_403, %swap3A_404], %swap3A_407 {strides = array<i32>} : memref<80x128xf32, #tpu.memory_space<vmem>>, vector<1x16xf32>,
          %get3A_408 = arith.index_cast %scan3A_305 : i32 to index
          %get3A_409 = arith.constant 96 : index
          %get3A_410 = tpu.vector_load %arg16[%get3A_408, %get3A_409] {strides = array<i32>} : memref<80x128xf32, #tpu.memory_space<vmem>>, vector<1x16xf32>,
          %get3A_411 = vector.shape_cast %get3A_410 : vector<1x16xf32> to vector<16xf32>
          %get3A_412 = arith.index_cast %scan3A_305 : i32 to index
          %get3A_413 = arith.constant 96 : index
          %get3A_414 = tpu.vector_load %arg18[%get3A_412, %get3A_413] {strides = array<i32>} : memref<80x128xf32, #tpu.memory_space<vmem>>, vector<1x16xf32>,
          %get3A_415 = vector.shape_cast %get3A_414 : vector<1x16xf32> to vector<16xf32>
          %add3A_416 = arith.addf %get3A_411, %get3A_415 : vector<16xf32>
          %max3A_417 = arith.constant 0.000000e+00 : f32
          %max3A_418 = vector.broadcast %max3A_417 : f32 to vector<16xf32>
          %max3A_419 = arith.maximumf %add3A_416, %max3A_418 : vector<16xf32>
          %swap3A_420 = arith.index_cast %scan3A_305 : i32 to index
          %swap3A_421 = arith.constant 96 : index
          %swap3A_422 = tpu.vector_load %arg16[%swap3A_420, %swap3A_421] {strides = array<i32>} : memref<80x128xf32, #tpu.memory_space<vmem>>, vector<1x16xf32>,
          %swap3A_423 = vector.shape_cast %swap3A_422 : vector<1x16xf32> to vector<16xf32>
          %swap3A_424 = vector.shape_cast %max3A_419 : vector<16xf32> to vector<1x16xf32>
          tpu.vector_store %arg16[%swap3A_420, %swap3A_421], %swap3A_424 {strides = array<i32>} : memref<80x128xf32, #tpu.memory_space<vmem>>, vector<1x16xf32>,
          %get3A_425 = arith.index_cast %scan3A_305 : i32 to index
          %get3A_426 = arith.constant 112 : index
          %get3A_427 = tpu.vector_load %arg16[%get3A_425, %get3A_426] {strides = array<i32>} : memref<80x128xf32, #tpu.memory_space<vmem>>, vector<1x16xf32>,
          %get3A_428 = vector.shape_cast %get3A_427 : vector<1x16xf32> to vector<16xf32>
          %get3A_429 = arith.index_cast %scan3A_305 : i32 to index
          %get3A_430 = arith.constant 112 : index
          %get3A_431 = tpu.vector_load %arg18[%get3A_429, %get3A_430] {strides = array<i32>} : memref<80x128xf32, #tpu.memory_space<vmem>>, vector<1x16xf32>,
          %get3A_432 = vector.shape_cast %get3A_431 : vector<1x16xf32> to vector<16xf32>
          %add3A_433 = arith.addf %get3A_428, %get3A_432 : vector<16xf32>
          %max3A_434 = arith.constant 0.000000e+00 : f32
          %max3A_435 = vector.broadcast %max3A_434 : f32 to vector<16xf32>
          %max3A_436 = arith.maximumf %add3A_433, %max3A_435 : vector<16xf32>
          %swap3A_437 = arith.index_cast %scan3A_305 : i32 to index
          %swap3A_438 = arith.constant 112 : index
          %swap3A_439 = tpu.vector_load %arg16[%swap3A_437, %swap3A_438] {strides = array<i32>} : memref<80x128xf32, #tpu.memory_space<vmem>>, vector<1x16xf32>,
          %swap3A_440 = vector.shape_cast %swap3A_439 : vector<1x16xf32> to vector<16xf32>
          %swap3A_441 = vector.shape_cast %max3A_436 : vector<16xf32> to vector<1x16xf32>
          tpu.vector_store %arg16[%swap3A_437, %swap3A_438], %swap3A_441 {strides = array<i32>} : memref<80x128xf32, #tpu.memory_space<vmem>>, vector<1x16xf32>,
          %scan3A_442 = arith.constant 0 : i32
          %scan3A_443 = arith.constant 2 : i32
          %scan3A_444 = arith.addi %scan3A_168, %scan3A_443 : i32
          %get3A_445 = arith.index_cast %scan3A_444 : i32 to index
          %get3A_446 = arith.constant 0 : index
          %get3A_447 = tpu.vector_load %arg16[%get3A_445, %get3A_446] {strides = array<i32>} : memref<80x128xf32, #tpu.memory_space<vmem>>, vector<1x16xf32>,
          %get3A_448 = vector.shape_cast %get3A_447 : vector<1x16xf32> to vector<16xf32>
          %get3A_449 = arith.index_cast %scan3A_444 : i32 to index
          %get3A_450 = arith.constant 0 : index
          %get3A_451 = tpu.vector_load %arg18[%get3A_449, %get3A_450] {strides = array<i32>} : memref<80x128xf32, #tpu.memory_space<vmem>>, vector<1x16xf32>,
          %get3A_452 = vector.shape_cast %get3A_451 : vector<1x16xf32> to vector<16xf32>
          %add3A_453 = arith.addf %get3A_448, %get3A_452 : vector<16xf32>
          %max3A_454 = arith.constant 0.000000e+00 : f32
          %max3A_455 = vector.broadcast %max3A_454 : f32 to vector<16xf32>
          %max3A_456 = arith.maximumf %add3A_453, %max3A_455 : vector<16xf32>
          %swap3A_457 = arith.index_cast %scan3A_444 : i32 to index
          %swap3A_458 = arith.constant 0 : index
          %swap3A_459 = tpu.vector_load %arg16[%swap3A_457, %swap3A_458] {strides = array<i32>} : memref<80x128xf32, #tpu.memory_space<vmem>>, vector<1x16xf32>,
          %swap3A_460 = vector.shape_cast %swap3A_459 : vector<1x16xf32> to vector<16xf32>
          %swap3A_461 = vector.shape_cast %max3A_456 : vector<16xf32> to vector<1x16xf32>
          tpu.vector_store %arg16[%swap3A_457, %swap3A_458], %swap3A_461 {strides = array<i32>} : memref<80x128xf32, #tpu.memory_space<vmem>>, vector<1x16xf32>,
          %get3A_462 = arith.index_cast %scan3A_444 : i32 to index
          %get3A_463 = arith.constant 16 : index
          %get3A_464 = tpu.vector_load %arg16[%get3A_462, %get3A_463] {strides = array<i32>} : memref<80x128xf32, #tpu.memory_space<vmem>>, vector<1x16xf32>,
          %get3A_465 = vector.shape_cast %get3A_464 : vector<1x16xf32> to vector<16xf32>
          %get3A_466 = arith.index_cast %scan3A_444 : i32 to index
          %get3A_467 = arith.constant 16 : index
          %get3A_468 = tpu.vector_load %arg18[%get3A_466, %get3A_467] {strides = array<i32>} : memref<80x128xf32, #tpu.memory_space<vmem>>, vector<1x16xf32>,
          %get3A_469 = vector.shape_cast %get3A_468 : vector<1x16xf32> to vector<16xf32>
          %add3A_470 = arith.addf %get3A_465, %get3A_469 : vector<16xf32>
          %max3A_471 = arith.constant 0.000000e+00 : f32
          %max3A_472 = vector.broadcast %max3A_471 : f32 to vector<16xf32>
          %max3A_473 = arith.maximumf %add3A_470, %max3A_472 : vector<16xf32>
          %swap3A_474 = arith.index_cast %scan3A_444 : i32 to index
          %swap3A_475 = arith.constant 16 : index
          %swap3A_476 = tpu.vector_load %arg16[%swap3A_474, %swap3A_475] {strides = array<i32>} : memref<80x128xf32, #tpu.memory_space<vmem>>, vector<1x16xf32>,
          %swap3A_477 = vector.shape_cast %swap3A_476 : vector<1x16xf32> to vector<16xf32>
          %swap3A_478 = vector.shape_cast %max3A_473 : vector<16xf32> to vector<1x16xf32>
          tpu.vector_store %arg16[%swap3A_474, %swap3A_475], %swap3A_478 {strides = array<i32>} : memref<80x128xf32, #tpu.memory_space<vmem>>, vector<1x16xf32>,
          %get3A_479 = arith.index_cast %scan3A_444 : i32 to index
          %get3A_480 = arith.constant 32 : index
          %get3A_481 = tpu.vector_load %arg16[%get3A_479, %get3A_480] {strides = array<i32>} : memref<80x128xf32, #tpu.memory_space<vmem>>, vector<1x16xf32>,
          %get3A_482 = vector.shape_cast %get3A_481 : vector<1x16xf32> to vector<16xf32>
          %get3A_483 = arith.index_cast %scan3A_444 : i32 to index
          %get3A_484 = arith.constant 32 : index
          %get3A_485 = tpu.vector_load %arg18[%get3A_483, %get3A_484] {strides = array<i32>} : memref<80x128xf32, #tpu.memory_space<vmem>>, vector<1x16xf32>,
          %get3A_486 = vector.shape_cast %get3A_485 : vector<1x16xf32> to vector<16xf32>
          %add3A_487 = arith.addf %get3A_482, %get3A_486 : vector<16xf32>
          %max3A_488 = arith.constant 0.000000e+00 : f32
          %max3A_489 = vector.broadcast %max3A_488 : f32 to vector<16xf32>
          %max3A_490 = arith.maximumf %add3A_487, %max3A_489 : vector<16xf32>
          %swap3A_491 = arith.index_cast %scan3A_444 : i32 to index
          %swap3A_492 = arith.constant 32 : index
          %swap3A_493 = tpu.vector_load %arg16[%swap3A_491, %swap3A_492] {strides = array<i32>} : memref<80x128xf32, #tpu.memory_space<vmem>>, vector<1x16xf32>,
          %swap3A_494 = vector.shape_cast %swap3A_493 : vector<1x16xf32> to vector<16xf32>
          %swap3A_495 = vector.shape_cast %max3A_490 : vector<16xf32> to vector<1x16xf32>
          tpu.vector_store %arg16[%swap3A_491, %swap3A_492], %swap3A_495 {strides = array<i32>} : memref<80x128xf32, #tpu.memory_space<vmem>>, vector<1x16xf32>,
          %get3A_496 = arith.index_cast %scan3A_444 : i32 to index
          %get3A_497 = arith.constant 48 : index
          %get3A_498 = tpu.vector_load %arg16[%get3A_496, %get3A_497] {strides = array<i32>} : memref<80x128xf32, #tpu.memory_space<vmem>>, vector<1x16xf32>,
          %get3A_499 = vector.shape_cast %get3A_498 : vector<1x16xf32> to vector<16xf32>
          %get3A_500 = arith.index_cast %scan3A_444 : i32 to index
          %get3A_501 = arith.constant 48 : index
          %get3A_502 = tpu.vector_load %arg18[%get3A_500, %get3A_501] {strides = array<i32>} : memref<80x128xf32, #tpu.memory_space<vmem>>, vector<1x16xf32>,
          %get3A_503 = vector.shape_cast %get3A_502 : vector<1x16xf32> to vector<16xf32>
          %add3A_504 = arith.addf %get3A_499, %get3A_503 : vector<16xf32>
          %max3A_505 = arith.constant 0.000000e+00 : f32
          %max3A_506 = vector.broadcast %max3A_505 : f32 to vector<16xf32>
          %max3A_507 = arith.maximumf %add3A_504, %max3A_506 : vector<16xf32>
          %swap3A_508 = arith.index_cast %scan3A_444 : i32 to index
          %swap3A_509 = arith.constant 48 : index
          %swap3A_510 = tpu.vector_load %arg16[%swap3A_508, %swap3A_509] {strides = array<i32>} : memref<80x128xf32, #tpu.memory_space<vmem>>, vector<1x16xf32>,
          %swap3A_511 = vector.shape_cast %swap3A_510 : vector<1x16xf32> to vector<16xf32>
          %swap3A_512 = vector.shape_cast %max3A_507 : vector<16xf32> to vector<1x16xf32>
          tpu.vector_store %arg16[%swap3A_508, %swap3A_509], %swap3A_512 {strides = array<i32>} : memref<80x128xf32, #tpu.memory_space<vmem>>, vector<1x16xf32>,
          %get3A_513 = arith.index_cast %scan3A_444 : i32 to index
          %get3A_514 = arith.constant 64 : index
          %get3A_515 = tpu.vector_load %arg16[%get3A_513, %get3A_514] {strides = array<i32>} : memref<80x128xf32, #tpu.memory_space<vmem>>, vector<1x16xf32>,
          %get3A_516 = vector.shape_cast %get3A_515 : vector<1x16xf32> to vector<16xf32>
          %get3A_517 = arith.index_cast %scan3A_444 : i32 to index
          %get3A_518 = arith.constant 64 : index
          %get3A_519 = tpu.vector_load %arg18[%get3A_517, %get3A_518] {strides = array<i32>} : memref<80x128xf32, #tpu.memory_space<vmem>>, vector<1x16xf32>,
          %get3A_520 = vector.shape_cast %get3A_519 : vector<1x16xf32> to vector<16xf32>
          %add3A_521 = arith.addf %get3A_516, %get3A_520 : vector<16xf32>
          %max3A_522 = arith.constant 0.000000e+00 : f32
          %max3A_523 = vector.broadcast %max3A_522 : f32 to vector<16xf32>
          %max3A_524 = arith.maximumf %add3A_521, %max3A_523 : vector<16xf32>
          %swap3A_525 = arith.index_cast %scan3A_444 : i32 to index
          %swap3A_526 = arith.constant 64 : index
          %swap3A_527 = tpu.vector_load %arg16[%swap3A_525, %swap3A_526] {strides = array<i32>} : memref<80x128xf32, #tpu.memory_space<vmem>>, vector<1x16xf32>,
          %swap3A_528 = vector.shape_cast %swap3A_527 : vector<1x16xf32> to vector<16xf32>
          %swap3A_529 = vector.shape_cast %max3A_524 : vector<16xf32> to vector<1x16xf32>
          tpu.vector_store %arg16[%swap3A_525, %swap3A_526], %swap3A_529 {strides = array<i32>} : memref<80x128xf32, #tpu.memory_space<vmem>>, vector<1x16xf32>,
          %get3A_530 = arith.index_cast %scan3A_444 : i32 to index
          %get3A_531 = arith.constant 80 : index
          %get3A_532 = tpu.vector_load %arg16[%get3A_530, %get3A_531] {strides = array<i32>} : memref<80x128xf32, #tpu.memory_space<vmem>>, vector<1x16xf32>,
          %get3A_533 = vector.shape_cast %get3A_532 : vector<1x16xf32> to vector<16xf32>
          %get3A_534 = arith.index_cast %scan3A_444 : i32 to index
          %get3A_535 = arith.constant 80 : index
          %get3A_536 = tpu.vector_load %arg18[%get3A_534, %get3A_535] {strides = array<i32>} : memref<80x128xf32, #tpu.memory_space<vmem>>, vector<1x16xf32>,
          %get3A_537 = vector.shape_cast %get3A_536 : vector<1x16xf32> to vector<16xf32>
          %add3A_538 = arith.addf %get3A_533, %get3A_537 : vector<16xf32>
          %max3A_539 = arith.constant 0.000000e+00 : f32
          %max3A_540 = vector.broadcast %max3A_539 : f32 to vector<16xf32>
          %max3A_541 = arith.maximumf %add3A_538, %max3A_540 : vector<16xf32>
          %swap3A_542 = arith.index_cast %scan3A_444 : i32 to index
          %swap3A_543 = arith.constant 80 : index
          %swap3A_544 = tpu.vector_load %arg16[%swap3A_542, %swap3A_543] {strides = array<i32>} : memref<80x128xf32, #tpu.memory_space<vmem>>, vector<1x16xf32>,
          %swap3A_545 = vector.shape_cast %swap3A_544 : vector<1x16xf32> to vector<16xf32>
          %swap3A_546 = vector.shape_cast %max3A_541 : vector<16xf32> to vector<1x16xf32>
          tpu.vector_store %arg16[%swap3A_542, %swap3A_543], %swap3A_546 {strides = array<i32>} : memref<80x128xf32, #tpu.memory_space<vmem>>, vector<1x16xf32>,
          %get3A_547 = arith.index_cast %scan3A_444 : i32 to index
          %get3A_548 = arith.constant 96 : index
          %get3A_549 = tpu.vector_load %arg16[%get3A_547, %get3A_548] {strides = array<i32>} : memref<80x128xf32, #tpu.memory_space<vmem>>, vector<1x16xf32>,
          %get3A_550 = vector.shape_cast %get3A_549 : vector<1x16xf32> to vector<16xf32>
          %get3A_551 = arith.index_cast %scan3A_444 : i32 to index
          %get3A_552 = arith.constant 96 : index
          %get3A_553 = tpu.vector_load %arg18[%get3A_551, %get3A_552] {strides = array<i32>} : memref<80x128xf32, #tpu.memory_space<vmem>>, vector<1x16xf32>,
          %get3A_554 = vector.shape_cast %get3A_553 : vector<1x16xf32> to vector<16xf32>
          %add3A_555 = arith.addf %get3A_550, %get3A_554 : vector<16xf32>
          %max3A_556 = arith.constant 0.000000e+00 : f32
          %max3A_557 = vector.broadcast %max3A_556 : f32 to vector<16xf32>
          %max3A_558 = arith.maximumf %add3A_555, %max3A_557 : vector<16xf32>
          %swap3A_559 = arith.index_cast %scan3A_444 : i32 to index
          %swap3A_560 = arith.constant 96 : index
          %swap3A_561 = tpu.vector_load %arg16[%swap3A_559, %swap3A_560] {strides = array<i32>} : memref<80x128xf32, #tpu.memory_space<vmem>>, vector<1x16xf32>,
          %swap3A_562 = vector.shape_cast %swap3A_561 : vector<1x16xf32> to vector<16xf32>
          %swap3A_563 = vector.shape_cast %max3A_558 : vector<16xf32> to vector<1x16xf32>
          tpu.vector_store %arg16[%swap3A_559, %swap3A_560], %swap3A_563 {strides = array<i32>} : memref<80x128xf32, #tpu.memory_space<vmem>>, vector<1x16xf32>,
          %get3A_564 = arith.index_cast %scan3A_444 : i32 to index
          %get3A_565 = arith.constant 112 : index
          %get3A_566 = tpu.vector_load %arg16[%get3A_564, %get3A_565] {strides = array<i32>} : memref<80x128xf32, #tpu.memory_space<vmem>>, vector<1x16xf32>,
          %get3A_567 = vector.shape_cast %get3A_566 : vector<1x16xf32> to vector<16xf32>
          %get3A_568 = arith.index_cast %scan3A_444 : i32 to index
          %get3A_569 = arith.constant 112 : index
          %get3A_570 = tpu.vector_load %arg18[%get3A_568, %get3A_569] {strides = array<i32>} : memref<80x128xf32, #tpu.memory_space<vmem>>, vector<1x16xf32>,
          %get3A_571 = vector.shape_cast %get3A_570 : vector<1x16xf32> to vector<16xf32>
          %add3A_572 = arith.addf %get3A_567, %get3A_571 : vector<16xf32>
          %max3A_573 = arith.constant 0.000000e+00 : f32
          %max3A_574 = vector.broadcast %max3A_573 : f32 to vector<16xf32>
          %max3A_575 = arith.maximumf %add3A_572, %max3A_574 : vector<16xf32>
          %swap3A_576 = arith.index_cast %scan3A_444 : i32 to index
          %swap3A_577 = arith.constant 112 : index
          %swap3A_578 = tpu.vector_load %arg16[%swap3A_576, %swap3A_577] {strides = array<i32>} : memref<80x128xf32, #tpu.memory_space<vmem>>, vector<1x16xf32>,
          %swap3A_579 = vector.shape_cast %swap3A_578 : vector<1x16xf32> to vector<16xf32>
          %swap3A_580 = vector.shape_cast %max3A_575 : vector<16xf32> to vector<1x16xf32>
          tpu.vector_store %arg16[%swap3A_576, %swap3A_577], %swap3A_580 {strides = array<i32>} : memref<80x128xf32, #tpu.memory_space<vmem>>, vector<1x16xf32>,
          %scan3A_581 = arith.constant 0 : i32
          %scan3A_582 = arith.constant 3 : i32
          %scan3A_583 = arith.addi %scan3A_168, %scan3A_582 : i32
          %get3A_584 = arith.index_cast %scan3A_583 : i32 to index
          %get3A_585 = arith.constant 0 : index
          %get3A_586 = tpu.vector_load %arg16[%get3A_584, %get3A_585] {strides = array<i32>} : memref<80x128xf32, #tpu.memory_space<vmem>>, vector<1x16xf32>,
          %get3A_587 = vector.shape_cast %get3A_586 : vector<1x16xf32> to vector<16xf32>
          %get3A_588 = arith.index_cast %scan3A_583 : i32 to index
          %get3A_589 = arith.constant 0 : index
          %get3A_590 = tpu.vector_load %arg18[%get3A_588, %get3A_589] {strides = array<i32>} : memref<80x128xf32, #tpu.memory_space<vmem>>, vector<1x16xf32>,
          %get3A_591 = vector.shape_cast %get3A_590 : vector<1x16xf32> to vector<16xf32>
          %add3A_592 = arith.addf %get3A_587, %get3A_591 : vector<16xf32>
          %max3A_593 = arith.constant 0.000000e+00 : f32
          %max3A_594 = vector.broadcast %max3A_593 : f32 to vector<16xf32>
          %max3A_595 = arith.maximumf %add3A_592, %max3A_594 : vector<16xf32>
          %swap3A_596 = arith.index_cast %scan3A_583 : i32 to index
          %swap3A_597 = arith.constant 0 : index
          %swap3A_598 = tpu.vector_load %arg16[%swap3A_596, %swap3A_597] {strides = array<i32>} : memref<80x128xf32, #tpu.memory_space<vmem>>, vector<1x16xf32>,
          %swap3A_599 = vector.shape_cast %swap3A_598 : vector<1x16xf32> to vector<16xf32>
          %swap3A_600 = vector.shape_cast %max3A_595 : vector<16xf32> to vector<1x16xf32>
          tpu.vector_store %arg16[%swap3A_596, %swap3A_597], %swap3A_600 {strides = array<i32>} : memref<80x128xf32, #tpu.memory_space<vmem>>, vector<1x16xf32>,
          %get3A_601 = arith.index_cast %scan3A_583 : i32 to index
          %get3A_602 = arith.constant 16 : index
          %get3A_603 = tpu.vector_load %arg16[%get3A_601, %get3A_602] {strides = array<i32>} : memref<80x128xf32, #tpu.memory_space<vmem>>, vector<1x16xf32>,
          %get3A_604 = vector.shape_cast %get3A_603 : vector<1x16xf32> to vector<16xf32>
          %get3A_605 = arith.index_cast %scan3A_583 : i32 to index
          %get3A_606 = arith.constant 16 : index
          %get3A_607 = tpu.vector_load %arg18[%get3A_605, %get3A_606] {strides = array<i32>} : memref<80x128xf32, #tpu.memory_space<vmem>>, vector<1x16xf32>,
          %get3A_608 = vector.shape_cast %get3A_607 : vector<1x16xf32> to vector<16xf32>
          %add3A_609 = arith.addf %get3A_604, %get3A_608 : vector<16xf32>
          %max3A_610 = arith.constant 0.000000e+00 : f32
          %max3A_611 = vector.broadcast %max3A_610 : f32 to vector<16xf32>
          %max3A_612 = arith.maximumf %add3A_609, %max3A_611 : vector<16xf32>
          %swap3A_613 = arith.index_cast %scan3A_583 : i32 to index
          %swap3A_614 = arith.constant 16 : index
          %swap3A_615 = tpu.vector_load %arg16[%swap3A_613, %swap3A_614] {strides = array<i32>} : memref<80x128xf32, #tpu.memory_space<vmem>>, vector<1x16xf32>,
          %swap3A_616 = vector.shape_cast %swap3A_615 : vector<1x16xf32> to vector<16xf32>
          %swap3A_617 = vector.shape_cast %max3A_612 : vector<16xf32> to vector<1x16xf32>
          tpu.vector_store %arg16[%swap3A_613, %swap3A_614], %swap3A_617 {strides = array<i32>} : memref<80x128xf32, #tpu.memory_space<vmem>>, vector<1x16xf32>,
          %get3A_618 = arith.index_cast %scan3A_583 : i32 to index
          %get3A_619 = arith.constant 32 : index
          %get3A_620 = tpu.vector_load %arg16[%get3A_618, %get3A_619] {strides = array<i32>} : memref<80x128xf32, #tpu.memory_space<vmem>>, vector<1x16xf32>,
          %get3A_621 = vector.shape_cast %get3A_620 : vector<1x16xf32> to vector<16xf32>
          %get3A_622 = arith.index_cast %scan3A_583 : i32 to index
          %get3A_623 = arith.constant 32 : index
          %get3A_624 = tpu.vector_load %arg18[%get3A_622, %get3A_623] {strides = array<i32>} : memref<80x128xf32, #tpu.memory_space<vmem>>, vector<1x16xf32>,
          %get3A_625 = vector.shape_cast %get3A_624 : vector<1x16xf32> to vector<16xf32>
          %add3A_626 = arith.addf %get3A_621, %get3A_625 : vector<16xf32>
          %max3A_627 = arith.constant 0.000000e+00 : f32
          %max3A_628 = vector.broadcast %max3A_627 : f32 to vector<16xf32>
          %max3A_629 = arith.maximumf %add3A_626, %max3A_628 : vector<16xf32>
          %swap3A_630 = arith.index_cast %scan3A_583 : i32 to index
          %swap3A_631 = arith.constant 32 : index
          %swap3A_632 = tpu.vector_load %arg16[%swap3A_630, %swap3A_631] {strides = array<i32>} : memref<80x128xf32, #tpu.memory_space<vmem>>, vector<1x16xf32>,
          %swap3A_633 = vector.shape_cast %swap3A_632 : vector<1x16xf32> to vector<16xf32>
          %swap3A_634 = vector.shape_cast %max3A_629 : vector<16xf32> to vector<1x16xf32>
          tpu.vector_store %arg16[%swap3A_630, %swap3A_631], %swap3A_634 {strides = array<i32>} : memref<80x128xf32, #tpu.memory_space<vmem>>, vector<1x16xf32>,
          %get3A_635 = arith.index_cast %scan3A_583 : i32 to index
          %get3A_636 = arith.constant 48 : index
          %get3A_637 = tpu.vector_load %arg16[%get3A_635, %get3A_636] {strides = array<i32>} : memref<80x128xf32, #tpu.memory_space<vmem>>, vector<1x16xf32>,
          %get3A_638 = vector.shape_cast %get3A_637 : vector<1x16xf32> to vector<16xf32>
          %get3A_639 = arith.index_cast %scan3A_583 : i32 to index
          %get3A_640 = arith.constant 48 : index
          %get3A_641 = tpu.vector_load %arg18[%get3A_639, %get3A_640] {strides = array<i32>} : memref<80x128xf32, #tpu.memory_space<vmem>>, vector<1x16xf32>,
          %get3A_642 = vector.shape_cast %get3A_641 : vector<1x16xf32> to vector<16xf32>
          %add3A_643 = arith.addf %get3A_638, %get3A_642 : vector<16xf32>
          %max3A_644 = arith.constant 0.000000e+00 : f32
          %max3A_645 = vector.broadcast %max3A_644 : f32 to vector<16xf32>
          %max3A_646 = arith.maximumf %add3A_643, %max3A_645 : vector<16xf32>
          %swap3A_647 = arith.index_cast %scan3A_583 : i32 to index
          %swap3A_648 = arith.constant 48 : index
          %swap3A_649 = tpu.vector_load %arg16[%swap3A_647, %swap3A_648] {strides = array<i32>} : memref<80x128xf32, #tpu.memory_space<vmem>>, vector<1x16xf32>,
          %swap3A_650 = vector.shape_cast %swap3A_649 : vector<1x16xf32> to vector<16xf32>
          %swap3A_651 = vector.shape_cast %max3A_646 : vector<16xf32> to vector<1x16xf32>
          tpu.vector_store %arg16[%swap3A_647, %swap3A_648], %swap3A_651 {strides = array<i32>} : memref<80x128xf32, #tpu.memory_space<vmem>>, vector<1x16xf32>,
          %get3A_652 = arith.index_cast %scan3A_583 : i32 to index
          %get3A_653 = arith.constant 64 : index
          %get3A_654 = tpu.vector_load %arg16[%get3A_652, %get3A_653] {strides = array<i32>} : memref<80x128xf32, #tpu.memory_space<vmem>>, vector<1x16xf32>,
          %get3A_655 = vector.shape_cast %get3A_654 : vector<1x16xf32> to vector<16xf32>
          %get3A_656 = arith.index_cast %scan3A_583 : i32 to index
          %get3A_657 = arith.constant 64 : index
          %get3A_658 = tpu.vector_load %arg18[%get3A_656, %get3A_657] {strides = array<i32>} : memref<80x128xf32, #tpu.memory_space<vmem>>, vector<1x16xf32>,
          %get3A_659 = vector.shape_cast %get3A_658 : vector<1x16xf32> to vector<16xf32>
          %add3A_660 = arith.addf %get3A_655, %get3A_659 : vector<16xf32>
          %max3A_661 = arith.constant 0.000000e+00 : f32
          %max3A_662 = vector.broadcast %max3A_661 : f32 to vector<16xf32>
          %max3A_663 = arith.maximumf %add3A_660, %max3A_662 : vector<16xf32>
          %swap3A_664 = arith.index_cast %scan3A_583 : i32 to index
          %swap3A_665 = arith.constant 64 : index
          %swap3A_666 = tpu.vector_load %arg16[%swap3A_664, %swap3A_665] {strides = array<i32>} : memref<80x128xf32, #tpu.memory_space<vmem>>, vector<1x16xf32>,
          %swap3A_667 = vector.shape_cast %swap3A_666 : vector<1x16xf32> to vector<16xf32>
          %swap3A_668 = vector.shape_cast %max3A_663 : vector<16xf32> to vector<1x16xf32>
          tpu.vector_store %arg16[%swap3A_664, %swap3A_665], %swap3A_668 {strides = array<i32>} : memref<80x128xf32, #tpu.memory_space<vmem>>, vector<1x16xf32>,
          %get3A_669 = arith.index_cast %scan3A_583 : i32 to index
          %get3A_670 = arith.constant 80 : index
          %get3A_671 = tpu.vector_load %arg16[%get3A_669, %get3A_670] {strides = array<i32>} : memref<80x128xf32, #tpu.memory_space<vmem>>, vector<1x16xf32>,
          %get3A_672 = vector.shape_cast %get3A_671 : vector<1x16xf32> to vector<16xf32>
          %get3A_673 = arith.index_cast %scan3A_583 : i32 to index
          %get3A_674 = arith.constant 80 : index
          %get3A_675 = tpu.vector_load %arg18[%get3A_673, %get3A_674] {strides = array<i32>} : memref<80x128xf32, #tpu.memory_space<vmem>>, vector<1x16xf32>,
          %get3A_676 = vector.shape_cast %get3A_675 : vector<1x16xf32> to vector<16xf32>
          %add3A_677 = arith.addf %get3A_672, %get3A_676 : vector<16xf32>
          %max3A_678 = arith.constant 0.000000e+00 : f32
          %max3A_679 = vector.broadcast %max3A_678 : f32 to vector<16xf32>
          %max3A_680 = arith.maximumf %add3A_677, %max3A_679 : vector<16xf32>
          %swap3A_681 = arith.index_cast %scan3A_583 : i32 to index
          %swap3A_682 = arith.constant 80 : index
          %swap3A_683 = tpu.vector_load %arg16[%swap3A_681, %swap3A_682] {strides = array<i32>} : memref<80x128xf32, #tpu.memory_space<vmem>>, vector<1x16xf32>,
          %swap3A_684 = vector.shape_cast %swap3A_683 : vector<1x16xf32> to vector<16xf32>
          %swap3A_685 = vector.shape_cast %max3A_680 : vector<16xf32> to vector<1x16xf32>
          tpu.vector_store %arg16[%swap3A_681, %swap3A_682], %swap3A_685 {strides = array<i32>} : memref<80x128xf32, #tpu.memory_space<vmem>>, vector<1x16xf32>,
          %get3A_686 = arith.index_cast %scan3A_583 : i32 to index
          %get3A_687 = arith.constant 96 : index
          %get3A_688 = tpu.vector_load %arg16[%get3A_686, %get3A_687] {strides = array<i32>} : memref<80x128xf32, #tpu.memory_space<vmem>>, vector<1x16xf32>,
          %get3A_689 = vector.shape_cast %get3A_688 : vector<1x16xf32> to vector<16xf32>
          %get3A_690 = arith.index_cast %scan3A_583 : i32 to index
          %get3A_691 = arith.constant 96 : index
          %get3A_692 = tpu.vector_load %arg18[%get3A_690, %get3A_691] {strides = array<i32>} : memref<80x128xf32, #tpu.memory_space<vmem>>, vector<1x16xf32>,
          %get3A_693 = vector.shape_cast %get3A_692 : vector<1x16xf32> to vector<16xf32>
          %add3A_694 = arith.addf %get3A_689, %get3A_693 : vector<16xf32>
          %max3A_695 = arith.constant 0.000000e+00 : f32
          %max3A_696 = vector.broadcast %max3A_695 : f32 to vector<16xf32>
          %max3A_697 = arith.maximumf %add3A_694, %max3A_696 : vector<16xf32>
          %swap3A_698 = arith.index_cast %scan3A_583 : i32 to index
          %swap3A_699 = arith.constant 96 : index
          %swap3A_700 = tpu.vector_load %arg16[%swap3A_698, %swap3A_699] {strides = array<i32>} : memref<80x128xf32, #tpu.memory_space<vmem>>, vector<1x16xf32>,
          %swap3A_701 = vector.shape_cast %swap3A_700 : vector<1x16xf32> to vector<16xf32>
          %swap3A_702 = vector.shape_cast %max3A_697 : vector<16xf32> to vector<1x16xf32>
          tpu.vector_store %arg16[%swap3A_698, %swap3A_699], %swap3A_702 {strides = array<i32>} : memref<80x128xf32, #tpu.memory_space<vmem>>, vector<1x16xf32>,
          %get3A_703 = arith.index_cast %scan3A_583 : i32 to index
          %get3A_704 = arith.constant 112 : index
          %get3A_705 = tpu.vector_load %arg16[%get3A_703, %get3A_704] {strides = array<i32>} : memref<80x128xf32, #tpu.memory_space<vmem>>, vector<1x16xf32>,
          %get3A_706 = vector.shape_cast %get3A_705 : vector<1x16xf32> to vector<16xf32>
          %get3A_707 = arith.index_cast %scan3A_583 : i32 to index
          %get3A_708 = arith.constant 112 : index
          %get3A_709 = tpu.vector_load %arg18[%get3A_707, %get3A_708] {strides = array<i32>} : memref<80x128xf32, #tpu.memory_space<vmem>>, vector<1x16xf32>,
          %get3A_710 = vector.shape_cast %get3A_709 : vector<1x16xf32> to vector<16xf32>
          %add3A_711 = arith.addf %get3A_706, %get3A_710 : vector<16xf32>
          %max3A_712 = arith.constant 0.000000e+00 : f32
          %max3A_713 = vector.broadcast %max3A_712 : f32 to vector<16xf32>
          %max3A_714 = arith.maximumf %add3A_711, %max3A_713 : vector<16xf32>
          %swap3A_715 = arith.index_cast %scan3A_583 : i32 to index
          %swap3A_716 = arith.constant 112 : index
          %swap3A_717 = tpu.vector_load %arg16[%swap3A_715, %swap3A_716] {strides = array<i32>} : memref<80x128xf32, #tpu.memory_space<vmem>>, vector<1x16xf32>,
          %swap3A_718 = vector.shape_cast %swap3A_717 : vector<1x16xf32> to vector<16xf32>
          %swap3A_719 = vector.shape_cast %max3A_714 : vector<16xf32> to vector<1x16xf32>
          tpu.vector_store %arg16[%swap3A_715, %swap3A_716], %swap3A_719 {strides = array<i32>} : memref<80x128xf32, #tpu.memory_space<vmem>>, vector<1x16xf32>,
          %scan3A_720 = arith.constant 0 : i32
          scf.yield %scan3A_720 : i32
        }
        %scan3A_167 = arith.constant 80 : i32
        "tpu.region"() ({
          %run_scoped3A = tpu.sem_alloc : memref<!tpu.dma_semaphore, #tpu.memory_space<semaphore_mem>>
          %dma_start3A_168 = arith.constant 0 : i32
          %dma_start3A_169 = arith.constant 0 : i32
          %dma_start3A_170 = tpu.memref_slice %arg19[%dma_start3A_168, %dma_start3A_169] : memref<10240x128xf32, #tpu.memory_space<vmem_shared>> -> memref<10240x128xf32, #tpu.memory_space<vmem_shared>>
          tpu.enqueue_indirect_dma source(%arg16 : memref<80x128xf32, #tpu.memory_space<vmem>>) target(%dma_start3A_170 : memref<10240x128xf32, #tpu.memory_space<vmem_shared>>) offsets(%arg12 : memref<80xi32, #tpu.memory_space<vmem>>) semaphore(%run_scoped3A : memref<!tpu.dma_semaphore, #tpu.memory_space<semaphore_mem>>) {add = true}
          %dma_wait3A_171 = arith.constant 0 : i32
          %dma_wait3A_172 = arith.constant 0 : i32
          %dma_wait3A_173 = tpu.memref_slice %arg19[%dma_wait3A_171, %dma_wait3A_172] : memref<10240x128xf32, #tpu.memory_space<vmem_shared>> -> memref<10240x128xf32, #tpu.memory_space<vmem_shared>>
          tpu.wait_indirect_dma semaphore(%run_scoped3A : memref<!tpu.dma_semaphore, #tpu.memory_space<semaphore_mem>>) src(%arg16 : memref<80x128xf32, #tpu.memory_space<vmem>>) dst(%dma_wait3A_173 : memref<10240x128xf32, #tpu.memory_space<vmem_shared>>)
          tpu.yield
        }) : () -> ()
      } else {
      }
      %add3A_109 = arith.constant 2 : i32
      %add3A_110 = arith.addi %mul3A_69, %add3A_109 : i32
      %add3A_111 = arith.constant 2 : i32
      %add3A_112 = arith.addi %add3A_110, %add3A_111 : i32
      %lt3A_113 = arith.constant 125 : i32
      %lt3A_114 = arith.cmpi slt, %add3A_112, %lt3A_113 : i32
      %convert_element_type3A_115 = arith.extui %lt3A_114 : i1 to i32
      %cond3A_116 = arith.constant 0 : i32
      %cond3A_117 = arith.cmpi ne, %convert_element_type3A_115, %cond3A_116 : i32
      scf.if %cond3A_117 {
        %add3A_152 = arith.constant 2 : i32
        %add3A_153 = arith.addi %add3A_110, %add3A_152 : i32
        %mul3A_154 = arith.constant 32 : i32
        %mul3A_155 = arith.muli %add3A_153, %mul3A_154 : i32
        %add3A_156 = arith.addi %add3A, %mul3A_155 : i32
        %mul3A_157 = arith.constant 80 : i32
        %mul3A_158 = arith.muli %add3A_156, %mul3A_157 : i32
        %dma_start3A_159 = tpu.memref_slice %arg2[%mul3A_158] : memref<320000xi32, #tpu.memory_space<hbm>> -> memref<80xi32, #tpu.memory_space<hbm>>
        %dma_start3A_160 = tpu.memref_slice %arg2[%mul3A_158] : memref<320000xi32, #tpu.memory_space<hbm>> -> memref<80xi32, #tpu.memory_space<hbm>>
        tpu.enqueue_dma source(%dma_start3A_160 : memref<80xi32, #tpu.memory_space<hbm>>) target(%arg7 : memref<80xi32, #tpu.memory_space<vmem>>) target_semaphore(%arg20 : memref<!tpu.dma_semaphore, #tpu.memory_space<semaphore_mem>>)
        %dma_start3A_161 = tpu.memref_slice %arg3[%mul3A_158] : memref<320000xi32, #tpu.memory_space<hbm>> -> memref<80xi32, #tpu.memory_space<hbm>>
        %dma_start3A_162 = tpu.memref_slice %arg3[%mul3A_158] : memref<320000xi32, #tpu.memory_space<hbm>> -> memref<80xi32, #tpu.memory_space<hbm>>
        tpu.enqueue_dma source(%dma_start3A_162 : memref<80xi32, #tpu.memory_space<hbm>>) target(%arg11 : memref<80xi32, #tpu.memory_space<vmem>>) target_semaphore(%arg20 : memref<!tpu.dma_semaphore, #tpu.memory_space<semaphore_mem>>)
      } else {
      }
      %add3A_118 = arith.constant 1 : i32
      %add3A_119 = arith.addi %add3A_110, %add3A_118 : i32
      %lt3A_120 = arith.constant 125 : i32
      %lt3A_121 = arith.cmpi slt, %add3A_119, %lt3A_120 : i32
      %convert_element_type3A_122 = arith.extui %lt3A_121 : i1 to i32
      %cond3A_123 = arith.constant 0 : i32
      %cond3A_124 = arith.cmpi ne, %convert_element_type3A_122, %cond3A_123 : i32
      scf.if %cond3A_124 {
        %dma_wait3A_152 = arith.constant 0 : i32
        %dma_wait3A_153 = tpu.memref_slice %arg2[%dma_wait3A_152] : memref<320000xi32, #tpu.memory_space<hbm>> -> memref<80xi32, #tpu.memory_space<hbm>>
        %dma_wait3A_154 = arith.constant 0 : i32
        %dma_wait3A_155 = tpu.memref_slice %arg2[%dma_wait3A_154] : memref<320000xi32, #tpu.memory_space<hbm>> -> memref<80xi32, #tpu.memory_space<hbm>>
        tpu.wait_dma2 semaphore(%arg23 : memref<!tpu.dma_semaphore, #tpu.memory_space<semaphore_mem>>) src(%dma_wait3A_155 : memref<80xi32, #tpu.memory_space<hbm>>) dst(%arg10 : memref<80xi32, #tpu.memory_space<vmem>>)
        %dma_wait3A_156 = arith.constant 0 : i32
        %dma_wait3A_157 = tpu.memref_slice %arg3[%dma_wait3A_156] : memref<320000xi32, #tpu.memory_space<hbm>> -> memref<80xi32, #tpu.memory_space<hbm>>
        %dma_wait3A_158 = arith.constant 0 : i32
        %dma_wait3A_159 = tpu.memref_slice %arg3[%dma_wait3A_158] : memref<320000xi32, #tpu.memory_space<hbm>> -> memref<80xi32, #tpu.memory_space<hbm>>
        tpu.wait_dma2 semaphore(%arg23 : memref<!tpu.dma_semaphore, #tpu.memory_space<semaphore_mem>>) src(%dma_wait3A_159 : memref<80xi32, #tpu.memory_space<hbm>>) dst(%arg14 : memref<80xi32, #tpu.memory_space<vmem>>)
        %add3A_160 = arith.constant 1 : i32
        %add3A_161 = arith.addi %add3A_110, %add3A_160 : i32
        %dma_start3A_162 = arith.constant 0 : i32
        %dma_start3A_163 = arith.constant 0 : i32
        %dma_start3A_164 = tpu.memref_slice %arg5[%dma_start3A_162, %dma_start3A_163] : memref<10000x128xf32, #tpu.memory_space<hbm>> -> memref<10000x128xf32, #tpu.memory_space<hbm>>
        tpu.enqueue_indirect_dma source(%dma_start3A_164 : memref<10000x128xf32, #tpu.memory_space<hbm>>) target(%arg18 : memref<80x128xf32, #tpu.memory_space<vmem>>) offsets(%arg10 : memref<80xi32, #tpu.memory_space<vmem>>) semaphore(%arg27 : memref<!tpu.dma_semaphore, #tpu.memory_space<semaphore_mem>>)
        %mul3A_165 = arith.constant 32 : i32
        %mul3A_166 = arith.muli %add3A_161, %mul3A_165 : i32
        %add3A_167 = arith.addi %add3A, %mul3A_166 : i32
        %mul3A_168 = arith.constant 80 : i32
        %mul3A_169 = arith.muli %add3A_167, %mul3A_168 : i32
        %dma_start3A_170 = arith.constant 0 : i32
        %dma_start3A_171 = tpu.memref_slice %arg4[%mul3A_169, %dma_start3A_170] : memref<320000x128xf32, #tpu.memory_space<hbm>> -> memref<80x128xf32, #tpu.memory_space<hbm>>
        %dma_start3A_172 = arith.constant 0 : i32
        %dma_start3A_173 = tpu.memref_slice %arg4[%mul3A_169, %dma_start3A_172] : memref<320000x128xf32, #tpu.memory_space<hbm>> -> memref<80x128xf32, #tpu.memory_space<hbm>>
        tpu.enqueue_dma source(%dma_start3A_173 : memref<80x128xf32, #tpu.memory_space<hbm>>) target(%arg16 : memref<80x128xf32, #tpu.memory_space<vmem>>) target_semaphore(%arg25 : memref<!tpu.dma_semaphore, #tpu.memory_space<semaphore_mem>>)
      } else {
      }
      %lt3A_125 = arith.constant 125 : i32
      %lt3A_126 = arith.cmpi slt, %add3A_110, %lt3A_125 : i32
      %convert_element_type3A_127 = arith.extui %lt3A_126 : i1 to i32
      %cond3A_128 = arith.constant 0 : i32
      %cond3A_129 = arith.cmpi ne, %convert_element_type3A_127, %cond3A_128 : i32
      scf.if %cond3A_129 {
        %dma_wait3A_152 = arith.constant 0 : i32
        %dma_wait3A_153 = arith.constant 0 : i32
        %dma_wait3A_154 = tpu.memref_slice %arg5[%dma_wait3A_152, %dma_wait3A_153] : memref<10000x128xf32, #tpu.memory_space<hbm>> -> memref<10000x128xf32, #tpu.memory_space<hbm>>
        tpu.wait_indirect_dma semaphore(%arg26 : memref<!tpu.dma_semaphore, #tpu.memory_space<semaphore_mem>>) src(%dma_wait3A_154 : memref<10000x128xf32, #tpu.memory_space<hbm>>) dst(%arg17 : memref<80x128xf32, #tpu.memory_space<vmem>>)
        %dma_wait3A_155 = arith.constant 0 : i32
        %dma_wait3A_156 = arith.constant 0 : i32
        %dma_wait3A_157 = tpu.memref_slice %arg4[%dma_wait3A_155, %dma_wait3A_156] : memref<320000x128xf32, #tpu.memory_space<hbm>> -> memref<80x128xf32, #tpu.memory_space<hbm>>
        %dma_wait3A_158 = arith.constant 0 : i32
        %dma_wait3A_159 = arith.constant 0 : i32
        %dma_wait3A_160 = tpu.memref_slice %arg4[%dma_wait3A_158, %dma_wait3A_159] : memref<320000x128xf32, #tpu.memory_space<hbm>> -> memref<80x128xf32, #tpu.memory_space<hbm>>
        tpu.wait_dma2 semaphore(%arg24 : memref<!tpu.dma_semaphore, #tpu.memory_space<semaphore_mem>>) src(%dma_wait3A_160 : memref<80x128xf32, #tpu.memory_space<hbm>>) dst(%arg15 : memref<80x128xf32, #tpu.memory_space<vmem>>)
        %scan3A_161 = arith.constant 0 : i32
        %scan3A_162 = arith.constant 0 : i32
        %scan3A_163 = arith.constant 80 : i32
        %scan3A_164 = arith.addi %scan3A_162, %scan3A_163 : i32
        %scan3A_165 = arith.constant 4 : i32
        %scan3A_166 = scf.for %scan3A_168 = %scan3A_162 to %scan3A_164 step %scan3A_165 iter_args(%scan3A_169 = %scan3A_161) -> (i32)  : i32 {
          %get3A = arith.index_cast %scan3A_168 : i32 to index
          %get3A_170 = arith.constant 0 : index
          %get3A_171 = tpu.vector_load %arg15[%get3A, %get3A_170] {strides = array<i32>} : memref<80x128xf32, #tpu.memory_space<vmem>>, vector<1x16xf32>,
          %get3A_172 = vector.shape_cast %get3A_171 : vector<1x16xf32> to vector<16xf32>
          %get3A_173 = arith.index_cast %scan3A_168 : i32 to index
          %get3A_174 = arith.constant 0 : index
          %get3A_175 = tpu.vector_load %arg17[%get3A_173, %get3A_174] {strides = array<i32>} : memref<80x128xf32, #tpu.memory_space<vmem>>, vector<1x16xf32>,
          %get3A_176 = vector.shape_cast %get3A_175 : vector<1x16xf32> to vector<16xf32>
          %add3A_177 = arith.addf %get3A_172, %get3A_176 : vector<16xf32>
          %max3A = arith.constant 0.000000e+00 : f32
          %max3A_178 = vector.broadcast %max3A : f32 to vector<16xf32>
          %max3A_179 = arith.maximumf %add3A_177, %max3A_178 : vector<16xf32>
          %swap3A = arith.index_cast %scan3A_168 : i32 to index
          %swap3A_180 = arith.constant 0 : index
          %swap3A_181 = tpu.vector_load %arg15[%swap3A, %swap3A_180] {strides = array<i32>} : memref<80x128xf32, #tpu.memory_space<vmem>>, vector<1x16xf32>,
          %swap3A_182 = vector.shape_cast %swap3A_181 : vector<1x16xf32> to vector<16xf32>
          %swap3A_183 = vector.shape_cast %max3A_179 : vector<16xf32> to vector<1x16xf32>
          tpu.vector_store %arg15[%swap3A, %swap3A_180], %swap3A_183 {strides = array<i32>} : memref<80x128xf32, #tpu.memory_space<vmem>>, vector<1x16xf32>,
          %get3A_184 = arith.index_cast %scan3A_168 : i32 to index
          %get3A_185 = arith.constant 16 : index
          %get3A_186 = tpu.vector_load %arg15[%get3A_184, %get3A_185] {strides = array<i32>} : memref<80x128xf32, #tpu.memory_space<vmem>>, vector<1x16xf32>,
          %get3A_187 = vector.shape_cast %get3A_186 : vector<1x16xf32> to vector<16xf32>
          %get3A_188 = arith.index_cast %scan3A_168 : i32 to index
          %get3A_189 = arith.constant 16 : index
          %get3A_190 = tpu.vector_load %arg17[%get3A_188, %get3A_189] {strides = array<i32>} : memref<80x128xf32, #tpu.memory_space<vmem>>, vector<1x16xf32>,
          %get3A_191 = vector.shape_cast %get3A_190 : vector<1x16xf32> to vector<16xf32>
          %add3A_192 = arith.addf %get3A_187, %get3A_191 : vector<16xf32>
          %max3A_193 = arith.constant 0.000000e+00 : f32
          %max3A_194 = vector.broadcast %max3A_193 : f32 to vector<16xf32>
          %max3A_195 = arith.maximumf %add3A_192, %max3A_194 : vector<16xf32>
          %swap3A_196 = arith.index_cast %scan3A_168 : i32 to index
          %swap3A_197 = arith.constant 16 : index
          %swap3A_198 = tpu.vector_load %arg15[%swap3A_196, %swap3A_197] {strides = array<i32>} : memref<80x128xf32, #tpu.memory_space<vmem>>, vector<1x16xf32>,
          %swap3A_199 = vector.shape_cast %swap3A_198 : vector<1x16xf32> to vector<16xf32>
          %swap3A_200 = vector.shape_cast %max3A_195 : vector<16xf32> to vector<1x16xf32>
          tpu.vector_store %arg15[%swap3A_196, %swap3A_197], %swap3A_200 {strides = array<i32>} : memref<80x128xf32, #tpu.memory_space<vmem>>, vector<1x16xf32>,
          %get3A_201 = arith.index_cast %scan3A_168 : i32 to index
          %get3A_202 = arith.constant 32 : index
          %get3A_203 = tpu.vector_load %arg15[%get3A_201, %get3A_202] {strides = array<i32>} : memref<80x128xf32, #tpu.memory_space<vmem>>, vector<1x16xf32>,
          %get3A_204 = vector.shape_cast %get3A_203 : vector<1x16xf32> to vector<16xf32>
          %get3A_205 = arith.index_cast %scan3A_168 : i32 to index
          %get3A_206 = arith.constant 32 : index
          %get3A_207 = tpu.vector_load %arg17[%get3A_205, %get3A_206] {strides = array<i32>} : memref<80x128xf32, #tpu.memory_space<vmem>>, vector<1x16xf32>,
          %get3A_208 = vector.shape_cast %get3A_207 : vector<1x16xf32> to vector<16xf32>
          %add3A_209 = arith.addf %get3A_204, %get3A_208 : vector<16xf32>
          %max3A_210 = arith.constant 0.000000e+00 : f32
          %max3A_211 = vector.broadcast %max3A_210 : f32 to vector<16xf32>
          %max3A_212 = arith.maximumf %add3A_209, %max3A_211 : vector<16xf32>
          %swap3A_213 = arith.index_cast %scan3A_168 : i32 to index
          %swap3A_214 = arith.constant 32 : index
          %swap3A_215 = tpu.vector_load %arg15[%swap3A_213, %swap3A_214] {strides = array<i32>} : memref<80x128xf32, #tpu.memory_space<vmem>>, vector<1x16xf32>,
          %swap3A_216 = vector.shape_cast %swap3A_215 : vector<1x16xf32> to vector<16xf32>
          %swap3A_217 = vector.shape_cast %max3A_212 : vector<16xf32> to vector<1x16xf32>
          tpu.vector_store %arg15[%swap3A_213, %swap3A_214], %swap3A_217 {strides = array<i32>} : memref<80x128xf32, #tpu.memory_space<vmem>>, vector<1x16xf32>,
          %get3A_218 = arith.index_cast %scan3A_168 : i32 to index
          %get3A_219 = arith.constant 48 : index
          %get3A_220 = tpu.vector_load %arg15[%get3A_218, %get3A_219] {strides = array<i32>} : memref<80x128xf32, #tpu.memory_space<vmem>>, vector<1x16xf32>,
          %get3A_221 = vector.shape_cast %get3A_220 : vector<1x16xf32> to vector<16xf32>
          %get3A_222 = arith.index_cast %scan3A_168 : i32 to index
          %get3A_223 = arith.constant 48 : index
          %get3A_224 = tpu.vector_load %arg17[%get3A_222, %get3A_223] {strides = array<i32>} : memref<80x128xf32, #tpu.memory_space<vmem>>, vector<1x16xf32>,
          %get3A_225 = vector.shape_cast %get3A_224 : vector<1x16xf32> to vector<16xf32>
          %add3A_226 = arith.addf %get3A_221, %get3A_225 : vector<16xf32>
          %max3A_227 = arith.constant 0.000000e+00 : f32
          %max3A_228 = vector.broadcast %max3A_227 : f32 to vector<16xf32>
          %max3A_229 = arith.maximumf %add3A_226, %max3A_228 : vector<16xf32>
          %swap3A_230 = arith.index_cast %scan3A_168 : i32 to index
          %swap3A_231 = arith.constant 48 : index
          %swap3A_232 = tpu.vector_load %arg15[%swap3A_230, %swap3A_231] {strides = array<i32>} : memref<80x128xf32, #tpu.memory_space<vmem>>, vector<1x16xf32>,
          %swap3A_233 = vector.shape_cast %swap3A_232 : vector<1x16xf32> to vector<16xf32>
          %swap3A_234 = vector.shape_cast %max3A_229 : vector<16xf32> to vector<1x16xf32>
          tpu.vector_store %arg15[%swap3A_230, %swap3A_231], %swap3A_234 {strides = array<i32>} : memref<80x128xf32, #tpu.memory_space<vmem>>, vector<1x16xf32>,
          %get3A_235 = arith.index_cast %scan3A_168 : i32 to index
          %get3A_236 = arith.constant 64 : index
          %get3A_237 = tpu.vector_load %arg15[%get3A_235, %get3A_236] {strides = array<i32>} : memref<80x128xf32, #tpu.memory_space<vmem>>, vector<1x16xf32>,
          %get3A_238 = vector.shape_cast %get3A_237 : vector<1x16xf32> to vector<16xf32>
          %get3A_239 = arith.index_cast %scan3A_168 : i32 to index
          %get3A_240 = arith.constant 64 : index
          %get3A_241 = tpu.vector_load %arg17[%get3A_239, %get3A_240] {strides = array<i32>} : memref<80x128xf32, #tpu.memory_space<vmem>>, vector<1x16xf32>,
          %get3A_242 = vector.shape_cast %get3A_241 : vector<1x16xf32> to vector<16xf32>
          %add3A_243 = arith.addf %get3A_238, %get3A_242 : vector<16xf32>
          %max3A_244 = arith.constant 0.000000e+00 : f32
          %max3A_245 = vector.broadcast %max3A_244 : f32 to vector<16xf32>
          %max3A_246 = arith.maximumf %add3A_243, %max3A_245 : vector<16xf32>
          %swap3A_247 = arith.index_cast %scan3A_168 : i32 to index
          %swap3A_248 = arith.constant 64 : index
          %swap3A_249 = tpu.vector_load %arg15[%swap3A_247, %swap3A_248] {strides = array<i32>} : memref<80x128xf32, #tpu.memory_space<vmem>>, vector<1x16xf32>,
          %swap3A_250 = vector.shape_cast %swap3A_249 : vector<1x16xf32> to vector<16xf32>
          %swap3A_251 = vector.shape_cast %max3A_246 : vector<16xf32> to vector<1x16xf32>
          tpu.vector_store %arg15[%swap3A_247, %swap3A_248], %swap3A_251 {strides = array<i32>} : memref<80x128xf32, #tpu.memory_space<vmem>>, vector<1x16xf32>,
          %get3A_252 = arith.index_cast %scan3A_168 : i32 to index
          %get3A_253 = arith.constant 80 : index
          %get3A_254 = tpu.vector_load %arg15[%get3A_252, %get3A_253] {strides = array<i32>} : memref<80x128xf32, #tpu.memory_space<vmem>>, vector<1x16xf32>,
          %get3A_255 = vector.shape_cast %get3A_254 : vector<1x16xf32> to vector<16xf32>
          %get3A_256 = arith.index_cast %scan3A_168 : i32 to index
          %get3A_257 = arith.constant 80 : index
          %get3A_258 = tpu.vector_load %arg17[%get3A_256, %get3A_257] {strides = array<i32>} : memref<80x128xf32, #tpu.memory_space<vmem>>, vector<1x16xf32>,
          %get3A_259 = vector.shape_cast %get3A_258 : vector<1x16xf32> to vector<16xf32>
          %add3A_260 = arith.addf %get3A_255, %get3A_259 : vector<16xf32>
          %max3A_261 = arith.constant 0.000000e+00 : f32
          %max3A_262 = vector.broadcast %max3A_261 : f32 to vector<16xf32>
          %max3A_263 = arith.maximumf %add3A_260, %max3A_262 : vector<16xf32>
          %swap3A_264 = arith.index_cast %scan3A_168 : i32 to index
          %swap3A_265 = arith.constant 80 : index
          %swap3A_266 = tpu.vector_load %arg15[%swap3A_264, %swap3A_265] {strides = array<i32>} : memref<80x128xf32, #tpu.memory_space<vmem>>, vector<1x16xf32>,
          %swap3A_267 = vector.shape_cast %swap3A_266 : vector<1x16xf32> to vector<16xf32>
          %swap3A_268 = vector.shape_cast %max3A_263 : vector<16xf32> to vector<1x16xf32>
          tpu.vector_store %arg15[%swap3A_264, %swap3A_265], %swap3A_268 {strides = array<i32>} : memref<80x128xf32, #tpu.memory_space<vmem>>, vector<1x16xf32>,
          %get3A_269 = arith.index_cast %scan3A_168 : i32 to index
          %get3A_270 = arith.constant 96 : index
          %get3A_271 = tpu.vector_load %arg15[%get3A_269, %get3A_270] {strides = array<i32>} : memref<80x128xf32, #tpu.memory_space<vmem>>, vector<1x16xf32>,
          %get3A_272 = vector.shape_cast %get3A_271 : vector<1x16xf32> to vector<16xf32>
          %get3A_273 = arith.index_cast %scan3A_168 : i32 to index
          %get3A_274 = arith.constant 96 : index
          %get3A_275 = tpu.vector_load %arg17[%get3A_273, %get3A_274] {strides = array<i32>} : memref<80x128xf32, #tpu.memory_space<vmem>>, vector<1x16xf32>,
          %get3A_276 = vector.shape_cast %get3A_275 : vector<1x16xf32> to vector<16xf32>
          %add3A_277 = arith.addf %get3A_272, %get3A_276 : vector<16xf32>
          %max3A_278 = arith.constant 0.000000e+00 : f32
          %max3A_279 = vector.broadcast %max3A_278 : f32 to vector<16xf32>
          %max3A_280 = arith.maximumf %add3A_277, %max3A_279 : vector<16xf32>
          %swap3A_281 = arith.index_cast %scan3A_168 : i32 to index
          %swap3A_282 = arith.constant 96 : index
          %swap3A_283 = tpu.vector_load %arg15[%swap3A_281, %swap3A_282] {strides = array<i32>} : memref<80x128xf32, #tpu.memory_space<vmem>>, vector<1x16xf32>,
          %swap3A_284 = vector.shape_cast %swap3A_283 : vector<1x16xf32> to vector<16xf32>
          %swap3A_285 = vector.shape_cast %max3A_280 : vector<16xf32> to vector<1x16xf32>
          tpu.vector_store %arg15[%swap3A_281, %swap3A_282], %swap3A_285 {strides = array<i32>} : memref<80x128xf32, #tpu.memory_space<vmem>>, vector<1x16xf32>,
          %get3A_286 = arith.index_cast %scan3A_168 : i32 to index
          %get3A_287 = arith.constant 112 : index
          %get3A_288 = tpu.vector_load %arg15[%get3A_286, %get3A_287] {strides = array<i32>} : memref<80x128xf32, #tpu.memory_space<vmem>>, vector<1x16xf32>,
          %get3A_289 = vector.shape_cast %get3A_288 : vector<1x16xf32> to vector<16xf32>
          %get3A_290 = arith.index_cast %scan3A_168 : i32 to index
          %get3A_291 = arith.constant 112 : index
          %get3A_292 = tpu.vector_load %arg17[%get3A_290, %get3A_291] {strides = array<i32>} : memref<80x128xf32, #tpu.memory_space<vmem>>, vector<1x16xf32>,
          %get3A_293 = vector.shape_cast %get3A_292 : vector<1x16xf32> to vector<16xf32>
          %add3A_294 = arith.addf %get3A_289, %get3A_293 : vector<16xf32>
          %max3A_295 = arith.constant 0.000000e+00 : f32
          %max3A_296 = vector.broadcast %max3A_295 : f32 to vector<16xf32>
          %max3A_297 = arith.maximumf %add3A_294, %max3A_296 : vector<16xf32>
          %swap3A_298 = arith.index_cast %scan3A_168 : i32 to index
          %swap3A_299 = arith.constant 112 : index
          %swap3A_300 = tpu.vector_load %arg15[%swap3A_298, %swap3A_299] {strides = array<i32>} : memref<80x128xf32, #tpu.memory_space<vmem>>, vector<1x16xf32>,
          %swap3A_301 = vector.shape_cast %swap3A_300 : vector<1x16xf32> to vector<16xf32>
          %swap3A_302 = vector.shape_cast %max3A_297 : vector<16xf32> to vector<1x16xf32>
          tpu.vector_store %arg15[%swap3A_298, %swap3A_299], %swap3A_302 {strides = array<i32>} : memref<80x128xf32, #tpu.memory_space<vmem>>, vector<1x16xf32>,
          %scan3A_303 = arith.constant 0 : i32
          %scan3A_304 = arith.constant 1 : i32
          %scan3A_305 = arith.addi %scan3A_168, %scan3A_304 : i32
          %get3A_306 = arith.index_cast %scan3A_305 : i32 to index
          %get3A_307 = arith.constant 0 : index
          %get3A_308 = tpu.vector_load %arg15[%get3A_306, %get3A_307] {strides = array<i32>} : memref<80x128xf32, #tpu.memory_space<vmem>>, vector<1x16xf32>,
          %get3A_309 = vector.shape_cast %get3A_308 : vector<1x16xf32> to vector<16xf32>
          %get3A_310 = arith.index_cast %scan3A_305 : i32 to index
          %get3A_311 = arith.constant 0 : index
          %get3A_312 = tpu.vector_load %arg17[%get3A_310, %get3A_311] {strides = array<i32>} : memref<80x128xf32, #tpu.memory_space<vmem>>, vector<1x16xf32>,
          %get3A_313 = vector.shape_cast %get3A_312 : vector<1x16xf32> to vector<16xf32>
          %add3A_314 = arith.addf %get3A_309, %get3A_313 : vector<16xf32>
          %max3A_315 = arith.constant 0.000000e+00 : f32
          %max3A_316 = vector.broadcast %max3A_315 : f32 to vector<16xf32>
          %max3A_317 = arith.maximumf %add3A_314, %max3A_316 : vector<16xf32>
          %swap3A_318 = arith.index_cast %scan3A_305 : i32 to index
          %swap3A_319 = arith.constant 0 : index
          %swap3A_320 = tpu.vector_load %arg15[%swap3A_318, %swap3A_319] {strides = array<i32>} : memref<80x128xf32, #tpu.memory_space<vmem>>, vector<1x16xf32>,
          %swap3A_321 = vector.shape_cast %swap3A_320 : vector<1x16xf32> to vector<16xf32>
          %swap3A_322 = vector.shape_cast %max3A_317 : vector<16xf32> to vector<1x16xf32>
          tpu.vector_store %arg15[%swap3A_318, %swap3A_319], %swap3A_322 {strides = array<i32>} : memref<80x128xf32, #tpu.memory_space<vmem>>, vector<1x16xf32>,
          %get3A_323 = arith.index_cast %scan3A_305 : i32 to index
          %get3A_324 = arith.constant 16 : index
          %get3A_325 = tpu.vector_load %arg15[%get3A_323, %get3A_324] {strides = array<i32>} : memref<80x128xf32, #tpu.memory_space<vmem>>, vector<1x16xf32>,
          %get3A_326 = vector.shape_cast %get3A_325 : vector<1x16xf32> to vector<16xf32>
          %get3A_327 = arith.index_cast %scan3A_305 : i32 to index
          %get3A_328 = arith.constant 16 : index
          %get3A_329 = tpu.vector_load %arg17[%get3A_327, %get3A_328] {strides = array<i32>} : memref<80x128xf32, #tpu.memory_space<vmem>>, vector<1x16xf32>,
          %get3A_330 = vector.shape_cast %get3A_329 : vector<1x16xf32> to vector<16xf32>
          %add3A_331 = arith.addf %get3A_326, %get3A_330 : vector<16xf32>
          %max3A_332 = arith.constant 0.000000e+00 : f32
          %max3A_333 = vector.broadcast %max3A_332 : f32 to vector<16xf32>
          %max3A_334 = arith.maximumf %add3A_331, %max3A_333 : vector<16xf32>
          %swap3A_335 = arith.index_cast %scan3A_305 : i32 to index
          %swap3A_336 = arith.constant 16 : index
          %swap3A_337 = tpu.vector_load %arg15[%swap3A_335, %swap3A_336] {strides = array<i32>} : memref<80x128xf32, #tpu.memory_space<vmem>>, vector<1x16xf32>,
          %swap3A_338 = vector.shape_cast %swap3A_337 : vector<1x16xf32> to vector<16xf32>
          %swap3A_339 = vector.shape_cast %max3A_334 : vector<16xf32> to vector<1x16xf32>
          tpu.vector_store %arg15[%swap3A_335, %swap3A_336], %swap3A_339 {strides = array<i32>} : memref<80x128xf32, #tpu.memory_space<vmem>>, vector<1x16xf32>,
          %get3A_340 = arith.index_cast %scan3A_305 : i32 to index
          %get3A_341 = arith.constant 32 : index
          %get3A_342 = tpu.vector_load %arg15[%get3A_340, %get3A_341] {strides = array<i32>} : memref<80x128xf32, #tpu.memory_space<vmem>>, vector<1x16xf32>,
          %get3A_343 = vector.shape_cast %get3A_342 : vector<1x16xf32> to vector<16xf32>
          %get3A_344 = arith.index_cast %scan3A_305 : i32 to index
          %get3A_345 = arith.constant 32 : index
          %get3A_346 = tpu.vector_load %arg17[%get3A_344, %get3A_345] {strides = array<i32>} : memref<80x128xf32, #tpu.memory_space<vmem>>, vector<1x16xf32>,
          %get3A_347 = vector.shape_cast %get3A_346 : vector<1x16xf32> to vector<16xf32>
          %add3A_348 = arith.addf %get3A_343, %get3A_347 : vector<16xf32>
          %max3A_349 = arith.constant 0.000000e+00 : f32
          %max3A_350 = vector.broadcast %max3A_349 : f32 to vector<16xf32>
          %max3A_351 = arith.maximumf %add3A_348, %max3A_350 : vector<16xf32>
          %swap3A_352 = arith.index_cast %scan3A_305 : i32 to index
          %swap3A_353 = arith.constant 32 : index
          %swap3A_354 = tpu.vector_load %arg15[%swap3A_352, %swap3A_353] {strides = array<i32>} : memref<80x128xf32, #tpu.memory_space<vmem>>, vector<1x16xf32>,
          %swap3A_355 = vector.shape_cast %swap3A_354 : vector<1x16xf32> to vector<16xf32>
          %swap3A_356 = vector.shape_cast %max3A_351 : vector<16xf32> to vector<1x16xf32>
          tpu.vector_store %arg15[%swap3A_352, %swap3A_353], %swap3A_356 {strides = array<i32>} : memref<80x128xf32, #tpu.memory_space<vmem>>, vector<1x16xf32>,
          %get3A_357 = arith.index_cast %scan3A_305 : i32 to index
          %get3A_358 = arith.constant 48 : index
          %get3A_359 = tpu.vector_load %arg15[%get3A_357, %get3A_358] {strides = array<i32>} : memref<80x128xf32, #tpu.memory_space<vmem>>, vector<1x16xf32>,
          %get3A_360 = vector.shape_cast %get3A_359 : vector<1x16xf32> to vector<16xf32>
          %get3A_361 = arith.index_cast %scan3A_305 : i32 to index
          %get3A_362 = arith.constant 48 : index
          %get3A_363 = tpu.vector_load %arg17[%get3A_361, %get3A_362] {strides = array<i32>} : memref<80x128xf32, #tpu.memory_space<vmem>>, vector<1x16xf32>,
          %get3A_364 = vector.shape_cast %get3A_363 : vector<1x16xf32> to vector<16xf32>
          %add3A_365 = arith.addf %get3A_360, %get3A_364 : vector<16xf32>
          %max3A_366 = arith.constant 0.000000e+00 : f32
          %max3A_367 = vector.broadcast %max3A_366 : f32 to vector<16xf32>
          %max3A_368 = arith.maximumf %add3A_365, %max3A_367 : vector<16xf32>
          %swap3A_369 = arith.index_cast %scan3A_305 : i32 to index
          %swap3A_370 = arith.constant 48 : index
          %swap3A_371 = tpu.vector_load %arg15[%swap3A_369, %swap3A_370] {strides = array<i32>} : memref<80x128xf32, #tpu.memory_space<vmem>>, vector<1x16xf32>,
          %swap3A_372 = vector.shape_cast %swap3A_371 : vector<1x16xf32> to vector<16xf32>
          %swap3A_373 = vector.shape_cast %max3A_368 : vector<16xf32> to vector<1x16xf32>
          tpu.vector_store %arg15[%swap3A_369, %swap3A_370], %swap3A_373 {strides = array<i32>} : memref<80x128xf32, #tpu.memory_space<vmem>>, vector<1x16xf32>,
          %get3A_374 = arith.index_cast %scan3A_305 : i32 to index
          %get3A_375 = arith.constant 64 : index
          %get3A_376 = tpu.vector_load %arg15[%get3A_374, %get3A_375] {strides = array<i32>} : memref<80x128xf32, #tpu.memory_space<vmem>>, vector<1x16xf32>,
          %get3A_377 = vector.shape_cast %get3A_376 : vector<1x16xf32> to vector<16xf32>
          %get3A_378 = arith.index_cast %scan3A_305 : i32 to index
          %get3A_379 = arith.constant 64 : index
          %get3A_380 = tpu.vector_load %arg17[%get3A_378, %get3A_379] {strides = array<i32>} : memref<80x128xf32, #tpu.memory_space<vmem>>, vector<1x16xf32>,
          %get3A_381 = vector.shape_cast %get3A_380 : vector<1x16xf32> to vector<16xf32>
          %add3A_382 = arith.addf %get3A_377, %get3A_381 : vector<16xf32>
          %max3A_383 = arith.constant 0.000000e+00 : f32
          %max3A_384 = vector.broadcast %max3A_383 : f32 to vector<16xf32>
          %max3A_385 = arith.maximumf %add3A_382, %max3A_384 : vector<16xf32>
          %swap3A_386 = arith.index_cast %scan3A_305 : i32 to index
          %swap3A_387 = arith.constant 64 : index
          %swap3A_388 = tpu.vector_load %arg15[%swap3A_386, %swap3A_387] {strides = array<i32>} : memref<80x128xf32, #tpu.memory_space<vmem>>, vector<1x16xf32>,
          %swap3A_389 = vector.shape_cast %swap3A_388 : vector<1x16xf32> to vector<16xf32>
          %swap3A_390 = vector.shape_cast %max3A_385 : vector<16xf32> to vector<1x16xf32>
          tpu.vector_store %arg15[%swap3A_386, %swap3A_387], %swap3A_390 {strides = array<i32>} : memref<80x128xf32, #tpu.memory_space<vmem>>, vector<1x16xf32>,
          %get3A_391 = arith.index_cast %scan3A_305 : i32 to index
          %get3A_392 = arith.constant 80 : index
          %get3A_393 = tpu.vector_load %arg15[%get3A_391, %get3A_392] {strides = array<i32>} : memref<80x128xf32, #tpu.memory_space<vmem>>, vector<1x16xf32>,
          %get3A_394 = vector.shape_cast %get3A_393 : vector<1x16xf32> to vector<16xf32>
          %get3A_395 = arith.index_cast %scan3A_305 : i32 to index
          %get3A_396 = arith.constant 80 : index
          %get3A_397 = tpu.vector_load %arg17[%get3A_395, %get3A_396] {strides = array<i32>} : memref<80x128xf32, #tpu.memory_space<vmem>>, vector<1x16xf32>,
          %get3A_398 = vector.shape_cast %get3A_397 : vector<1x16xf32> to vector<16xf32>
          %add3A_399 = arith.addf %get3A_394, %get3A_398 : vector<16xf32>
          %max3A_400 = arith.constant 0.000000e+00 : f32
          %max3A_401 = vector.broadcast %max3A_400 : f32 to vector<16xf32>
          %max3A_402 = arith.maximumf %add3A_399, %max3A_401 : vector<16xf32>
          %swap3A_403 = arith.index_cast %scan3A_305 : i32 to index
          %swap3A_404 = arith.constant 80 : index
          %swap3A_405 = tpu.vector_load %arg15[%swap3A_403, %swap3A_404] {strides = array<i32>} : memref<80x128xf32, #tpu.memory_space<vmem>>, vector<1x16xf32>,
          %swap3A_406 = vector.shape_cast %swap3A_405 : vector<1x16xf32> to vector<16xf32>
          %swap3A_407 = vector.shape_cast %max3A_402 : vector<16xf32> to vector<1x16xf32>
          tpu.vector_store %arg15[%swap3A_403, %swap3A_404], %swap3A_407 {strides = array<i32>} : memref<80x128xf32, #tpu.memory_space<vmem>>, vector<1x16xf32>,
          %get3A_408 = arith.index_cast %scan3A_305 : i32 to index
          %get3A_409 = arith.constant 96 : index
          %get3A_410 = tpu.vector_load %arg15[%get3A_408, %get3A_409] {strides = array<i32>} : memref<80x128xf32, #tpu.memory_space<vmem>>, vector<1x16xf32>,
          %get3A_411 = vector.shape_cast %get3A_410 : vector<1x16xf32> to vector<16xf32>
          %get3A_412 = arith.index_cast %scan3A_305 : i32 to index
          %get3A_413 = arith.constant 96 : index
          %get3A_414 = tpu.vector_load %arg17[%get3A_412, %get3A_413] {strides = array<i32>} : memref<80x128xf32, #tpu.memory_space<vmem>>, vector<1x16xf32>,
          %get3A_415 = vector.shape_cast %get3A_414 : vector<1x16xf32> to vector<16xf32>
          %add3A_416 = arith.addf %get3A_411, %get3A_415 : vector<16xf32>
          %max3A_417 = arith.constant 0.000000e+00 : f32
          %max3A_418 = vector.broadcast %max3A_417 : f32 to vector<16xf32>
          %max3A_419 = arith.maximumf %add3A_416, %max3A_418 : vector<16xf32>
          %swap3A_420 = arith.index_cast %scan3A_305 : i32 to index
          %swap3A_421 = arith.constant 96 : index
          %swap3A_422 = tpu.vector_load %arg15[%swap3A_420, %swap3A_421] {strides = array<i32>} : memref<80x128xf32, #tpu.memory_space<vmem>>, vector<1x16xf32>,
          %swap3A_423 = vector.shape_cast %swap3A_422 : vector<1x16xf32> to vector<16xf32>
          %swap3A_424 = vector.shape_cast %max3A_419 : vector<16xf32> to vector<1x16xf32>
          tpu.vector_store %arg15[%swap3A_420, %swap3A_421], %swap3A_424 {strides = array<i32>} : memref<80x128xf32, #tpu.memory_space<vmem>>, vector<1x16xf32>,
          %get3A_425 = arith.index_cast %scan3A_305 : i32 to index
          %get3A_426 = arith.constant 112 : index
          %get3A_427 = tpu.vector_load %arg15[%get3A_425, %get3A_426] {strides = array<i32>} : memref<80x128xf32, #tpu.memory_space<vmem>>, vector<1x16xf32>,
          %get3A_428 = vector.shape_cast %get3A_427 : vector<1x16xf32> to vector<16xf32>
          %get3A_429 = arith.index_cast %scan3A_305 : i32 to index
          %get3A_430 = arith.constant 112 : index
          %get3A_431 = tpu.vector_load %arg17[%get3A_429, %get3A_430] {strides = array<i32>} : memref<80x128xf32, #tpu.memory_space<vmem>>, vector<1x16xf32>,
          %get3A_432 = vector.shape_cast %get3A_431 : vector<1x16xf32> to vector<16xf32>
          %add3A_433 = arith.addf %get3A_428, %get3A_432 : vector<16xf32>
          %max3A_434 = arith.constant 0.000000e+00 : f32
          %max3A_435 = vector.broadcast %max3A_434 : f32 to vector<16xf32>
          %max3A_436 = arith.maximumf %add3A_433, %max3A_435 : vector<16xf32>
          %swap3A_437 = arith.index_cast %scan3A_305 : i32 to index
          %swap3A_438 = arith.constant 112 : index
          %swap3A_439 = tpu.vector_load %arg15[%swap3A_437, %swap3A_438] {strides = array<i32>} : memref<80x128xf32, #tpu.memory_space<vmem>>, vector<1x16xf32>,
          %swap3A_440 = vector.shape_cast %swap3A_439 : vector<1x16xf32> to vector<16xf32>
          %swap3A_441 = vector.shape_cast %max3A_436 : vector<16xf32> to vector<1x16xf32>
          tpu.vector_store %arg15[%swap3A_437, %swap3A_438], %swap3A_441 {strides = array<i32>} : memref<80x128xf32, #tpu.memory_space<vmem>>, vector<1x16xf32>,
          %scan3A_442 = arith.constant 0 : i32
          %scan3A_443 = arith.constant 2 : i32
          %scan3A_444 = arith.addi %scan3A_168, %scan3A_443 : i32
          %get3A_445 = arith.index_cast %scan3A_444 : i32 to index
          %get3A_446 = arith.constant 0 : index
          %get3A_447 = tpu.vector_load %arg15[%get3A_445, %get3A_446] {strides = array<i32>} : memref<80x128xf32, #tpu.memory_space<vmem>>, vector<1x16xf32>,
          %get3A_448 = vector.shape_cast %get3A_447 : vector<1x16xf32> to vector<16xf32>
          %get3A_449 = arith.index_cast %scan3A_444 : i32 to index
          %get3A_450 = arith.constant 0 : index
          %get3A_451 = tpu.vector_load %arg17[%get3A_449, %get3A_450] {strides = array<i32>} : memref<80x128xf32, #tpu.memory_space<vmem>>, vector<1x16xf32>,
          %get3A_452 = vector.shape_cast %get3A_451 : vector<1x16xf32> to vector<16xf32>
          %add3A_453 = arith.addf %get3A_448, %get3A_452 : vector<16xf32>
          %max3A_454 = arith.constant 0.000000e+00 : f32
          %max3A_455 = vector.broadcast %max3A_454 : f32 to vector<16xf32>
          %max3A_456 = arith.maximumf %add3A_453, %max3A_455 : vector<16xf32>
          %swap3A_457 = arith.index_cast %scan3A_444 : i32 to index
          %swap3A_458 = arith.constant 0 : index
          %swap3A_459 = tpu.vector_load %arg15[%swap3A_457, %swap3A_458] {strides = array<i32>} : memref<80x128xf32, #tpu.memory_space<vmem>>, vector<1x16xf32>,
          %swap3A_460 = vector.shape_cast %swap3A_459 : vector<1x16xf32> to vector<16xf32>
          %swap3A_461 = vector.shape_cast %max3A_456 : vector<16xf32> to vector<1x16xf32>
          tpu.vector_store %arg15[%swap3A_457, %swap3A_458], %swap3A_461 {strides = array<i32>} : memref<80x128xf32, #tpu.memory_space<vmem>>, vector<1x16xf32>,
          %get3A_462 = arith.index_cast %scan3A_444 : i32 to index
          %get3A_463 = arith.constant 16 : index
          %get3A_464 = tpu.vector_load %arg15[%get3A_462, %get3A_463] {strides = array<i32>} : memref<80x128xf32, #tpu.memory_space<vmem>>, vector<1x16xf32>,
          %get3A_465 = vector.shape_cast %get3A_464 : vector<1x16xf32> to vector<16xf32>
          %get3A_466 = arith.index_cast %scan3A_444 : i32 to index
          %get3A_467 = arith.constant 16 : index
          %get3A_468 = tpu.vector_load %arg17[%get3A_466, %get3A_467] {strides = array<i32>} : memref<80x128xf32, #tpu.memory_space<vmem>>, vector<1x16xf32>,
          %get3A_469 = vector.shape_cast %get3A_468 : vector<1x16xf32> to vector<16xf32>
          %add3A_470 = arith.addf %get3A_465, %get3A_469 : vector<16xf32>
          %max3A_471 = arith.constant 0.000000e+00 : f32
          %max3A_472 = vector.broadcast %max3A_471 : f32 to vector<16xf32>
          %max3A_473 = arith.maximumf %add3A_470, %max3A_472 : vector<16xf32>
          %swap3A_474 = arith.index_cast %scan3A_444 : i32 to index
          %swap3A_475 = arith.constant 16 : index
          %swap3A_476 = tpu.vector_load %arg15[%swap3A_474, %swap3A_475] {strides = array<i32>} : memref<80x128xf32, #tpu.memory_space<vmem>>, vector<1x16xf32>,
          %swap3A_477 = vector.shape_cast %swap3A_476 : vector<1x16xf32> to vector<16xf32>
          %swap3A_478 = vector.shape_cast %max3A_473 : vector<16xf32> to vector<1x16xf32>
          tpu.vector_store %arg15[%swap3A_474, %swap3A_475], %swap3A_478 {strides = array<i32>} : memref<80x128xf32, #tpu.memory_space<vmem>>, vector<1x16xf32>,
          %get3A_479 = arith.index_cast %scan3A_444 : i32 to index
          %get3A_480 = arith.constant 32 : index
          %get3A_481 = tpu.vector_load %arg15[%get3A_479, %get3A_480] {strides = array<i32>} : memref<80x128xf32, #tpu.memory_space<vmem>>, vector<1x16xf32>,
          %get3A_482 = vector.shape_cast %get3A_481 : vector<1x16xf32> to vector<16xf32>
          %get3A_483 = arith.index_cast %scan3A_444 : i32 to index
          %get3A_484 = arith.constant 32 : index
          %get3A_485 = tpu.vector_load %arg17[%get3A_483, %get3A_484] {strides = array<i32>} : memref<80x128xf32, #tpu.memory_space<vmem>>, vector<1x16xf32>,
          %get3A_486 = vector.shape_cast %get3A_485 : vector<1x16xf32> to vector<16xf32>
          %add3A_487 = arith.addf %get3A_482, %get3A_486 : vector<16xf32>
          %max3A_488 = arith.constant 0.000000e+00 : f32
          %max3A_489 = vector.broadcast %max3A_488 : f32 to vector<16xf32>
          %max3A_490 = arith.maximumf %add3A_487, %max3A_489 : vector<16xf32>
          %swap3A_491 = arith.index_cast %scan3A_444 : i32 to index
          %swap3A_492 = arith.constant 32 : index
          %swap3A_493 = tpu.vector_load %arg15[%swap3A_491, %swap3A_492] {strides = array<i32>} : memref<80x128xf32, #tpu.memory_space<vmem>>, vector<1x16xf32>,
          %swap3A_494 = vector.shape_cast %swap3A_493 : vector<1x16xf32> to vector<16xf32>
          %swap3A_495 = vector.shape_cast %max3A_490 : vector<16xf32> to vector<1x16xf32>
          tpu.vector_store %arg15[%swap3A_491, %swap3A_492], %swap3A_495 {strides = array<i32>} : memref<80x128xf32, #tpu.memory_space<vmem>>, vector<1x16xf32>,
          %get3A_496 = arith.index_cast %scan3A_444 : i32 to index
          %get3A_497 = arith.constant 48 : index
          %get3A_498 = tpu.vector_load %arg15[%get3A_496, %get3A_497] {strides = array<i32>} : memref<80x128xf32, #tpu.memory_space<vmem>>, vector<1x16xf32>,
          %get3A_499 = vector.shape_cast %get3A_498 : vector<1x16xf32> to vector<16xf32>
          %get3A_500 = arith.index_cast %scan3A_444 : i32 to index
          %get3A_501 = arith.constant 48 : index
          %get3A_502 = tpu.vector_load %arg17[%get3A_500, %get3A_501] {strides = array<i32>} : memref<80x128xf32, #tpu.memory_space<vmem>>, vector<1x16xf32>,
          %get3A_503 = vector.shape_cast %get3A_502 : vector<1x16xf32> to vector<16xf32>
          %add3A_504 = arith.addf %get3A_499, %get3A_503 : vector<16xf32>
          %max3A_505 = arith.constant 0.000000e+00 : f32
          %max3A_506 = vector.broadcast %max3A_505 : f32 to vector<16xf32>
          %max3A_507 = arith.maximumf %add3A_504, %max3A_506 : vector<16xf32>
          %swap3A_508 = arith.index_cast %scan3A_444 : i32 to index
          %swap3A_509 = arith.constant 48 : index
          %swap3A_510 = tpu.vector_load %arg15[%swap3A_508, %swap3A_509] {strides = array<i32>} : memref<80x128xf32, #tpu.memory_space<vmem>>, vector<1x16xf32>,
          %swap3A_511 = vector.shape_cast %swap3A_510 : vector<1x16xf32> to vector<16xf32>
          %swap3A_512 = vector.shape_cast %max3A_507 : vector<16xf32> to vector<1x16xf32>
          tpu.vector_store %arg15[%swap3A_508, %swap3A_509], %swap3A_512 {strides = array<i32>} : memref<80x128xf32, #tpu.memory_space<vmem>>, vector<1x16xf32>,
          %get3A_513 = arith.index_cast %scan3A_444 : i32 to index
          %get3A_514 = arith.constant 64 : index
          %get3A_515 = tpu.vector_load %arg15[%get3A_513, %get3A_514] {strides = array<i32>} : memref<80x128xf32, #tpu.memory_space<vmem>>, vector<1x16xf32>,
          %get3A_516 = vector.shape_cast %get3A_515 : vector<1x16xf32> to vector<16xf32>
          %get3A_517 = arith.index_cast %scan3A_444 : i32 to index
          %get3A_518 = arith.constant 64 : index
          %get3A_519 = tpu.vector_load %arg17[%get3A_517, %get3A_518] {strides = array<i32>} : memref<80x128xf32, #tpu.memory_space<vmem>>, vector<1x16xf32>,
          %get3A_520 = vector.shape_cast %get3A_519 : vector<1x16xf32> to vector<16xf32>
          %add3A_521 = arith.addf %get3A_516, %get3A_520 : vector<16xf32>
          %max3A_522 = arith.constant 0.000000e+00 : f32
          %max3A_523 = vector.broadcast %max3A_522 : f32 to vector<16xf32>
          %max3A_524 = arith.maximumf %add3A_521, %max3A_523 : vector<16xf32>
          %swap3A_525 = arith.index_cast %scan3A_444 : i32 to index
          %swap3A_526 = arith.constant 64 : index
          %swap3A_527 = tpu.vector_load %arg15[%swap3A_525, %swap3A_526] {strides = array<i32>} : memref<80x128xf32, #tpu.memory_space<vmem>>, vector<1x16xf32>,
          %swap3A_528 = vector.shape_cast %swap3A_527 : vector<1x16xf32> to vector<16xf32>
          %swap3A_529 = vector.shape_cast %max3A_524 : vector<16xf32> to vector<1x16xf32>
          tpu.vector_store %arg15[%swap3A_525, %swap3A_526], %swap3A_529 {strides = array<i32>} : memref<80x128xf32, #tpu.memory_space<vmem>>, vector<1x16xf32>,
          %get3A_530 = arith.index_cast %scan3A_444 : i32 to index
          %get3A_531 = arith.constant 80 : index
          %get3A_532 = tpu.vector_load %arg15[%get3A_530, %get3A_531] {strides = array<i32>} : memref<80x128xf32, #tpu.memory_space<vmem>>, vector<1x16xf32>,
          %get3A_533 = vector.shape_cast %get3A_532 : vector<1x16xf32> to vector<16xf32>
          %get3A_534 = arith.index_cast %scan3A_444 : i32 to index
          %get3A_535 = arith.constant 80 : index
          %get3A_536 = tpu.vector_load %arg17[%get3A_534, %get3A_535] {strides = array<i32>} : memref<80x128xf32, #tpu.memory_space<vmem>>, vector<1x16xf32>,
          %get3A_537 = vector.shape_cast %get3A_536 : vector<1x16xf32> to vector<16xf32>
          %add3A_538 = arith.addf %get3A_533, %get3A_537 : vector<16xf32>
          %max3A_539 = arith.constant 0.000000e+00 : f32
          %max3A_540 = vector.broadcast %max3A_539 : f32 to vector<16xf32>
          %max3A_541 = arith.maximumf %add3A_538, %max3A_540 : vector<16xf32>
          %swap3A_542 = arith.index_cast %scan3A_444 : i32 to index
          %swap3A_543 = arith.constant 80 : index
          %swap3A_544 = tpu.vector_load %arg15[%swap3A_542, %swap3A_543] {strides = array<i32>} : memref<80x128xf32, #tpu.memory_space<vmem>>, vector<1x16xf32>,
          %swap3A_545 = vector.shape_cast %swap3A_544 : vector<1x16xf32> to vector<16xf32>
          %swap3A_546 = vector.shape_cast %max3A_541 : vector<16xf32> to vector<1x16xf32>
          tpu.vector_store %arg15[%swap3A_542, %swap3A_543], %swap3A_546 {strides = array<i32>} : memref<80x128xf32, #tpu.memory_space<vmem>>, vector<1x16xf32>,
          %get3A_547 = arith.index_cast %scan3A_444 : i32 to index
          %get3A_548 = arith.constant 96 : index
          %get3A_549 = tpu.vector_load %arg15[%get3A_547, %get3A_548] {strides = array<i32>} : memref<80x128xf32, #tpu.memory_space<vmem>>, vector<1x16xf32>,
          %get3A_550 = vector.shape_cast %get3A_549 : vector<1x16xf32> to vector<16xf32>
          %get3A_551 = arith.index_cast %scan3A_444 : i32 to index
          %get3A_552 = arith.constant 96 : index
          %get3A_553 = tpu.vector_load %arg17[%get3A_551, %get3A_552] {strides = array<i32>} : memref<80x128xf32, #tpu.memory_space<vmem>>, vector<1x16xf32>,
          %get3A_554 = vector.shape_cast %get3A_553 : vector<1x16xf32> to vector<16xf32>
          %add3A_555 = arith.addf %get3A_550, %get3A_554 : vector<16xf32>
          %max3A_556 = arith.constant 0.000000e+00 : f32
          %max3A_557 = vector.broadcast %max3A_556 : f32 to vector<16xf32>
          %max3A_558 = arith.maximumf %add3A_555, %max3A_557 : vector<16xf32>
          %swap3A_559 = arith.index_cast %scan3A_444 : i32 to index
          %swap3A_560 = arith.constant 96 : index
          %swap3A_561 = tpu.vector_load %arg15[%swap3A_559, %swap3A_560] {strides = array<i32>} : memref<80x128xf32, #tpu.memory_space<vmem>>, vector<1x16xf32>,
          %swap3A_562 = vector.shape_cast %swap3A_561 : vector<1x16xf32> to vector<16xf32>
          %swap3A_563 = vector.shape_cast %max3A_558 : vector<16xf32> to vector<1x16xf32>
          tpu.vector_store %arg15[%swap3A_559, %swap3A_560], %swap3A_563 {strides = array<i32>} : memref<80x128xf32, #tpu.memory_space<vmem>>, vector<1x16xf32>,
          %get3A_564 = arith.index_cast %scan3A_444 : i32 to index
          %get3A_565 = arith.constant 112 : index
          %get3A_566 = tpu.vector_load %arg15[%get3A_564, %get3A_565] {strides = array<i32>} : memref<80x128xf32, #tpu.memory_space<vmem>>, vector<1x16xf32>,
          %get3A_567 = vector.shape_cast %get3A_566 : vector<1x16xf32> to vector<16xf32>
          %get3A_568 = arith.index_cast %scan3A_444 : i32 to index
          %get3A_569 = arith.constant 112 : index
          %get3A_570 = tpu.vector_load %arg17[%get3A_568, %get3A_569] {strides = array<i32>} : memref<80x128xf32, #tpu.memory_space<vmem>>, vector<1x16xf32>,
          %get3A_571 = vector.shape_cast %get3A_570 : vector<1x16xf32> to vector<16xf32>
          %add3A_572 = arith.addf %get3A_567, %get3A_571 : vector<16xf32>
          %max3A_573 = arith.constant 0.000000e+00 : f32
          %max3A_574 = vector.broadcast %max3A_573 : f32 to vector<16xf32>
          %max3A_575 = arith.maximumf %add3A_572, %max3A_574 : vector<16xf32>
          %swap3A_576 = arith.index_cast %scan3A_444 : i32 to index
          %swap3A_577 = arith.constant 112 : index
          %swap3A_578 = tpu.vector_load %arg15[%swap3A_576, %swap3A_577] {strides = array<i32>} : memref<80x128xf32, #tpu.memory_space<vmem>>, vector<1x16xf32>,
          %swap3A_579 = vector.shape_cast %swap3A_578 : vector<1x16xf32> to vector<16xf32>
          %swap3A_580 = vector.shape_cast %max3A_575 : vector<16xf32> to vector<1x16xf32>
          tpu.vector_store %arg15[%swap3A_576, %swap3A_577], %swap3A_580 {strides = array<i32>} : memref<80x128xf32, #tpu.memory_space<vmem>>, vector<1x16xf32>,
          %scan3A_581 = arith.constant 0 : i32
          %scan3A_582 = arith.constant 3 : i32
          %scan3A_583 = arith.addi %scan3A_168, %scan3A_582 : i32
          %get3A_584 = arith.index_cast %scan3A_583 : i32 to index
          %get3A_585 = arith.constant 0 : index
          %get3A_586 = tpu.vector_load %arg15[%get3A_584, %get3A_585] {strides = array<i32>} : memref<80x128xf32, #tpu.memory_space<vmem>>, vector<1x16xf32>,
          %get3A_587 = vector.shape_cast %get3A_586 : vector<1x16xf32> to vector<16xf32>
          %get3A_588 = arith.index_cast %scan3A_583 : i32 to index
          %get3A_589 = arith.constant 0 : index
          %get3A_590 = tpu.vector_load %arg17[%get3A_588, %get3A_589] {strides = array<i32>} : memref<80x128xf32, #tpu.memory_space<vmem>>, vector<1x16xf32>,
          %get3A_591 = vector.shape_cast %get3A_590 : vector<1x16xf32> to vector<16xf32>
          %add3A_592 = arith.addf %get3A_587, %get3A_591 : vector<16xf32>
          %max3A_593 = arith.constant 0.000000e+00 : f32
          %max3A_594 = vector.broadcast %max3A_593 : f32 to vector<16xf32>
          %max3A_595 = arith.maximumf %add3A_592, %max3A_594 : vector<16xf32>
          %swap3A_596 = arith.index_cast %scan3A_583 : i32 to index
          %swap3A_597 = arith.constant 0 : index
          %swap3A_598 = tpu.vector_load %arg15[%swap3A_596, %swap3A_597] {strides = array<i32>} : memref<80x128xf32, #tpu.memory_space<vmem>>, vector<1x16xf32>,
          %swap3A_599 = vector.shape_cast %swap3A_598 : vector<1x16xf32> to vector<16xf32>
          %swap3A_600 = vector.shape_cast %max3A_595 : vector<16xf32> to vector<1x16xf32>
          tpu.vector_store %arg15[%swap3A_596, %swap3A_597], %swap3A_600 {strides = array<i32>} : memref<80x128xf32, #tpu.memory_space<vmem>>, vector<1x16xf32>,
          %get3A_601 = arith.index_cast %scan3A_583 : i32 to index
          %get3A_602 = arith.constant 16 : index
          %get3A_603 = tpu.vector_load %arg15[%get3A_601, %get3A_602] {strides = array<i32>} : memref<80x128xf32, #tpu.memory_space<vmem>>, vector<1x16xf32>,
          %get3A_604 = vector.shape_cast %get3A_603 : vector<1x16xf32> to vector<16xf32>
          %get3A_605 = arith.index_cast %scan3A_583 : i32 to index
          %get3A_606 = arith.constant 16 : index
          %get3A_607 = tpu.vector_load %arg17[%get3A_605, %get3A_606] {strides = array<i32>} : memref<80x128xf32, #tpu.memory_space<vmem>>, vector<1x16xf32>,
          %get3A_608 = vector.shape_cast %get3A_607 : vector<1x16xf32> to vector<16xf32>
          %add3A_609 = arith.addf %get3A_604, %get3A_608 : vector<16xf32>
          %max3A_610 = arith.constant 0.000000e+00 : f32
          %max3A_611 = vector.broadcast %max3A_610 : f32 to vector<16xf32>
          %max3A_612 = arith.maximumf %add3A_609, %max3A_611 : vector<16xf32>
          %swap3A_613 = arith.index_cast %scan3A_583 : i32 to index
          %swap3A_614 = arith.constant 16 : index
          %swap3A_615 = tpu.vector_load %arg15[%swap3A_613, %swap3A_614] {strides = array<i32>} : memref<80x128xf32, #tpu.memory_space<vmem>>, vector<1x16xf32>,
          %swap3A_616 = vector.shape_cast %swap3A_615 : vector<1x16xf32> to vector<16xf32>
          %swap3A_617 = vector.shape_cast %max3A_612 : vector<16xf32> to vector<1x16xf32>
          tpu.vector_store %arg15[%swap3A_613, %swap3A_614], %swap3A_617 {strides = array<i32>} : memref<80x128xf32, #tpu.memory_space<vmem>>, vector<1x16xf32>,
          %get3A_618 = arith.index_cast %scan3A_583 : i32 to index
          %get3A_619 = arith.constant 32 : index
          %get3A_620 = tpu.vector_load %arg15[%get3A_618, %get3A_619] {strides = array<i32>} : memref<80x128xf32, #tpu.memory_space<vmem>>, vector<1x16xf32>,
          %get3A_621 = vector.shape_cast %get3A_620 : vector<1x16xf32> to vector<16xf32>
          %get3A_622 = arith.index_cast %scan3A_583 : i32 to index
          %get3A_623 = arith.constant 32 : index
          %get3A_624 = tpu.vector_load %arg17[%get3A_622, %get3A_623] {strides = array<i32>} : memref<80x128xf32, #tpu.memory_space<vmem>>, vector<1x16xf32>,
          %get3A_625 = vector.shape_cast %get3A_624 : vector<1x16xf32> to vector<16xf32>
          %add3A_626 = arith.addf %get3A_621, %get3A_625 : vector<16xf32>
          %max3A_627 = arith.constant 0.000000e+00 : f32
          %max3A_628 = vector.broadcast %max3A_627 : f32 to vector<16xf32>
          %max3A_629 = arith.maximumf %add3A_626, %max3A_628 : vector<16xf32>
          %swap3A_630 = arith.index_cast %scan3A_583 : i32 to index
          %swap3A_631 = arith.constant 32 : index
          %swap3A_632 = tpu.vector_load %arg15[%swap3A_630, %swap3A_631] {strides = array<i32>} : memref<80x128xf32, #tpu.memory_space<vmem>>, vector<1x16xf32>,
          %swap3A_633 = vector.shape_cast %swap3A_632 : vector<1x16xf32> to vector<16xf32>
          %swap3A_634 = vector.shape_cast %max3A_629 : vector<16xf32> to vector<1x16xf32>
          tpu.vector_store %arg15[%swap3A_630, %swap3A_631], %swap3A_634 {strides = array<i32>} : memref<80x128xf32, #tpu.memory_space<vmem>>, vector<1x16xf32>,
          %get3A_635 = arith.index_cast %scan3A_583 : i32 to index
          %get3A_636 = arith.constant 48 : index
          %get3A_637 = tpu.vector_load %arg15[%get3A_635, %get3A_636] {strides = array<i32>} : memref<80x128xf32, #tpu.memory_space<vmem>>, vector<1x16xf32>,
          %get3A_638 = vector.shape_cast %get3A_637 : vector<1x16xf32> to vector<16xf32>
          %get3A_639 = arith.index_cast %scan3A_583 : i32 to index
          %get3A_640 = arith.constant 48 : index
          %get3A_641 = tpu.vector_load %arg17[%get3A_639, %get3A_640] {strides = array<i32>} : memref<80x128xf32, #tpu.memory_space<vmem>>, vector<1x16xf32>,
          %get3A_642 = vector.shape_cast %get3A_641 : vector<1x16xf32> to vector<16xf32>
          %add3A_643 = arith.addf %get3A_638, %get3A_642 : vector<16xf32>
          %max3A_644 = arith.constant 0.000000e+00 : f32
          %max3A_645 = vector.broadcast %max3A_644 : f32 to vector<16xf32>
          %max3A_646 = arith.maximumf %add3A_643, %max3A_645 : vector<16xf32>
          %swap3A_647 = arith.index_cast %scan3A_583 : i32 to index
          %swap3A_648 = arith.constant 48 : index
          %swap3A_649 = tpu.vector_load %arg15[%swap3A_647, %swap3A_648] {strides = array<i32>} : memref<80x128xf32, #tpu.memory_space<vmem>>, vector<1x16xf32>,
          %swap3A_650 = vector.shape_cast %swap3A_649 : vector<1x16xf32> to vector<16xf32>
          %swap3A_651 = vector.shape_cast %max3A_646 : vector<16xf32> to vector<1x16xf32>
          tpu.vector_store %arg15[%swap3A_647, %swap3A_648], %swap3A_651 {strides = array<i32>} : memref<80x128xf32, #tpu.memory_space<vmem>>, vector<1x16xf32>,
          %get3A_652 = arith.index_cast %scan3A_583 : i32 to index
          %get3A_653 = arith.constant 64 : index
          %get3A_654 = tpu.vector_load %arg15[%get3A_652, %get3A_653] {strides = array<i32>} : memref<80x128xf32, #tpu.memory_space<vmem>>, vector<1x16xf32>,
          %get3A_655 = vector.shape_cast %get3A_654 : vector<1x16xf32> to vector<16xf32>
          %get3A_656 = arith.index_cast %scan3A_583 : i32 to index
          %get3A_657 = arith.constant 64 : index
          %get3A_658 = tpu.vector_load %arg17[%get3A_656, %get3A_657] {strides = array<i32>} : memref<80x128xf32, #tpu.memory_space<vmem>>, vector<1x16xf32>,
          %get3A_659 = vector.shape_cast %get3A_658 : vector<1x16xf32> to vector<16xf32>
          %add3A_660 = arith.addf %get3A_655, %get3A_659 : vector<16xf32>
          %max3A_661 = arith.constant 0.000000e+00 : f32
          %max3A_662 = vector.broadcast %max3A_661 : f32 to vector<16xf32>
          %max3A_663 = arith.maximumf %add3A_660, %max3A_662 : vector<16xf32>
          %swap3A_664 = arith.index_cast %scan3A_583 : i32 to index
          %swap3A_665 = arith.constant 64 : index
          %swap3A_666 = tpu.vector_load %arg15[%swap3A_664, %swap3A_665] {strides = array<i32>} : memref<80x128xf32, #tpu.memory_space<vmem>>, vector<1x16xf32>,
          %swap3A_667 = vector.shape_cast %swap3A_666 : vector<1x16xf32> to vector<16xf32>
          %swap3A_668 = vector.shape_cast %max3A_663 : vector<16xf32> to vector<1x16xf32>
          tpu.vector_store %arg15[%swap3A_664, %swap3A_665], %swap3A_668 {strides = array<i32>} : memref<80x128xf32, #tpu.memory_space<vmem>>, vector<1x16xf32>,
          %get3A_669 = arith.index_cast %scan3A_583 : i32 to index
          %get3A_670 = arith.constant 80 : index
          %get3A_671 = tpu.vector_load %arg15[%get3A_669, %get3A_670] {strides = array<i32>} : memref<80x128xf32, #tpu.memory_space<vmem>>, vector<1x16xf32>,
          %get3A_672 = vector.shape_cast %get3A_671 : vector<1x16xf32> to vector<16xf32>
          %get3A_673 = arith.index_cast %scan3A_583 : i32 to index
          %get3A_674 = arith.constant 80 : index
          %get3A_675 = tpu.vector_load %arg17[%get3A_673, %get3A_674] {strides = array<i32>} : memref<80x128xf32, #tpu.memory_space<vmem>>, vector<1x16xf32>,
          %get3A_676 = vector.shape_cast %get3A_675 : vector<1x16xf32> to vector<16xf32>
          %add3A_677 = arith.addf %get3A_672, %get3A_676 : vector<16xf32>
          %max3A_678 = arith.constant 0.000000e+00 : f32
          %max3A_679 = vector.broadcast %max3A_678 : f32 to vector<16xf32>
          %max3A_680 = arith.maximumf %add3A_677, %max3A_679 : vector<16xf32>
          %swap3A_681 = arith.index_cast %scan3A_583 : i32 to index
          %swap3A_682 = arith.constant 80 : index
          %swap3A_683 = tpu.vector_load %arg15[%swap3A_681, %swap3A_682] {strides = array<i32>} : memref<80x128xf32, #tpu.memory_space<vmem>>, vector<1x16xf32>,
          %swap3A_684 = vector.shape_cast %swap3A_683 : vector<1x16xf32> to vector<16xf32>
          %swap3A_685 = vector.shape_cast %max3A_680 : vector<16xf32> to vector<1x16xf32>
          tpu.vector_store %arg15[%swap3A_681, %swap3A_682], %swap3A_685 {strides = array<i32>} : memref<80x128xf32, #tpu.memory_space<vmem>>, vector<1x16xf32>,
          %get3A_686 = arith.index_cast %scan3A_583 : i32 to index
          %get3A_687 = arith.constant 96 : index
          %get3A_688 = tpu.vector_load %arg15[%get3A_686, %get3A_687] {strides = array<i32>} : memref<80x128xf32, #tpu.memory_space<vmem>>, vector<1x16xf32>,
          %get3A_689 = vector.shape_cast %get3A_688 : vector<1x16xf32> to vector<16xf32>
          %get3A_690 = arith.index_cast %scan3A_583 : i32 to index
          %get3A_691 = arith.constant 96 : index
          %get3A_692 = tpu.vector_load %arg17[%get3A_690, %get3A_691] {strides = array<i32>} : memref<80x128xf32, #tpu.memory_space<vmem>>, vector<1x16xf32>,
          %get3A_693 = vector.shape_cast %get3A_692 : vector<1x16xf32> to vector<16xf32>
          %add3A_694 = arith.addf %get3A_689, %get3A_693 : vector<16xf32>
          %max3A_695 = arith.constant 0.000000e+00 : f32
          %max3A_696 = vector.broadcast %max3A_695 : f32 to vector<16xf32>
          %max3A_697 = arith.maximumf %add3A_694, %max3A_696 : vector<16xf32>
          %swap3A_698 = arith.index_cast %scan3A_583 : i32 to index
          %swap3A_699 = arith.constant 96 : index
          %swap3A_700 = tpu.vector_load %arg15[%swap3A_698, %swap3A_699] {strides = array<i32>} : memref<80x128xf32, #tpu.memory_space<vmem>>, vector<1x16xf32>,
          %swap3A_701 = vector.shape_cast %swap3A_700 : vector<1x16xf32> to vector<16xf32>
          %swap3A_702 = vector.shape_cast %max3A_697 : vector<16xf32> to vector<1x16xf32>
          tpu.vector_store %arg15[%swap3A_698, %swap3A_699], %swap3A_702 {strides = array<i32>} : memref<80x128xf32, #tpu.memory_space<vmem>>, vector<1x16xf32>,
          %get3A_703 = arith.index_cast %scan3A_583 : i32 to index
          %get3A_704 = arith.constant 112 : index
          %get3A_705 = tpu.vector_load %arg15[%get3A_703, %get3A_704] {strides = array<i32>} : memref<80x128xf32, #tpu.memory_space<vmem>>, vector<1x16xf32>,
          %get3A_706 = vector.shape_cast %get3A_705 : vector<1x16xf32> to vector<16xf32>
          %get3A_707 = arith.index_cast %scan3A_583 : i32 to index
          %get3A_708 = arith.constant 112 : index
          %get3A_709 = tpu.vector_load %arg17[%get3A_707, %get3A_708] {strides = array<i32>} : memref<80x128xf32, #tpu.memory_space<vmem>>, vector<1x16xf32>,
          %get3A_710 = vector.shape_cast %get3A_709 : vector<1x16xf32> to vector<16xf32>
          %add3A_711 = arith.addf %get3A_706, %get3A_710 : vector<16xf32>
          %max3A_712 = arith.constant 0.000000e+00 : f32
          %max3A_713 = vector.broadcast %max3A_712 : f32 to vector<16xf32>
          %max3A_714 = arith.maximumf %add3A_711, %max3A_713 : vector<16xf32>
          %swap3A_715 = arith.index_cast %scan3A_583 : i32 to index
          %swap3A_716 = arith.constant 112 : index
          %swap3A_717 = tpu.vector_load %arg15[%swap3A_715, %swap3A_716] {strides = array<i32>} : memref<80x128xf32, #tpu.memory_space<vmem>>, vector<1x16xf32>,
          %swap3A_718 = vector.shape_cast %swap3A_717 : vector<1x16xf32> to vector<16xf32>
          %swap3A_719 = vector.shape_cast %max3A_714 : vector<16xf32> to vector<1x16xf32>
          tpu.vector_store %arg15[%swap3A_715, %swap3A_716], %swap3A_719 {strides = array<i32>} : memref<80x128xf32, #tpu.memory_space<vmem>>, vector<1x16xf32>,
          %scan3A_720 = arith.constant 0 : i32
          scf.yield %scan3A_720 : i32
        }
        %scan3A_167 = arith.constant 80 : i32
        "tpu.region"() ({
          %run_scoped3A = tpu.sem_alloc : memref<!tpu.dma_semaphore, #tpu.memory_space<semaphore_mem>>
          %dma_start3A_168 = arith.constant 0 : i32
          %dma_start3A_169 = arith.constant 0 : i32
          %dma_start3A_170 = tpu.memref_slice %arg19[%dma_start3A_168, %dma_start3A_169] : memref<10240x128xf32, #tpu.memory_space<vmem_shared>> -> memref<10240x128xf32, #tpu.memory_space<vmem_shared>>
          tpu.enqueue_indirect_dma source(%arg15 : memref<80x128xf32, #tpu.memory_space<vmem>>) target(%dma_start3A_170 : memref<10240x128xf32, #tpu.memory_space<vmem_shared>>) offsets(%arg13 : memref<80xi32, #tpu.memory_space<vmem>>) semaphore(%run_scoped3A : memref<!tpu.dma_semaphore, #tpu.memory_space<semaphore_mem>>) {add = true}
          %dma_wait3A_171 = arith.constant 0 : i32
          %dma_wait3A_172 = arith.constant 0 : i32
          %dma_wait3A_173 = tpu.memref_slice %arg19[%dma_wait3A_171, %dma_wait3A_172] : memref<10240x128xf32, #tpu.memory_space<vmem_shared>> -> memref<10240x128xf32, #tpu.memory_space<vmem_shared>>
          tpu.wait_indirect_dma semaphore(%run_scoped3A : memref<!tpu.dma_semaphore, #tpu.memory_space<semaphore_mem>>) src(%arg15 : memref<80x128xf32, #tpu.memory_space<vmem>>) dst(%dma_wait3A_173 : memref<10240x128xf32, #tpu.memory_space<vmem_shared>>)
          tpu.yield
        }) : () -> ()
      } else {
      }
      %add3A_130 = arith.constant 3 : i32
      %add3A_131 = arith.addi %mul3A_69, %add3A_130 : i32
      %add3A_132 = arith.constant 2 : i32
      %add3A_133 = arith.addi %add3A_131, %add3A_132 : i32
      %lt3A_134 = arith.constant 125 : i32
      %lt3A_135 = arith.cmpi slt, %add3A_133, %lt3A_134 : i32
      %convert_element_type3A_136 = arith.extui %lt3A_135 : i1 to i32
      %cond3A_137 = arith.constant 0 : i32
      %cond3A_138 = arith.cmpi ne, %convert_element_type3A_136, %cond3A_137 : i32
      scf.if %cond3A_138 {
        %add3A_152 = arith.constant 2 : i32
        %add3A_153 = arith.addi %add3A_131, %add3A_152 : i32
        %mul3A_154 = arith.constant 32 : i32
        %mul3A_155 = arith.muli %add3A_153, %mul3A_154 : i32
        %add3A_156 = arith.addi %add3A, %mul3A_155 : i32
        %mul3A_157 = arith.constant 80 : i32
        %mul3A_158 = arith.muli %add3A_156, %mul3A_157 : i32
        %dma_start3A_159 = tpu.memref_slice %arg2[%mul3A_158] : memref<320000xi32, #tpu.memory_space<hbm>> -> memref<80xi32, #tpu.memory_space<hbm>>
        %dma_start3A_160 = tpu.memref_slice %arg2[%mul3A_158] : memref<320000xi32, #tpu.memory_space<hbm>> -> memref<80xi32, #tpu.memory_space<hbm>>
        tpu.enqueue_dma source(%dma_start3A_160 : memref<80xi32, #tpu.memory_space<hbm>>) target(%arg8 : memref<80xi32, #tpu.memory_space<vmem>>) target_semaphore(%arg21 : memref<!tpu.dma_semaphore, #tpu.memory_space<semaphore_mem>>)
        %dma_start3A_161 = tpu.memref_slice %arg3[%mul3A_158] : memref<320000xi32, #tpu.memory_space<hbm>> -> memref<80xi32, #tpu.memory_space<hbm>>
        %dma_start3A_162 = tpu.memref_slice %arg3[%mul3A_158] : memref<320000xi32, #tpu.memory_space<hbm>> -> memref<80xi32, #tpu.memory_space<hbm>>
        tpu.enqueue_dma source(%dma_start3A_162 : memref<80xi32, #tpu.memory_space<hbm>>) target(%arg12 : memref<80xi32, #tpu.memory_space<vmem>>) target_semaphore(%arg21 : memref<!tpu.dma_semaphore, #tpu.memory_space<semaphore_mem>>)
      } else {
      }
      %add3A_139 = arith.constant 1 : i32
      %add3A_140 = arith.addi %add3A_131, %add3A_139 : i32
      %lt3A_141 = arith.constant 125 : i32
      %lt3A_142 = arith.cmpi slt, %add3A_140, %lt3A_141 : i32
      %convert_element_type3A_143 = arith.extui %lt3A_142 : i1 to i32
      %cond3A_144 = arith.constant 0 : i32
      %cond3A_145 = arith.cmpi ne, %convert_element_type3A_143, %cond3A_144 : i32
      scf.if %cond3A_145 {
        %dma_wait3A_152 = arith.constant 0 : i32
        %dma_wait3A_153 = tpu.memref_slice %arg2[%dma_wait3A_152] : memref<320000xi32, #tpu.memory_space<hbm>> -> memref<80xi32, #tpu.memory_space<hbm>>
        %dma_wait3A_154 = arith.constant 0 : i32
        %dma_wait3A_155 = tpu.memref_slice %arg2[%dma_wait3A_154] : memref<320000xi32, #tpu.memory_space<hbm>> -> memref<80xi32, #tpu.memory_space<hbm>>
        tpu.wait_dma2 semaphore(%arg20 : memref<!tpu.dma_semaphore, #tpu.memory_space<semaphore_mem>>) src(%dma_wait3A_155 : memref<80xi32, #tpu.memory_space<hbm>>) dst(%arg7 : memref<80xi32, #tpu.memory_space<vmem>>)
        %dma_wait3A_156 = arith.constant 0 : i32
        %dma_wait3A_157 = tpu.memref_slice %arg3[%dma_wait3A_156] : memref<320000xi32, #tpu.memory_space<hbm>> -> memref<80xi32, #tpu.memory_space<hbm>>
        %dma_wait3A_158 = arith.constant 0 : i32
        %dma_wait3A_159 = tpu.memref_slice %arg3[%dma_wait3A_158] : memref<320000xi32, #tpu.memory_space<hbm>> -> memref<80xi32, #tpu.memory_space<hbm>>
        tpu.wait_dma2 semaphore(%arg20 : memref<!tpu.dma_semaphore, #tpu.memory_space<semaphore_mem>>) src(%dma_wait3A_159 : memref<80xi32, #tpu.memory_space<hbm>>) dst(%arg11 : memref<80xi32, #tpu.memory_space<vmem>>)
        %add3A_160 = arith.constant 1 : i32
        %add3A_161 = arith.addi %add3A_131, %add3A_160 : i32
        %dma_start3A_162 = arith.constant 0 : i32
        %dma_start3A_163 = arith.constant 0 : i32
        %dma_start3A_164 = tpu.memref_slice %arg5[%dma_start3A_162, %dma_start3A_163] : memref<10000x128xf32, #tpu.memory_space<hbm>> -> memref<10000x128xf32, #tpu.memory_space<hbm>>
        tpu.enqueue_indirect_dma source(%dma_start3A_164 : memref<10000x128xf32, #tpu.memory_space<hbm>>) target(%arg17 : memref<80x128xf32, #tpu.memory_space<vmem>>) offsets(%arg7 : memref<80xi32, #tpu.memory_space<vmem>>) semaphore(%arg26 : memref<!tpu.dma_semaphore, #tpu.memory_space<semaphore_mem>>)
        %mul3A_165 = arith.constant 32 : i32
        %mul3A_166 = arith.muli %add3A_161, %mul3A_165 : i32
        %add3A_167 = arith.addi %add3A, %mul3A_166 : i32
        %mul3A_168 = arith.constant 80 : i32
        %mul3A_169 = arith.muli %add3A_167, %mul3A_168 : i32
        %dma_start3A_170 = arith.constant 0 : i32
        %dma_start3A_171 = tpu.memref_slice %arg4[%mul3A_169, %dma_start3A_170] : memref<320000x128xf32, #tpu.memory_space<hbm>> -> memref<80x128xf32, #tpu.memory_space<hbm>>
        %dma_start3A_172 = arith.constant 0 : i32
        %dma_start3A_173 = tpu.memref_slice %arg4[%mul3A_169, %dma_start3A_172] : memref<320000x128xf32, #tpu.memory_space<hbm>> -> memref<80x128xf32, #tpu.memory_space<hbm>>
        tpu.enqueue_dma source(%dma_start3A_173 : memref<80x128xf32, #tpu.memory_space<hbm>>) target(%arg15 : memref<80x128xf32, #tpu.memory_space<vmem>>) target_semaphore(%arg24 : memref<!tpu.dma_semaphore, #tpu.memory_space<semaphore_mem>>)
      } else {
      }
      %lt3A_146 = arith.constant 125 : i32
      %lt3A_147 = arith.cmpi slt, %add3A_131, %lt3A_146 : i32
      %convert_element_type3A_148 = arith.extui %lt3A_147 : i1 to i32
      %cond3A_149 = arith.constant 0 : i32
      %cond3A_150 = arith.cmpi ne, %convert_element_type3A_148, %cond3A_149 : i32
      scf.if %cond3A_150 {
        %dma_wait3A_152 = arith.constant 0 : i32
        %dma_wait3A_153 = arith.constant 0 : i32
        %dma_wait3A_154 = tpu.memref_slice %arg5[%dma_wait3A_152, %dma_wait3A_153] : memref<10000x128xf32, #tpu.memory_space<hbm>> -> memref<10000x128xf32, #tpu.memory_space<hbm>>
        tpu.wait_indirect_dma semaphore(%arg27 : memref<!tpu.dma_semaphore, #tpu.memory_space<semaphore_mem>>) src(%dma_wait3A_154 : memref<10000x128xf32, #tpu.memory_space<hbm>>) dst(%arg18 : memref<80x128xf32, #tpu.memory_space<vmem>>)
        %dma_wait3A_155 = arith.constant 0 : i32
        %dma_wait3A_156 = arith.constant 0 : i32
        %dma_wait3A_157 = tpu.memref_slice %arg4[%dma_wait3A_155, %dma_wait3A_156] : memref<320000x128xf32, #tpu.memory_space<hbm>> -> memref<80x128xf32, #tpu.memory_space<hbm>>
        %dma_wait3A_158 = arith.constant 0 : i32
        %dma_wait3A_159 = arith.constant 0 : i32
        %dma_wait3A_160 = tpu.memref_slice %arg4[%dma_wait3A_158, %dma_wait3A_159] : memref<320000x128xf32, #tpu.memory_space<hbm>> -> memref<80x128xf32, #tpu.memory_space<hbm>>
        tpu.wait_dma2 semaphore(%arg25 : memref<!tpu.dma_semaphore, #tpu.memory_space<semaphore_mem>>) src(%dma_wait3A_160 : memref<80x128xf32, #tpu.memory_space<hbm>>) dst(%arg16 : memref<80x128xf32, #tpu.memory_space<vmem>>)
        %scan3A_161 = arith.constant 0 : i32
        %scan3A_162 = arith.constant 0 : i32
        %scan3A_163 = arith.constant 80 : i32
        %scan3A_164 = arith.addi %scan3A_162, %scan3A_163 : i32
        %scan3A_165 = arith.constant 4 : i32
        %scan3A_166 = scf.for %scan3A_168 = %scan3A_162 to %scan3A_164 step %scan3A_165 iter_args(%scan3A_169 = %scan3A_161) -> (i32)  : i32 {
          %get3A = arith.index_cast %scan3A_168 : i32 to index
          %get3A_170 = arith.constant 0 : index
          %get3A_171 = tpu.vector_load %arg16[%get3A, %get3A_170] {strides = array<i32>} : memref<80x128xf32, #tpu.memory_space<vmem>>, vector<1x16xf32>,
          %get3A_172 = vector.shape_cast %get3A_171 : vector<1x16xf32> to vector<16xf32>
          %get3A_173 = arith.index_cast %scan3A_168 : i32 to index
          %get3A_174 = arith.constant 0 : index
          %get3A_175 = tpu.vector_load %arg18[%get3A_173, %get3A_174] {strides = array<i32>} : memref<80x128xf32, #tpu.memory_space<vmem>>, vector<1x16xf32>,
          %get3A_176 = vector.shape_cast %get3A_175 : vector<1x16xf32> to vector<16xf32>
          %add3A_177 = arith.addf %get3A_172, %get3A_176 : vector<16xf32>
          %max3A = arith.constant 0.000000e+00 : f32
          %max3A_178 = vector.broadcast %max3A : f32 to vector<16xf32>
          %max3A_179 = arith.maximumf %add3A_177, %max3A_178 : vector<16xf32>
          %swap3A = arith.index_cast %scan3A_168 : i32 to index
          %swap3A_180 = arith.constant 0 : index
          %swap3A_181 = tpu.vector_load %arg16[%swap3A, %swap3A_180] {strides = array<i32>} : memref<80x128xf32, #tpu.memory_space<vmem>>, vector<1x16xf32>,
          %swap3A_182 = vector.shape_cast %swap3A_181 : vector<1x16xf32> to vector<16xf32>
          %swap3A_183 = vector.shape_cast %max3A_179 : vector<16xf32> to vector<1x16xf32>
          tpu.vector_store %arg16[%swap3A, %swap3A_180], %swap3A_183 {strides = array<i32>} : memref<80x128xf32, #tpu.memory_space<vmem>>, vector<1x16xf32>,
          %get3A_184 = arith.index_cast %scan3A_168 : i32 to index
          %get3A_185 = arith.constant 16 : index
          %get3A_186 = tpu.vector_load %arg16[%get3A_184, %get3A_185] {strides = array<i32>} : memref<80x128xf32, #tpu.memory_space<vmem>>, vector<1x16xf32>,
          %get3A_187 = vector.shape_cast %get3A_186 : vector<1x16xf32> to vector<16xf32>
          %get3A_188 = arith.index_cast %scan3A_168 : i32 to index
          %get3A_189 = arith.constant 16 : index
          %get3A_190 = tpu.vector_load %arg18[%get3A_188, %get3A_189] {strides = array<i32>} : memref<80x128xf32, #tpu.memory_space<vmem>>, vector<1x16xf32>,
          %get3A_191 = vector.shape_cast %get3A_190 : vector<1x16xf32> to vector<16xf32>
          %add3A_192 = arith.addf %get3A_187, %get3A_191 : vector<16xf32>
          %max3A_193 = arith.constant 0.000000e+00 : f32
          %max3A_194 = vector.broadcast %max3A_193 : f32 to vector<16xf32>
          %max3A_195 = arith.maximumf %add3A_192, %max3A_194 : vector<16xf32>
          %swap3A_196 = arith.index_cast %scan3A_168 : i32 to index
          %swap3A_197 = arith.constant 16 : index
          %swap3A_198 = tpu.vector_load %arg16[%swap3A_196, %swap3A_197] {strides = array<i32>} : memref<80x128xf32, #tpu.memory_space<vmem>>, vector<1x16xf32>,
          %swap3A_199 = vector.shape_cast %swap3A_198 : vector<1x16xf32> to vector<16xf32>
          %swap3A_200 = vector.shape_cast %max3A_195 : vector<16xf32> to vector<1x16xf32>
          tpu.vector_store %arg16[%swap3A_196, %swap3A_197], %swap3A_200 {strides = array<i32>} : memref<80x128xf32, #tpu.memory_space<vmem>>, vector<1x16xf32>,
          %get3A_201 = arith.index_cast %scan3A_168 : i32 to index
          %get3A_202 = arith.constant 32 : index
          %get3A_203 = tpu.vector_load %arg16[%get3A_201, %get3A_202] {strides = array<i32>} : memref<80x128xf32, #tpu.memory_space<vmem>>, vector<1x16xf32>,
          %get3A_204 = vector.shape_cast %get3A_203 : vector<1x16xf32> to vector<16xf32>
          %get3A_205 = arith.index_cast %scan3A_168 : i32 to index
          %get3A_206 = arith.constant 32 : index
          %get3A_207 = tpu.vector_load %arg18[%get3A_205, %get3A_206] {strides = array<i32>} : memref<80x128xf32, #tpu.memory_space<vmem>>, vector<1x16xf32>,
          %get3A_208 = vector.shape_cast %get3A_207 : vector<1x16xf32> to vector<16xf32>
          %add3A_209 = arith.addf %get3A_204, %get3A_208 : vector<16xf32>
          %max3A_210 = arith.constant 0.000000e+00 : f32
          %max3A_211 = vector.broadcast %max3A_210 : f32 to vector<16xf32>
          %max3A_212 = arith.maximumf %add3A_209, %max3A_211 : vector<16xf32>
          %swap3A_213 = arith.index_cast %scan3A_168 : i32 to index
          %swap3A_214 = arith.constant 32 : index
          %swap3A_215 = tpu.vector_load %arg16[%swap3A_213, %swap3A_214] {strides = array<i32>} : memref<80x128xf32, #tpu.memory_space<vmem>>, vector<1x16xf32>,
          %swap3A_216 = vector.shape_cast %swap3A_215 : vector<1x16xf32> to vector<16xf32>
          %swap3A_217 = vector.shape_cast %max3A_212 : vector<16xf32> to vector<1x16xf32>
          tpu.vector_store %arg16[%swap3A_213, %swap3A_214], %swap3A_217 {strides = array<i32>} : memref<80x128xf32, #tpu.memory_space<vmem>>, vector<1x16xf32>,
          %get3A_218 = arith.index_cast %scan3A_168 : i32 to index
          %get3A_219 = arith.constant 48 : index
          %get3A_220 = tpu.vector_load %arg16[%get3A_218, %get3A_219] {strides = array<i32>} : memref<80x128xf32, #tpu.memory_space<vmem>>, vector<1x16xf32>,
          %get3A_221 = vector.shape_cast %get3A_220 : vector<1x16xf32> to vector<16xf32>
          %get3A_222 = arith.index_cast %scan3A_168 : i32 to index
          %get3A_223 = arith.constant 48 : index
          %get3A_224 = tpu.vector_load %arg18[%get3A_222, %get3A_223] {strides = array<i32>} : memref<80x128xf32, #tpu.memory_space<vmem>>, vector<1x16xf32>,
          %get3A_225 = vector.shape_cast %get3A_224 : vector<1x16xf32> to vector<16xf32>
          %add3A_226 = arith.addf %get3A_221, %get3A_225 : vector<16xf32>
          %max3A_227 = arith.constant 0.000000e+00 : f32
          %max3A_228 = vector.broadcast %max3A_227 : f32 to vector<16xf32>
          %max3A_229 = arith.maximumf %add3A_226, %max3A_228 : vector<16xf32>
          %swap3A_230 = arith.index_cast %scan3A_168 : i32 to index
          %swap3A_231 = arith.constant 48 : index
          %swap3A_232 = tpu.vector_load %arg16[%swap3A_230, %swap3A_231] {strides = array<i32>} : memref<80x128xf32, #tpu.memory_space<vmem>>, vector<1x16xf32>,
          %swap3A_233 = vector.shape_cast %swap3A_232 : vector<1x16xf32> to vector<16xf32>
          %swap3A_234 = vector.shape_cast %max3A_229 : vector<16xf32> to vector<1x16xf32>
          tpu.vector_store %arg16[%swap3A_230, %swap3A_231], %swap3A_234 {strides = array<i32>} : memref<80x128xf32, #tpu.memory_space<vmem>>, vector<1x16xf32>,
          %get3A_235 = arith.index_cast %scan3A_168 : i32 to index
          %get3A_236 = arith.constant 64 : index
          %get3A_237 = tpu.vector_load %arg16[%get3A_235, %get3A_236] {strides = array<i32>} : memref<80x128xf32, #tpu.memory_space<vmem>>, vector<1x16xf32>,
          %get3A_238 = vector.shape_cast %get3A_237 : vector<1x16xf32> to vector<16xf32>
          %get3A_239 = arith.index_cast %scan3A_168 : i32 to index
          %get3A_240 = arith.constant 64 : index
          %get3A_241 = tpu.vector_load %arg18[%get3A_239, %get3A_240] {strides = array<i32>} : memref<80x128xf32, #tpu.memory_space<vmem>>, vector<1x16xf32>,
          %get3A_242 = vector.shape_cast %get3A_241 : vector<1x16xf32> to vector<16xf32>
          %add3A_243 = arith.addf %get3A_238, %get3A_242 : vector<16xf32>
          %max3A_244 = arith.constant 0.000000e+00 : f32
          %max3A_245 = vector.broadcast %max3A_244 : f32 to vector<16xf32>
          %max3A_246 = arith.maximumf %add3A_243, %max3A_245 : vector<16xf32>
          %swap3A_247 = arith.index_cast %scan3A_168 : i32 to index
          %swap3A_248 = arith.constant 64 : index
          %swap3A_249 = tpu.vector_load %arg16[%swap3A_247, %swap3A_248] {strides = array<i32>} : memref<80x128xf32, #tpu.memory_space<vmem>>, vector<1x16xf32>,
          %swap3A_250 = vector.shape_cast %swap3A_249 : vector<1x16xf32> to vector<16xf32>
          %swap3A_251 = vector.shape_cast %max3A_246 : vector<16xf32> to vector<1x16xf32>
          tpu.vector_store %arg16[%swap3A_247, %swap3A_248], %swap3A_251 {strides = array<i32>} : memref<80x128xf32, #tpu.memory_space<vmem>>, vector<1x16xf32>,
          %get3A_252 = arith.index_cast %scan3A_168 : i32 to index
          %get3A_253 = arith.constant 80 : index
          %get3A_254 = tpu.vector_load %arg16[%get3A_252, %get3A_253] {strides = array<i32>} : memref<80x128xf32, #tpu.memory_space<vmem>>, vector<1x16xf32>,
          %get3A_255 = vector.shape_cast %get3A_254 : vector<1x16xf32> to vector<16xf32>
          %get3A_256 = arith.index_cast %scan3A_168 : i32 to index
          %get3A_257 = arith.constant 80 : index
          %get3A_258 = tpu.vector_load %arg18[%get3A_256, %get3A_257] {strides = array<i32>} : memref<80x128xf32, #tpu.memory_space<vmem>>, vector<1x16xf32>,
          %get3A_259 = vector.shape_cast %get3A_258 : vector<1x16xf32> to vector<16xf32>
          %add3A_260 = arith.addf %get3A_255, %get3A_259 : vector<16xf32>
          %max3A_261 = arith.constant 0.000000e+00 : f32
          %max3A_262 = vector.broadcast %max3A_261 : f32 to vector<16xf32>
          %max3A_263 = arith.maximumf %add3A_260, %max3A_262 : vector<16xf32>
          %swap3A_264 = arith.index_cast %scan3A_168 : i32 to index
          %swap3A_265 = arith.constant 80 : index
          %swap3A_266 = tpu.vector_load %arg16[%swap3A_264, %swap3A_265] {strides = array<i32>} : memref<80x128xf32, #tpu.memory_space<vmem>>, vector<1x16xf32>,
          %swap3A_267 = vector.shape_cast %swap3A_266 : vector<1x16xf32> to vector<16xf32>
          %swap3A_268 = vector.shape_cast %max3A_263 : vector<16xf32> to vector<1x16xf32>
          tpu.vector_store %arg16[%swap3A_264, %swap3A_265], %swap3A_268 {strides = array<i32>} : memref<80x128xf32, #tpu.memory_space<vmem>>, vector<1x16xf32>,
          %get3A_269 = arith.index_cast %scan3A_168 : i32 to index
          %get3A_270 = arith.constant 96 : index
          %get3A_271 = tpu.vector_load %arg16[%get3A_269, %get3A_270] {strides = array<i32>} : memref<80x128xf32, #tpu.memory_space<vmem>>, vector<1x16xf32>,
          %get3A_272 = vector.shape_cast %get3A_271 : vector<1x16xf32> to vector<16xf32>
          %get3A_273 = arith.index_cast %scan3A_168 : i32 to index
          %get3A_274 = arith.constant 96 : index
          %get3A_275 = tpu.vector_load %arg18[%get3A_273, %get3A_274] {strides = array<i32>} : memref<80x128xf32, #tpu.memory_space<vmem>>, vector<1x16xf32>,
          %get3A_276 = vector.shape_cast %get3A_275 : vector<1x16xf32> to vector<16xf32>
          %add3A_277 = arith.addf %get3A_272, %get3A_276 : vector<16xf32>
          %max3A_278 = arith.constant 0.000000e+00 : f32
          %max3A_279 = vector.broadcast %max3A_278 : f32 to vector<16xf32>
          %max3A_280 = arith.maximumf %add3A_277, %max3A_279 : vector<16xf32>
          %swap3A_281 = arith.index_cast %scan3A_168 : i32 to index
          %swap3A_282 = arith.constant 96 : index
          %swap3A_283 = tpu.vector_load %arg16[%swap3A_281, %swap3A_282] {strides = array<i32>} : memref<80x128xf32, #tpu.memory_space<vmem>>, vector<1x16xf32>,
          %swap3A_284 = vector.shape_cast %swap3A_283 : vector<1x16xf32> to vector<16xf32>
          %swap3A_285 = vector.shape_cast %max3A_280 : vector<16xf32> to vector<1x16xf32>
          tpu.vector_store %arg16[%swap3A_281, %swap3A_282], %swap3A_285 {strides = array<i32>} : memref<80x128xf32, #tpu.memory_space<vmem>>, vector<1x16xf32>,
          %get3A_286 = arith.index_cast %scan3A_168 : i32 to index
          %get3A_287 = arith.constant 112 : index
          %get3A_288 = tpu.vector_load %arg16[%get3A_286, %get3A_287] {strides = array<i32>} : memref<80x128xf32, #tpu.memory_space<vmem>>, vector<1x16xf32>,
          %get3A_289 = vector.shape_cast %get3A_288 : vector<1x16xf32> to vector<16xf32>
          %get3A_290 = arith.index_cast %scan3A_168 : i32 to index
          %get3A_291 = arith.constant 112 : index
          %get3A_292 = tpu.vector_load %arg18[%get3A_290, %get3A_291] {strides = array<i32>} : memref<80x128xf32, #tpu.memory_space<vmem>>, vector<1x16xf32>,
          %get3A_293 = vector.shape_cast %get3A_292 : vector<1x16xf32> to vector<16xf32>
          %add3A_294 = arith.addf %get3A_289, %get3A_293 : vector<16xf32>
          %max3A_295 = arith.constant 0.000000e+00 : f32
          %max3A_296 = vector.broadcast %max3A_295 : f32 to vector<16xf32>
          %max3A_297 = arith.maximumf %add3A_294, %max3A_296 : vector<16xf32>
          %swap3A_298 = arith.index_cast %scan3A_168 : i32 to index
          %swap3A_299 = arith.constant 112 : index
          %swap3A_300 = tpu.vector_load %arg16[%swap3A_298, %swap3A_299] {strides = array<i32>} : memref<80x128xf32, #tpu.memory_space<vmem>>, vector<1x16xf32>,
          %swap3A_301 = vector.shape_cast %swap3A_300 : vector<1x16xf32> to vector<16xf32>
          %swap3A_302 = vector.shape_cast %max3A_297 : vector<16xf32> to vector<1x16xf32>
          tpu.vector_store %arg16[%swap3A_298, %swap3A_299], %swap3A_302 {strides = array<i32>} : memref<80x128xf32, #tpu.memory_space<vmem>>, vector<1x16xf32>,
          %scan3A_303 = arith.constant 0 : i32
          %scan3A_304 = arith.constant 1 : i32
          %scan3A_305 = arith.addi %scan3A_168, %scan3A_304 : i32
          %get3A_306 = arith.index_cast %scan3A_305 : i32 to index
          %get3A_307 = arith.constant 0 : index
          %get3A_308 = tpu.vector_load %arg16[%get3A_306, %get3A_307] {strides = array<i32>} : memref<80x128xf32, #tpu.memory_space<vmem>>, vector<1x16xf32>,
          %get3A_309 = vector.shape_cast %get3A_308 : vector<1x16xf32> to vector<16xf32>
          %get3A_310 = arith.index_cast %scan3A_305 : i32 to index
          %get3A_311 = arith.constant 0 : index
          %get3A_312 = tpu.vector_load %arg18[%get3A_310, %get3A_311] {strides = array<i32>} : memref<80x128xf32, #tpu.memory_space<vmem>>, vector<1x16xf32>,
          %get3A_313 = vector.shape_cast %get3A_312 : vector<1x16xf32> to vector<16xf32>
          %add3A_314 = arith.addf %get3A_309, %get3A_313 : vector<16xf32>
          %max3A_315 = arith.constant 0.000000e+00 : f32
          %max3A_316 = vector.broadcast %max3A_315 : f32 to vector<16xf32>
          %max3A_317 = arith.maximumf %add3A_314, %max3A_316 : vector<16xf32>
          %swap3A_318 = arith.index_cast %scan3A_305 : i32 to index
          %swap3A_319 = arith.constant 0 : index
          %swap3A_320 = tpu.vector_load %arg16[%swap3A_318, %swap3A_319] {strides = array<i32>} : memref<80x128xf32, #tpu.memory_space<vmem>>, vector<1x16xf32>,
          %swap3A_321 = vector.shape_cast %swap3A_320 : vector<1x16xf32> to vector<16xf32>
          %swap3A_322 = vector.shape_cast %max3A_317 : vector<16xf32> to vector<1x16xf32>
          tpu.vector_store %arg16[%swap3A_318, %swap3A_319], %swap3A_322 {strides = array<i32>} : memref<80x128xf32, #tpu.memory_space<vmem>>, vector<1x16xf32>,
          %get3A_323 = arith.index_cast %scan3A_305 : i32 to index
          %get3A_324 = arith.constant 16 : index
          %get3A_325 = tpu.vector_load %arg16[%get3A_323, %get3A_324] {strides = array<i32>} : memref<80x128xf32, #tpu.memory_space<vmem>>, vector<1x16xf32>,
          %get3A_326 = vector.shape_cast %get3A_325 : vector<1x16xf32> to vector<16xf32>
          %get3A_327 = arith.index_cast %scan3A_305 : i32 to index
          %get3A_328 = arith.constant 16 : index
          %get3A_329 = tpu.vector_load %arg18[%get3A_327, %get3A_328] {strides = array<i32>} : memref<80x128xf32, #tpu.memory_space<vmem>>, vector<1x16xf32>,
          %get3A_330 = vector.shape_cast %get3A_329 : vector<1x16xf32> to vector<16xf32>
          %add3A_331 = arith.addf %get3A_326, %get3A_330 : vector<16xf32>
          %max3A_332 = arith.constant 0.000000e+00 : f32
          %max3A_333 = vector.broadcast %max3A_332 : f32 to vector<16xf32>
          %max3A_334 = arith.maximumf %add3A_331, %max3A_333 : vector<16xf32>
          %swap3A_335 = arith.index_cast %scan3A_305 : i32 to index
          %swap3A_336 = arith.constant 16 : index
          %swap3A_337 = tpu.vector_load %arg16[%swap3A_335, %swap3A_336] {strides = array<i32>} : memref<80x128xf32, #tpu.memory_space<vmem>>, vector<1x16xf32>,
          %swap3A_338 = vector.shape_cast %swap3A_337 : vector<1x16xf32> to vector<16xf32>
          %swap3A_339 = vector.shape_cast %max3A_334 : vector<16xf32> to vector<1x16xf32>
          tpu.vector_store %arg16[%swap3A_335, %swap3A_336], %swap3A_339 {strides = array<i32>} : memref<80x128xf32, #tpu.memory_space<vmem>>, vector<1x16xf32>,
          %get3A_340 = arith.index_cast %scan3A_305 : i32 to index
          %get3A_341 = arith.constant 32 : index
          %get3A_342 = tpu.vector_load %arg16[%get3A_340, %get3A_341] {strides = array<i32>} : memref<80x128xf32, #tpu.memory_space<vmem>>, vector<1x16xf32>,
          %get3A_343 = vector.shape_cast %get3A_342 : vector<1x16xf32> to vector<16xf32>
          %get3A_344 = arith.index_cast %scan3A_305 : i32 to index
          %get3A_345 = arith.constant 32 : index
          %get3A_346 = tpu.vector_load %arg18[%get3A_344, %get3A_345] {strides = array<i32>} : memref<80x128xf32, #tpu.memory_space<vmem>>, vector<1x16xf32>,
          %get3A_347 = vector.shape_cast %get3A_346 : vector<1x16xf32> to vector<16xf32>
          %add3A_348 = arith.addf %get3A_343, %get3A_347 : vector<16xf32>
          %max3A_349 = arith.constant 0.000000e+00 : f32
          %max3A_350 = vector.broadcast %max3A_349 : f32 to vector<16xf32>
          %max3A_351 = arith.maximumf %add3A_348, %max3A_350 : vector<16xf32>
          %swap3A_352 = arith.index_cast %scan3A_305 : i32 to index
          %swap3A_353 = arith.constant 32 : index
          %swap3A_354 = tpu.vector_load %arg16[%swap3A_352, %swap3A_353] {strides = array<i32>} : memref<80x128xf32, #tpu.memory_space<vmem>>, vector<1x16xf32>,
          %swap3A_355 = vector.shape_cast %swap3A_354 : vector<1x16xf32> to vector<16xf32>
          %swap3A_356 = vector.shape_cast %max3A_351 : vector<16xf32> to vector<1x16xf32>
          tpu.vector_store %arg16[%swap3A_352, %swap3A_353], %swap3A_356 {strides = array<i32>} : memref<80x128xf32, #tpu.memory_space<vmem>>, vector<1x16xf32>,
          %get3A_357 = arith.index_cast %scan3A_305 : i32 to index
          %get3A_358 = arith.constant 48 : index
          %get3A_359 = tpu.vector_load %arg16[%get3A_357, %get3A_358] {strides = array<i32>} : memref<80x128xf32, #tpu.memory_space<vmem>>, vector<1x16xf32>,
          %get3A_360 = vector.shape_cast %get3A_359 : vector<1x16xf32> to vector<16xf32>
          %get3A_361 = arith.index_cast %scan3A_305 : i32 to index
          %get3A_362 = arith.constant 48 : index
          %get3A_363 = tpu.vector_load %arg18[%get3A_361, %get3A_362] {strides = array<i32>} : memref<80x128xf32, #tpu.memory_space<vmem>>, vector<1x16xf32>,
          %get3A_364 = vector.shape_cast %get3A_363 : vector<1x16xf32> to vector<16xf32>
          %add3A_365 = arith.addf %get3A_360, %get3A_364 : vector<16xf32>
          %max3A_366 = arith.constant 0.000000e+00 : f32
          %max3A_367 = vector.broadcast %max3A_366 : f32 to vector<16xf32>
          %max3A_368 = arith.maximumf %add3A_365, %max3A_367 : vector<16xf32>
          %swap3A_369 = arith.index_cast %scan3A_305 : i32 to index
          %swap3A_370 = arith.constant 48 : index
          %swap3A_371 = tpu.vector_load %arg16[%swap3A_369, %swap3A_370] {strides = array<i32>} : memref<80x128xf32, #tpu.memory_space<vmem>>, vector<1x16xf32>,
          %swap3A_372 = vector.shape_cast %swap3A_371 : vector<1x16xf32> to vector<16xf32>
          %swap3A_373 = vector.shape_cast %max3A_368 : vector<16xf32> to vector<1x16xf32>
          tpu.vector_store %arg16[%swap3A_369, %swap3A_370], %swap3A_373 {strides = array<i32>} : memref<80x128xf32, #tpu.memory_space<vmem>>, vector<1x16xf32>,
          %get3A_374 = arith.index_cast %scan3A_305 : i32 to index
          %get3A_375 = arith.constant 64 : index
          %get3A_376 = tpu.vector_load %arg16[%get3A_374, %get3A_375] {strides = array<i32>} : memref<80x128xf32, #tpu.memory_space<vmem>>, vector<1x16xf32>,
          %get3A_377 = vector.shape_cast %get3A_376 : vector<1x16xf32> to vector<16xf32>
          %get3A_378 = arith.index_cast %scan3A_305 : i32 to index
          %get3A_379 = arith.constant 64 : index
          %get3A_380 = tpu.vector_load %arg18[%get3A_378, %get3A_379] {strides = array<i32>} : memref<80x128xf32, #tpu.memory_space<vmem>>, vector<1x16xf32>,
          %get3A_381 = vector.shape_cast %get3A_380 : vector<1x16xf32> to vector<16xf32>
          %add3A_382 = arith.addf %get3A_377, %get3A_381 : vector<16xf32>
          %max3A_383 = arith.constant 0.000000e+00 : f32
          %max3A_384 = vector.broadcast %max3A_383 : f32 to vector<16xf32>
          %max3A_385 = arith.maximumf %add3A_382, %max3A_384 : vector<16xf32>
          %swap3A_386 = arith.index_cast %scan3A_305 : i32 to index
          %swap3A_387 = arith.constant 64 : index
          %swap3A_388 = tpu.vector_load %arg16[%swap3A_386, %swap3A_387] {strides = array<i32>} : memref<80x128xf32, #tpu.memory_space<vmem>>, vector<1x16xf32>,
          %swap3A_389 = vector.shape_cast %swap3A_388 : vector<1x16xf32> to vector<16xf32>
          %swap3A_390 = vector.shape_cast %max3A_385 : vector<16xf32> to vector<1x16xf32>
          tpu.vector_store %arg16[%swap3A_386, %swap3A_387], %swap3A_390 {strides = array<i32>} : memref<80x128xf32, #tpu.memory_space<vmem>>, vector<1x16xf32>,
          %get3A_391 = arith.index_cast %scan3A_305 : i32 to index
          %get3A_392 = arith.constant 80 : index
          %get3A_393 = tpu.vector_load %arg16[%get3A_391, %get3A_392] {strides = array<i32>} : memref<80x128xf32, #tpu.memory_space<vmem>>, vector<1x16xf32>,
          %get3A_394 = vector.shape_cast %get3A_393 : vector<1x16xf32> to vector<16xf32>
          %get3A_395 = arith.index_cast %scan3A_305 : i32 to index
          %get3A_396 = arith.constant 80 : index
          %get3A_397 = tpu.vector_load %arg18[%get3A_395, %get3A_396] {strides = array<i32>} : memref<80x128xf32, #tpu.memory_space<vmem>>, vector<1x16xf32>,
          %get3A_398 = vector.shape_cast %get3A_397 : vector<1x16xf32> to vector<16xf32>
          %add3A_399 = arith.addf %get3A_394, %get3A_398 : vector<16xf32>
          %max3A_400 = arith.constant 0.000000e+00 : f32
          %max3A_401 = vector.broadcast %max3A_400 : f32 to vector<16xf32>
          %max3A_402 = arith.maximumf %add3A_399, %max3A_401 : vector<16xf32>
          %swap3A_403 = arith.index_cast %scan3A_305 : i32 to index
          %swap3A_404 = arith.constant 80 : index
          %swap3A_405 = tpu.vector_load %arg16[%swap3A_403, %swap3A_404] {strides = array<i32>} : memref<80x128xf32, #tpu.memory_space<vmem>>, vector<1x16xf32>,
          %swap3A_406 = vector.shape_cast %swap3A_405 : vector<1x16xf32> to vector<16xf32>
          %swap3A_407 = vector.shape_cast %max3A_402 : vector<16xf32> to vector<1x16xf32>
          tpu.vector_store %arg16[%swap3A_403, %swap3A_404], %swap3A_407 {strides = array<i32>} : memref<80x128xf32, #tpu.memory_space<vmem>>, vector<1x16xf32>,
          %get3A_408 = arith.index_cast %scan3A_305 : i32 to index
          %get3A_409 = arith.constant 96 : index
          %get3A_410 = tpu.vector_load %arg16[%get3A_408, %get3A_409] {strides = array<i32>} : memref<80x128xf32, #tpu.memory_space<vmem>>, vector<1x16xf32>,
          %get3A_411 = vector.shape_cast %get3A_410 : vector<1x16xf32> to vector<16xf32>
          %get3A_412 = arith.index_cast %scan3A_305 : i32 to index
          %get3A_413 = arith.constant 96 : index
          %get3A_414 = tpu.vector_load %arg18[%get3A_412, %get3A_413] {strides = array<i32>} : memref<80x128xf32, #tpu.memory_space<vmem>>, vector<1x16xf32>,
          %get3A_415 = vector.shape_cast %get3A_414 : vector<1x16xf32> to vector<16xf32>
          %add3A_416 = arith.addf %get3A_411, %get3A_415 : vector<16xf32>
          %max3A_417 = arith.constant 0.000000e+00 : f32
          %max3A_418 = vector.broadcast %max3A_417 : f32 to vector<16xf32>
          %max3A_419 = arith.maximumf %add3A_416, %max3A_418 : vector<16xf32>
          %swap3A_420 = arith.index_cast %scan3A_305 : i32 to index
          %swap3A_421 = arith.constant 96 : index
          %swap3A_422 = tpu.vector_load %arg16[%swap3A_420, %swap3A_421] {strides = array<i32>} : memref<80x128xf32, #tpu.memory_space<vmem>>, vector<1x16xf32>,
          %swap3A_423 = vector.shape_cast %swap3A_422 : vector<1x16xf32> to vector<16xf32>
          %swap3A_424 = vector.shape_cast %max3A_419 : vector<16xf32> to vector<1x16xf32>
          tpu.vector_store %arg16[%swap3A_420, %swap3A_421], %swap3A_424 {strides = array<i32>} : memref<80x128xf32, #tpu.memory_space<vmem>>, vector<1x16xf32>,
          %get3A_425 = arith.index_cast %scan3A_305 : i32 to index
          %get3A_426 = arith.constant 112 : index
          %get3A_427 = tpu.vector_load %arg16[%get3A_425, %get3A_426] {strides = array<i32>} : memref<80x128xf32, #tpu.memory_space<vmem>>, vector<1x16xf32>,
          %get3A_428 = vector.shape_cast %get3A_427 : vector<1x16xf32> to vector<16xf32>
          %get3A_429 = arith.index_cast %scan3A_305 : i32 to index
          %get3A_430 = arith.constant 112 : index
          %get3A_431 = tpu.vector_load %arg18[%get3A_429, %get3A_430] {strides = array<i32>} : memref<80x128xf32, #tpu.memory_space<vmem>>, vector<1x16xf32>,
          %get3A_432 = vector.shape_cast %get3A_431 : vector<1x16xf32> to vector<16xf32>
          %add3A_433 = arith.addf %get3A_428, %get3A_432 : vector<16xf32>
          %max3A_434 = arith.constant 0.000000e+00 : f32
          %max3A_435 = vector.broadcast %max3A_434 : f32 to vector<16xf32>
          %max3A_436 = arith.maximumf %add3A_433, %max3A_435 : vector<16xf32>
          %swap3A_437 = arith.index_cast %scan3A_305 : i32 to index
          %swap3A_438 = arith.constant 112 : index
          %swap3A_439 = tpu.vector_load %arg16[%swap3A_437, %swap3A_438] {strides = array<i32>} : memref<80x128xf32, #tpu.memory_space<vmem>>, vector<1x16xf32>,
          %swap3A_440 = vector.shape_cast %swap3A_439 : vector<1x16xf32> to vector<16xf32>
          %swap3A_441 = vector.shape_cast %max3A_436 : vector<16xf32> to vector<1x16xf32>
          tpu.vector_store %arg16[%swap3A_437, %swap3A_438], %swap3A_441 {strides = array<i32>} : memref<80x128xf32, #tpu.memory_space<vmem>>, vector<1x16xf32>,
          %scan3A_442 = arith.constant 0 : i32
          %scan3A_443 = arith.constant 2 : i32
          %scan3A_444 = arith.addi %scan3A_168, %scan3A_443 : i32
          %get3A_445 = arith.index_cast %scan3A_444 : i32 to index
          %get3A_446 = arith.constant 0 : index
          %get3A_447 = tpu.vector_load %arg16[%get3A_445, %get3A_446] {strides = array<i32>} : memref<80x128xf32, #tpu.memory_space<vmem>>, vector<1x16xf32>,
          %get3A_448 = vector.shape_cast %get3A_447 : vector<1x16xf32> to vector<16xf32>
          %get3A_449 = arith.index_cast %scan3A_444 : i32 to index
          %get3A_450 = arith.constant 0 : index
          %get3A_451 = tpu.vector_load %arg18[%get3A_449, %get3A_450] {strides = array<i32>} : memref<80x128xf32, #tpu.memory_space<vmem>>, vector<1x16xf32>,
          %get3A_452 = vector.shape_cast %get3A_451 : vector<1x16xf32> to vector<16xf32>
          %add3A_453 = arith.addf %get3A_448, %get3A_452 : vector<16xf32>
          %max3A_454 = arith.constant 0.000000e+00 : f32
          %max3A_455 = vector.broadcast %max3A_454 : f32 to vector<16xf32>
          %max3A_456 = arith.maximumf %add3A_453, %max3A_455 : vector<16xf32>
          %swap3A_457 = arith.index_cast %scan3A_444 : i32 to index
          %swap3A_458 = arith.constant 0 : index
          %swap3A_459 = tpu.vector_load %arg16[%swap3A_457, %swap3A_458] {strides = array<i32>} : memref<80x128xf32, #tpu.memory_space<vmem>>, vector<1x16xf32>,
          %swap3A_460 = vector.shape_cast %swap3A_459 : vector<1x16xf32> to vector<16xf32>
          %swap3A_461 = vector.shape_cast %max3A_456 : vector<16xf32> to vector<1x16xf32>
          tpu.vector_store %arg16[%swap3A_457, %swap3A_458], %swap3A_461 {strides = array<i32>} : memref<80x128xf32, #tpu.memory_space<vmem>>, vector<1x16xf32>,
          %get3A_462 = arith.index_cast %scan3A_444 : i32 to index
          %get3A_463 = arith.constant 16 : index
          %get3A_464 = tpu.vector_load %arg16[%get3A_462, %get3A_463] {strides = array<i32>} : memref<80x128xf32, #tpu.memory_space<vmem>>, vector<1x16xf32>,
          %get3A_465 = vector.shape_cast %get3A_464 : vector<1x16xf32> to vector<16xf32>
          %get3A_466 = arith.index_cast %scan3A_444 : i32 to index
          %get3A_467 = arith.constant 16 : index
          %get3A_468 = tpu.vector_load %arg18[%get3A_466, %get3A_467] {strides = array<i32>} : memref<80x128xf32, #tpu.memory_space<vmem>>, vector<1x16xf32>,
          %get3A_469 = vector.shape_cast %get3A_468 : vector<1x16xf32> to vector<16xf32>
          %add3A_470 = arith.addf %get3A_465, %get3A_469 : vector<16xf32>
          %max3A_471 = arith.constant 0.000000e+00 : f32
          %max3A_472 = vector.broadcast %max3A_471 : f32 to vector<16xf32>
          %max3A_473 = arith.maximumf %add3A_470, %max3A_472 : vector<16xf32>
          %swap3A_474 = arith.index_cast %scan3A_444 : i32 to index
          %swap3A_475 = arith.constant 16 : index
          %swap3A_476 = tpu.vector_load %arg16[%swap3A_474, %swap3A_475] {strides = array<i32>} : memref<80x128xf32, #tpu.memory_space<vmem>>, vector<1x16xf32>,
          %swap3A_477 = vector.shape_cast %swap3A_476 : vector<1x16xf32> to vector<16xf32>
          %swap3A_478 = vector.shape_cast %max3A_473 : vector<16xf32> to vector<1x16xf32>
          tpu.vector_store %arg16[%swap3A_474, %swap3A_475], %swap3A_478 {strides = array<i32>} : memref<80x128xf32, #tpu.memory_space<vmem>>, vector<1x16xf32>,
          %get3A_479 = arith.index_cast %scan3A_444 : i32 to index
          %get3A_480 = arith.constant 32 : index
          %get3A_481 = tpu.vector_load %arg16[%get3A_479, %get3A_480] {strides = array<i32>} : memref<80x128xf32, #tpu.memory_space<vmem>>, vector<1x16xf32>,
          %get3A_482 = vector.shape_cast %get3A_481 : vector<1x16xf32> to vector<16xf32>
          %get3A_483 = arith.index_cast %scan3A_444 : i32 to index
          %get3A_484 = arith.constant 32 : index
          %get3A_485 = tpu.vector_load %arg18[%get3A_483, %get3A_484] {strides = array<i32>} : memref<80x128xf32, #tpu.memory_space<vmem>>, vector<1x16xf32>,
          %get3A_486 = vector.shape_cast %get3A_485 : vector<1x16xf32> to vector<16xf32>
          %add3A_487 = arith.addf %get3A_482, %get3A_486 : vector<16xf32>
          %max3A_488 = arith.constant 0.000000e+00 : f32
          %max3A_489 = vector.broadcast %max3A_488 : f32 to vector<16xf32>
          %max3A_490 = arith.maximumf %add3A_487, %max3A_489 : vector<16xf32>
          %swap3A_491 = arith.index_cast %scan3A_444 : i32 to index
          %swap3A_492 = arith.constant 32 : index
          %swap3A_493 = tpu.vector_load %arg16[%swap3A_491, %swap3A_492] {strides = array<i32>} : memref<80x128xf32, #tpu.memory_space<vmem>>, vector<1x16xf32>,
          %swap3A_494 = vector.shape_cast %swap3A_493 : vector<1x16xf32> to vector<16xf32>
          %swap3A_495 = vector.shape_cast %max3A_490 : vector<16xf32> to vector<1x16xf32>
          tpu.vector_store %arg16[%swap3A_491, %swap3A_492], %swap3A_495 {strides = array<i32>} : memref<80x128xf32, #tpu.memory_space<vmem>>, vector<1x16xf32>,
          %get3A_496 = arith.index_cast %scan3A_444 : i32 to index
          %get3A_497 = arith.constant 48 : index
          %get3A_498 = tpu.vector_load %arg16[%get3A_496, %get3A_497] {strides = array<i32>} : memref<80x128xf32, #tpu.memory_space<vmem>>, vector<1x16xf32>,
          %get3A_499 = vector.shape_cast %get3A_498 : vector<1x16xf32> to vector<16xf32>
          %get3A_500 = arith.index_cast %scan3A_444 : i32 to index
          %get3A_501 = arith.constant 48 : index
          %get3A_502 = tpu.vector_load %arg18[%get3A_500, %get3A_501] {strides = array<i32>} : memref<80x128xf32, #tpu.memory_space<vmem>>, vector<1x16xf32>,
          %get3A_503 = vector.shape_cast %get3A_502 : vector<1x16xf32> to vector<16xf32>
          %add3A_504 = arith.addf %get3A_499, %get3A_503 : vector<16xf32>
          %max3A_505 = arith.constant 0.000000e+00 : f32
          %max3A_506 = vector.broadcast %max3A_505 : f32 to vector<16xf32>
          %max3A_507 = arith.maximumf %add3A_504, %max3A_506 : vector<16xf32>
          %swap3A_508 = arith.index_cast %scan3A_444 : i32 to index
          %swap3A_509 = arith.constant 48 : index
          %swap3A_510 = tpu.vector_load %arg16[%swap3A_508, %swap3A_509] {strides = array<i32>} : memref<80x128xf32, #tpu.memory_space<vmem>>, vector<1x16xf32>,
          %swap3A_511 = vector.shape_cast %swap3A_510 : vector<1x16xf32> to vector<16xf32>
          %swap3A_512 = vector.shape_cast %max3A_507 : vector<16xf32> to vector<1x16xf32>
          tpu.vector_store %arg16[%swap3A_508, %swap3A_509], %swap3A_512 {strides = array<i32>} : memref<80x128xf32, #tpu.memory_space<vmem>>, vector<1x16xf32>,
          %get3A_513 = arith.index_cast %scan3A_444 : i32 to index
          %get3A_514 = arith.constant 64 : index
          %get3A_515 = tpu.vector_load %arg16[%get3A_513, %get3A_514] {strides = array<i32>} : memref<80x128xf32, #tpu.memory_space<vmem>>, vector<1x16xf32>,
          %get3A_516 = vector.shape_cast %get3A_515 : vector<1x16xf32> to vector<16xf32>
          %get3A_517 = arith.index_cast %scan3A_444 : i32 to index
          %get3A_518 = arith.constant 64 : index
          %get3A_519 = tpu.vector_load %arg18[%get3A_517, %get3A_518] {strides = array<i32>} : memref<80x128xf32, #tpu.memory_space<vmem>>, vector<1x16xf32>,
          %get3A_520 = vector.shape_cast %get3A_519 : vector<1x16xf32> to vector<16xf32>
          %add3A_521 = arith.addf %get3A_516, %get3A_520 : vector<16xf32>
          %max3A_522 = arith.constant 0.000000e+00 : f32
          %max3A_523 = vector.broadcast %max3A_522 : f32 to vector<16xf32>
          %max3A_524 = arith.maximumf %add3A_521, %max3A_523 : vector<16xf32>
          %swap3A_525 = arith.index_cast %scan3A_444 : i32 to index
          %swap3A_526 = arith.constant 64 : index
          %swap3A_527 = tpu.vector_load %arg16[%swap3A_525, %swap3A_526] {strides = array<i32>} : memref<80x128xf32, #tpu.memory_space<vmem>>, vector<1x16xf32>,
          %swap3A_528 = vector.shape_cast %swap3A_527 : vector<1x16xf32> to vector<16xf32>
          %swap3A_529 = vector.shape_cast %max3A_524 : vector<16xf32> to vector<1x16xf32>
          tpu.vector_store %arg16[%swap3A_525, %swap3A_526], %swap3A_529 {strides = array<i32>} : memref<80x128xf32, #tpu.memory_space<vmem>>, vector<1x16xf32>,
          %get3A_530 = arith.index_cast %scan3A_444 : i32 to index
          %get3A_531 = arith.constant 80 : index
          %get3A_532 = tpu.vector_load %arg16[%get3A_530, %get3A_531] {strides = array<i32>} : memref<80x128xf32, #tpu.memory_space<vmem>>, vector<1x16xf32>,
          %get3A_533 = vector.shape_cast %get3A_532 : vector<1x16xf32> to vector<16xf32>
          %get3A_534 = arith.index_cast %scan3A_444 : i32 to index
          %get3A_535 = arith.constant 80 : index
          %get3A_536 = tpu.vector_load %arg18[%get3A_534, %get3A_535] {strides = array<i32>} : memref<80x128xf32, #tpu.memory_space<vmem>>, vector<1x16xf32>,
          %get3A_537 = vector.shape_cast %get3A_536 : vector<1x16xf32> to vector<16xf32>
          %add3A_538 = arith.addf %get3A_533, %get3A_537 : vector<16xf32>
          %max3A_539 = arith.constant 0.000000e+00 : f32
          %max3A_540 = vector.broadcast %max3A_539 : f32 to vector<16xf32>
          %max3A_541 = arith.maximumf %add3A_538, %max3A_540 : vector<16xf32>
          %swap3A_542 = arith.index_cast %scan3A_444 : i32 to index
          %swap3A_543 = arith.constant 80 : index
          %swap3A_544 = tpu.vector_load %arg16[%swap3A_542, %swap3A_543] {strides = array<i32>} : memref<80x128xf32, #tpu.memory_space<vmem>>, vector<1x16xf32>,
          %swap3A_545 = vector.shape_cast %swap3A_544 : vector<1x16xf32> to vector<16xf32>
          %swap3A_546 = vector.shape_cast %max3A_541 : vector<16xf32> to vector<1x16xf32>
          tpu.vector_store %arg16[%swap3A_542, %swap3A_543], %swap3A_546 {strides = array<i32>} : memref<80x128xf32, #tpu.memory_space<vmem>>, vector<1x16xf32>,
          %get3A_547 = arith.index_cast %scan3A_444 : i32 to index
          %get3A_548 = arith.constant 96 : index
          %get3A_549 = tpu.vector_load %arg16[%get3A_547, %get3A_548] {strides = array<i32>} : memref<80x128xf32, #tpu.memory_space<vmem>>, vector<1x16xf32>,
          %get3A_550 = vector.shape_cast %get3A_549 : vector<1x16xf32> to vector<16xf32>
          %get3A_551 = arith.index_cast %scan3A_444 : i32 to index
          %get3A_552 = arith.constant 96 : index
          %get3A_553 = tpu.vector_load %arg18[%get3A_551, %get3A_552] {strides = array<i32>} : memref<80x128xf32, #tpu.memory_space<vmem>>, vector<1x16xf32>,
          %get3A_554 = vector.shape_cast %get3A_553 : vector<1x16xf32> to vector<16xf32>
          %add3A_555 = arith.addf %get3A_550, %get3A_554 : vector<16xf32>
          %max3A_556 = arith.constant 0.000000e+00 : f32
          %max3A_557 = vector.broadcast %max3A_556 : f32 to vector<16xf32>
          %max3A_558 = arith.maximumf %add3A_555, %max3A_557 : vector<16xf32>
          %swap3A_559 = arith.index_cast %scan3A_444 : i32 to index
          %swap3A_560 = arith.constant 96 : index
          %swap3A_561 = tpu.vector_load %arg16[%swap3A_559, %swap3A_560] {strides = array<i32>} : memref<80x128xf32, #tpu.memory_space<vmem>>, vector<1x16xf32>,
          %swap3A_562 = vector.shape_cast %swap3A_561 : vector<1x16xf32> to vector<16xf32>
          %swap3A_563 = vector.shape_cast %max3A_558 : vector<16xf32> to vector<1x16xf32>
          tpu.vector_store %arg16[%swap3A_559, %swap3A_560], %swap3A_563 {strides = array<i32>} : memref<80x128xf32, #tpu.memory_space<vmem>>, vector<1x16xf32>,
          %get3A_564 = arith.index_cast %scan3A_444 : i32 to index
          %get3A_565 = arith.constant 112 : index
          %get3A_566 = tpu.vector_load %arg16[%get3A_564, %get3A_565] {strides = array<i32>} : memref<80x128xf32, #tpu.memory_space<vmem>>, vector<1x16xf32>,
          %get3A_567 = vector.shape_cast %get3A_566 : vector<1x16xf32> to vector<16xf32>
          %get3A_568 = arith.index_cast %scan3A_444 : i32 to index
          %get3A_569 = arith.constant 112 : index
          %get3A_570 = tpu.vector_load %arg18[%get3A_568, %get3A_569] {strides = array<i32>} : memref<80x128xf32, #tpu.memory_space<vmem>>, vector<1x16xf32>,
          %get3A_571 = vector.shape_cast %get3A_570 : vector<1x16xf32> to vector<16xf32>
          %add3A_572 = arith.addf %get3A_567, %get3A_571 : vector<16xf32>
          %max3A_573 = arith.constant 0.000000e+00 : f32
          %max3A_574 = vector.broadcast %max3A_573 : f32 to vector<16xf32>
          %max3A_575 = arith.maximumf %add3A_572, %max3A_574 : vector<16xf32>
          %swap3A_576 = arith.index_cast %scan3A_444 : i32 to index
          %swap3A_577 = arith.constant 112 : index
          %swap3A_578 = tpu.vector_load %arg16[%swap3A_576, %swap3A_577] {strides = array<i32>} : memref<80x128xf32, #tpu.memory_space<vmem>>, vector<1x16xf32>,
          %swap3A_579 = vector.shape_cast %swap3A_578 : vector<1x16xf32> to vector<16xf32>
          %swap3A_580 = vector.shape_cast %max3A_575 : vector<16xf32> to vector<1x16xf32>
          tpu.vector_store %arg16[%swap3A_576, %swap3A_577], %swap3A_580 {strides = array<i32>} : memref<80x128xf32, #tpu.memory_space<vmem>>, vector<1x16xf32>,
          %scan3A_581 = arith.constant 0 : i32
          %scan3A_582 = arith.constant 3 : i32
          %scan3A_583 = arith.addi %scan3A_168, %scan3A_582 : i32
          %get3A_584 = arith.index_cast %scan3A_583 : i32 to index
          %get3A_585 = arith.constant 0 : index
          %get3A_586 = tpu.vector_load %arg16[%get3A_584, %get3A_585] {strides = array<i32>} : memref<80x128xf32, #tpu.memory_space<vmem>>, vector<1x16xf32>,
          %get3A_587 = vector.shape_cast %get3A_586 : vector<1x16xf32> to vector<16xf32>
          %get3A_588 = arith.index_cast %scan3A_583 : i32 to index
          %get3A_589 = arith.constant 0 : index
          %get3A_590 = tpu.vector_load %arg18[%get3A_588, %get3A_589] {strides = array<i32>} : memref<80x128xf32, #tpu.memory_space<vmem>>, vector<1x16xf32>,
          %get3A_591 = vector.shape_cast %get3A_590 : vector<1x16xf32> to vector<16xf32>
          %add3A_592 = arith.addf %get3A_587, %get3A_591 : vector<16xf32>
          %max3A_593 = arith.constant 0.000000e+00 : f32
          %max3A_594 = vector.broadcast %max3A_593 : f32 to vector<16xf32>
          %max3A_595 = arith.maximumf %add3A_592, %max3A_594 : vector<16xf32>
          %swap3A_596 = arith.index_cast %scan3A_583 : i32 to index
          %swap3A_597 = arith.constant 0 : index
          %swap3A_598 = tpu.vector_load %arg16[%swap3A_596, %swap3A_597] {strides = array<i32>} : memref<80x128xf32, #tpu.memory_space<vmem>>, vector<1x16xf32>,
          %swap3A_599 = vector.shape_cast %swap3A_598 : vector<1x16xf32> to vector<16xf32>
          %swap3A_600 = vector.shape_cast %max3A_595 : vector<16xf32> to vector<1x16xf32>
          tpu.vector_store %arg16[%swap3A_596, %swap3A_597], %swap3A_600 {strides = array<i32>} : memref<80x128xf32, #tpu.memory_space<vmem>>, vector<1x16xf32>,
          %get3A_601 = arith.index_cast %scan3A_583 : i32 to index
          %get3A_602 = arith.constant 16 : index
          %get3A_603 = tpu.vector_load %arg16[%get3A_601, %get3A_602] {strides = array<i32>} : memref<80x128xf32, #tpu.memory_space<vmem>>, vector<1x16xf32>,
          %get3A_604 = vector.shape_cast %get3A_603 : vector<1x16xf32> to vector<16xf32>
          %get3A_605 = arith.index_cast %scan3A_583 : i32 to index
          %get3A_606 = arith.constant 16 : index
          %get3A_607 = tpu.vector_load %arg18[%get3A_605, %get3A_606] {strides = array<i32>} : memref<80x128xf32, #tpu.memory_space<vmem>>, vector<1x16xf32>,
          %get3A_608 = vector.shape_cast %get3A_607 : vector<1x16xf32> to vector<16xf32>
          %add3A_609 = arith.addf %get3A_604, %get3A_608 : vector<16xf32>
          %max3A_610 = arith.constant 0.000000e+00 : f32
          %max3A_611 = vector.broadcast %max3A_610 : f32 to vector<16xf32>
          %max3A_612 = arith.maximumf %add3A_609, %max3A_611 : vector<16xf32>
          %swap3A_613 = arith.index_cast %scan3A_583 : i32 to index
          %swap3A_614 = arith.constant 16 : index
          %swap3A_615 = tpu.vector_load %arg16[%swap3A_613, %swap3A_614] {strides = array<i32>} : memref<80x128xf32, #tpu.memory_space<vmem>>, vector<1x16xf32>,
          %swap3A_616 = vector.shape_cast %swap3A_615 : vector<1x16xf32> to vector<16xf32>
          %swap3A_617 = vector.shape_cast %max3A_612 : vector<16xf32> to vector<1x16xf32>
          tpu.vector_store %arg16[%swap3A_613, %swap3A_614], %swap3A_617 {strides = array<i32>} : memref<80x128xf32, #tpu.memory_space<vmem>>, vector<1x16xf32>,
          %get3A_618 = arith.index_cast %scan3A_583 : i32 to index
          %get3A_619 = arith.constant 32 : index
          %get3A_620 = tpu.vector_load %arg16[%get3A_618, %get3A_619] {strides = array<i32>} : memref<80x128xf32, #tpu.memory_space<vmem>>, vector<1x16xf32>,
          %get3A_621 = vector.shape_cast %get3A_620 : vector<1x16xf32> to vector<16xf32>
          %get3A_622 = arith.index_cast %scan3A_583 : i32 to index
          %get3A_623 = arith.constant 32 : index
          %get3A_624 = tpu.vector_load %arg18[%get3A_622, %get3A_623] {strides = array<i32>} : memref<80x128xf32, #tpu.memory_space<vmem>>, vector<1x16xf32>,
          %get3A_625 = vector.shape_cast %get3A_624 : vector<1x16xf32> to vector<16xf32>
          %add3A_626 = arith.addf %get3A_621, %get3A_625 : vector<16xf32>
          %max3A_627 = arith.constant 0.000000e+00 : f32
          %max3A_628 = vector.broadcast %max3A_627 : f32 to vector<16xf32>
          %max3A_629 = arith.maximumf %add3A_626, %max3A_628 : vector<16xf32>
          %swap3A_630 = arith.index_cast %scan3A_583 : i32 to index
          %swap3A_631 = arith.constant 32 : index
          %swap3A_632 = tpu.vector_load %arg16[%swap3A_630, %swap3A_631] {strides = array<i32>} : memref<80x128xf32, #tpu.memory_space<vmem>>, vector<1x16xf32>,
          %swap3A_633 = vector.shape_cast %swap3A_632 : vector<1x16xf32> to vector<16xf32>
          %swap3A_634 = vector.shape_cast %max3A_629 : vector<16xf32> to vector<1x16xf32>
          tpu.vector_store %arg16[%swap3A_630, %swap3A_631], %swap3A_634 {strides = array<i32>} : memref<80x128xf32, #tpu.memory_space<vmem>>, vector<1x16xf32>,
          %get3A_635 = arith.index_cast %scan3A_583 : i32 to index
          %get3A_636 = arith.constant 48 : index
          %get3A_637 = tpu.vector_load %arg16[%get3A_635, %get3A_636] {strides = array<i32>} : memref<80x128xf32, #tpu.memory_space<vmem>>, vector<1x16xf32>,
          %get3A_638 = vector.shape_cast %get3A_637 : vector<1x16xf32> to vector<16xf32>
          %get3A_639 = arith.index_cast %scan3A_583 : i32 to index
          %get3A_640 = arith.constant 48 : index
          %get3A_641 = tpu.vector_load %arg18[%get3A_639, %get3A_640] {strides = array<i32>} : memref<80x128xf32, #tpu.memory_space<vmem>>, vector<1x16xf32>,
          %get3A_642 = vector.shape_cast %get3A_641 : vector<1x16xf32> to vector<16xf32>
          %add3A_643 = arith.addf %get3A_638, %get3A_642 : vector<16xf32>
          %max3A_644 = arith.constant 0.000000e+00 : f32
          %max3A_645 = vector.broadcast %max3A_644 : f32 to vector<16xf32>
          %max3A_646 = arith.maximumf %add3A_643, %max3A_645 : vector<16xf32>
          %swap3A_647 = arith.index_cast %scan3A_583 : i32 to index
          %swap3A_648 = arith.constant 48 : index
          %swap3A_649 = tpu.vector_load %arg16[%swap3A_647, %swap3A_648] {strides = array<i32>} : memref<80x128xf32, #tpu.memory_space<vmem>>, vector<1x16xf32>,
          %swap3A_650 = vector.shape_cast %swap3A_649 : vector<1x16xf32> to vector<16xf32>
          %swap3A_651 = vector.shape_cast %max3A_646 : vector<16xf32> to vector<1x16xf32>
          tpu.vector_store %arg16[%swap3A_647, %swap3A_648], %swap3A_651 {strides = array<i32>} : memref<80x128xf32, #tpu.memory_space<vmem>>, vector<1x16xf32>,
          %get3A_652 = arith.index_cast %scan3A_583 : i32 to index
          %get3A_653 = arith.constant 64 : index
          %get3A_654 = tpu.vector_load %arg16[%get3A_652, %get3A_653] {strides = array<i32>} : memref<80x128xf32, #tpu.memory_space<vmem>>, vector<1x16xf32>,
          %get3A_655 = vector.shape_cast %get3A_654 : vector<1x16xf32> to vector<16xf32>
          %get3A_656 = arith.index_cast %scan3A_583 : i32 to index
          %get3A_657 = arith.constant 64 : index
          %get3A_658 = tpu.vector_load %arg18[%get3A_656, %get3A_657] {strides = array<i32>} : memref<80x128xf32, #tpu.memory_space<vmem>>, vector<1x16xf32>,
          %get3A_659 = vector.shape_cast %get3A_658 : vector<1x16xf32> to vector<16xf32>
          %add3A_660 = arith.addf %get3A_655, %get3A_659 : vector<16xf32>
          %max3A_661 = arith.constant 0.000000e+00 : f32
          %max3A_662 = vector.broadcast %max3A_661 : f32 to vector<16xf32>
          %max3A_663 = arith.maximumf %add3A_660, %max3A_662 : vector<16xf32>
          %swap3A_664 = arith.index_cast %scan3A_583 : i32 to index
          %swap3A_665 = arith.constant 64 : index
          %swap3A_666 = tpu.vector_load %arg16[%swap3A_664, %swap3A_665] {strides = array<i32>} : memref<80x128xf32, #tpu.memory_space<vmem>>, vector<1x16xf32>,
          %swap3A_667 = vector.shape_cast %swap3A_666 : vector<1x16xf32> to vector<16xf32>
          %swap3A_668 = vector.shape_cast %max3A_663 : vector<16xf32> to vector<1x16xf32>
          tpu.vector_store %arg16[%swap3A_664, %swap3A_665], %swap3A_668 {strides = array<i32>} : memref<80x128xf32, #tpu.memory_space<vmem>>, vector<1x16xf32>,
          %get3A_669 = arith.index_cast %scan3A_583 : i32 to index
          %get3A_670 = arith.constant 80 : index
          %get3A_671 = tpu.vector_load %arg16[%get3A_669, %get3A_670] {strides = array<i32>} : memref<80x128xf32, #tpu.memory_space<vmem>>, vector<1x16xf32>,
          %get3A_672 = vector.shape_cast %get3A_671 : vector<1x16xf32> to vector<16xf32>
          %get3A_673 = arith.index_cast %scan3A_583 : i32 to index
          %get3A_674 = arith.constant 80 : index
          %get3A_675 = tpu.vector_load %arg18[%get3A_673, %get3A_674] {strides = array<i32>} : memref<80x128xf32, #tpu.memory_space<vmem>>, vector<1x16xf32>,
          %get3A_676 = vector.shape_cast %get3A_675 : vector<1x16xf32> to vector<16xf32>
          %add3A_677 = arith.addf %get3A_672, %get3A_676 : vector<16xf32>
          %max3A_678 = arith.constant 0.000000e+00 : f32
          %max3A_679 = vector.broadcast %max3A_678 : f32 to vector<16xf32>
          %max3A_680 = arith.maximumf %add3A_677, %max3A_679 : vector<16xf32>
          %swap3A_681 = arith.index_cast %scan3A_583 : i32 to index
          %swap3A_682 = arith.constant 80 : index
          %swap3A_683 = tpu.vector_load %arg16[%swap3A_681, %swap3A_682] {strides = array<i32>} : memref<80x128xf32, #tpu.memory_space<vmem>>, vector<1x16xf32>,
          %swap3A_684 = vector.shape_cast %swap3A_683 : vector<1x16xf32> to vector<16xf32>
          %swap3A_685 = vector.shape_cast %max3A_680 : vector<16xf32> to vector<1x16xf32>
          tpu.vector_store %arg16[%swap3A_681, %swap3A_682], %swap3A_685 {strides = array<i32>} : memref<80x128xf32, #tpu.memory_space<vmem>>, vector<1x16xf32>,
          %get3A_686 = arith.index_cast %scan3A_583 : i32 to index
          %get3A_687 = arith.constant 96 : index
          %get3A_688 = tpu.vector_load %arg16[%get3A_686, %get3A_687] {strides = array<i32>} : memref<80x128xf32, #tpu.memory_space<vmem>>, vector<1x16xf32>,
          %get3A_689 = vector.shape_cast %get3A_688 : vector<1x16xf32> to vector<16xf32>
          %get3A_690 = arith.index_cast %scan3A_583 : i32 to index
          %get3A_691 = arith.constant 96 : index
          %get3A_692 = tpu.vector_load %arg18[%get3A_690, %get3A_691] {strides = array<i32>} : memref<80x128xf32, #tpu.memory_space<vmem>>, vector<1x16xf32>,
          %get3A_693 = vector.shape_cast %get3A_692 : vector<1x16xf32> to vector<16xf32>
          %add3A_694 = arith.addf %get3A_689, %get3A_693 : vector<16xf32>
          %max3A_695 = arith.constant 0.000000e+00 : f32
          %max3A_696 = vector.broadcast %max3A_695 : f32 to vector<16xf32>
          %max3A_697 = arith.maximumf %add3A_694, %max3A_696 : vector<16xf32>
          %swap3A_698 = arith.index_cast %scan3A_583 : i32 to index
          %swap3A_699 = arith.constant 96 : index
          %swap3A_700 = tpu.vector_load %arg16[%swap3A_698, %swap3A_699] {strides = array<i32>} : memref<80x128xf32, #tpu.memory_space<vmem>>, vector<1x16xf32>,
          %swap3A_701 = vector.shape_cast %swap3A_700 : vector<1x16xf32> to vector<16xf32>
          %swap3A_702 = vector.shape_cast %max3A_697 : vector<16xf32> to vector<1x16xf32>
          tpu.vector_store %arg16[%swap3A_698, %swap3A_699], %swap3A_702 {strides = array<i32>} : memref<80x128xf32, #tpu.memory_space<vmem>>, vector<1x16xf32>,
          %get3A_703 = arith.index_cast %scan3A_583 : i32 to index
          %get3A_704 = arith.constant 112 : index
          %get3A_705 = tpu.vector_load %arg16[%get3A_703, %get3A_704] {strides = array<i32>} : memref<80x128xf32, #tpu.memory_space<vmem>>, vector<1x16xf32>,
          %get3A_706 = vector.shape_cast %get3A_705 : vector<1x16xf32> to vector<16xf32>
          %get3A_707 = arith.index_cast %scan3A_583 : i32 to index
          %get3A_708 = arith.constant 112 : index
          %get3A_709 = tpu.vector_load %arg18[%get3A_707, %get3A_708] {strides = array<i32>} : memref<80x128xf32, #tpu.memory_space<vmem>>, vector<1x16xf32>,
          %get3A_710 = vector.shape_cast %get3A_709 : vector<1x16xf32> to vector<16xf32>
          %add3A_711 = arith.addf %get3A_706, %get3A_710 : vector<16xf32>
          %max3A_712 = arith.constant 0.000000e+00 : f32
          %max3A_713 = vector.broadcast %max3A_712 : f32 to vector<16xf32>
          %max3A_714 = arith.maximumf %add3A_711, %max3A_713 : vector<16xf32>
          %swap3A_715 = arith.index_cast %scan3A_583 : i32 to index
          %swap3A_716 = arith.constant 112 : index
          %swap3A_717 = tpu.vector_load %arg16[%swap3A_715, %swap3A_716] {strides = array<i32>} : memref<80x128xf32, #tpu.memory_space<vmem>>, vector<1x16xf32>,
          %swap3A_718 = vector.shape_cast %swap3A_717 : vector<1x16xf32> to vector<16xf32>
          %swap3A_719 = vector.shape_cast %max3A_714 : vector<16xf32> to vector<1x16xf32>
          tpu.vector_store %arg16[%swap3A_715, %swap3A_716], %swap3A_719 {strides = array<i32>} : memref<80x128xf32, #tpu.memory_space<vmem>>, vector<1x16xf32>,
          %scan3A_720 = arith.constant 0 : i32
          scf.yield %scan3A_720 : i32
        }
        %scan3A_167 = arith.constant 80 : i32
        "tpu.region"() ({
          %run_scoped3A = tpu.sem_alloc : memref<!tpu.dma_semaphore, #tpu.memory_space<semaphore_mem>>
          %dma_start3A_168 = arith.constant 0 : i32
          %dma_start3A_169 = arith.constant 0 : i32
          %dma_start3A_170 = tpu.memref_slice %arg19[%dma_start3A_168, %dma_start3A_169] : memref<10240x128xf32, #tpu.memory_space<vmem_shared>> -> memref<10240x128xf32, #tpu.memory_space<vmem_shared>>
          tpu.enqueue_indirect_dma source(%arg16 : memref<80x128xf32, #tpu.memory_space<vmem>>) target(%dma_start3A_170 : memref<10240x128xf32, #tpu.memory_space<vmem_shared>>) offsets(%arg14 : memref<80xi32, #tpu.memory_space<vmem>>) semaphore(%run_scoped3A : memref<!tpu.dma_semaphore, #tpu.memory_space<semaphore_mem>>) {add = true}
          %dma_wait3A_171 = arith.constant 0 : i32
          %dma_wait3A_172 = arith.constant 0 : i32
          %dma_wait3A_173 = tpu.memref_slice %arg19[%dma_wait3A_171, %dma_wait3A_172] : memref<10240x128xf32, #tpu.memory_space<vmem_shared>> -> memref<10240x128xf32, #tpu.memory_space<vmem_shared>>
          tpu.wait_indirect_dma semaphore(%run_scoped3A : memref<!tpu.dma_semaphore, #tpu.memory_space<semaphore_mem>>) src(%arg16 : memref<80x128xf32, #tpu.memory_space<vmem>>) dst(%dma_wait3A_173 : memref<10240x128xf32, #tpu.memory_space<vmem_shared>>)
          tpu.yield
        }) : () -> ()
      } else {
      }
      %scan3A_151 = arith.constant 0 : i32
      scf.yield %scan3A_151 : i32
    }
    %scan3A_64 = arith.constant 32 : i32
    %barrier3A_65 = arith.constant 0 : index
    tpu.barrier barrier_id(%barrier3A_65)
    "tpu.region"() ({
      %run_scoped3A = tpu.sem_alloc : memref<!tpu.dma_semaphore, #tpu.memory_space<semaphore_mem>>
      %dma_start3A_66 = arith.constant 0 : i32
      %dma_start3A_67 = tpu.memref_slice %arg6[%arg0, %mul3A_8, %dma_start3A_66] : memref<2x10240x128xf32, #tpu.memory_space<hbm>> -> memref<1x640x128xf32, #tpu.memory_space<hbm>>
      %dma_start3A_68 = tpu.memref_squeeze %dma_start3A_67 : memref<1x640x128xf32, #tpu.memory_space<hbm>> -> memref<640x128xf32, #tpu.memory_space<hbm>>
      %dma_start3A_69 = arith.constant 0 : i32
      %dma_start3A_70 = tpu.memref_slice %arg19[%mul3A_8, %dma_start3A_69] : memref<10240x128xf32, #tpu.memory_space<vmem_shared>> -> memref<640x128xf32, #tpu.memory_space<vmem_shared>>
      tpu.enqueue_dma source(%dma_start3A_70 : memref<640x128xf32, #tpu.memory_space<vmem_shared>>) target(%dma_start3A_68 : memref<640x128xf32, #tpu.memory_space<hbm>>) target_semaphore(%run_scoped3A : memref<!tpu.dma_semaphore, #tpu.memory_space<semaphore_mem>>)
      %dma_wait3A_71 = arith.constant 0 : i32
      %dma_wait3A_72 = tpu.memref_slice %arg6[%arg0, %mul3A_8, %dma_wait3A_71] : memref<2x10240x128xf32, #tpu.memory_space<hbm>> -> memref<1x640x128xf32, #tpu.memory_space<hbm>>
      %dma_wait3A_73 = tpu.memref_squeeze %dma_wait3A_72 : memref<1x640x128xf32, #tpu.memory_space<hbm>> -> memref<640x128xf32, #tpu.memory_space<hbm>>
      %dma_wait3A_74 = arith.constant 0 : i32
      %dma_wait3A_75 = tpu.memref_slice %arg19[%mul3A_8, %dma_wait3A_74] : memref<10240x128xf32, #tpu.memory_space<vmem_shared>> -> memref<640x128xf32, #tpu.memory_space<vmem_shared>>
      tpu.wait_dma2 semaphore(%run_scoped3A : memref<!tpu.dma_semaphore, #tpu.memory_space<semaphore_mem>>) src(%dma_wait3A_75 : memref<640x128xf32, #tpu.memory_space<vmem_shared>>) dst(%dma_wait3A_73 : memref<640x128xf32, #tpu.memory_space<hbm>>)
      tpu.yield
    }) : () -> ()
    return
  }
}

module attributes {stable_mosaic.version = 14 : i64} {
  func.func @_edge_emb_body(%arg0: i32, %arg1: memref<2560x16xf32, #tpu.memory_space<vmem>>, %arg2: memref<16x128xf32, #tpu.memory_space<vmem>>, %arg3: memref<1x128xf32, #tpu.memory_space<vmem>>, %arg4: memref<2560x128xf32, #tpu.memory_space<vmem>>) attributes {dimension_semantics = [#tpu.dimension_semantics<arbitrary>], iteration_bounds = array<i64: 125>, scalar_prefetch = 0 : i64, scratch_operands = 0 : i64, tpu.core_type = #tpu.core_type<tc>, window_params = [{transform_indices = @transform_0, window_bounds = array<i64: 2560, 16>}, {pipeline_mode = #tpu.pipeline_mode<synchronous>, transform_indices = @transform_1, window_bounds = array<i64: 16, 128>}, {pipeline_mode = #tpu.pipeline_mode<synchronous>, transform_indices = @transform_2, window_bounds = array<i64: 1, 128>}, {transform_indices = @transform_3, window_bounds = array<i64: 2560, 128>}]} {
    %get3A = arith.constant 0 : index
    %get3A_0 = arith.constant 0 : index
    %get3A_1 = vector.load %arg1[%get3A, %get3A_0] : memref<2560x16xf32, #tpu.memory_space<vmem>>, vector<2560x16xf32>
    %get3A_2 = arith.constant 0 : index
    %get3A_3 = arith.constant 0 : index
    %get3A_4 = vector.load %arg2[%get3A_2, %get3A_3] : memref<16x128xf32, #tpu.memory_space<vmem>>, vector<16x128xf32>
    %dot_general3A = arith.constant dense<0.000000e+00> : vector<2560x128xf32>
    %dot_general3A_5 = tpu.matmul %get3A_1, %get3A_4, %dot_general3A {dimension_numbers = #tpu.dot_dimension_numbers<[1], [0], [0], [1], [0, 0, 1, 1], [], []>, transpose_lhs_hint = false} : vector<2560x16xf32>, vector<16x128xf32>, vector<2560x128xf32> -> vector<2560x128xf32>
    %get3A_6 = arith.constant 0 : index
    %get3A_7 = arith.constant 0 : index
    %get3A_8 = vector.load %arg3[%get3A_6, %get3A_7] : memref<1x128xf32, #tpu.memory_space<vmem>>, vector<1x128xf32>
    %add3A = vector.broadcast %get3A_8 : vector<1x128xf32> to vector<2560x128xf32>
    %add3A_9 = arith.addf %dot_general3A_5, %add3A : vector<2560x128xf32>
    %swap3A = arith.constant 0 : index
    %swap3A_10 = arith.constant 0 : index
    %swap3A_11 = vector.load %arg4[%swap3A, %swap3A_10] : memref<2560x128xf32, #tpu.memory_space<vmem>>, vector<2560x128xf32>
    tpu.vector_store %arg4[%swap3A, %swap3A_10], %add3A_9 {strides = array<i32>} : memref<2560x128xf32, #tpu.memory_space<vmem>>, vector<2560x128xf32>,
    return
  }
  func.func @transform_0(%arg0: i32) -> (i32, i32) {
    %c0_i32 = arith.constant 0 : i32
    %c0_i32_0 = arith.constant 0 : i32
    return %arg0, %c0_i32 : i32, i32
  }
  func.func @transform_1(%arg0: i32) -> (i32, i32) {
    %c0_i32 = arith.constant 0 : i32
    %c0_i32_0 = arith.constant 0 : i32
    %c0_i32_1 = arith.constant 0 : i32
    return %c0_i32, %c0_i32_0 : i32, i32
  }
  func.func @transform_2(%arg0: i32) -> (i32, i32) {
    %c0_i32 = arith.constant 0 : i32
    %c0_i32_0 = arith.constant 0 : i32
    %c0_i32_1 = arith.constant 0 : i32
    return %c0_i32, %c0_i32_0 : i32, i32
  }
  func.func @transform_3(%arg0: i32) -> (i32, i32) {
    %c0_i32 = arith.constant 0 : i32
    %c0_i32_0 = arith.constant 0 : i32
    return %arg0, %c0_i32 : i32, i32
  }
}

module attributes {stable_mosaic.version = 14 : i64} {
  func.func @_node_body(%arg0: memref<10000x128xf32, #tpu.memory_space<vmem>>, %arg1: memref<2x10240x128xf32, #tpu.memory_space<vmem>>, %arg2: memref<1x1xf32, #tpu.memory_space<vmem>>, %arg3: memref<128x128xf32, #tpu.memory_space<vmem>>, %arg4: memref<1x128xf32, #tpu.memory_space<vmem>>, %arg5: memref<128x128xf32, #tpu.memory_space<vmem>>, %arg6: memref<1x128xf32, #tpu.memory_space<vmem>>, %arg7: memref<1x128xf32, #tpu.memory_space<vmem>>, %arg8: memref<1x128xf32, #tpu.memory_space<vmem>>, %arg9: memref<10000x1xf32, #tpu.memory_space<vmem>>, %arg10: memref<10000x128xf32, #tpu.memory_space<vmem>>) attributes {dimension_semantics = [], scalar_prefetch = 0 : i64, scratch_operands = 0 : i64, tpu.core_type = #tpu.core_type<tc>} {
    %get3A = arith.constant 0 : index
    %get3A_0 = arith.constant 0 : index
    %get3A_1 = vector.load %arg0[%get3A, %get3A_0] : memref<10000x128xf32, #tpu.memory_space<vmem>>, vector<10000x128xf32>
    %get3A_2 = arith.constant 0 : index
    %get3A_3 = arith.constant 0 : index
    %get3A_4 = arith.constant 0 : index
    %get3A_5 = vector.load %arg1[%get3A_2, %get3A_3, %get3A_4] : memref<2x10240x128xf32, #tpu.memory_space<vmem>>, vector<1x10000x128xf32>
    %get3A_6 = vector.shape_cast %get3A_5 : vector<1x10000x128xf32> to vector<10000x128xf32>
    %get3A_7 = arith.constant 1 : index
    %get3A_8 = arith.constant 0 : index
    %get3A_9 = arith.constant 0 : index
    %get3A_10 = vector.load %arg1[%get3A_7, %get3A_8, %get3A_9] : memref<2x10240x128xf32, #tpu.memory_space<vmem>>, vector<1x10000x128xf32>
    %get3A_11 = vector.shape_cast %get3A_10 : vector<1x10000x128xf32> to vector<10000x128xf32>
    %add3A = arith.addf %get3A_6, %get3A_11 : vector<10000x128xf32>
    %get3A_12 = arith.constant 0 : index
    %get3A_13 = arith.constant 0 : index
    %get3A_14 = vector.load %arg2[%get3A_12, %get3A_13] : memref<1x1xf32, #tpu.memory_space<vmem>>, vector<1x1xf32>
    %add3A_15 = arith.constant 1.000000e+00 : f32
    %add3A_16 = vector.broadcast %add3A_15 : f32 to vector<1x1xf32>
    %add3A_17 = arith.addf %add3A_16, %get3A_14 : vector<1x1xf32>
    %mul3A = vector.broadcast %add3A_17 : vector<1x1xf32> to vector<10000x128xf32>
    %mul3A_18 = arith.mulf %mul3A, %get3A_1 : vector<10000x128xf32>
    %add3A_19 = arith.addf %mul3A_18, %add3A : vector<10000x128xf32>
    %get3A_20 = arith.constant 0 : index
    %get3A_21 = arith.constant 0 : index
    %get3A_22 = vector.load %arg3[%get3A_20, %get3A_21] : memref<128x128xf32, #tpu.memory_space<vmem>>, vector<128x128xf32>
    %dot_general3A = arith.constant dense<0.000000e+00> : vector<10000x128xf32>
    %dot_general3A_23 = tpu.matmul %add3A_19, %get3A_22, %dot_general3A {dimension_numbers = #tpu.dot_dimension_numbers<[1], [0], [0], [1], [0, 0, 1, 1], [], []>, transpose_lhs_hint = false} : vector<10000x128xf32>, vector<128x128xf32>, vector<10000x128xf32> -> vector<10000x128xf32>
    %get3A_24 = arith.constant 0 : index
    %get3A_25 = arith.constant 0 : index
    %get3A_26 = vector.load %arg4[%get3A_24, %get3A_25] : memref<1x128xf32, #tpu.memory_space<vmem>>, vector<1x128xf32>
    %add3A_27 = vector.broadcast %get3A_26 : vector<1x128xf32> to vector<10000x128xf32>
    %add3A_28 = arith.addf %dot_general3A_23, %add3A_27 : vector<10000x128xf32>
    %max3A = arith.constant 0.000000e+00 : f32
    %max3A_29 = vector.broadcast %max3A : f32 to vector<10000x128xf32>
    %max3A_30 = arith.maximumf %add3A_28, %max3A_29 : vector<10000x128xf32>
    %get3A_31 = arith.constant 0 : index
    %get3A_32 = arith.constant 0 : index
    %get3A_33 = vector.load %arg5[%get3A_31, %get3A_32] : memref<128x128xf32, #tpu.memory_space<vmem>>, vector<128x128xf32>
    %dot_general3A_34 = arith.constant dense<0.000000e+00> : vector<10000x128xf32>
    %dot_general3A_35 = tpu.matmul %max3A_30, %get3A_33, %dot_general3A_34 {dimension_numbers = #tpu.dot_dimension_numbers<[1], [0], [0], [1], [0, 0, 1, 1], [], []>, transpose_lhs_hint = false} : vector<10000x128xf32>, vector<128x128xf32>, vector<10000x128xf32> -> vector<10000x128xf32>
    %get3A_36 = arith.constant 0 : index
    %get3A_37 = arith.constant 0 : index
    %get3A_38 = vector.load %arg6[%get3A_36, %get3A_37] : memref<1x128xf32, #tpu.memory_space<vmem>>, vector<1x128xf32>
    %add3A_39 = vector.broadcast %get3A_38 : vector<1x128xf32> to vector<10000x128xf32>
    %add3A_40 = arith.addf %dot_general3A_35, %add3A_39 : vector<10000x128xf32>
    %max3A_41 = arith.constant 0.000000e+00 : f32
    %max3A_42 = vector.broadcast %max3A_41 : f32 to vector<10000x128xf32>
    %max3A_43 = arith.maximumf %add3A_40, %max3A_42 : vector<10000x128xf32>
    %reduce_sum3A = arith.constant dense<0.000000e+00> : vector<128xf32>
    %reduce_sum3A_44 = vector.multi_reduction <add>, %max3A_43, %reduce_sum3A [0] : vector<10000x128xf32> to vector<128xf32>
    %broadcast_in_dim3A = vector.shape_cast %reduce_sum3A_44 : vector<128xf32> to vector<1x128xf32>
    %div3A = arith.constant 1.000000e+04 : f32
    %div3A_45 = vector.broadcast %div3A : f32 to vector<1x128xf32>
    %div3A_46 = arith.divf %broadcast_in_dim3A, %div3A_45 : vector<1x128xf32>
    %sub3A = vector.broadcast %div3A_46 : vector<1x128xf32> to vector<10000x128xf32>
    %sub3A_47 = arith.subf %max3A_43, %sub3A : vector<10000x128xf32>
    %square3A = arith.mulf %sub3A_47, %sub3A_47 : vector<10000x128xf32>
    %reduce_sum3A_48 = arith.constant dense<0.000000e+00> : vector<128xf32>
    %reduce_sum3A_49 = vector.multi_reduction <add>, %square3A, %reduce_sum3A_48 [0] : vector<10000x128xf32> to vector<128xf32>
    %broadcast_in_dim3A_50 = vector.shape_cast %reduce_sum3A_49 : vector<128xf32> to vector<1x128xf32>
    %div3A_51 = arith.constant 1.000000e+04 : f32
    %div3A_52 = vector.broadcast %div3A_51 : f32 to vector<1x128xf32>
    %div3A_53 = arith.divf %broadcast_in_dim3A_50, %div3A_52 : vector<1x128xf32>
    %get3A_54 = arith.constant 0 : index
    %get3A_55 = arith.constant 0 : index
    %get3A_56 = vector.load %arg7[%get3A_54, %get3A_55] : memref<1x128xf32, #tpu.memory_space<vmem>>, vector<1x128xf32>
    %sub3A_57 = vector.broadcast %div3A_46 : vector<1x128xf32> to vector<10000x128xf32>
    %sub3A_58 = arith.subf %max3A_43, %sub3A_57 : vector<10000x128xf32>
    %mul3A_59 = vector.broadcast %get3A_56 : vector<1x128xf32> to vector<10000x128xf32>
    %mul3A_60 = arith.mulf %mul3A_59, %sub3A_58 : vector<10000x128xf32>
    %add3A_61 = arith.constant 9.99999974E-6 : f32
    %add3A_62 = vector.broadcast %add3A_61 : f32 to vector<1x128xf32>
    %add3A_63 = arith.addf %div3A_53, %add3A_62 : vector<1x128xf32>
    %rsqrt3A = math.rsqrt %add3A_63 : vector<1x128xf32>
    %mul3A_64 = vector.broadcast %rsqrt3A : vector<1x128xf32> to vector<10000x128xf32>
    %mul3A_65 = arith.mulf %mul3A_60, %mul3A_64 : vector<10000x128xf32>
    %get3A_66 = arith.constant 0 : index
    %get3A_67 = arith.constant 0 : index
    %get3A_68 = vector.load %arg8[%get3A_66, %get3A_67] : memref<1x128xf32, #tpu.memory_space<vmem>>, vector<1x128xf32>
    %add3A_69 = vector.broadcast %get3A_68 : vector<1x128xf32> to vector<10000x128xf32>
    %add3A_70 = arith.addf %mul3A_65, %add3A_69 : vector<10000x128xf32>
    %add3A_71 = arith.addf %get3A_1, %add3A_70 : vector<10000x128xf32>
    %get3A_72 = arith.constant 0 : index
    %get3A_73 = arith.constant 0 : index
    %get3A_74 = vector.load %arg9[%get3A_72, %get3A_73] : memref<10000x1xf32, #tpu.memory_space<vmem>>, vector<10000x1xf32>
    %mul3A_75 = vector.broadcast %get3A_74 : vector<10000x1xf32> to vector<10000x128xf32>
    %mul3A_76 = arith.mulf %add3A_71, %mul3A_75 : vector<10000x128xf32>
    %swap3A = arith.constant 0 : index
    %swap3A_77 = arith.constant 0 : index
    %swap3A_78 = vector.load %arg10[%swap3A, %swap3A_77] : memref<10000x128xf32, #tpu.memory_space<vmem>>, vector<10000x128xf32>
    tpu.vector_store %arg10[%swap3A, %swap3A_77], %mul3A_76 {strides = array<i32>} : memref<10000x128xf32, #tpu.memory_space<vmem>>, vector<10000x128xf32>,
    return
  }
}

</mosaic_0001>

<sc_bundles>
// kernel: kernel.5.cloned.1.call-start
scs
__scs_entry_jumppad:
0x0: {  	(pc) =	sbr.rel $0x88, $3  }
0x1: {  	(tag) =	ssettag $0x0;
	lr =	simm.s32 $0x1  }
0x2: {  	[smem:$0x3F94] =	sst lr;
	_ =	strace $0xD0000000  }
0x3: {  	_ = 	snop  }
0x4: {  	_ = 	snop  }
0x5: {  	_ = 	snop  }
0x6: {  	_ = 	snop  }
0x7: {  	_ = 	snop  }
__scs_overlays_trampoline_lowered:
0x8: {  	[smem:$0x3FA3] =	sst s0  }
0x9: {  	[smem:$0x3FA4] =	sst s1  }
0xa: {  	[smem:$0x3FA5] =	sst s2  }
0xb: {  	[smem:$0x3FA6] =	sst s3  }
0xc: {  	[smem:$0x3FA7] =	sst s4  }
0xd: {  	[smem:$0x3FA8] =	sst s5  }
0xe: {  	[smem:$0x3FA9] =	sst s6  }
0xf: {  	[smem:$0x3FAA] =	sst s7  }
0x10: {  	[smem:$0x3FAB] =	sst s8  }
0x11: {  	[smem:$0x3FAC] =	sst s9;
	s0 =	simm.s32 @!p0 $0x0  }
0x12: {  	s1 =	sld [smem:$0x3F92];
	s0 =	simm.s32 @p0 $0x1  }
0x13: {  	[smem:$0x3FAD] =	sst s0;
	s0 =	simm.s32 @!p1 $0x0  }
0x14: {  	s2 =	sld [smem:$0x3F91];
	s0 =	simm.s32 @p1 $0x1  }
0x15: {  	[smem:$0x3FAE] =	sst s0;
	s0 =	simm.s32 @!p2 $0x0  }
0x16: {  	s3 =	sld [smem:$0x3FDB];
	s0 =	simm.s32 @p2 $0x1  }
0x17: {  	s4 =	simm.s32 $0x1BF5;
	[smem:$0x3FB0] =	sst s0  }
0x18: {  	s0 =	sld [smem:$0x3F93];
	_ =	swait.ge [sflag:s4], $0x0  }
0x19: {  	s7 =	sld [smem:$0x3F94]  }
0x1a: {  	s8 =	sadd.s32 $0xFFFFE003, lr  }
0x1b: {  	s9 =	sadd.s32 $0xFFFFFEF7, lr;
	s5 =	simm.s32 $0xFFFFFFFF;
	p2 =	slt.u32 s8, $0xFFFFF086  }
0x1c: {  	p1 =	slt.u32 s9, $0xF7A;
	s5 =	simm.s32 @!p2 $0x0  }
0x1d: {  	s5 =	simm.s32 @p1 $0x1;
	p0 =	seq.s32 s7, s2  }
0x1e: {  	s7 =	smul.u32 @!p0 $0xF7A, s2;
	p2 =	seq.s32 @!p0 s5, $0x0  }
0x1f: {  	s9 =	smul.u32 $0xF7A, s1;
	s8 =	simm.s32 @!p0 $0x1BF5;
	p2 =	por !p2, p0  }
0x20: {  	[sflag:s8] =	ssyncset.s32 @!p0 $0xFFFFF086;
	s6 =	sadd.s32 @!p0 s3, s7;
	s7 =	simm.s32 @!p0 $0x108  }
0x21: {  	s3 =	sadd.s32 s3, s9;
	s6 =	sadd.s32 @!p0 $0x88, s6;
	s7 =	simm.s32 @p2 $0x1082  }
0x22: {  	[simem:s7], [sflag:s8] =	dma.local @!p0 [hbm:s6], $0xF7A  }
0x23: {  	s9 =	sor.u32 $0xD0000000, s2;
	s6 =	simm.s32 $0x108;
	_ =	swait.ge @!p0 [sflag:s8], $0x0  }
0x24: {  	s3 =	sadd.s32 $0x88, s3;
	s6 =	simm.s32 @!p1 $0x1082;
	[sflag:s4] =	ssyncset.s32 $0xFFFFF086  }
0x25: {  	[simem:s6], [sflag:s4] =	dma.local [hbm:s3], $0xF7A  }
0x26: {  	[smem:$0x3F94] =	sst s1;
	(tag) =	ssettag s2;
	_ =	strace s9  }
0x27: {  	s1 =	sld [smem:$0x3FA4]  }
0x28: {  	s2 =	sld [smem:$0x3FA5]  }
0x29: {  	s4 =	sld [smem:$0x3FA7]  }
0x2a: {  	p0 =	seq.s32 s5, $0x0;
	s5 =	sld [smem:$0x3FA8]  }
0x2b: {  	s6 =	sld [smem:$0x3FA9]  }
0x2c: {  	s7 =	sld [smem:$0x3FAA]  }
0x2d: {  	s3 =	simm.s32 $0x108;
	s8 =	sld [smem:$0x3FAB]  }
0x2e: {  	s3 =	simm.s32 @!p0 $0x1082;
	s9 =	sld [smem:$0x3FAC]  }
0x2f: {  	lr =	sadd.s32 s0, s3;
	s0 =	sld [smem:$0x3FA3]  }
0x30: {  	s3 =	sld [smem:$0x3FA6]  }
0x31: {  	[smem:$0x3FAF] =	sst s10  }
0x32: {  	s10 =	sld [smem:$0x3FAD];
	_ =	sdelay $0x3  }
0x33: {  	p0 =	seq.s32 s10, $0x1;
	s10 =	sld [smem:$0x3FAF];
	_ =	sdelay $0x3  }
0x34: {  	[smem:$0x3FAF] =	sst s10  }
0x35: {  	s10 =	sld [smem:$0x3FAE];
	_ =	sdelay $0x3  }
0x36: {  	p1 =	seq.s32 s10, $0x1;
	s10 =	sld [smem:$0x3FAF];
	_ =	sdelay $0x3  }
0x37: {  	[smem:$0x3FAF] =	sst s10  }
0x38: {  	s10 =	sld [smem:$0x3FB0]  }
0x39: {  	_ = 	snop;
	(pc) =	sbr.ind lr, $3  }
0x3a: {  	_ = 	snop  }
0x3b: {  	_ = 	snop  }
0x3c: {  	p2 =	seq.s32 s10, $0x1;
	s10 =	sld [smem:$0x3FAF]  }
0x3d: {  	_ =	shalt  }
0x3e: {  	_ =	shalt  }
0x3f: {  	_ =	shalt  }
0x40: {  	_ =	shalt  }
0x41: {  	_ =	shalt  }
0x42: {  	_ =	shalt  }
0x43: {  	_ =	shalt  }
0x44: {  	_ =	shalt  }
0x45: {  	_ =	shalt  }
0x46: {  	_ =	shalt  }
0x47: {  	_ =	shalt  }
0x48: {  	_ =	shalt  }
0x49: {  	_ =	shalt  }
0x4a: {  	_ =	shalt  }
0x4b: {  	_ =	shalt  }
0x4c: {  	_ =	shalt  }
0x4d: {  	_ =	shalt  }
0x4e: {  	_ =	shalt  }
0x4f: {  	_ =	shalt  }
0x50: {  	_ =	shalt  }
0x51: {  	_ =	shalt  }
0x52: {  	_ =	shalt  }
0x53: {  	_ =	shalt  }
0x54: {  	_ =	shalt  }
0x55: {  	_ =	shalt  }
0x56: {  	_ =	shalt  }
0x57: {  	_ =	shalt  }
0x58: {  	_ =	shalt  }
0x59: {  	_ =	shalt  }
0x5a: {  	_ =	shalt  }
0x5b: {  	_ =	shalt  }
0x5c: {  	_ =	shalt  }
0x5d: {  	_ =	shalt  }
0x5e: {  	_ =	shalt  }
0x5f: {  	_ =	shalt  }
0x60: {  	_ =	shalt  }
0x61: {  	_ =	shalt  }
0x62: {  	_ =	shalt  }
0x63: {  	_ =	shalt  }
0x64: {  	_ =	shalt  }
0x65: {  	_ =	shalt  }
0x66: {  	_ =	shalt  }
0x67: {  	_ =	shalt  }
0x68: {  	_ =	shalt  }
0x69: {  	_ =	shalt  }
0x6a: {  	_ =	shalt  }
0x6b: {  	_ =	shalt  }
0x6c: {  	_ =	shalt  }
0x6d: {  	_ =	shalt  }
0x6e: {  	_ =	shalt  }
0x6f: {  	_ =	shalt  }
0x70: {  	_ =	shalt  }
0x71: {  	_ =	shalt  }
0x72: {  	_ =	shalt  }
0x73: {  	_ =	shalt  }
0x74: {  	_ =	shalt  }
0x75: {  	_ =	shalt  }
0x76: {  	_ =	shalt  }
0x77: {  	_ =	shalt  }
0x78: {  	_ =	shalt  }
0x79: {  	_ =	shalt  }
0x7a: {  	_ =	shalt  }
0x7b: {  	_ =	shalt  }
0x7c: {  	_ =	shalt  }
0x7d: {  	_ =	shalt  }
0x7e: {  	_ =	shalt  }
0x7f: {  	_ =	shalt  }
0x80: {  	_ =	shalt  }
0x81: {  	_ =	shalt  }
0x82: {  	_ =	shalt  }
0x83: {  	_ =	shalt  }
0x84: {  	_ =	shalt  }
0x85: {  	_ =	shalt  }
0x86: {  	_ =	shalt  }
0x87: {  	_ =	shalt  }
.Lfunc_end0:
.L_simem_size_0:
called_computation_lowered:
.L_overlay_start_0:
0x88: {  	s2 =	sld [smem:$0x3FD9]  }
0x89: {  	s3 =	sld [smem:$0x3FFE];
	_ =	sdelay $0x1  }
0x8a: {  	s1 =	srdreg.scid  }
0x8b: {  	s0 =	sand.u32 $0x1, s1  }
0x8c: {  	s17 =	sshll.u32 s0, $0xA;
	s2 =	sadd.s32 s3, s2  }
0x8d: {  	s2 =	sadd.s32 s2, s17  }
0x8e: {  	[smem:$0x3FBB] =	sst s2  }
0x8f: {  	_ = 	snop  }
0x90: {  	s2 =	sld [smem:$0x3FC9]  }
0x91: {  	s18 =	sld [smem:$0x3FD0];
	(tm) =	ssettm $0x1  }
0x92: {  	s4 =	sld [smem:$0x3FFB];
	_ =	sdelay $0x3  }
0x93: {  	_ =	strace s4  }
0x94: {  	s4 =	sld [smem:$0x3FFC];
	_ =	sdelay $0x3  }
0x95: {  	_ =	strace s4  }
0x96: {  	s4 =	sld [smem:$0x3FFD];
	_ =	sdelay $0x3  }
0x97: {  	_ =	strace s4  }
0x98: {  	_ =	strace $0x8FFFFFFF  }
0x99: {  	s19 =	sld [smem:$0x3FDB];
	_ =	sdelay $0x1  }
0x9a: {  	s5 =	simm.s32 $_scs_section_size  }
0x9b: {  	s6 =	simm.s32 $_size__tile_overlayer_lowered;
	s7 =	simm.s32 $_tile_overlayer_lowered  }
0x9c: {  	s22 =	simm.s32 $0x1BFF;
	s21 =	sshll.u32 s7, $0x1;
	s4 =	sadd.s32 s5, s19  }
0x9d: {  	s8 =	simm.s32 $0x0;
	s20 =	sshll.u32 s6, $0x1;
	s6 =	sadd.s32 s21, s4  }
0x9e: {  	[timem:s8], [sflag:s22] =	dma.local [hbm:s6], s20  }
0x9f: {  	_ =	swait.ge [sflag:s22], s20  }
0xa0: {  	s5 =	ssub.s32 $0x0, s20;
	[sflag:s22] =	ssyncset.done $0x0  }
0xa1: {  	[sflag:s22] =	ssyncadd.s32 s5;
	_ =	sdelay $0x1  }
0xa2: {  	s23 =	simm.s32 $0x1B8B  }
0xa3: {  	_ =	swait.ge [sflag:s23], $0x1  }
0xa4: {  	[sflag:s23] =	ssyncset.done $0x0  }
0xa5: {  	s25 =	simm.s32 $0x1B8E;
	s24 =	sld [smem:$0x3FFE];
	[sflag:s23] =	ssyncadd.s32 $0xFFFFFFFF  }
0xa6: {  	s26 =	simm.s32 $execute0_lowered;
	[smem:$0x3FD2] =	sst s25  }
0xa7: {  	s6 =	sshll.u32 s26, $0x1;
	_ =	strace $0x80000046;
	[dreg:$0x1] =	wrdreg $0xFFFFFFFF  }
0xa8: {  	s28 =	simm.s32 $_size_execute0_lowered;
	s4 =	sadd.s32 s4, s6;
	[dreg:$0x0] =	wrdreg $0x0  }
0xa9: {  	s6 =	sshll.u32 s28, $0x1;
	[dreg:$0x2] =	wrdreg s4  }
0xaa: {  	[dreg:$0x3] =	wrdreg s6  }
0xab: {  	[dreg:$0x4] =	wrdreg $0xC0  }
0xac: {  	_ =	task [dreg:s8], $0x5FFFF  }
0xad: {  	[dreg:$0x1] =	wrdreg $0xFFFFFFFF  }
0xae: {  	[dreg:$0x0] =	wrdreg $0x60  }
0xaf: {  	[dreg:$0x2] =	wrdreg s24  }
0xb0: {  	[dreg:$0x3] =	wrdreg s18  }
0xb1: {  	[dreg:$0x4] =	wrdreg s2  }
0xb2: {  	[dreg:$0x5] =	wrdreg $0xA4000  }
0xb3: {  	[dreg:$0x6] =	wrdreg $0x9  }
0xb4: {  	_ =	task.clear_ibuf [dreg:s8], $0x7FFFF;
	_ =	strace $0x90000046  }
0xb5: {  	s29 =	simm.s32 $0x9;
	_ =	strace $0x80000048  }
0xb6: {  	_ =	swait.ge [sflag:s29], $0x1  }
0xb7: {  	[sflag:s29] =	ssyncadd.s32 $0xFFFFFFFF  }
0xb8: {  	_ =	strace $0x90000048  }
0xb9: {  	_ =	sfence  }
0xba: {  	s30 =	sld [smem:$0x0];
	_ =	sdelay $0x2  }
0xbb: {  	s31 =	sshll.u32 s1, $0xD;
	s1 =	sshrl.u32 s1, $0x2  }
0xbc: {  	s3 =	sand.u32 $0x4000, s31;
	s1 =	sadd.s32 s1, s30  }
0xbd: {  	s0 =	sor.u32 s3, s0;
	s1 =	sshll.u32 s1, $0x11  }
0xbe: {  	s0 =	sor.u32 s1, s0  }
0xbf: {  	s0 =	sadd.s32 $0x8F2B, s0  }
0xc0: {  	[sflag:s0] =	ssyncadd.remote.s32 $0x1  }
0xc1: {  	_ =	sfence.sel $0xFFFF  }
0xc2: {  	[dreg:$0x0] =	wrdreg $0xFFFFFFFF;
	(pc) =	sbr.abs _section_cstart, $3  }
0xc3: {  	[dreg:$0x1] =	wrdreg $0xFFFFFFFF  }
0xc4: {  	_ =	task.clear_ibuf [dreg:s8], $0x2FFFF;
	_ =	strace $0x9FFFFFFF  }
0xc5: {  	(tm) =	ssettm $0x7FFFFFFF  }
tec
execute0_lowered:
.L_overlay_start_1:
0x0: {  	(tag) =	ssettag $0x1  }
0x1: {  	s1 =	rddreg [dreg:$0x0]  }
0x2: {  	s0 =	rddreg [dreg:$0x1]  }
0x3: {  	s3 =	rddreg [dreg:$0x2];
	s2 =	srdreg.scid  }
0x4: {  	s4 =	rddreg [dreg:$0x3];
	s11 =	stileid.u32;
	s5 =	simm.s32 $0x0  }
0x5: {  	s28 =	simm.s32 $0x200;
	s29 =	simm.s32 $0x80;
	s7 =	smul.u32 $0x14000, s11  }
0x6: {  	s30 =	simm.s32 $0x280;
	s2 =	sand.u32 $0x1, s2;
	s9 =	smul.u32 $0x50000, s11  }
0x7: {  	s31 =	simm.s32 $0x1;
	[smem:$0x7FF] =	sst s5;
	s6 =	smul.u32 $0x140000, s2  }
0x8: {  	s11 =	sshll.u32 s11, $0x1;
	_ =	strace $0x80000047;
	s26 =	ssub.s32 $0x2, s2  }
0x9: {  	s9 =	sshrl.u32 s9, $0x2;
	s10 =	sshrl.u32 s26, $0x1;
	s8 =	sadd.s32 s7, s6  }
0xa: {  	s6 =	sadd.s32 $0x1200, s1;
	s7 =	sadd.s32 $0x4ED000, s1;
	s17 =	sadd.s32 s9, s4  }
0xb: {  	s9 =	sor.u32 s2, s11;
	s12 =	sadd.s32 $0x2800, s17;
	[dreg:$0x5] =	wrdreg s17  }
0xc: {  	s11 =	simm.s32 $0x5;
	s13 =	sadd.s32 $0x5000, s17;
	[dreg:$0x6] =	wrdreg s12  }
0xd: {  	s8 =	sshrl.u32 s8, $0x3;
	s14 =	sadd.s32 $0x7800, s17;
	[dreg:$0x7] =	wrdreg s13  }
0xe: {  	s15 =	smul.u32 $0x50, s9;
	s16 =	sadd.s32 $0xA000, s17;
	[dreg:$0x8] =	wrdreg s14  }
0xf: {  	s18 =	sadd.s32 $0xC800, s17;
	s19 =	smul.u32 $0xA, s9;
	[dreg:$0x9] =	wrdreg s16  }
0x10: {  	s20 =	sadd.s32 $0xF000, s17;
	s21 =	sadd.s32 $0x11800, s17;
	[dreg:$0xa] =	wrdreg s18  }
0x11: {  	s23 =	smul.u32 $0x500, s9;
	s1 =	sadd.s32 s8, s1;
	[dreg:$0xb] =	wrdreg s20  }
0x12: {  	s8 =	ssub.s32 s26, s10;
	[dreg:$0xc] =	wrdreg s21;
	s12 =	simm.s32 $0xA  }
0x13: {  	s13 =	simm.s32 $0x8;
	s14 =	simm.s32 $0x6;
	s22 =	sadd.s32 s6, s19  }
0x14: {  	s16 =	simm.s32 $0x0;
	s10 =	sadd.s32 s0, s19;
	[dreg:$0xd] =	wrdreg s22  }
0x15: {  	s2 =	sshrl.u32 s15, $0x3;
	s25 =	sadd.s32 s7, s23;
	[dreg:$0xe] =	wrdreg s10  }
0x16: {  	s1 =	sadd.s32 $0xB000, s1;
	s26 =	smax.u32 s8, $0x1;
	[dreg:$0x11] =	wrdreg s25  }
.Ltmp0:
0x17: {  	s15 =	simm.s32 $0x2C00;
	[dreg:$0x12] =	wrdreg s1;
	(pc) =	sbr.rel .LBB2_1-.Ltmp0, $4  }
0x18: {  	s2 =	sadd.s32 $0x140, s2;
	s22 =	sor.u32 $0xA0, s9;
	[dreg:$0x13] =	wrdreg s26  }
0x19: {  	s25 =	simm.s32 $0x400;
	s26 =	simm.s32 $0x9;
	s24 =	sadd.s32 s6, s2  }
0x1a: {  	s1 =	simm.s32 $0x50;
	s2 =	sadd.s32 s0, s2;
	[dreg:$0xf] =	wrdreg s24  }
0x1b: {  	v0 =	vimm.f32 $0.0e+00;
	s10 =	simm.s32 $0x7;
	[dreg:$0x10] =	wrdreg s2;
	s2 =	simm.s32 $0x5400  }
.LBB2_23:
0x1c: {  	s8 =	stileid.u32;
	[bflag:$0x0] =	sbarrier.arrive $0xFFFF  }
0x1d: {  	s8 =	sshll.u32 s8, $0x6;
	s17 =	rddreg [dreg:$0x5]  }
0x1e: {  	s18 =	rddreg [dreg:$0x12];
	s8 =	sor.u32 $0x1C09, s8;
	s16 =	sshrl.u32 s17, $0x3  }
0x1f: {  	[hbm:s18], [sflag:s8] =	dma.local [spmem:s16], $0x2800  }
0x20: {  	_ =	swait.ge [sflag:s26], $0x2800  }
0x21: {  	s23 =	rddreg [dreg:$0x14]  }
0x22: {  	s24 =	rddreg [dreg:$0x13];
	s16 =	sadd.s32 $0x1, s23  }
0x23: {  	p0 =	sne.s32 s16, s24  }
.Ltmp1:
0x24: {  	_ = 	snop;
	(pc) =	sbr.rel @!p0 .LBB2_24-.Ltmp1, $3  }
0x25: {  	_ =	sdelay $0x1  }
0x26: {  	[sflag:s26] =	ssyncset.done $0x0  }
0x27: {  	[sflag:s26] =	ssyncadd.s32 $0xFFFFD800  }
.LBB2_1:
0x28: {  	[dreg:$0x14] =	wrdreg s16;
	s8 =	simm.s32 $0x0;
	s16 =	simm.s32 $0x200  }
.LBB2_2:
0x29: {  	p0 =	sne.s32 s16, $0x9E00;
	[tilespmem:s8+$0x470] =	vst v0  }
0x2a: {  	[tilespmem:s8+$0x400] =	vst v0  }
0x2b: {  	[tilespmem:s8+$0x410] =	vst v0  }
.Ltmp2:
0x2c: {  	[tilespmem:s8+$0x420] =	vst v0;
	(pc) =	sbr.rel @p0 .LBB2_2-.Ltmp2, $4  }
0x2d: {  	[tilespmem:s8+$0x430] =	vst v0  }
0x2e: {  	[tilespmem:s8+$0x440] =	vst v0  }
0x2f: {  	[tilespmem:s8+$0x450] =	vst v0  }
0x30: {  	[tilespmem:s8+$0x460] =	vst v0;
	s8 =	sshra.s32 s16, $0x2;
	s16 =	sadd.s32 $0x200, s16  }
0x31: {  	[tilespmem:s8+$0x470] =	vst v0  }
0x32: {  	[tilespmem:s8+$0x400] =	vst v0  }
0x33: {  	[tilespmem:s8+$0x410] =	vst v0  }
0x34: {  	[tilespmem:s8+$0x420] =	vst v0  }
0x35: {  	[tilespmem:s8+$0x430] =	vst v0  }
0x36: {  	[tilespmem:s8+$0x440] =	vst v0  }
0x37: {  	[tilespmem:s8+$0x450] =	vst v0  }
0x38: {  	[tilespmem:s8+$0x460] =	vst v0  }
0x39: {  	[spmem:s17] =	stream.linear.scatter [tilespmem:s25], [sflag:$0x9], $0x2800, $0x38;
	[tilespmem:$0x1E400] =	vst v63  }
0x3a: {  	_ =	swait.ge [sflag:s26], $0x2800  }
0x3b: {  	[sflag:s26] =	ssyncset.done $0x0  }
0x3c: {  	s19 =	rddreg [dreg:$0x6];
	[sflag:s26] =	ssyncadd.s32 $0xFFFFD800  }
0x3d: {  	[spmem:s19] =	stream.linear.scatter [tilespmem:s25], [sflag:$0x9], $0x2800, $0x38;
	[tilespmem:$0x1E400] =	vst v63  }
0x3e: {  	_ =	swait.ge [sflag:s26], $0x2800  }
0x3f: {  	[sflag:s26] =	ssyncset.done $0x0  }
0x40: {  	s20 =	rddreg [dreg:$0x7];
	[sflag:s26] =	ssyncadd.s32 $0xFFFFD800  }
0x41: {  	[spmem:s20] =	stream.linear.scatter [tilespmem:s25], [sflag:$0x9], $0x2800, $0x38;
	[tilespmem:$0x1E400] =	vst v63  }
0x42: {  	_ =	swait.ge [sflag:s26], $0x2800  }
0x43: {  	[sflag:s26] =	ssyncset.done $0x0  }
0x44: {  	s21 =	rddreg [dreg:$0x8];
	[sflag:s26] =	ssyncadd.s32 $0xFFFFD800  }
0x45: {  	[spmem:s21] =	stream.linear.scatter [tilespmem:s25], [sflag:$0x9], $0x2800, $0x38;
	[tilespmem:$0x1E400] =	vst v63  }
0x46: {  	_ =	swait.ge [sflag:s26], $0x2800  }
0x47: {  	[sflag:s26] =	ssyncset.done $0x0  }
0x48: {  	s23 =	rddreg [dreg:$0x9];
	[sflag:s26] =	ssyncadd.s32 $0xFFFFD800  }
0x49: {  	[spmem:s23] =	stream.linear.scatter [tilespmem:s25], [sflag:$0x9], $0x2800, $0x38;
	[tilespmem:$0x1E400] =	vst v63  }
0x4a: {  	_ =	swait.ge [sflag:s26], $0x2800  }
0x4b: {  	[sflag:s26] =	ssyncset.done $0x0  }
0x4c: {  	s24 =	rddreg [dreg:$0xa];
	[sflag:s26] =	ssyncadd.s32 $0xFFFFD800  }
0x4d: {  	[spmem:s24] =	stream.linear.scatter [tilespmem:s25], [sflag:$0x9], $0x2800, $0x38;
	[tilespmem:$0x1E400] =	vst v63  }
0x4e: {  	_ =	swait.ge [sflag:s26], $0x2800  }
0x4f: {  	[sflag:s26] =	ssyncset.done $0x0  }
0x50: {  	s16 =	rddreg [dreg:$0xb];
	[sflag:s26] =	ssyncadd.s32 $0xFFFFD800  }
0x51: {  	[spmem:s16] =	stream.linear.scatter [tilespmem:s25], [sflag:$0x9], $0x2800, $0x38;
	[tilespmem:$0x1E400] =	vst v63  }
0x52: {  	_ =	swait.ge [sflag:s26], $0x2800  }
0x53: {  	[sflag:s26] =	ssyncset.done $0x0  }
0x54: {  	s17 =	rddreg [dreg:$0xc];
	[sflag:s26] =	ssyncadd.s32 $0xFFFFD800  }
0x55: {  	[spmem:s17] =	stream.linear.scatter [tilespmem:s25], [sflag:$0x9], $0x2800, $0x38;
	[tilespmem:$0x1E400] =	vst v63  }
0x56: {  	_ =	swait.ge [sflag:s26], $0x2800  }
0x57: {  	[sflag:s26] =	ssyncset.done $0x0  }
0x58: {  	[sflag:s26] =	ssyncadd.s32 $0xFFFFD800  }
0x59: {  	[bflag:$0x0] =	sbarrier.arrive $0xFFFF  }
0x5a: {  	s19 =	simm.s32 $0x0;
	s18 =	rddreg [dreg:$0xd]  }
0x5b: {  	[tilespmem:s19], [sflag:$0x1] =	stream.linear.gather [hbm4b:s18+s19], $0x50, $0x38;
	[tilespmem:$0x1E400] =	vst v63  }
0x5c: {  	s20 =	rddreg [dreg:$0xe]  }
0x5d: {  	[tilespmem:s28], [sflag:$0x1] =	stream.linear.gather [hbm4b:s20+s19], $0x50, $0x38;
	[tilespmem:$0x1E400] =	vst v63  }
0x5e: {  	s21 =	rddreg [dreg:$0xf]  }
0x5f: {  	[tilespmem:s29], [sflag:$0x2] =	stream.linear.gather [hbm4b:s21+s19], $0x50, $0x38;
	[tilespmem:$0x1E400] =	vst v63  }
0x60: {  	s23 =	rddreg [dreg:$0x10]  }
0x61: {  	[tilespmem:s30], [sflag:$0x2] =	stream.linear.gather [hbm4b:s23+s19], $0x50, $0x38;
	[tilespmem:$0x1E400] =	vst v63  }
0x62: {  	_ =	swait.ge [sflag:s31], $0x50  }
0x63: {  	[sflag:s31] =	ssyncset.done $0x0  }
0x64: {  	[sflag:s31] =	ssyncadd.s32 $0xFFFFFFB0  }
0x65: {  	_ =	swait.ge [sflag:s31], $0x50  }
.Ltmp3:
0x66: {  	[sflag:s31] =	ssyncset.done $0x0;
	(pc) =	sbr.rel .LBB2_4-.Ltmp3, $4  }
0x67: {  	[sflag:s31] =	ssyncadd.s32 $0xFFFFFFB0  }
0x68: {  	[tilespmem:s2], [sflag:$0x7] =	stream.indirect.gather [hbm4b:s3+s1], $0x80, s19, s1, $0xb8;
	[tilespmem:$0x1E400] =	vst v63  }
0x69: {  	s24 =	rddreg [dreg:$0x11]  }
0x6a: {  	[tilespmem:s25], [sflag:$0x5] =	stream.linear.gather [hbm4b:s24+s19], $0x2800, $0x38;
	[tilespmem:$0x1E400] =	vst v63  }
.LBB2_22:
0x6b: {  	s19 =	sadd.s32 $0x1, s19  }
0x6c: {  	p0 =	sne.s32 s19, $0x20  }
.Ltmp4:
0x6d: {  	_ = 	snop;
	(pc) =	sbr.rel @!p0 .LBB2_23-.Ltmp4, $1  }
0x6e: {  	_ =	sdelay $0x3  }
.LBB2_4:
0x6f: {  	s20 =	sshll.u32 s19, $0x2  }
0x70: {  	s8 =	sor.u32 $0x2, s20  }
0x71: {  	p1 =	sgt.u32 s8, $0x7C  }
0x72: {  	s8 =	sshll.u32 @!p1 s8, $0x5  }
0x73: {  	s21 =	sor.u32 @!p1 s9, s8  }
0x74: {  	s8 =	smul.u32 @!p1 $0xA, s21;
	_ =	sdelay $0x1  }
0x75: {  	s17 =	simm.s32 @!p1 $0x0;
	s18 =	simm.s32 @!p1 $0x100;
	s16 =	sadd.s32 @!p1 s6, s8  }
0x76: {  	[tilespmem:s18], [sflag:$0x3] =	stream.linear.gather @!p1 [hbm4b:s16+s17], $0x50, $0x38;
	[tilespmem:$0x1E400] =	vst v63  }
0x77: {  	s8 =	sadd.s32 @!p1 s0, s8;
	s16 =	simm.s32 @!p1 $0x300  }
0x78: {  	[tilespmem:s16], [sflag:$0x3] =	stream.linear.gather @!p1 [hbm4b:s8+s17], $0x50, $0x38;
	[tilespmem:$0x1E400] =	vst v63  }
0x79: {  	s8 =	sor.u32 $0x1, s20  }
0x7a: {  	p2 =	sgt.u32 s8, $0x7C  }
0x7b: {  	s16 =	simm.s32 @!p2 $0x2  }
0x7c: {  	_ =	swait.ge @!p2 [sflag:s16], $0x50  }
0x7d: {  	[sflag:s16] =	ssyncset.done @!p2 $0x0  }
0x7e: {  	[sflag:s16] =	ssyncadd.s32 @!p2 $0xFFFFFFB0  }
0x7f: {  	s8 =	sshll.u32 @!p2 s8, $0x5;
	s17 =	simm.s32 @!p2 $0x80;
	_ =	swait.ge @!p2 [sflag:s16], $0x50  }
0x80: {  	s18 =	simm.s32 @!p2 $0x7C00;
	s8 =	sor.u32 @!p2 s9, s8;
	[sflag:s16] =	ssyncset.done @!p2 $0x0  }
0x81: {  	s8 =	smul.u32 @!p2 $0x500, s8;
	[sflag:s16] =	ssyncadd.s32 @!p2 $0xFFFFFFB0;
	s16 =	simm.s32 @!p2 $0x50  }
0x82: {  	[tilespmem:s18], [sflag:$0x8] =	stream.indirect.gather @!p2 [hbm4b:s3+s16], $0x80, s17, s16, $0xb8;
	[tilespmem:$0x1E400] =	vst v63  }
0x83: {  	s8 =	sadd.s32 @!p2 s7, s8;
	s16 =	simm.s32 @!p2 $0x0;
	s17 =	simm.s32 @!p2 $0x2C00  }
0x84: {  	[tilespmem:s17], [sflag:$0x6] =	stream.linear.gather @!p2 [hbm4b:s8+s16], $0x2800, $0x38;
	[tilespmem:$0x1E400] =	vst v63  }
0x85: {  	_ =	swait.ge [sflag:s10], $0x2800  }
0x86: {  	[sflag:s10] =	ssyncset.done $0x0  }
0x87: {  	[sflag:s10] =	ssyncadd.s32 $0xFFFFD800  }
0x88: {  	_ =	swait.ge [sflag:s11], $0x2800  }
0x89: {  	[sflag:s11] =	ssyncset.done $0x0  }
0x8a: {  	s8 =	simm.s32 $0x500;
	[sflag:s11] =	ssyncadd.s32 $0xFFFFD800  }
0x8b: {  	s23 =	simm.s32 $0x5500;
	v1 =	vld [tilespmem:s8+$0xFFFFFF00]  }
0x8c: {  	v2 =	vld [tilespmem:s23+$0xFFFFFF00];
	_ =	sdelay $0x4  }
0x8d: {  	v1 =	vadd.f32 v2, v1;
	_ =	sdelay $0x1  }
0x8e: {  	v1 =	vmax.f32 v1, $0.0e+00  }
0x8f: {  	[tilespmem:s8+$0xFFFFFF00] =	vst v1;
	v1 =	vld [tilespmem:s8+$0xFFFFFF10]  }
0x90: {  	v2 =	vld [tilespmem:s23+$0xFFFFFF10];
	_ =	sdelay $0x4  }
0x91: {  	v1 =	vadd.f32 v2, v1;
	_ =	sdelay $0x1  }
0x92: {  	v1 =	vmax.f32 v1, $0.0e+00  }
0x93: {  	[tilespmem:s8+$0xFFFFFF10] =	vst v1;
	v1 =	vld [tilespmem:s8+$0xFFFFFF20]  }
0x94: {  	v2 =	vld [tilespmem:s23+$0xFFFFFF20];
	_ =	sdelay $0x4  }
0x95: {  	v1 =	vadd.f32 v2, v1;
	_ =	sdelay $0x1  }
0x96: {  	v1 =	vmax.f32 v1, $0.0e+00  }
0x97: {  	[tilespmem:s8+$0xFFFFFF20] =	vst v1;
	v1 =	vld [tilespmem:s8+$0xFFFFFF30]  }
0x98: {  	v2 =	vld [tilespmem:s23+$0xFFFFFF30];
	_ =	sdelay $0x4  }
0x99: {  	v1 =	vadd.f32 v2, v1;
	_ =	sdelay $0x1  }
0x9a: {  	v1 =	vmax.f32 v1, $0.0e+00  }
0x9b: {  	[tilespmem:s8+$0xFFFFFF30] =	vst v1;
	v1 =	vld [tilespmem:s8+$0xFFFFFF40]  }
0x9c: {  	v2 =	vld [tilespmem:s23+$0xFFFFFF40];
	_ =	sdelay $0x4  }
0x9d: {  	v1 =	vadd.f32 v2, v1;
	_ =	sdelay $0x1  }
0x9e: {  	v1 =	vmax.f32 v1, $0.0e+00  }
0x9f: {  	[tilespmem:s8+$0xFFFFFF40] =	vst v1;
	v1 =	vld [tilespmem:s8+$0xFFFFFF50]  }
0xa0: {  	v2 =	vld [tilespmem:s23+$0xFFFFFF50];
	_ =	sdelay $0x4  }
0xa1: {  	v1 =	vadd.f32 v2, v1;
	_ =	sdelay $0x1  }
0xa2: {  	v1 =	vmax.f32 v1, $0.0e+00  }
0xa3: {  	[tilespmem:s8+$0xFFFFFF50] =	vst v1;
	v1 =	vld [tilespmem:s8+$0xFFFFFF60]  }
0xa4: {  	v2 =	vld [tilespmem:s23+$0xFFFFFF60];
	_ =	sdelay $0x4  }
0xa5: {  	v1 =	vadd.f32 v2, v1;
	_ =	sdelay $0x1  }
0xa6: {  	v1 =	vmax.f32 v1, $0.0e+00  }
0xa7: {  	[tilespmem:s8+$0xFFFFFF60] =	vst v1;
	v1 =	vld [tilespmem:s8+$0xFFFFFF70]  }
0xa8: {  	v2 =	vld [tilespmem:s23+$0xFFFFFF70];
	_ =	sdelay $0x4  }
0xa9: {  	v1 =	vadd.f32 v2, v1;
	_ =	sdelay $0x1  }
0xaa: {  	v1 =	vmax.f32 v1, $0.0e+00  }
0xab: {  	[tilespmem:s8+$0xFFFFFF70] =	vst v1;
	v1 =	vld [tilespmem:s8+$0xFFFFFF80]  }
0xac: {  	v2 =	vld [tilespmem:s23+$0xFFFFFF80];
	_ =	sdelay $0x4  }
0xad: {  	v1 =	vadd.f32 v2, v1;
	_ =	sdelay $0x1  }
0xae: {  	v1 =	vmax.f32 v1, $0.0e+00  }
0xaf: {  	[tilespmem:s8+$0xFFFFFF80] =	vst v1;
	v1 =	vld [tilespmem:s8+$0xFFFFFF90]  }
0xb0: {  	v2 =	vld [tilespmem:s23+$0xFFFFFF90];
	_ =	sdelay $0x4  }
0xb1: {  	v1 =	vadd.f32 v2, v1;
	_ =	sdelay $0x1  }
0xb2: {  	v1 =	vmax.f32 v1, $0.0e+00  }
0xb3: {  	[tilespmem:s8+$0xFFFFFF90] =	vst v1;
	v1 =	vld [tilespmem:s8+$0xFFFFFFA0]  }
0xb4: {  	v2 =	vld [tilespmem:s23+$0xFFFFFFA0];
	_ =	sdelay $0x4  }
0xb5: {  	v1 =	vadd.f32 v2, v1;
	_ =	sdelay $0x1  }
0xb6: {  	v1 =	vmax.f32 v1, $0.0e+00  }
0xb7: {  	[tilespmem:s8+$0xFFFFFFA0] =	vst v1;
	v1 =	vld [tilespmem:s8+$0xFFFFFFB0]  }
0xb8: {  	v2 =	vld [tilespmem:s23+$0xFFFFFFB0];
	_ =	sdelay $0x4  }
0xb9: {  	v1 =	vadd.f32 v2, v1;
	_ =	sdelay $0x1  }
0xba: {  	v1 =	vmax.f32 v1, $0.0e+00  }
0xbb: {  	[tilespmem:s8+$0xFFFFFFB0] =	vst v1;
	v1 =	vld [tilespmem:s8+$0xFFFFFFC0]  }
0xbc: {  	v2 =	vld [tilespmem:s23+$0xFFFFFFC0];
	_ =	sdelay $0x4  }
0xbd: {  	v1 =	vadd.f32 v2, v1;
	_ =	sdelay $0x1  }
0xbe: {  	v1 =	vmax.f32 v1, $0.0e+00  }
0xbf: {  	[tilespmem:s8+$0xFFFFFFC0] =	vst v1;
	v1 =	vld [tilespmem:s8+$0xFFFFFFD0]  }
0xc0: {  	v2 =	vld [tilespmem:s23+$0xFFFFFFD0];
	_ =	sdelay $0x4  }
0xc1: {  	v1 =	vadd.f32 v2, v1;
	_ =	sdelay $0x1  }
0xc2: {  	v1 =	vmax.f32 v1, $0.0e+00  }
0xc3: {  	[tilespmem:s8+$0xFFFFFFD0] =	vst v1;
	v1 =	vld [tilespmem:s8+$0xFFFFFFE0]  }
0xc4: {  	v2 =	vld [tilespmem:s23+$0xFFFFFFE0];
	_ =	sdelay $0x4  }
0xc5: {  	v1 =	vadd.f32 v2, v1;
	_ =	sdelay $0x1  }
0xc6: {  	v1 =	vmax.f32 v1, $0.0e+00  }
0xc7: {  	[tilespmem:s8+$0xFFFFFFE0] =	vst v1;
	v1 =	vld [tilespmem:s8+$0xFFFFFFF0]  }
0xc8: {  	v2 =	vld [tilespmem:s23+$0xFFFFFFF0];
	_ =	sdelay $0x4  }
0xc9: {  	v1 =	vadd.f32 v2, v1;
	_ =	sdelay $0x1  }
0xca: {  	v1 =	vmax.f32 v1, $0.0e+00  }
0xcb: {  	[tilespmem:s8+$0xFFFFFFF0] =	vst v1;
	v1 =	vld [tilespmem:s8+$0x0]  }
0xcc: {  	v2 =	vld [tilespmem:s23+$0x0];
	_ =	sdelay $0x4  }
0xcd: {  	v1 =	vadd.f32 v2, v1;
	_ =	sdelay $0x1  }
0xce: {  	v1 =	vmax.f32 v1, $0.0e+00  }
0xcf: {  	[tilespmem:s8+$0x0] =	vst v1;
	v1 =	vld [tilespmem:s8+$0x10]  }
0xd0: {  	v2 =	vld [tilespmem:s23+$0x10];
	_ =	sdelay $0x4  }
0xd1: {  	v1 =	vadd.f32 v2, v1;
	_ =	sdelay $0x1  }
0xd2: {  	v1 =	vmax.f32 v1, $0.0e+00  }
0xd3: {  	[tilespmem:s8+$0x10] =	vst v1;
	v1 =	vld [tilespmem:s8+$0x20]  }
0xd4: {  	v2 =	vld [tilespmem:s23+$0x20];
	_ =	sdelay $0x4  }
0xd5: {  	v1 =	vadd.f32 v2, v1;
	_ =	sdelay $0x1  }
0xd6: {  	v1 =	vmax.f32 v1, $0.0e+00  }
0xd7: {  	[tilespmem:s8+$0x20] =	vst v1;
	v1 =	vld [tilespmem:s8+$0x30]  }
0xd8: {  	v2 =	vld [tilespmem:s23+$0x30];
	_ =	sdelay $0x4  }
0xd9: {  	v1 =	vadd.f32 v2, v1;
	_ =	sdelay $0x1  }
0xda: {  	v1 =	vmax.f32 v1, $0.0e+00  }
0xdb: {  	[tilespmem:s8+$0x30] =	vst v1;
	v1 =	vld [tilespmem:s8+$0x40]  }
0xdc: {  	v2 =	vld [tilespmem:s23+$0x40];
	_ =	sdelay $0x4  }
0xdd: {  	v1 =	vadd.f32 v2, v1;
	_ =	sdelay $0x1  }
0xde: {  	v1 =	vmax.f32 v1, $0.0e+00  }
0xdf: {  	[tilespmem:s8+$0x40] =	vst v1;
	v1 =	vld [tilespmem:s8+$0x50]  }
0xe0: {  	v2 =	vld [tilespmem:s23+$0x50];
	_ =	sdelay $0x4  }
0xe1: {  	v1 =	vadd.f32 v2, v1;
	_ =	sdelay $0x1  }
0xe2: {  	v1 =	vmax.f32 v1, $0.0e+00  }
0xe3: {  	[tilespmem:s8+$0x50] =	vst v1;
	v1 =	vld [tilespmem:s8+$0x60]  }
0xe4: {  	v2 =	vld [tilespmem:s23+$0x60];
	_ =	sdelay $0x4  }
0xe5: {  	v1 =	vadd.f32 v2, v1;
	_ =	sdelay $0x1  }
0xe6: {  	v1 =	vmax.f32 v1, $0.0e+00  }
0xe7: {  	[tilespmem:s8+$0x60] =	vst v1;
	v1 =	vld [tilespmem:s8+$0x70]  }
0xe8: {  	v2 =	vld [tilespmem:s23+$0x70];
	_ =	sdelay $0x4  }
0xe9: {  	v1 =	vadd.f32 v2, v1;
	_ =	sdelay $0x1  }
0xea: {  	v1 =	vmax.f32 v1, $0.0e+00  }
0xeb: {  	[tilespmem:s8+$0x70] =	vst v1;
	v1 =	vld [tilespmem:s8+$0x80]  }
0xec: {  	v2 =	vld [tilespmem:s23+$0x80];
	_ =	sdelay $0x4  }
0xed: {  	v1 =	vadd.f32 v2, v1;
	_ =	sdelay $0x1  }
0xee: {  	v1 =	vmax.f32 v1, $0.0e+00  }
0xef: {  	[tilespmem:s8+$0x80] =	vst v1;
	v1 =	vld [tilespmem:s8+$0x90]  }
0xf0: {  	v2 =	vld [tilespmem:s23+$0x90];
	_ =	sdelay $0x4  }
0xf1: {  	v1 =	vadd.f32 v2, v1;
	_ =	sdelay $0x1  }
0xf2: {  	v1 =	vmax.f32 v1, $0.0e+00  }
0xf3: {  	[tilespmem:s8+$0x90] =	vst v1;
	v1 =	vld [tilespmem:s8+$0xA0]  }
0xf4: {  	v2 =	vld [tilespmem:s23+$0xA0];
	_ =	sdelay $0x4  }
0xf5: {  	v1 =	vadd.f32 v2, v1;
	_ =	sdelay $0x1  }
0xf6: {  	v1 =	vmax.f32 v1, $0.0e+00  }
0xf7: {  	[tilespmem:s8+$0xA0] =	vst v1;
	v1 =	vld [tilespmem:s8+$0xB0]  }
0xf8: {  	v2 =	vld [tilespmem:s23+$0xB0];
	_ =	sdelay $0x4  }
0xf9: {  	v1 =	vadd.f32 v2, v1;
	_ =	sdelay $0x1  }
0xfa: {  	v1 =	vmax.f32 v1, $0.0e+00  }
0xfb: {  	[tilespmem:s8+$0xB0] =	vst v1;
	v1 =	vld [tilespmem:s8+$0xC0]  }
0xfc: {  	v2 =	vld [tilespmem:s23+$0xC0];
	_ =	sdelay $0x4  }
0xfd: {  	v1 =	vadd.f32 v2, v1;
	_ =	sdelay $0x1  }
0xfe: {  	v1 =	vmax.f32 v1, $0.0e+00  }
0xff: {  	[tilespmem:s8+$0xC0] =	vst v1;
	v1 =	vld [tilespmem:s8+$0xD0]  }
0x100: {  	v2 =	vld [tilespmem:s23+$0xD0];
	_ =	sdelay $0x4  }
0x101: {  	v1 =	vadd.f32 v2, v1;
	_ =	sdelay $0x1  }
0x102: {  	v1 =	vmax.f32 v1, $0.0e+00  }
0x103: {  	[tilespmem:s8+$0xD0] =	vst v1;
	v1 =	vld [tilespmem:s8+$0xE0]  }
0x104: {  	v2 =	vld [tilespmem:s23+$0xE0];
	_ =	sdelay $0x4  }
0x105: {  	v1 =	vadd.f32 v2, v1;
	_ =	sdelay $0x1  }
0x106: {  	v1 =	vmax.f32 v1, $0.0e+00  }
0x107: {  	[tilespmem:s8+$0xE0] =	vst v1;
	v1 =	vld [tilespmem:s8+$0xF0]  }
0x108: {  	v2 =	vld [tilespmem:s23+$0xF0];
	_ =	sdelay $0x4  }
0x109: {  	v1 =	vadd.f32 v2, v1;
	_ =	sdelay $0x1  }
0x10a: {  	s18 =	simm.s32 $0x0;
	s16 =	simm.s32 $0x700;
	v1 =	vmax.f32 v1, $0.0e+00  }
.LBB2_5:
0x10b: {  	v2 =	vld [tilespmem:s16+$0xFFFFFF00];
	[tilespmem:s8+$0xF0] =	vst v1;
	s23 =	sadd.s32 $0x200, s23;
	s8 =	smov.u32 s16  }
0x10c: {  	s18 =	sadd.s32 $0x4, s18;
	v1 =	vld [tilespmem:s23+$0xFFFFFF00]  }
0x10d: {  	p0 =	slt.u32 s18, $0x4C;
	_ =	sdelay $0x3  }
0x10e: {  	v1 =	vadd.f32 v1, v2;
	_ =	sdelay $0x1  }
0x10f: {  	v1 =	vmax.f32 v1, $0.0e+00  }
0x110: {  	[tilespmem:s16+$0xFFFFFF00] =	vst v1;
	v1 =	vld [tilespmem:s16+$0xFFFFFF10]  }
0x111: {  	v2 =	vld [tilespmem:s23+$0xFFFFFF10];
	_ =	sdelay $0x4  }
0x112: {  	v1 =	vadd.f32 v2, v1;
	_ =	sdelay $0x1  }
0x113: {  	v1 =	vmax.f32 v1, $0.0e+00  }
0x114: {  	[tilespmem:s16+$0xFFFFFF10] =	vst v1;
	v1 =	vld [tilespmem:s16+$0xFFFFFF20]  }
0x115: {  	v2 =	vld [tilespmem:s23+$0xFFFFFF20];
	_ =	sdelay $0x4  }
0x116: {  	v1 =	vadd.f32 v2, v1;
	_ =	sdelay $0x1  }
0x117: {  	v1 =	vmax.f32 v1, $0.0e+00  }
0x118: {  	[tilespmem:s16+$0xFFFFFF20] =	vst v1;
	v1 =	vld [tilespmem:s16+$0xFFFFFF30]  }
0x119: {  	v2 =	vld [tilespmem:s23+$0xFFFFFF30];
	_ =	sdelay $0x4  }
0x11a: {  	v1 =	vadd.f32 v2, v1;
	_ =	sdelay $0x1  }
0x11b: {  	v1 =	vmax.f32 v1, $0.0e+00  }
0x11c: {  	[tilespmem:s16+$0xFFFFFF30] =	vst v1;
	v1 =	vld [tilespmem:s16+$0xFFFFFF40]  }
0x11d: {  	v2 =	vld [tilespmem:s23+$0xFFFFFF40];
	_ =	sdelay $0x4  }
0x11e: {  	v1 =	vadd.f32 v2, v1;
	_ =	sdelay $0x1  }
0x11f: {  	v1 =	vmax.f32 v1, $0.0e+00  }
0x120: {  	[tilespmem:s16+$0xFFFFFF40] =	vst v1;
	v1 =	vld [tilespmem:s16+$0xFFFFFF50]  }
0x121: {  	v2 =	vld [tilespmem:s23+$0xFFFFFF50];
	_ =	sdelay $0x4  }
0x122: {  	v1 =	vadd.f32 v2, v1;
	_ =	sdelay $0x1  }
0x123: {  	v1 =	vmax.f32 v1, $0.0e+00  }
0x124: {  	[tilespmem:s16+$0xFFFFFF50] =	vst v1;
	v1 =	vld [tilespmem:s16+$0xFFFFFF60]  }
0x125: {  	v2 =	vld [tilespmem:s23+$0xFFFFFF60];
	_ =	sdelay $0x4  }
0x126: {  	v1 =	vadd.f32 v2, v1;
	_ =	sdelay $0x1  }
0x127: {  	v1 =	vmax.f32 v1, $0.0e+00  }
0x128: {  	[tilespmem:s16+$0xFFFFFF60] =	vst v1;
	v1 =	vld [tilespmem:s16+$0xFFFFFF70]  }
0x129: {  	v2 =	vld [tilespmem:s23+$0xFFFFFF70];
	_ =	sdelay $0x4  }
0x12a: {  	v1 =	vadd.f32 v2, v1;
	_ =	sdelay $0x1  }
0x12b: {  	v1 =	vmax.f32 v1, $0.0e+00  }
0x12c: {  	[tilespmem:s16+$0xFFFFFF70] =	vst v1;
	v1 =	vld [tilespmem:s16+$0xFFFFFF80]  }
0x12d: {  	v2 =	vld [tilespmem:s23+$0xFFFFFF80];
	_ =	sdelay $0x4  }
0x12e: {  	v1 =	vadd.f32 v2, v1;
	_ =	sdelay $0x1  }
0x12f: {  	v1 =	vmax.f32 v1, $0.0e+00  }
0x130: {  	[tilespmem:s16+$0xFFFFFF80] =	vst v1;
	v1 =	vld [tilespmem:s16+$0xFFFFFF90]  }
0x131: {  	v2 =	vld [tilespmem:s23+$0xFFFFFF90];
	_ =	sdelay $0x4  }
0x132: {  	v1 =	vadd.f32 v2, v1;
	_ =	sdelay $0x1  }
0x133: {  	v1 =	vmax.f32 v1, $0.0e+00  }
0x134: {  	[tilespmem:s16+$0xFFFFFF90] =	vst v1;
	v1 =	vld [tilespmem:s16+$0xFFFFFFA0]  }
0x135: {  	v2 =	vld [tilespmem:s23+$0xFFFFFFA0];
	_ =	sdelay $0x4  }
0x136: {  	v1 =	vadd.f32 v2, v1;
	_ =	sdelay $0x1  }
0x137: {  	v1 =	vmax.f32 v1, $0.0e+00  }
0x138: {  	[tilespmem:s16+$0xFFFFFFA0] =	vst v1;
	v1 =	vld [tilespmem:s16+$0xFFFFFFB0]  }
0x139: {  	v2 =	vld [tilespmem:s23+$0xFFFFFFB0];
	_ =	sdelay $0x4  }
0x13a: {  	v1 =	vadd.f32 v2, v1;
	_ =	sdelay $0x1  }
0x13b: {  	v1 =	vmax.f32 v1, $0.0e+00  }
0x13c: {  	[tilespmem:s16+$0xFFFFFFB0] =	vst v1;
	v1 =	vld [tilespmem:s16+$0xFFFFFFC0]  }
0x13d: {  	v2 =	vld [tilespmem:s23+$0xFFFFFFC0];
	_ =	sdelay $0x4  }
0x13e: {  	v1 =	vadd.f32 v2, v1;
	_ =	sdelay $0x1  }
0x13f: {  	v1 =	vmax.f32 v1, $0.0e+00  }
0x140: {  	[tilespmem:s16+$0xFFFFFFC0] =	vst v1;
	v1 =	vld [tilespmem:s16+$0xFFFFFFD0]  }
0x141: {  	v2 =	vld [tilespmem:s23+$0xFFFFFFD0];
	_ =	sdelay $0x4  }
0x142: {  	v1 =	vadd.f32 v2, v1;
	_ =	sdelay $0x1  }
0x143: {  	v1 =	vmax.f32 v1, $0.0e+00  }
0x144: {  	[tilespmem:s16+$0xFFFFFFD0] =	vst v1;
	v1 =	vld [tilespmem:s16+$0xFFFFFFE0]  }
0x145: {  	v2 =	vld [tilespmem:s23+$0xFFFFFFE0];
	_ =	sdelay $0x4  }
0x146: {  	v1 =	vadd.f32 v2, v1;
	_ =	sdelay $0x1  }
0x147: {  	v1 =	vmax.f32 v1, $0.0e+00  }
0x148: {  	[tilespmem:s16+$0xFFFFFFE0] =	vst v1;
	v1 =	vld [tilespmem:s16+$0xFFFFFFF0]  }
0x149: {  	v2 =	vld [tilespmem:s23+$0xFFFFFFF0];
	_ =	sdelay $0x4  }
0x14a: {  	v1 =	vadd.f32 v2, v1;
	_ =	sdelay $0x1  }
0x14b: {  	v1 =	vmax.f32 v1, $0.0e+00  }
0x14c: {  	[tilespmem:s16+$0xFFFFFFF0] =	vst v1;
	v1 =	vld [tilespmem:s16+$0x0]  }
0x14d: {  	v2 =	vld [tilespmem:s23+$0x0];
	_ =	sdelay $0x4  }
0x14e: {  	v1 =	vadd.f32 v2, v1;
	_ =	sdelay $0x1  }
0x14f: {  	v1 =	vmax.f32 v1, $0.0e+00  }
0x150: {  	[tilespmem:s16+$0x0] =	vst v1;
	v1 =	vld [tilespmem:s16+$0x10]  }
0x151: {  	v2 =	vld [tilespmem:s23+$0x10];
	_ =	sdelay $0x4  }
0x152: {  	v1 =	vadd.f32 v2, v1;
	_ =	sdelay $0x1  }
0x153: {  	v1 =	vmax.f32 v1, $0.0e+00  }
0x154: {  	[tilespmem:s16+$0x10] =	vst v1;
	v1 =	vld [tilespmem:s16+$0x20]  }
0x155: {  	v2 =	vld [tilespmem:s23+$0x20];
	_ =	sdelay $0x4  }
0x156: {  	v1 =	vadd.f32 v2, v1;
	_ =	sdelay $0x1  }
0x157: {  	v1 =	vmax.f32 v1, $0.0e+00  }
0x158: {  	[tilespmem:s16+$0x20] =	vst v1;
	v1 =	vld [tilespmem:s16+$0x30]  }
0x159: {  	v2 =	vld [tilespmem:s23+$0x30];
	_ =	sdelay $0x4  }
0x15a: {  	v1 =	vadd.f32 v2, v1;
	_ =	sdelay $0x1  }
0x15b: {  	v1 =	vmax.f32 v1, $0.0e+00  }
0x15c: {  	[tilespmem:s16+$0x30] =	vst v1;
	v1 =	vld [tilespmem:s16+$0x40]  }
0x15d: {  	v2 =	vld [tilespmem:s23+$0x40];
	_ =	sdelay $0x4  }
0x15e: {  	v1 =	vadd.f32 v2, v1;
	_ =	sdelay $0x1  }
0x15f: {  	v1 =	vmax.f32 v1, $0.0e+00  }
0x160: {  	[tilespmem:s16+$0x40] =	vst v1;
	v1 =	vld [tilespmem:s16+$0x50]  }
0x161: {  	v2 =	vld [tilespmem:s23+$0x50];
	_ =	sdelay $0x4  }
0x162: {  	v1 =	vadd.f32 v2, v1;
	_ =	sdelay $0x1  }
0x163: {  	v1 =	vmax.f32 v1, $0.0e+00  }
0x164: {  	[tilespmem:s16+$0x50] =	vst v1;
	v1 =	vld [tilespmem:s16+$0x60]  }
0x165: {  	v2 =	vld [tilespmem:s23+$0x60];
	_ =	sdelay $0x4  }
0x166: {  	v1 =	vadd.f32 v2, v1;
	_ =	sdelay $0x1  }
0x167: {  	v1 =	vmax.f32 v1, $0.0e+00  }
0x168: {  	[tilespmem:s16+$0x60] =	vst v1;
	v1 =	vld [tilespmem:s16+$0x70]  }
0x169: {  	v2 =	vld [tilespmem:s23+$0x70];
	_ =	sdelay $0x4  }
0x16a: {  	v1 =	vadd.f32 v2, v1;
	_ =	sdelay $0x1  }
0x16b: {  	v1 =	vmax.f32 v1, $0.0e+00  }
0x16c: {  	[tilespmem:s16+$0x70] =	vst v1;
	v1 =	vld [tilespmem:s16+$0x80]  }
0x16d: {  	v2 =	vld [tilespmem:s23+$0x80];
	_ =	sdelay $0x4  }
0x16e: {  	v1 =	vadd.f32 v2, v1;
	_ =	sdelay $0x1  }
0x16f: {  	v1 =	vmax.f32 v1, $0.0e+00  }
0x170: {  	[tilespmem:s16+$0x80] =	vst v1;
	v1 =	vld [tilespmem:s16+$0x90]  }
0x171: {  	v2 =	vld [tilespmem:s23+$0x90];
	_ =	sdelay $0x4  }
0x172: {  	v1 =	vadd.f32 v2, v1;
	_ =	sdelay $0x1  }
0x173: {  	v1 =	vmax.f32 v1, $0.0e+00  }
0x174: {  	[tilespmem:s16+$0x90] =	vst v1;
	v1 =	vld [tilespmem:s16+$0xA0]  }
0x175: {  	v2 =	vld [tilespmem:s23+$0xA0];
	_ =	sdelay $0x4  }
0x176: {  	v1 =	vadd.f32 v2, v1;
	_ =	sdelay $0x1  }
0x177: {  	v1 =	vmax.f32 v1, $0.0e+00  }
0x178: {  	[tilespmem:s16+$0xA0] =	vst v1;
	v1 =	vld [tilespmem:s16+$0xB0]  }
0x179: {  	v2 =	vld [tilespmem:s23+$0xB0];
	_ =	sdelay $0x4  }
0x17a: {  	v1 =	vadd.f32 v2, v1;
	_ =	sdelay $0x1  }
0x17b: {  	v1 =	vmax.f32 v1, $0.0e+00  }
0x17c: {  	[tilespmem:s16+$0xB0] =	vst v1;
	v1 =	vld [tilespmem:s16+$0xC0]  }
0x17d: {  	v2 =	vld [tilespmem:s23+$0xC0];
	_ =	sdelay $0x4  }
0x17e: {  	v1 =	vadd.f32 v2, v1;
	_ =	sdelay $0x1  }
0x17f: {  	v1 =	vmax.f32 v1, $0.0e+00  }
0x180: {  	[tilespmem:s16+$0xC0] =	vst v1;
	v1 =	vld [tilespmem:s16+$0xD0]  }
0x181: {  	v2 =	vld [tilespmem:s23+$0xD0];
	_ =	sdelay $0x4  }
0x182: {  	v1 =	vadd.f32 v2, v1;
	_ =	sdelay $0x1  }
0x183: {  	v1 =	vmax.f32 v1, $0.0e+00  }
0x184: {  	[tilespmem:s16+$0xD0] =	vst v1;
	v1 =	vld [tilespmem:s16+$0xE0]  }
0x185: {  	v2 =	vld [tilespmem:s23+$0xE0];
	_ =	sdelay $0x4  }
0x186: {  	v1 =	vadd.f32 v2, v1;
	_ =	sdelay $0x1  }
0x187: {  	v1 =	vmax.f32 v1, $0.0e+00  }
0x188: {  	[tilespmem:s16+$0xE0] =	vst v1;
	v1 =	vld [tilespmem:s16+$0xF0]  }
0x189: {  	v2 =	vld [tilespmem:s23+$0xF0];
	_ =	sdelay $0x2  }
.Ltmp5:
0x18a: {  	(pc) =	sbr.rel @p0 .LBB2_5-.Ltmp5, $3  }
0x18b: {  	_ = 	snop  }
0x18c: {  	v1 =	vadd.f32 v2, v1;
	_ =	sdelay $0x1  }
0x18d: {  	s16 =	sadd.s32 $0x200, s16;
	v1 =	vmax.f32 v1, $0.0e+00  }
0x18e: {  	[tilespmem:s8+$0xF0] =	vst v1;
	s8 =	sor.u32 $0x3, s20  }
0x18f: {  	[spmem:s4] =	stream.indirect.scatter.add.f32 [tilespmem:s25], [sflag:$0xA], $0x80, s28, s1, $0xb8;
	[tilespmem:$0x1E400] =	vst v63  }
0x190: {  	p0 =	sgt.u32 s8, $0x7C  }
0x191: {  	s8 =	sshll.u32 @!p0 s8, $0x5  }
0x192: {  	s23 =	sor.u32 @!p0 s9, s8  }
0x193: {  	_ =	swait.ge [sflag:s12], $0x2800;
	s16 =	smul.u32 @!p0 $0xA, s23  }
0x194: {  	s24 =	simm.s32 @!p0 $0x0;
	[sflag:s12] =	ssyncset.done $0x0  }
0x195: {  	s8 =	simm.s32 @!p0 $0x180;
	[sflag:s12] =	ssyncadd.s32 $0xFFFFD800;
	s17 =	sadd.s32 @!p0 s6, s16  }
0x196: {  	[tilespmem:s8], [sflag:$0x4] =	stream.linear.gather @!p0 [hbm4b:s17+s24], $0x50, $0x38;
	[tilespmem:$0x1E400] =	vst v63  }
0x197: {  	s16 =	sadd.s32 @!p0 s0, s16;
	s17 =	simm.s32 @!p0 $0x380  }
0x198: {  	[tilespmem:s17], [sflag:$0x4] =	stream.linear.gather @!p0 [hbm4b:s16+s24], $0x50, $0x38;
	[tilespmem:$0x1E400] =	vst v63  }
0x199: {  	s16 =	simm.s32 @!p1 $0x3  }
0x19a: {  	_ =	swait.ge @!p1 [sflag:s16], $0x50  }
0x19b: {  	[sflag:s16] =	ssyncset.done @!p1 $0x0  }
0x19c: {  	[sflag:s16] =	ssyncadd.s32 @!p1 $0xFFFFFFB0  }
0x19d: {  	s21 =	smul.u32 @!p1 $0x500, s21;
	_ =	swait.ge @!p1 [sflag:s16], $0x50  }
.Ltmp6:
0x19e: {  	s18 =	simm.s32 @!p1 $0x5400;
	[sflag:s16] =	ssyncset.done @!p1 $0x0;
	(pc) =	sbr.rel @p2 .LBB2_10-.Ltmp6, $4  }
0x19f: {  	s17 =	simm.s32 @!p1 $0x100;
	[sflag:s16] =	ssyncadd.s32 @!p1 $0xFFFFFFB0;
	s16 =	simm.s32 @!p1 $0x50  }
0x1a0: {  	[tilespmem:s18], [sflag:$0x7] =	stream.indirect.gather @!p1 [hbm4b:s3+s16], $0x80, s17, s16, $0xb8;
	[tilespmem:$0x1E400] =	vst v63  }
0x1a1: {  	s16 =	sadd.s32 @!p1 s7, s21;
	s17 =	simm.s32 @!p1 $0x0;
	s18 =	simm.s32 @!p1 $0x400  }
0x1a2: {  	[tilespmem:s18], [sflag:$0x5] =	stream.linear.gather @!p1 [hbm4b:s16+s17], $0x2800, $0x38;
	[tilespmem:$0x1E400] =	vst v63  }
0x1a3: {  	_ =	swait.ge [sflag:s13], $0x2800  }
0x1a4: {  	[sflag:s13] =	ssyncset.done $0x0  }
0x1a5: {  	[sflag:s13] =	ssyncadd.s32 $0xFFFFD800  }
0x1a6: {  	_ =	swait.ge [sflag:s14], $0x2800  }
0x1a7: {  	[sflag:s14] =	ssyncset.done $0x0  }
0x1a8: {  	s21 =	simm.s32 $0x2D00;
	[sflag:s14] =	ssyncadd.s32 $0xFFFFD800  }
0x1a9: {  	s18 =	simm.s32 $0x7D00;
	v1 =	vld [tilespmem:s21+$0xFFFFFF00]  }
0x1aa: {  	v2 =	vld [tilespmem:s18+$0xFFFFFF00];
	_ =	sdelay $0x4  }
0x1ab: {  	v1 =	vadd.f32 v2, v1;
	_ =	sdelay $0x1  }
0x1ac: {  	v1 =	vmax.f32 v1, $0.0e+00  }
0x1ad: {  	[tilespmem:s21+$0xFFFFFF00] =	vst v1;
	v1 =	vld [tilespmem:s21+$0xFFFFFF10]  }
0x1ae: {  	v2 =	vld [tilespmem:s18+$0xFFFFFF10];
	_ =	sdelay $0x4  }
0x1af: {  	v1 =	vadd.f32 v2, v1;
	_ =	sdelay $0x1  }
0x1b0: {  	v1 =	vmax.f32 v1, $0.0e+00  }
0x1b1: {  	[tilespmem:s21+$0xFFFFFF10] =	vst v1;
	v1 =	vld [tilespmem:s21+$0xFFFFFF20]  }
0x1b2: {  	v2 =	vld [tilespmem:s18+$0xFFFFFF20];
	_ =	sdelay $0x4  }
0x1b3: {  	v1 =	vadd.f32 v2, v1;
	_ =	sdelay $0x1  }
0x1b4: {  	v1 =	vmax.f32 v1, $0.0e+00  }
0x1b5: {  	[tilespmem:s21+$0xFFFFFF20] =	vst v1;
	v1 =	vld [tilespmem:s21+$0xFFFFFF30]  }
0x1b6: {  	v2 =	vld [tilespmem:s18+$0xFFFFFF30];
	_ =	sdelay $0x4  }
0x1b7: {  	v1 =	vadd.f32 v2, v1;
	_ =	sdelay $0x1  }
0x1b8: {  	v1 =	vmax.f32 v1, $0.0e+00  }
0x1b9: {  	[tilespmem:s21+$0xFFFFFF30] =	vst v1;
	v1 =	vld [tilespmem:s21+$0xFFFFFF40]  }
0x1ba: {  	v2 =	vld [tilespmem:s18+$0xFFFFFF40];
	_ =	sdelay $0x4  }
0x1bb: {  	v1 =	vadd.f32 v2, v1;
	_ =	sdelay $0x1  }
0x1bc: {  	v1 =	vmax.f32 v1, $0.0e+00  }
0x1bd: {  	[tilespmem:s21+$0xFFFFFF40] =	vst v1;
	v1 =	vld [tilespmem:s21+$0xFFFFFF50]  }
0x1be: {  	v2 =	vld [tilespmem:s18+$0xFFFFFF50];
	_ =	sdelay $0x4  }
0x1bf: {  	v1 =	vadd.f32 v2, v1;
	_ =	sdelay $0x1  }
0x1c0: {  	v1 =	vmax.f32 v1, $0.0e+00  }
0x1c1: {  	[tilespmem:s21+$0xFFFFFF50] =	vst v1;
	v1 =	vld [tilespmem:s21+$0xFFFFFF60]  }
0x1c2: {  	v2 =	vld [tilespmem:s18+$0xFFFFFF60];
	_ =	sdelay $0x4  }
0x1c3: {  	v1 =	vadd.f32 v2, v1;
	_ =	sdelay $0x1  }
0x1c4: {  	v1 =	vmax.f32 v1, $0.0e+00  }
0x1c5: {  	[tilespmem:s21+$0xFFFFFF60] =	vst v1;
	v1 =	vld [tilespmem:s21+$0xFFFFFF70]  }
0x1c6: {  	v2 =	vld [tilespmem:s18+$0xFFFFFF70];
	_ =	sdelay $0x4  }
0x1c7: {  	v1 =	vadd.f32 v2, v1;
	_ =	sdelay $0x1  }
0x1c8: {  	v1 =	vmax.f32 v1, $0.0e+00  }
0x1c9: {  	[tilespmem:s21+$0xFFFFFF70] =	vst v1;
	v1 =	vld [tilespmem:s21+$0xFFFFFF80]  }
0x1ca: {  	v2 =	vld [tilespmem:s18+$0xFFFFFF80];
	_ =	sdelay $0x4  }
0x1cb: {  	v1 =	vadd.f32 v2, v1;
	_ =	sdelay $0x1  }
0x1cc: {  	v1 =	vmax.f32 v1, $0.0e+00  }
0x1cd: {  	[tilespmem:s21+$0xFFFFFF80] =	vst v1;
	v1 =	vld [tilespmem:s21+$0xFFFFFF90]  }
0x1ce: {  	v2 =	vld [tilespmem:s18+$0xFFFFFF90];
	_ =	sdelay $0x4  }
0x1cf: {  	v1 =	vadd.f32 v2, v1;
	_ =	sdelay $0x1  }
0x1d0: {  	v1 =	vmax.f32 v1, $0.0e+00  }
0x1d1: {  	[tilespmem:s21+$0xFFFFFF90] =	vst v1;
	v1 =	vld [tilespmem:s21+$0xFFFFFFA0]  }
0x1d2: {  	v2 =	vld [tilespmem:s18+$0xFFFFFFA0];
	_ =	sdelay $0x4  }
0x1d3: {  	v1 =	vadd.f32 v2, v1;
	_ =	sdelay $0x1  }
0x1d4: {  	v1 =	vmax.f32 v1, $0.0e+00  }
0x1d5: {  	[tilespmem:s21+$0xFFFFFFA0] =	vst v1;
	v1 =	vld [tilespmem:s21+$0xFFFFFFB0]  }
0x1d6: {  	v2 =	vld [tilespmem:s18+$0xFFFFFFB0];
	_ =	sdelay $0x4  }
0x1d7: {  	v1 =	vadd.f32 v2, v1;
	_ =	sdelay $0x1  }
0x1d8: {  	v1 =	vmax.f32 v1, $0.0e+00  }
0x1d9: {  	[tilespmem:s21+$0xFFFFFFB0] =	vst v1;
	v1 =	vld [tilespmem:s21+$0xFFFFFFC0]  }
0x1da: {  	v2 =	vld [tilespmem:s18+$0xFFFFFFC0];
	_ =	sdelay $0x4  }
0x1db: {  	v1 =	vadd.f32 v2, v1;
	_ =	sdelay $0x1  }
0x1dc: {  	v1 =	vmax.f32 v1, $0.0e+00  }
0x1dd: {  	[tilespmem:s21+$0xFFFFFFC0] =	vst v1;
	v1 =	vld [tilespmem:s21+$0xFFFFFFD0]  }
0x1de: {  	v2 =	vld [tilespmem:s18+$0xFFFFFFD0];
	_ =	sdelay $0x4  }
0x1df: {  	v1 =	vadd.f32 v2, v1;
	_ =	sdelay $0x1  }
0x1e0: {  	v1 =	vmax.f32 v1, $0.0e+00  }
0x1e1: {  	[tilespmem:s21+$0xFFFFFFD0] =	vst v1;
	v1 =	vld [tilespmem:s21+$0xFFFFFFE0]  }
0x1e2: {  	v2 =	vld [tilespmem:s18+$0xFFFFFFE0];
	_ =	sdelay $0x4  }
0x1e3: {  	v1 =	vadd.f32 v2, v1;
	_ =	sdelay $0x1  }
0x1e4: {  	v1 =	vmax.f32 v1, $0.0e+00  }
0x1e5: {  	[tilespmem:s21+$0xFFFFFFE0] =	vst v1;
	v1 =	vld [tilespmem:s21+$0xFFFFFFF0]  }
0x1e6: {  	v2 =	vld [tilespmem:s18+$0xFFFFFFF0];
	_ =	sdelay $0x4  }
0x1e7: {  	v1 =	vadd.f32 v2, v1;
	_ =	sdelay $0x1  }
0x1e8: {  	v1 =	vmax.f32 v1, $0.0e+00  }
0x1e9: {  	[tilespmem:s21+$0xFFFFFFF0] =	vst v1;
	v1 =	vld [tilespmem:s21+$0x0]  }
0x1ea: {  	v2 =	vld [tilespmem:s18+$0x0];
	_ =	sdelay $0x4  }
0x1eb: {  	v1 =	vadd.f32 v2, v1;
	_ =	sdelay $0x1  }
0x1ec: {  	v1 =	vmax.f32 v1, $0.0e+00  }
0x1ed: {  	[tilespmem:s21+$0x0] =	vst v1;
	v1 =	vld [tilespmem:s21+$0x10]  }
0x1ee: {  	v2 =	vld [tilespmem:s18+$0x10];
	_ =	sdelay $0x4  }
0x1ef: {  	v1 =	vadd.f32 v2, v1;
	_ =	sdelay $0x1  }
0x1f0: {  	v1 =	vmax.f32 v1, $0.0e+00  }
0x1f1: {  	[tilespmem:s21+$0x10] =	vst v1;
	v1 =	vld [tilespmem:s21+$0x20]  }
0x1f2: {  	v2 =	vld [tilespmem:s18+$0x20];
	_ =	sdelay $0x4  }
0x1f3: {  	v1 =	vadd.f32 v2, v1;
	_ =	sdelay $0x1  }
0x1f4: {  	v1 =	vmax.f32 v1, $0.0e+00  }
0x1f5: {  	[tilespmem:s21+$0x20] =	vst v1;
	v1 =	vld [tilespmem:s21+$0x30]  }
0x1f6: {  	v2 =	vld [tilespmem:s18+$0x30];
	_ =	sdelay $0x4  }
0x1f7: {  	v1 =	vadd.f32 v2, v1;
	_ =	sdelay $0x1  }
0x1f8: {  	v1 =	vmax.f32 v1, $0.0e+00  }
0x1f9: {  	[tilespmem:s21+$0x30] =	vst v1;
	v1 =	vld [tilespmem:s21+$0x40]  }
0x1fa: {  	v2 =	vld [tilespmem:s18+$0x40];
	_ =	sdelay $0x4  }
0x1fb: {  	v1 =	vadd.f32 v2, v1;
	_ =	sdelay $0x1  }
0x1fc: {  	v1 =	vmax.f32 v1, $0.0e+00  }
0x1fd: {  	[tilespmem:s21+$0x40] =	vst v1;
	v1 =	vld [tilespmem:s21+$0x50]  }
0x1fe: {  	v2 =	vld [tilespmem:s18+$0x50];
	_ =	sdelay $0x4  }
0x1ff: {  	v1 =	vadd.f32 v2, v1;
	_ =	sdelay $0x1  }
0x200: {  	v1 =	vmax.f32 v1, $0.0e+00  }
0x201: {  	[tilespmem:s21+$0x50] =	vst v1;
	v1 =	vld [tilespmem:s21+$0x60]  }
0x202: {  	v2 =	vld [tilespmem:s18+$0x60];
	_ =	sdelay $0x4  }
0x203: {  	v1 =	vadd.f32 v2, v1;
	_ =	sdelay $0x1  }
0x204: {  	v1 =	vmax.f32 v1, $0.0e+00  }
0x205: {  	[tilespmem:s21+$0x60] =	vst v1;
	v1 =	vld [tilespmem:s21+$0x70]  }
0x206: {  	v2 =	vld [tilespmem:s18+$0x70];
	_ =	sdelay $0x4  }
0x207: {  	v1 =	vadd.f32 v2, v1;
	_ =	sdelay $0x1  }
0x208: {  	v1 =	vmax.f32 v1, $0.0e+00  }
0x209: {  	[tilespmem:s21+$0x70] =	vst v1;
	v1 =	vld [tilespmem:s21+$0x80]  }
0x20a: {  	v2 =	vld [tilespmem:s18+$0x80];
	_ =	sdelay $0x4  }
0x20b: {  	v1 =	vadd.f32 v2, v1;
	_ =	sdelay $0x1  }
0x20c: {  	v1 =	vmax.f32 v1, $0.0e+00  }
0x20d: {  	[tilespmem:s21+$0x80] =	vst v1;
	v1 =	vld [tilespmem:s21+$0x90]  }
0x20e: {  	v2 =	vld [tilespmem:s18+$0x90];
	_ =	sdelay $0x4  }
0x20f: {  	v1 =	vadd.f32 v2, v1;
	_ =	sdelay $0x1  }
0x210: {  	v1 =	vmax.f32 v1, $0.0e+00  }
0x211: {  	[tilespmem:s21+$0x90] =	vst v1;
	v1 =	vld [tilespmem:s21+$0xA0]  }
0x212: {  	v2 =	vld [tilespmem:s18+$0xA0];
	_ =	sdelay $0x4  }
0x213: {  	v1 =	vadd.f32 v2, v1;
	_ =	sdelay $0x1  }
0x214: {  	v1 =	vmax.f32 v1, $0.0e+00  }
0x215: {  	[tilespmem:s21+$0xA0] =	vst v1;
	v1 =	vld [tilespmem:s21+$0xB0]  }
0x216: {  	v2 =	vld [tilespmem:s18+$0xB0];
	_ =	sdelay $0x4  }
0x217: {  	v1 =	vadd.f32 v2, v1;
	_ =	sdelay $0x1  }
0x218: {  	v1 =	vmax.f32 v1, $0.0e+00  }
0x219: {  	[tilespmem:s21+$0xB0] =	vst v1;
	v1 =	vld [tilespmem:s21+$0xC0]  }
0x21a: {  	v2 =	vld [tilespmem:s18+$0xC0];
	_ =	sdelay $0x4  }
0x21b: {  	v1 =	vadd.f32 v2, v1;
	_ =	sdelay $0x1  }
0x21c: {  	v1 =	vmax.f32 v1, $0.0e+00  }
0x21d: {  	[tilespmem:s21+$0xC0] =	vst v1;
	v1 =	vld [tilespmem:s21+$0xD0]  }
0x21e: {  	v2 =	vld [tilespmem:s18+$0xD0];
	_ =	sdelay $0x4  }
0x21f: {  	v1 =	vadd.f32 v2, v1;
	_ =	sdelay $0x1  }
0x220: {  	v1 =	vmax.f32 v1, $0.0e+00  }
0x221: {  	[tilespmem:s21+$0xD0] =	vst v1;
	v1 =	vld [tilespmem:s21+$0xE0]  }
0x222: {  	v2 =	vld [tilespmem:s18+$0xE0];
	_ =	sdelay $0x4  }
0x223: {  	v1 =	vadd.f32 v2, v1;
	_ =	sdelay $0x1  }
0x224: {  	v1 =	vmax.f32 v1, $0.0e+00  }
0x225: {  	[tilespmem:s21+$0xE0] =	vst v1;
	v1 =	vld [tilespmem:s21+$0xF0]  }
0x226: {  	v2 =	vld [tilespmem:s18+$0xF0];
	_ =	sdelay $0x4  }
0x227: {  	v1 =	vadd.f32 v2, v1;
	_ =	sdelay $0x1  }
0x228: {  	s16 =	simm.s32 $0x0;
	s17 =	simm.s32 $0x2F00;
	v1 =	vmax.f32 v1, $0.0e+00  }
.LBB2_8:
0x229: {  	v2 =	vld [tilespmem:s17+$0xFFFFFF00];
	[tilespmem:s21+$0xF0] =	vst v1;
	s18 =	sadd.s32 $0x200, s18;
	s21 =	smov.u32 s17  }
0x22a: {  	s16 =	sadd.s32 $0x4, s16;
	v1 =	vld [tilespmem:s18+$0xFFFFFF00]  }
0x22b: {  	p2 =	slt.u32 s16, $0x4C;
	_ =	sdelay $0x3  }
0x22c: {  	v1 =	vadd.f32 v1, v2;
	_ =	sdelay $0x1  }
0x22d: {  	v1 =	vmax.f32 v1, $0.0e+00  }
0x22e: {  	[tilespmem:s17+$0xFFFFFF00] =	vst v1;
	v1 =	vld [tilespmem:s17+$0xFFFFFF10]  }
0x22f: {  	v2 =	vld [tilespmem:s18+$0xFFFFFF10];
	_ =	sdelay $0x4  }
0x230: {  	v1 =	vadd.f32 v2, v1;
	_ =	sdelay $0x1  }
0x231: {  	v1 =	vmax.f32 v1, $0.0e+00  }
0x232: {  	[tilespmem:s17+$0xFFFFFF10] =	vst v1;
	v1 =	vld [tilespmem:s17+$0xFFFFFF20]  }
0x233: {  	v2 =	vld [tilespmem:s18+$0xFFFFFF20];
	_ =	sdelay $0x4  }
0x234: {  	v1 =	vadd.f32 v2, v1;
	_ =	sdelay $0x1  }
0x235: {  	v1 =	vmax.f32 v1, $0.0e+00  }
0x236: {  	[tilespmem:s17+$0xFFFFFF20] =	vst v1;
	v1 =	vld [tilespmem:s17+$0xFFFFFF30]  }
0x237: {  	v2 =	vld [tilespmem:s18+$0xFFFFFF30];
	_ =	sdelay $0x4  }
0x238: {  	v1 =	vadd.f32 v2, v1;
	_ =	sdelay $0x1  }
0x239: {  	v1 =	vmax.f32 v1, $0.0e+00  }
0x23a: {  	[tilespmem:s17+$0xFFFFFF30] =	vst v1;
	v1 =	vld [tilespmem:s17+$0xFFFFFF40]  }
0x23b: {  	v2 =	vld [tilespmem:s18+$0xFFFFFF40];
	_ =	sdelay $0x4  }
0x23c: {  	v1 =	vadd.f32 v2, v1;
	_ =	sdelay $0x1  }
0x23d: {  	v1 =	vmax.f32 v1, $0.0e+00  }
0x23e: {  	[tilespmem:s17+$0xFFFFFF40] =	vst v1;
	v1 =	vld [tilespmem:s17+$0xFFFFFF50]  }
0x23f: {  	v2 =	vld [tilespmem:s18+$0xFFFFFF50];
	_ =	sdelay $0x4  }
0x240: {  	v1 =	vadd.f32 v2, v1;
	_ =	sdelay $0x1  }
0x241: {  	v1 =	vmax.f32 v1, $0.0e+00  }
0x242: {  	[tilespmem:s17+$0xFFFFFF50] =	vst v1;
	v1 =	vld [tilespmem:s17+$0xFFFFFF60]  }
0x243: {  	v2 =	vld [tilespmem:s18+$0xFFFFFF60];
	_ =	sdelay $0x4  }
0x244: {  	v1 =	vadd.f32 v2, v1;
	_ =	sdelay $0x1  }
0x245: {  	v1 =	vmax.f32 v1, $0.0e+00  }
0x246: {  	[tilespmem:s17+$0xFFFFFF60] =	vst v1;
	v1 =	vld [tilespmem:s17+$0xFFFFFF70]  }
0x247: {  	v2 =	vld [tilespmem:s18+$0xFFFFFF70];
	_ =	sdelay $0x4  }
0x248: {  	v1 =	vadd.f32 v2, v1;
	_ =	sdelay $0x1  }
0x249: {  	v1 =	vmax.f32 v1, $0.0e+00  }
0x24a: {  	[tilespmem:s17+$0xFFFFFF70] =	vst v1;
	v1 =	vld [tilespmem:s17+$0xFFFFFF80]  }
0x24b: {  	v2 =	vld [tilespmem:s18+$0xFFFFFF80];
	_ =	sdelay $0x4  }
0x24c: {  	v1 =	vadd.f32 v2, v1;
	_ =	sdelay $0x1  }
0x24d: {  	v1 =	vmax.f32 v1, $0.0e+00  }
0x24e: {  	[tilespmem:s17+$0xFFFFFF80] =	vst v1;
	v1 =	vld [tilespmem:s17+$0xFFFFFF90]  }
0x24f: {  	v2 =	vld [tilespmem:s18+$0xFFFFFF90];
	_ =	sdelay $0x4  }
0x250: {  	v1 =	vadd.f32 v2, v1;
	_ =	sdelay $0x1  }
0x251: {  	v1 =	vmax.f32 v1, $0.0e+00  }
0x252: {  	[tilespmem:s17+$0xFFFFFF90] =	vst v1;
	v1 =	vld [tilespmem:s17+$0xFFFFFFA0]  }
0x253: {  	v2 =	vld [tilespmem:s18+$0xFFFFFFA0];
	_ =	sdelay $0x4  }
0x254: {  	v1 =	vadd.f32 v2, v1;
	_ =	sdelay $0x1  }
0x255: {  	v1 =	vmax.f32 v1, $0.0e+00  }
0x256: {  	[tilespmem:s17+$0xFFFFFFA0] =	vst v1;
	v1 =	vld [tilespmem:s17+$0xFFFFFFB0]  }
0x257: {  	v2 =	vld [tilespmem:s18+$0xFFFFFFB0];
	_ =	sdelay $0x4  }
0x258: {  	v1 =	vadd.f32 v2, v1;
	_ =	sdelay $0x1  }
0x259: {  	v1 =	vmax.f32 v1, $0.0e+00  }
0x25a: {  	[tilespmem:s17+$0xFFFFFFB0] =	vst v1;
	v1 =	vld [tilespmem:s17+$0xFFFFFFC0]  }
0x25b: {  	v2 =	vld [tilespmem:s18+$0xFFFFFFC0];
	_ =	sdelay $0x4  }
0x25c: {  	v1 =	vadd.f32 v2, v1;
	_ =	sdelay $0x1  }
0x25d: {  	v1 =	vmax.f32 v1, $0.0e+00  }
0x25e: {  	[tilespmem:s17+$0xFFFFFFC0] =	vst v1;
	v1 =	vld [tilespmem:s17+$0xFFFFFFD0]  }
0x25f: {  	v2 =	vld [tilespmem:s18+$0xFFFFFFD0];
	_ =	sdelay $0x4  }
0x260: {  	v1 =	vadd.f32 v2, v1;
	_ =	sdelay $0x1  }
0x261: {  	v1 =	vmax.f32 v1, $0.0e+00  }
0x262: {  	[tilespmem:s17+$0xFFFFFFD0] =	vst v1;
	v1 =	vld [tilespmem:s17+$0xFFFFFFE0]  }
0x263: {  	v2 =	vld [tilespmem:s18+$0xFFFFFFE0];
	_ =	sdelay $0x4  }
0x264: {  	v1 =	vadd.f32 v2, v1;
	_ =	sdelay $0x1  }
0x265: {  	v1 =	vmax.f32 v1, $0.0e+00  }
0x266: {  	[tilespmem:s17+$0xFFFFFFE0] =	vst v1;
	v1 =	vld [tilespmem:s17+$0xFFFFFFF0]  }
0x267: {  	v2 =	vld [tilespmem:s18+$0xFFFFFFF0];
	_ =	sdelay $0x4  }
0x268: {  	v1 =	vadd.f32 v2, v1;
	_ =	sdelay $0x1  }
0x269: {  	v1 =	vmax.f32 v1, $0.0e+00  }
0x26a: {  	[tilespmem:s17+$0xFFFFFFF0] =	vst v1;
	v1 =	vld [tilespmem:s17+$0x0]  }
0x26b: {  	v2 =	vld [tilespmem:s18+$0x0];
	_ =	sdelay $0x4  }
0x26c: {  	v1 =	vadd.f32 v2, v1;
	_ =	sdelay $0x1  }
0x26d: {  	v1 =	vmax.f32 v1, $0.0e+00  }
0x26e: {  	[tilespmem:s17+$0x0] =	vst v1;
	v1 =	vld [tilespmem:s17+$0x10]  }
0x26f: {  	v2 =	vld [tilespmem:s18+$0x10];
	_ =	sdelay $0x4  }
0x270: {  	v1 =	vadd.f32 v2, v1;
	_ =	sdelay $0x1  }
0x271: {  	v1 =	vmax.f32 v1, $0.0e+00  }
0x272: {  	[tilespmem:s17+$0x10] =	vst v1;
	v1 =	vld [tilespmem:s17+$0x20]  }
0x273: {  	v2 =	vld [tilespmem:s18+$0x20];
	_ =	sdelay $0x4  }
0x274: {  	v1 =	vadd.f32 v2, v1;
	_ =	sdelay $0x1  }
0x275: {  	v1 =	vmax.f32 v1, $0.0e+00  }
0x276: {  	[tilespmem:s17+$0x20] =	vst v1;
	v1 =	vld [tilespmem:s17+$0x30]  }
0x277: {  	v2 =	vld [tilespmem:s18+$0x30];
	_ =	sdelay $0x4  }
0x278: {  	v1 =	vadd.f32 v2, v1;
	_ =	sdelay $0x1  }
0x279: {  	v1 =	vmax.f32 v1, $0.0e+00  }
0x27a: {  	[tilespmem:s17+$0x30] =	vst v1;
	v1 =	vld [tilespmem:s17+$0x40]  }
0x27b: {  	v2 =	vld [tilespmem:s18+$0x40];
	_ =	sdelay $0x4  }
0x27c: {  	v1 =	vadd.f32 v2, v1;
	_ =	sdelay $0x1  }
0x27d: {  	v1 =	vmax.f32 v1, $0.0e+00  }
0x27e: {  	[tilespmem:s17+$0x40] =	vst v1;
	v1 =	vld [tilespmem:s17+$0x50]  }
0x27f: {  	v2 =	vld [tilespmem:s18+$0x50];
	_ =	sdelay $0x4  }
0x280: {  	v1 =	vadd.f32 v2, v1;
	_ =	sdelay $0x1  }
0x281: {  	v1 =	vmax.f32 v1, $0.0e+00  }
0x282: {  	[tilespmem:s17+$0x50] =	vst v1;
	v1 =	vld [tilespmem:s17+$0x60]  }
0x283: {  	v2 =	vld [tilespmem:s18+$0x60];
	_ =	sdelay $0x4  }
0x284: {  	v1 =	vadd.f32 v2, v1;
	_ =	sdelay $0x1  }
0x285: {  	v1 =	vmax.f32 v1, $0.0e+00  }
0x286: {  	[tilespmem:s17+$0x60] =	vst v1;
	v1 =	vld [tilespmem:s17+$0x70]  }
0x287: {  	v2 =	vld [tilespmem:s18+$0x70];
	_ =	sdelay $0x4  }
0x288: {  	v1 =	vadd.f32 v2, v1;
	_ =	sdelay $0x1  }
0x289: {  	v1 =	vmax.f32 v1, $0.0e+00  }
0x28a: {  	[tilespmem:s17+$0x70] =	vst v1;
	v1 =	vld [tilespmem:s17+$0x80]  }
0x28b: {  	v2 =	vld [tilespmem:s18+$0x80];
	_ =	sdelay $0x4  }
0x28c: {  	v1 =	vadd.f32 v2, v1;
	_ =	sdelay $0x1  }
0x28d: {  	v1 =	vmax.f32 v1, $0.0e+00  }
0x28e: {  	[tilespmem:s17+$0x80] =	vst v1;
	v1 =	vld [tilespmem:s17+$0x90]  }
0x28f: {  	v2 =	vld [tilespmem:s18+$0x90];
	_ =	sdelay $0x4  }
0x290: {  	v1 =	vadd.f32 v2, v1;
	_ =	sdelay $0x1  }
0x291: {  	v1 =	vmax.f32 v1, $0.0e+00  }
0x292: {  	[tilespmem:s17+$0x90] =	vst v1;
	v1 =	vld [tilespmem:s17+$0xA0]  }
0x293: {  	v2 =	vld [tilespmem:s18+$0xA0];
	_ =	sdelay $0x4  }
0x294: {  	v1 =	vadd.f32 v2, v1;
	_ =	sdelay $0x1  }
0x295: {  	v1 =	vmax.f32 v1, $0.0e+00  }
0x296: {  	[tilespmem:s17+$0xA0] =	vst v1;
	v1 =	vld [tilespmem:s17+$0xB0]  }
0x297: {  	v2 =	vld [tilespmem:s18+$0xB0];
	_ =	sdelay $0x4  }
0x298: {  	v1 =	vadd.f32 v2, v1;
	_ =	sdelay $0x1  }
0x299: {  	v1 =	vmax.f32 v1, $0.0e+00  }
0x29a: {  	[tilespmem:s17+$0xB0] =	vst v1;
	v1 =	vld [tilespmem:s17+$0xC0]  }
0x29b: {  	v2 =	vld [tilespmem:s18+$0xC0];
	_ =	sdelay $0x4  }
0x29c: {  	v1 =	vadd.f32 v2, v1;
	_ =	sdelay $0x1  }
0x29d: {  	v1 =	vmax.f32 v1, $0.0e+00  }
0x29e: {  	[tilespmem:s17+$0xC0] =	vst v1;
	v1 =	vld [tilespmem:s17+$0xD0]  }
0x29f: {  	v2 =	vld [tilespmem:s18+$0xD0];
	_ =	sdelay $0x4  }
0x2a0: {  	v1 =	vadd.f32 v2, v1;
	_ =	sdelay $0x1  }
0x2a1: {  	v1 =	vmax.f32 v1, $0.0e+00  }
0x2a2: {  	[tilespmem:s17+$0xD0] =	vst v1;
	v1 =	vld [tilespmem:s17+$0xE0]  }
0x2a3: {  	v2 =	vld [tilespmem:s18+$0xE0];
	_ =	sdelay $0x4  }
0x2a4: {  	v1 =	vadd.f32 v2, v1;
	_ =	sdelay $0x1  }
0x2a5: {  	v1 =	vmax.f32 v1, $0.0e+00  }
0x2a6: {  	[tilespmem:s17+$0xE0] =	vst v1;
	v1 =	vld [tilespmem:s17+$0xF0]  }
0x2a7: {  	v2 =	vld [tilespmem:s18+$0xF0];
	_ =	sdelay $0x2  }
.Ltmp7:
0x2a8: {  	(pc) =	sbr.rel @p2 .LBB2_8-.Ltmp7, $3  }
0x2a9: {  	_ = 	snop  }
0x2aa: {  	v1 =	vadd.f32 v2, v1;
	_ =	sdelay $0x1  }
0x2ab: {  	s17 =	sadd.s32 $0x200, s17;
	v1 =	vmax.f32 v1, $0.0e+00  }
0x2ac: {  	[tilespmem:s21+$0xF0] =	vst v1  }
0x2ad: {  	[spmem:s4] =	stream.indirect.scatter.add.f32 [tilespmem:s15], [sflag:$0xA], $0x80, s30, s1, $0xb8;
	[tilespmem:$0x1E400] =	vst v63  }
0x2ae: {  	_ =	swait.ge [sflag:s12], $0x2800  }
0x2af: {  	[sflag:s12] =	ssyncset.done $0x0  }
0x2b0: {  	[sflag:s12] =	ssyncadd.s32 $0xFFFFD800  }
.LBB2_10:
0x2b1: {  	s20 =	sadd.s32 $0x4, s20;
	p2 =	seq.s32 s19, $0x1F  }
0x2b2: {  	s16 =	sshll.u32 @!p2 s20, $0x5  }
0x2b3: {  	s16 =	sor.u32 @!p2 s9, s16  }
0x2b4: {  	s16 =	smul.u32 @!p2 $0xA, s16;
	_ =	sdelay $0x1  }
0x2b5: {  	s18 =	simm.s32 @!p2 $0x0;
	s17 =	sadd.s32 @!p2 s6, s16  }
0x2b6: {  	[tilespmem:s18], [sflag:$0x1] =	stream.linear.gather @!p2 [hbm4b:s17+s18], $0x50, $0x38;
	[tilespmem:$0x1E400] =	vst v63  }
0x2b7: {  	s16 =	sadd.s32 @!p2 s0, s16;
	s17 =	simm.s32 @!p2 $0x200  }
0x2b8: {  	[tilespmem:s17], [sflag:$0x1] =	stream.linear.gather @!p2 [hbm4b:s16+s18], $0x50, $0x38;
	[tilespmem:$0x1E400] =	vst v63  }
0x2b9: {  	s16 =	simm.s32 @!p0 $0x4  }
0x2ba: {  	_ =	swait.ge @!p0 [sflag:s16], $0x50  }
0x2bb: {  	[sflag:s16] =	ssyncset.done @!p0 $0x0  }
0x2bc: {  	[sflag:s16] =	ssyncadd.s32 @!p0 $0xFFFFFFB0  }
0x2bd: {  	_ =	swait.ge @!p0 [sflag:s16], $0x50  }
.Ltmp8:
0x2be: {  	s17 =	simm.s32 @!p0 $0x7C00;
	[sflag:s16] =	ssyncset.done @!p0 $0x0;
	(pc) =	sbr.rel @p1 .LBB2_14-.Ltmp8, $4  }
0x2bf: {  	s18 =	smul.u32 @!p0 $0x500, s23;
	[sflag:s16] =	ssyncadd.s32 @!p0 $0xFFFFFFB0;
	s16 =	simm.s32 @!p0 $0x50  }
0x2c0: {  	[tilespmem:s17], [sflag:$0x8] =	stream.indirect.gather @!p0 [hbm4b:s3+s16], $0x80, s8, s16, $0xb8;
	[tilespmem:$0x1E400] =	vst v63  }
0x2c1: {  	s8 =	sadd.s32 @!p0 s7, s18;
	s16 =	simm.s32 @!p0 $0x2C00  }
0x2c2: {  	[tilespmem:s16], [sflag:$0x6] =	stream.linear.gather @!p0 [hbm4b:s8+s24], $0x2800, $0x38;
	[tilespmem:$0x1E400] =	vst v63  }
0x2c3: {  	_ =	swait.ge [sflag:s10], $0x2800  }
0x2c4: {  	[sflag:s10] =	ssyncset.done $0x0  }
0x2c5: {  	[sflag:s10] =	ssyncadd.s32 $0xFFFFD800  }
0x2c6: {  	_ =	swait.ge [sflag:s11], $0x2800  }
0x2c7: {  	[sflag:s11] =	ssyncset.done $0x0  }
0x2c8: {  	s8 =	simm.s32 $0x500;
	[sflag:s11] =	ssyncadd.s32 $0xFFFFD800  }
0x2c9: {  	s18 =	simm.s32 $0x5500;
	v1 =	vld [tilespmem:s8+$0xFFFFFF00]  }
0x2ca: {  	v2 =	vld [tilespmem:s18+$0xFFFFFF00];
	_ =	sdelay $0x4  }
0x2cb: {  	v1 =	vadd.f32 v2, v1;
	_ =	sdelay $0x1  }
0x2cc: {  	v1 =	vmax.f32 v1, $0.0e+00  }
0x2cd: {  	[tilespmem:s8+$0xFFFFFF00] =	vst v1;
	v1 =	vld [tilespmem:s8+$0xFFFFFF10]  }
0x2ce: {  	v2 =	vld [tilespmem:s18+$0xFFFFFF10];
	_ =	sdelay $0x4  }
0x2cf: {  	v1 =	vadd.f32 v2, v1;
	_ =	sdelay $0x1  }
0x2d0: {  	v1 =	vmax.f32 v1, $0.0e+00  }
0x2d1: {  	[tilespmem:s8+$0xFFFFFF10] =	vst v1;
	v1 =	vld [tilespmem:s8+$0xFFFFFF20]  }
0x2d2: {  	v2 =	vld [tilespmem:s18+$0xFFFFFF20];
	_ =	sdelay $0x4  }
0x2d3: {  	v1 =	vadd.f32 v2, v1;
	_ =	sdelay $0x1  }
0x2d4: {  	v1 =	vmax.f32 v1, $0.0e+00  }
0x2d5: {  	[tilespmem:s8+$0xFFFFFF20] =	vst v1;
	v1 =	vld [tilespmem:s8+$0xFFFFFF30]  }
0x2d6: {  	v2 =	vld [tilespmem:s18+$0xFFFFFF30];
	_ =	sdelay $0x4  }
0x2d7: {  	v1 =	vadd.f32 v2, v1;
	_ =	sdelay $0x1  }
0x2d8: {  	v1 =	vmax.f32 v1, $0.0e+00  }
0x2d9: {  	[tilespmem:s8+$0xFFFFFF30] =	vst v1;
	v1 =	vld [tilespmem:s8+$0xFFFFFF40]  }
0x2da: {  	v2 =	vld [tilespmem:s18+$0xFFFFFF40];
	_ =	sdelay $0x4  }
0x2db: {  	v1 =	vadd.f32 v2, v1;
	_ =	sdelay $0x1  }
0x2dc: {  	v1 =	vmax.f32 v1, $0.0e+00  }
0x2dd: {  	[tilespmem:s8+$0xFFFFFF40] =	vst v1;
	v1 =	vld [tilespmem:s8+$0xFFFFFF50]  }
0x2de: {  	v2 =	vld [tilespmem:s18+$0xFFFFFF50];
	_ =	sdelay $0x4  }
0x2df: {  	v1 =	vadd.f32 v2, v1;
	_ =	sdelay $0x1  }
0x2e0: {  	v1 =	vmax.f32 v1, $0.0e+00  }
0x2e1: {  	[tilespmem:s8+$0xFFFFFF50] =	vst v1;
	v1 =	vld [tilespmem:s8+$0xFFFFFF60]  }
0x2e2: {  	v2 =	vld [tilespmem:s18+$0xFFFFFF60];
	_ =	sdelay $0x4  }
0x2e3: {  	v1 =	vadd.f32 v2, v1;
	_ =	sdelay $0x1  }
0x2e4: {  	v1 =	vmax.f32 v1, $0.0e+00  }
0x2e5: {  	[tilespmem:s8+$0xFFFFFF60] =	vst v1;
	v1 =	vld [tilespmem:s8+$0xFFFFFF70]  }
0x2e6: {  	v2 =	vld [tilespmem:s18+$0xFFFFFF70];
	_ =	sdelay $0x4  }
0x2e7: {  	v1 =	vadd.f32 v2, v1;
	_ =	sdelay $0x1  }
0x2e8: {  	v1 =	vmax.f32 v1, $0.0e+00  }
0x2e9: {  	[tilespmem:s8+$0xFFFFFF70] =	vst v1;
	v1 =	vld [tilespmem:s8+$0xFFFFFF80]  }
0x2ea: {  	v2 =	vld [tilespmem:s18+$0xFFFFFF80];
	_ =	sdelay $0x4  }
0x2eb: {  	v1 =	vadd.f32 v2, v1;
	_ =	sdelay $0x1  }
0x2ec: {  	v1 =	vmax.f32 v1, $0.0e+00  }
0x2ed: {  	[tilespmem:s8+$0xFFFFFF80] =	vst v1;
	v1 =	vld [tilespmem:s8+$0xFFFFFF90]  }
0x2ee: {  	v2 =	vld [tilespmem:s18+$0xFFFFFF90];
	_ =	sdelay $0x4  }
0x2ef: {  	v1 =	vadd.f32 v2, v1;
	_ =	sdelay $0x1  }
0x2f0: {  	v1 =	vmax.f32 v1, $0.0e+00  }
0x2f1: {  	[tilespmem:s8+$0xFFFFFF90] =	vst v1;
	v1 =	vld [tilespmem:s8+$0xFFFFFFA0]  }
0x2f2: {  	v2 =	vld [tilespmem:s18+$0xFFFFFFA0];
	_ =	sdelay $0x4  }
0x2f3: {  	v1 =	vadd.f32 v2, v1;
	_ =	sdelay $0x1  }
0x2f4: {  	v1 =	vmax.f32 v1, $0.0e+00  }
0x2f5: {  	[tilespmem:s8+$0xFFFFFFA0] =	vst v1;
	v1 =	vld [tilespmem:s8+$0xFFFFFFB0]  }
0x2f6: {  	v2 =	vld [tilespmem:s18+$0xFFFFFFB0];
	_ =	sdelay $0x4  }
0x2f7: {  	v1 =	vadd.f32 v2, v1;
	_ =	sdelay $0x1  }
0x2f8: {  	v1 =	vmax.f32 v1, $0.0e+00  }
0x2f9: {  	[tilespmem:s8+$0xFFFFFFB0] =	vst v1;
	v1 =	vld [tilespmem:s8+$0xFFFFFFC0]  }
0x2fa: {  	v2 =	vld [tilespmem:s18+$0xFFFFFFC0];
	_ =	sdelay $0x4  }
0x2fb: {  	v1 =	vadd.f32 v2, v1;
	_ =	sdelay $0x1  }
0x2fc: {  	v1 =	vmax.f32 v1, $0.0e+00  }
0x2fd: {  	[tilespmem:s8+$0xFFFFFFC0] =	vst v1;
	v1 =	vld [tilespmem:s8+$0xFFFFFFD0]  }
0x2fe: {  	v2 =	vld [tilespmem:s18+$0xFFFFFFD0];
	_ =	sdelay $0x4  }
0x2ff: {  	v1 =	vadd.f32 v2, v1;
	_ =	sdelay $0x1  }
0x300: {  	v1 =	vmax.f32 v1, $0.0e+00  }
0x301: {  	[tilespmem:s8+$0xFFFFFFD0] =	vst v1;
	v1 =	vld [tilespmem:s8+$0xFFFFFFE0]  }
0x302: {  	v2 =	vld [tilespmem:s18+$0xFFFFFFE0];
	_ =	sdelay $0x4  }
0x303: {  	v1 =	vadd.f32 v2, v1;
	_ =	sdelay $0x1  }
0x304: {  	v1 =	vmax.f32 v1, $0.0e+00  }
0x305: {  	[tilespmem:s8+$0xFFFFFFE0] =	vst v1;
	v1 =	vld [tilespmem:s8+$0xFFFFFFF0]  }
0x306: {  	v2 =	vld [tilespmem:s18+$0xFFFFFFF0];
	_ =	sdelay $0x4  }
0x307: {  	v1 =	vadd.f32 v2, v1;
	_ =	sdelay $0x1  }
0x308: {  	v1 =	vmax.f32 v1, $0.0e+00  }
0x309: {  	[tilespmem:s8+$0xFFFFFFF0] =	vst v1;
	v1 =	vld [tilespmem:s8+$0x0]  }
0x30a: {  	v2 =	vld [tilespmem:s18+$0x0];
	_ =	sdelay $0x4  }
0x30b: {  	v1 =	vadd.f32 v2, v1;
	_ =	sdelay $0x1  }
0x30c: {  	v1 =	vmax.f32 v1, $0.0e+00  }
0x30d: {  	[tilespmem:s8+$0x0] =	vst v1;
	v1 =	vld [tilespmem:s8+$0x10]  }
0x30e: {  	v2 =	vld [tilespmem:s18+$0x10];
	_ =	sdelay $0x4  }
0x30f: {  	v1 =	vadd.f32 v2, v1;
	_ =	sdelay $0x1  }
0x310: {  	v1 =	vmax.f32 v1, $0.0e+00  }
0x311: {  	[tilespmem:s8+$0x10] =	vst v1;
	v1 =	vld [tilespmem:s8+$0x20]  }
0x312: {  	v2 =	vld [tilespmem:s18+$0x20];
	_ =	sdelay $0x4  }
0x313: {  	v1 =	vadd.f32 v2, v1;
	_ =	sdelay $0x1  }
0x314: {  	v1 =	vmax.f32 v1, $0.0e+00  }
0x315: {  	[tilespmem:s8+$0x20] =	vst v1;
	v1 =	vld [tilespmem:s8+$0x30]  }
0x316: {  	v2 =	vld [tilespmem:s18+$0x30];
	_ =	sdelay $0x4  }
0x317: {  	v1 =	vadd.f32 v2, v1;
	_ =	sdelay $0x1  }
0x318: {  	v1 =	vmax.f32 v1, $0.0e+00  }
0x319: {  	[tilespmem:s8+$0x30] =	vst v1;
	v1 =	vld [tilespmem:s8+$0x40]  }
0x31a: {  	v2 =	vld [tilespmem:s18+$0x40];
	_ =	sdelay $0x4  }
0x31b: {  	v1 =	vadd.f32 v2, v1;
	_ =	sdelay $0x1  }
0x31c: {  	v1 =	vmax.f32 v1, $0.0e+00  }
0x31d: {  	[tilespmem:s8+$0x40] =	vst v1;
	v1 =	vld [tilespmem:s8+$0x50]  }
0x31e: {  	v2 =	vld [tilespmem:s18+$0x50];
	_ =	sdelay $0x4  }
0x31f: {  	v1 =	vadd.f32 v2, v1;
	_ =	sdelay $0x1  }
0x320: {  	v1 =	vmax.f32 v1, $0.0e+00  }
0x321: {  	[tilespmem:s8+$0x50] =	vst v1;
	v1 =	vld [tilespmem:s8+$0x60]  }
0x322: {  	v2 =	vld [tilespmem:s18+$0x60];
	_ =	sdelay $0x4  }
0x323: {  	v1 =	vadd.f32 v2, v1;
	_ =	sdelay $0x1  }
0x324: {  	v1 =	vmax.f32 v1, $0.0e+00  }
0x325: {  	[tilespmem:s8+$0x60] =	vst v1;
	v1 =	vld [tilespmem:s8+$0x70]  }
0x326: {  	v2 =	vld [tilespmem:s18+$0x70];
	_ =	sdelay $0x4  }
0x327: {  	v1 =	vadd.f32 v2, v1;
	_ =	sdelay $0x1  }
0x328: {  	v1 =	vmax.f32 v1, $0.0e+00  }
0x329: {  	[tilespmem:s8+$0x70] =	vst v1;
	v1 =	vld [tilespmem:s8+$0x80]  }
0x32a: {  	v2 =	vld [tilespmem:s18+$0x80];
	_ =	sdelay $0x4  }
0x32b: {  	v1 =	vadd.f32 v2, v1;
	_ =	sdelay $0x1  }
0x32c: {  	v1 =	vmax.f32 v1, $0.0e+00  }
0x32d: {  	[tilespmem:s8+$0x80] =	vst v1;
	v1 =	vld [tilespmem:s8+$0x90]  }
0x32e: {  	v2 =	vld [tilespmem:s18+$0x90];
	_ =	sdelay $0x4  }
0x32f: {  	v1 =	vadd.f32 v2, v1;
	_ =	sdelay $0x1  }
0x330: {  	v1 =	vmax.f32 v1, $0.0e+00  }
0x331: {  	[tilespmem:s8+$0x90] =	vst v1;
	v1 =	vld [tilespmem:s8+$0xA0]  }
0x332: {  	v2 =	vld [tilespmem:s18+$0xA0];
	_ =	sdelay $0x4  }
0x333: {  	v1 =	vadd.f32 v2, v1;
	_ =	sdelay $0x1  }
0x334: {  	v1 =	vmax.f32 v1, $0.0e+00  }
0x335: {  	[tilespmem:s8+$0xA0] =	vst v1;
	v1 =	vld [tilespmem:s8+$0xB0]  }
0x336: {  	v2 =	vld [tilespmem:s18+$0xB0];
	_ =	sdelay $0x4  }
0x337: {  	v1 =	vadd.f32 v2, v1;
	_ =	sdelay $0x1  }
0x338: {  	v1 =	vmax.f32 v1, $0.0e+00  }
0x339: {  	[tilespmem:s8+$0xB0] =	vst v1;
	v1 =	vld [tilespmem:s8+$0xC0]  }
0x33a: {  	v2 =	vld [tilespmem:s18+$0xC0];
	_ =	sdelay $0x4  }
0x33b: {  	v1 =	vadd.f32 v2, v1;
	_ =	sdelay $0x1  }
0x33c: {  	v1 =	vmax.f32 v1, $0.0e+00  }
0x33d: {  	[tilespmem:s8+$0xC0] =	vst v1;
	v1 =	vld [tilespmem:s8+$0xD0]  }
0x33e: {  	v2 =	vld [tilespmem:s18+$0xD0];
	_ =	sdelay $0x4  }
0x33f: {  	v1 =	vadd.f32 v2, v1;
	_ =	sdelay $0x1  }
0x340: {  	v1 =	vmax.f32 v1, $0.0e+00  }
0x341: {  	[tilespmem:s8+$0xD0] =	vst v1;
	v1 =	vld [tilespmem:s8+$0xE0]  }
0x342: {  	v2 =	vld [tilespmem:s18+$0xE0];
	_ =	sdelay $0x4  }
0x343: {  	v1 =	vadd.f32 v2, v1;
	_ =	sdelay $0x1  }
0x344: {  	v1 =	vmax.f32 v1, $0.0e+00  }
0x345: {  	[tilespmem:s8+$0xE0] =	vst v1;
	v1 =	vld [tilespmem:s8+$0xF0]  }
0x346: {  	v2 =	vld [tilespmem:s18+$0xF0];
	_ =	sdelay $0x4  }
0x347: {  	v1 =	vadd.f32 v2, v1;
	_ =	sdelay $0x1  }
0x348: {  	s16 =	simm.s32 $0x0;
	s17 =	simm.s32 $0x700;
	v1 =	vmax.f32 v1, $0.0e+00  }
.LBB2_12:
0x349: {  	v2 =	vld [tilespmem:s17+$0xFFFFFF00];
	[tilespmem:s8+$0xF0] =	vst v1;
	s18 =	sadd.s32 $0x200, s18;
	s8 =	smov.u32 s17  }
0x34a: {  	s16 =	sadd.s32 $0x4, s16;
	v1 =	vld [tilespmem:s18+$0xFFFFFF00]  }
0x34b: {  	p1 =	slt.u32 s16, $0x4C;
	_ =	sdelay $0x3  }
0x34c: {  	v1 =	vadd.f32 v1, v2;
	_ =	sdelay $0x1  }
0x34d: {  	v1 =	vmax.f32 v1, $0.0e+00  }
0x34e: {  	[tilespmem:s17+$0xFFFFFF00] =	vst v1;
	v1 =	vld [tilespmem:s17+$0xFFFFFF10]  }
0x34f: {  	v2 =	vld [tilespmem:s18+$0xFFFFFF10];
	_ =	sdelay $0x4  }
0x350: {  	v1 =	vadd.f32 v2, v1;
	_ =	sdelay $0x1  }
0x351: {  	v1 =	vmax.f32 v1, $0.0e+00  }
0x352: {  	[tilespmem:s17+$0xFFFFFF10] =	vst v1;
	v1 =	vld [tilespmem:s17+$0xFFFFFF20]  }
0x353: {  	v2 =	vld [tilespmem:s18+$0xFFFFFF20];
	_ =	sdelay $0x4  }
0x354: {  	v1 =	vadd.f32 v2, v1;
	_ =	sdelay $0x1  }
0x355: {  	v1 =	vmax.f32 v1, $0.0e+00  }
0x356: {  	[tilespmem:s17+$0xFFFFFF20] =	vst v1;
	v1 =	vld [tilespmem:s17+$0xFFFFFF30]  }
0x357: {  	v2 =	vld [tilespmem:s18+$0xFFFFFF30];
	_ =	sdelay $0x4  }
0x358: {  	v1 =	vadd.f32 v2, v1;
	_ =	sdelay $0x1  }
0x359: {  	v1 =	vmax.f32 v1, $0.0e+00  }
0x35a: {  	[tilespmem:s17+$0xFFFFFF30] =	vst v1;
	v1 =	vld [tilespmem:s17+$0xFFFFFF40]  }
0x35b: {  	v2 =	vld [tilespmem:s18+$0xFFFFFF40];
	_ =	sdelay $0x4  }
0x35c: {  	v1 =	vadd.f32 v2, v1;
	_ =	sdelay $0x1  }
0x35d: {  	v1 =	vmax.f32 v1, $0.0e+00  }
0x35e: {  	[tilespmem:s17+$0xFFFFFF40] =	vst v1;
	v1 =	vld [tilespmem:s17+$0xFFFFFF50]  }
0x35f: {  	v2 =	vld [tilespmem:s18+$0xFFFFFF50];
	_ =	sdelay $0x4  }
0x360: {  	v1 =	vadd.f32 v2, v1;
	_ =	sdelay $0x1  }
0x361: {  	v1 =	vmax.f32 v1, $0.0e+00  }
0x362: {  	[tilespmem:s17+$0xFFFFFF50] =	vst v1;
	v1 =	vld [tilespmem:s17+$0xFFFFFF60]  }
0x363: {  	v2 =	vld [tilespmem:s18+$0xFFFFFF60];
	_ =	sdelay $0x4  }
0x364: {  	v1 =	vadd.f32 v2, v1;
	_ =	sdelay $0x1  }
0x365: {  	v1 =	vmax.f32 v1, $0.0e+00  }
0x366: {  	[tilespmem:s17+$0xFFFFFF60] =	vst v1;
	v1 =	vld [tilespmem:s17+$0xFFFFFF70]  }
0x367: {  	v2 =	vld [tilespmem:s18+$0xFFFFFF70];
	_ =	sdelay $0x4  }
0x368: {  	v1 =	vadd.f32 v2, v1;
	_ =	sdelay $0x1  }
0x369: {  	v1 =	vmax.f32 v1, $0.0e+00  }
0x36a: {  	[tilespmem:s17+$0xFFFFFF70] =	vst v1;
	v1 =	vld [tilespmem:s17+$0xFFFFFF80]  }
0x36b: {  	v2 =	vld [tilespmem:s18+$0xFFFFFF80];
	_ =	sdelay $0x4  }
0x36c: {  	v1 =	vadd.f32 v2, v1;
	_ =	sdelay $0x1  }
0x36d: {  	v1 =	vmax.f32 v1, $0.0e+00  }
0x36e: {  	[tilespmem:s17+$0xFFFFFF80] =	vst v1;
	v1 =	vld [tilespmem:s17+$0xFFFFFF90]  }
0x36f: {  	v2 =	vld [tilespmem:s18+$0xFFFFFF90];
	_ =	sdelay $0x4  }
0x370: {  	v1 =	vadd.f32 v2, v1;
	_ =	sdelay $0x1  }
0x371: {  	v1 =	vmax.f32 v1, $0.0e+00  }
0x372: {  	[tilespmem:s17+$0xFFFFFF90] =	vst v1;
	v1 =	vld [tilespmem:s17+$0xFFFFFFA0]  }
0x373: {  	v2 =	vld [tilespmem:s18+$0xFFFFFFA0];
	_ =	sdelay $0x4  }
0x374: {  	v1 =	vadd.f32 v2, v1;
	_ =	sdelay $0x1  }
0x375: {  	v1 =	vmax.f32 v1, $0.0e+00  }
0x376: {  	[tilespmem:s17+$0xFFFFFFA0] =	vst v1;
	v1 =	vld [tilespmem:s17+$0xFFFFFFB0]  }
0x377: {  	v2 =	vld [tilespmem:s18+$0xFFFFFFB0];
	_ =	sdelay $0x4  }
0x378: {  	v1 =	vadd.f32 v2, v1;
	_ =	sdelay $0x1  }
0x379: {  	v1 =	vmax.f32 v1, $0.0e+00  }
0x37a: {  	[tilespmem:s17+$0xFFFFFFB0] =	vst v1;
	v1 =	vld [tilespmem:s17+$0xFFFFFFC0]  }
0x37b: {  	v2 =	vld [tilespmem:s18+$0xFFFFFFC0];
	_ =	sdelay $0x4  }
0x37c: {  	v1 =	vadd.f32 v2, v1;
	_ =	sdelay $0x1  }
0x37d: {  	v1 =	vmax.f32 v1, $0.0e+00  }
0x37e: {  	[tilespmem:s17+$0xFFFFFFC0] =	vst v1;
	v1 =	vld [tilespmem:s17+$0xFFFFFFD0]  }
0x37f: {  	v2 =	vld [tilespmem:s18+$0xFFFFFFD0];
	_ =	sdelay $0x4  }
0x380: {  	v1 =	vadd.f32 v2, v1;
	_ =	sdelay $0x1  }
0x381: {  	v1 =	vmax.f32 v1, $0.0e+00  }
0x382: {  	[tilespmem:s17+$0xFFFFFFD0] =	vst v1;
	v1 =	vld [tilespmem:s17+$0xFFFFFFE0]  }
0x383: {  	v2 =	vld [tilespmem:s18+$0xFFFFFFE0];
	_ =	sdelay $0x4  }
0x384: {  	v1 =	vadd.f32 v2, v1;
	_ =	sdelay $0x1  }
0x385: {  	v1 =	vmax.f32 v1, $0.0e+00  }
0x386: {  	[tilespmem:s17+$0xFFFFFFE0] =	vst v1;
	v1 =	vld [tilespmem:s17+$0xFFFFFFF0]  }
0x387: {  	v2 =	vld [tilespmem:s18+$0xFFFFFFF0];
	_ =	sdelay $0x4  }
0x388: {  	v1 =	vadd.f32 v2, v1;
	_ =	sdelay $0x1  }
0x389: {  	v1 =	vmax.f32 v1, $0.0e+00  }
0x38a: {  	[tilespmem:s17+$0xFFFFFFF0] =	vst v1;
	v1 =	vld [tilespmem:s17+$0x0]  }
0x38b: {  	v2 =	vld [tilespmem:s18+$0x0];
	_ =	sdelay $0x4  }
0x38c: {  	v1 =	vadd.f32 v2, v1;
	_ =	sdelay $0x1  }
0x38d: {  	v1 =	vmax.f32 v1, $0.0e+00  }
0x38e: {  	[tilespmem:s17+$0x0] =	vst v1;
	v1 =	vld [tilespmem:s17+$0x10]  }
0x38f: {  	v2 =	vld [tilespmem:s18+$0x10];
	_ =	sdelay $0x4  }
0x390: {  	v1 =	vadd.f32 v2, v1;
	_ =	sdelay $0x1  }
0x391: {  	v1 =	vmax.f32 v1, $0.0e+00  }
0x392: {  	[tilespmem:s17+$0x10] =	vst v1;
	v1 =	vld [tilespmem:s17+$0x20]  }
0x393: {  	v2 =	vld [tilespmem:s18+$0x20];
	_ =	sdelay $0x4  }
0x394: {  	v1 =	vadd.f32 v2, v1;
	_ =	sdelay $0x1  }
0x395: {  	v1 =	vmax.f32 v1, $0.0e+00  }
0x396: {  	[tilespmem:s17+$0x20] =	vst v1;
	v1 =	vld [tilespmem:s17+$0x30]  }
0x397: {  	v2 =	vld [tilespmem:s18+$0x30];
	_ =	sdelay $0x4  }
0x398: {  	v1 =	vadd.f32 v2, v1;
	_ =	sdelay $0x1  }
0x399: {  	v1 =	vmax.f32 v1, $0.0e+00  }
0x39a: {  	[tilespmem:s17+$0x30] =	vst v1;
	v1 =	vld [tilespmem:s17+$0x40]  }
0x39b: {  	v2 =	vld [tilespmem:s18+$0x40];
	_ =	sdelay $0x4  }
0x39c: {  	v1 =	vadd.f32 v2, v1;
	_ =	sdelay $0x1  }
0x39d: {  	v1 =	vmax.f32 v1, $0.0e+00  }
0x39e: {  	[tilespmem:s17+$0x40] =	vst v1;
	v1 =	vld [tilespmem:s17+$0x50]  }
0x39f: {  	v2 =	vld [tilespmem:s18+$0x50];
	_ =	sdelay $0x4  }
0x3a0: {  	v1 =	vadd.f32 v2, v1;
	_ =	sdelay $0x1  }
0x3a1: {  	v1 =	vmax.f32 v1, $0.0e+00  }
0x3a2: {  	[tilespmem:s17+$0x50] =	vst v1;
	v1 =	vld [tilespmem:s17+$0x60]  }
0x3a3: {  	v2 =	vld [tilespmem:s18+$0x60];
	_ =	sdelay $0x4  }
0x3a4: {  	v1 =	vadd.f32 v2, v1;
	_ =	sdelay $0x1  }
0x3a5: {  	v1 =	vmax.f32 v1, $0.0e+00  }
0x3a6: {  	[tilespmem:s17+$0x60] =	vst v1;
	v1 =	vld [tilespmem:s17+$0x70]  }
0x3a7: {  	v2 =	vld [tilespmem:s18+$0x70];
	_ =	sdelay $0x4  }
0x3a8: {  	v1 =	vadd.f32 v2, v1;
	_ =	sdelay $0x1  }
0x3a9: {  	v1 =	vmax.f32 v1, $0.0e+00  }
0x3aa: {  	[tilespmem:s17+$0x70] =	vst v1;
	v1 =	vld [tilespmem:s17+$0x80]  }
0x3ab: {  	v2 =	vld [tilespmem:s18+$0x80];
	_ =	sdelay $0x4  }
0x3ac: {  	v1 =	vadd.f32 v2, v1;
	_ =	sdelay $0x1  }
0x3ad: {  	v1 =	vmax.f32 v1, $0.0e+00  }
0x3ae: {  	[tilespmem:s17+$0x80] =	vst v1;
	v1 =	vld [tilespmem:s17+$0x90]  }
0x3af: {  	v2 =	vld [tilespmem:s18+$0x90];
	_ =	sdelay $0x4  }
0x3b0: {  	v1 =	vadd.f32 v2, v1;
	_ =	sdelay $0x1  }
0x3b1: {  	v1 =	vmax.f32 v1, $0.0e+00  }
0x3b2: {  	[tilespmem:s17+$0x90] =	vst v1;
	v1 =	vld [tilespmem:s17+$0xA0]  }
0x3b3: {  	v2 =	vld [tilespmem:s18+$0xA0];
	_ =	sdelay $0x4  }
0x3b4: {  	v1 =	vadd.f32 v2, v1;
	_ =	sdelay $0x1  }
0x3b5: {  	v1 =	vmax.f32 v1, $0.0e+00  }
0x3b6: {  	[tilespmem:s17+$0xA0] =	vst v1;
	v1 =	vld [tilespmem:s17+$0xB0]  }
0x3b7: {  	v2 =	vld [tilespmem:s18+$0xB0];
	_ =	sdelay $0x4  }
0x3b8: {  	v1 =	vadd.f32 v2, v1;
	_ =	sdelay $0x1  }
0x3b9: {  	v1 =	vmax.f32 v1, $0.0e+00  }
0x3ba: {  	[tilespmem:s17+$0xB0] =	vst v1;
	v1 =	vld [tilespmem:s17+$0xC0]  }
0x3bb: {  	v2 =	vld [tilespmem:s18+$0xC0];
	_ =	sdelay $0x4  }
0x3bc: {  	v1 =	vadd.f32 v2, v1;
	_ =	sdelay $0x1  }
0x3bd: {  	v1 =	vmax.f32 v1, $0.0e+00  }
0x3be: {  	[tilespmem:s17+$0xC0] =	vst v1;
	v1 =	vld [tilespmem:s17+$0xD0]  }
0x3bf: {  	v2 =	vld [tilespmem:s18+$0xD0];
	_ =	sdelay $0x4  }
0x3c0: {  	v1 =	vadd.f32 v2, v1;
	_ =	sdelay $0x1  }
0x3c1: {  	v1 =	vmax.f32 v1, $0.0e+00  }
0x3c2: {  	[tilespmem:s17+$0xD0] =	vst v1;
	v1 =	vld [tilespmem:s17+$0xE0]  }
0x3c3: {  	v2 =	vld [tilespmem:s18+$0xE0];
	_ =	sdelay $0x4  }
0x3c4: {  	v1 =	vadd.f32 v2, v1;
	_ =	sdelay $0x1  }
0x3c5: {  	v1 =	vmax.f32 v1, $0.0e+00  }
0x3c6: {  	[tilespmem:s17+$0xE0] =	vst v1;
	v1 =	vld [tilespmem:s17+$0xF0]  }
0x3c7: {  	v2 =	vld [tilespmem:s18+$0xF0];
	_ =	sdelay $0x2  }
.Ltmp9:
0x3c8: {  	(pc) =	sbr.rel @p1 .LBB2_12-.Ltmp9, $3  }
0x3c9: {  	_ = 	snop  }
0x3ca: {  	v1 =	vadd.f32 v2, v1;
	_ =	sdelay $0x1  }
0x3cb: {  	s17 =	sadd.s32 $0x200, s17;
	v1 =	vmax.f32 v1, $0.0e+00  }
0x3cc: {  	[tilespmem:s8+$0xF0] =	vst v1;
	s24 =	simm.s32 $0x300  }
0x3cd: {  	[spmem:s4] =	stream.indirect.scatter.add.f32 [tilespmem:s25], [sflag:$0xA], $0x80, s24, s1, $0xb8;
	[tilespmem:$0x1E400] =	vst v63  }
0x3ce: {  	_ =	swait.ge [sflag:s12], $0x2800  }
0x3cf: {  	[sflag:s12] =	ssyncset.done $0x0  }
0x3d0: {  	[sflag:s12] =	ssyncadd.s32 $0xFFFFD800  }
.LBB2_14:
0x3d1: {  	p1 =	sgt.u32 s19, $0x1D  }
.Ltmp10:
0x3d2: {  	_ = 	snop;
	(pc) =	sbr.rel @p1 .LBB2_16-.Ltmp10, $1  }
0x3d3: {  	_ =	sdelay $0x3  }
0x3d4: {  	s8 =	sshll.u32 s19, $0x7  }
0x3d5: {  	s8 =	sadd.s32 s22, s8  }
0x3d6: {  	s8 =	smul.u32 $0xA, s8  }
.Ltmp11:
0x3d7: {  	_ = 	snop;
	(pc) =	sbr.rel .LBB2_17-.Ltmp11, $4  }
0x3d8: {  	s16 =	sadd.s32 s6, s8  }
0x3d9: {  	[tilespmem:s29], [sflag:$0x2] =	stream.linear.gather [hbm4b:s16+s5], $0x50, $0x38;
	[tilespmem:$0x1E400] =	vst v63  }
0x3da: {  	s8 =	sadd.s32 s0, s8  }
0x3db: {  	[tilespmem:s30], [sflag:$0x2] =	stream.linear.gather [hbm4b:s8+s5], $0x50, $0x38;
	[tilespmem:$0x1E400] =	vst v63  }
.LBB2_16:
.Ltmp12:
0x3dc: {  	(pc) =	sbr.rel @p2 .LBB2_18-.Ltmp12, $1  }
0x3dd: {  	_ =	sdelay $0x3  }
.LBB2_17:
0x3de: {  	_ =	swait.ge [sflag:s31], $0x50  }
0x3df: {  	[sflag:s31] =	ssyncset.done $0x0  }
0x3e0: {  	[sflag:s31] =	ssyncadd.s32 $0xFFFFFFB0  }
0x3e1: {  	s8 =	sshll.u32 s20, $0x5;
	_ =	swait.ge [sflag:s31], $0x50  }
0x3e2: {  	s8 =	sor.u32 s9, s8;
	[sflag:s31] =	ssyncset.done $0x0  }
0x3e3: {  	s8 =	smul.u32 $0x500, s8;
	[sflag:s31] =	ssyncadd.s32 $0xFFFFFFB0  }
0x3e4: {  	[tilespmem:s2], [sflag:$0x7] =	stream.indirect.gather [hbm4b:s3+s1], $0x80, s5, s1, $0xb8;
	[tilespmem:$0x1E400] =	vst v63  }
0x3e5: {  	s8 =	sadd.s32 s7, s8  }
0x3e6: {  	[tilespmem:s25], [sflag:$0x5] =	stream.linear.gather [hbm4b:s8+s5], $0x2800, $0x38;
	[tilespmem:$0x1E400] =	vst v63  }
.LBB2_18:
.Ltmp13:
0x3e7: {  	(pc) =	sbr.rel @p0 .LBB2_22-.Ltmp13, $1  }
0x3e8: {  	_ =	sdelay $0x3  }
0x3e9: {  	_ =	swait.ge [sflag:s13], $0x2800  }
0x3ea: {  	[sflag:s13] =	ssyncset.done $0x0  }
0x3eb: {  	[sflag:s13] =	ssyncadd.s32 $0xFFFFD800  }
0x3ec: {  	_ =	swait.ge [sflag:s14], $0x2800  }
0x3ed: {  	[sflag:s14] =	ssyncset.done $0x0  }
0x3ee: {  	s8 =	simm.s32 $0x2D00;
	[sflag:s14] =	ssyncadd.s32 $0xFFFFD800  }
0x3ef: {  	s18 =	simm.s32 $0x7D00;
	v1 =	vld [tilespmem:s8+$0xFFFFFF00]  }
0x3f0: {  	v2 =	vld [tilespmem:s18+$0xFFFFFF00];
	_ =	sdelay $0x4  }
0x3f1: {  	v1 =	vadd.f32 v2, v1;
	_ =	sdelay $0x1  }
0x3f2: {  	v1 =	vmax.f32 v1, $0.0e+00  }
0x3f3: {  	[tilespmem:s8+$0xFFFFFF00] =	vst v1;
	v1 =	vld [tilespmem:s8+$0xFFFFFF10]  }
0x3f4: {  	v2 =	vld [tilespmem:s18+$0xFFFFFF10];
	_ =	sdelay $0x4  }
0x3f5: {  	v1 =	vadd.f32 v2, v1;
	_ =	sdelay $0x1  }
0x3f6: {  	v1 =	vmax.f32 v1, $0.0e+00  }
0x3f7: {  	[tilespmem:s8+$0xFFFFFF10] =	vst v1;
	v1 =	vld [tilespmem:s8+$0xFFFFFF20]  }
0x3f8: {  	v2 =	vld [tilespmem:s18+$0xFFFFFF20];
	_ =	sdelay $0x4  }
0x3f9: {  	v1 =	vadd.f32 v2, v1;
	_ =	sdelay $0x1  }
0x3fa: {  	v1 =	vmax.f32 v1, $0.0e+00  }
0x3fb: {  	[tilespmem:s8+$0xFFFFFF20] =	vst v1;
	v1 =	vld [tilespmem:s8+$0xFFFFFF30]  }
0x3fc: {  	v2 =	vld [tilespmem:s18+$0xFFFFFF30];
	_ =	sdelay $0x4  }
0x3fd: {  	v1 =	vadd.f32 v2, v1;
	_ =	sdelay $0x1  }
0x3fe: {  	v1 =	vmax.f32 v1, $0.0e+00  }
0x3ff: {  	[tilespmem:s8+$0xFFFFFF30] =	vst v1;
	v1 =	vld [tilespmem:s8+$0xFFFFFF40]  }
0x400: {  	v2 =	vld [tilespmem:s18+$0xFFFFFF40];
	_ =	sdelay $0x4  }
0x401: {  	v1 =	vadd.f32 v2, v1;
	_ =	sdelay $0x1  }
0x402: {  	v1 =	vmax.f32 v1, $0.0e+00  }
0x403: {  	[tilespmem:s8+$0xFFFFFF40] =	vst v1;
	v1 =	vld [tilespmem:s8+$0xFFFFFF50]  }
0x404: {  	v2 =	vld [tilespmem:s18+$0xFFFFFF50];
	_ =	sdelay $0x4  }
0x405: {  	v1 =	vadd.f32 v2, v1;
	_ =	sdelay $0x1  }
0x406: {  	v1 =	vmax.f32 v1, $0.0e+00  }
0x407: {  	[tilespmem:s8+$0xFFFFFF50] =	vst v1;
	v1 =	vld [tilespmem:s8+$0xFFFFFF60]  }
0x408: {  	v2 =	vld [tilespmem:s18+$0xFFFFFF60];
	_ =	sdelay $0x4  }
0x409: {  	v1 =	vadd.f32 v2, v1;
	_ =	sdelay $0x1  }
0x40a: {  	v1 =	vmax.f32 v1, $0.0e+00  }
0x40b: {  	[tilespmem:s8+$0xFFFFFF60] =	vst v1;
	v1 =	vld [tilespmem:s8+$0xFFFFFF70]  }
0x40c: {  	v2 =	vld [tilespmem:s18+$0xFFFFFF70];
	_ =	sdelay $0x4  }
0x40d: {  	v1 =	vadd.f32 v2, v1;
	_ =	sdelay $0x1  }
0x40e: {  	v1 =	vmax.f32 v1, $0.0e+00  }
0x40f: {  	[tilespmem:s8+$0xFFFFFF70] =	vst v1;
	v1 =	vld [tilespmem:s8+$0xFFFFFF80]  }
0x410: {  	v2 =	vld [tilespmem:s18+$0xFFFFFF80];
	_ =	sdelay $0x4  }
0x411: {  	v1 =	vadd.f32 v2, v1;
	_ =	sdelay $0x1  }
0x412: {  	v1 =	vmax.f32 v1, $0.0e+00  }
0x413: {  	[tilespmem:s8+$0xFFFFFF80] =	vst v1;
	v1 =	vld [tilespmem:s8+$0xFFFFFF90]  }
0x414: {  	v2 =	vld [tilespmem:s18+$0xFFFFFF90];
	_ =	sdelay $0x4  }
0x415: {  	v1 =	vadd.f32 v2, v1;
	_ =	sdelay $0x1  }
0x416: {  	v1 =	vmax.f32 v1, $0.0e+00  }
0x417: {  	[tilespmem:s8+$0xFFFFFF90] =	vst v1;
	v1 =	vld [tilespmem:s8+$0xFFFFFFA0]  }
0x418: {  	v2 =	vld [tilespmem:s18+$0xFFFFFFA0];
	_ =	sdelay $0x4  }
0x419: {  	v1 =	vadd.f32 v2, v1;
	_ =	sdelay $0x1  }
0x41a: {  	v1 =	vmax.f32 v1, $0.0e+00  }
0x41b: {  	[tilespmem:s8+$0xFFFFFFA0] =	vst v1;
	v1 =	vld [tilespmem:s8+$0xFFFFFFB0]  }
0x41c: {  	v2 =	vld [tilespmem:s18+$0xFFFFFFB0];
	_ =	sdelay $0x4  }
0x41d: {  	v1 =	vadd.f32 v2, v1;
	_ =	sdelay $0x1  }
0x41e: {  	v1 =	vmax.f32 v1, $0.0e+00  }
0x41f: {  	[tilespmem:s8+$0xFFFFFFB0] =	vst v1;
	v1 =	vld [tilespmem:s8+$0xFFFFFFC0]  }
0x420: {  	v2 =	vld [tilespmem:s18+$0xFFFFFFC0];
	_ =	sdelay $0x4  }
0x421: {  	v1 =	vadd.f32 v2, v1;
	_ =	sdelay $0x1  }
0x422: {  	v1 =	vmax.f32 v1, $0.0e+00  }
0x423: {  	[tilespmem:s8+$0xFFFFFFC0] =	vst v1;
	v1 =	vld [tilespmem:s8+$0xFFFFFFD0]  }
0x424: {  	v2 =	vld [tilespmem:s18+$0xFFFFFFD0];
	_ =	sdelay $0x4  }
0x425: {  	v1 =	vadd.f32 v2, v1;
	_ =	sdelay $0x1  }
0x426: {  	v1 =	vmax.f32 v1, $0.0e+00  }
0x427: {  	[tilespmem:s8+$0xFFFFFFD0] =	vst v1;
	v1 =	vld [tilespmem:s8+$0xFFFFFFE0]  }
0x428: {  	v2 =	vld [tilespmem:s18+$0xFFFFFFE0];
	_ =	sdelay $0x4  }
0x429: {  	v1 =	vadd.f32 v2, v1;
	_ =	sdelay $0x1  }
0x42a: {  	v1 =	vmax.f32 v1, $0.0e+00  }
0x42b: {  	[tilespmem:s8+$0xFFFFFFE0] =	vst v1;
	v1 =	vld [tilespmem:s8+$0xFFFFFFF0]  }
0x42c: {  	v2 =	vld [tilespmem:s18+$0xFFFFFFF0];
	_ =	sdelay $0x4  }
0x42d: {  	v1 =	vadd.f32 v2, v1;
	_ =	sdelay $0x1  }
0x42e: {  	v1 =	vmax.f32 v1, $0.0e+00  }
0x42f: {  	[tilespmem:s8+$0xFFFFFFF0] =	vst v1;
	v1 =	vld [tilespmem:s8+$0x0]  }
0x430: {  	v2 =	vld [tilespmem:s18+$0x0];
	_ =	sdelay $0x4  }
0x431: {  	v1 =	vadd.f32 v2, v1;
	_ =	sdelay $0x1  }
0x432: {  	v1 =	vmax.f32 v1, $0.0e+00  }
0x433: {  	[tilespmem:s8+$0x0] =	vst v1;
	v1 =	vld [tilespmem:s8+$0x10]  }
0x434: {  	v2 =	vld [tilespmem:s18+$0x10];
	_ =	sdelay $0x4  }
0x435: {  	v1 =	vadd.f32 v2, v1;
	_ =	sdelay $0x1  }
0x436: {  	v1 =	vmax.f32 v1, $0.0e+00  }
0x437: {  	[tilespmem:s8+$0x10] =	vst v1;
	v1 =	vld [tilespmem:s8+$0x20]  }
0x438: {  	v2 =	vld [tilespmem:s18+$0x20];
	_ =	sdelay $0x4  }
0x439: {  	v1 =	vadd.f32 v2, v1;
	_ =	sdelay $0x1  }
0x43a: {  	v1 =	vmax.f32 v1, $0.0e+00  }
0x43b: {  	[tilespmem:s8+$0x20] =	vst v1;
	v1 =	vld [tilespmem:s8+$0x30]  }
0x43c: {  	v2 =	vld [tilespmem:s18+$0x30];
	_ =	sdelay $0x4  }
0x43d: {  	v1 =	vadd.f32 v2, v1;
	_ =	sdelay $0x1  }
0x43e: {  	v1 =	vmax.f32 v1, $0.0e+00  }
0x43f: {  	[tilespmem:s8+$0x30] =	vst v1;
	v1 =	vld [tilespmem:s8+$0x40]  }
0x440: {  	v2 =	vld [tilespmem:s18+$0x40];
	_ =	sdelay $0x4  }
0x441: {  	v1 =	vadd.f32 v2, v1;
	_ =	sdelay $0x1  }
0x442: {  	v1 =	vmax.f32 v1, $0.0e+00  }
0x443: {  	[tilespmem:s8+$0x40] =	vst v1;
	v1 =	vld [tilespmem:s8+$0x50]  }
0x444: {  	v2 =	vld [tilespmem:s18+$0x50];
	_ =	sdelay $0x4  }
0x445: {  	v1 =	vadd.f32 v2, v1;
	_ =	sdelay $0x1  }
0x446: {  	v1 =	vmax.f32 v1, $0.0e+00  }
0x447: {  	[tilespmem:s8+$0x50] =	vst v1;
	v1 =	vld [tilespmem:s8+$0x60]  }
0x448: {  	v2 =	vld [tilespmem:s18+$0x60];
	_ =	sdelay $0x4  }
0x449: {  	v1 =	vadd.f32 v2, v1;
	_ =	sdelay $0x1  }
0x44a: {  	v1 =	vmax.f32 v1, $0.0e+00  }
0x44b: {  	[tilespmem:s8+$0x60] =	vst v1;
	v1 =	vld [tilespmem:s8+$0x70]  }
0x44c: {  	v2 =	vld [tilespmem:s18+$0x70];
	_ =	sdelay $0x4  }
0x44d: {  	v1 =	vadd.f32 v2, v1;
	_ =	sdelay $0x1  }
0x44e: {  	v1 =	vmax.f32 v1, $0.0e+00  }
0x44f: {  	[tilespmem:s8+$0x70] =	vst v1;
	v1 =	vld [tilespmem:s8+$0x80]  }
0x450: {  	v2 =	vld [tilespmem:s18+$0x80];
	_ =	sdelay $0x4  }
0x451: {  	v1 =	vadd.f32 v2, v1;
	_ =	sdelay $0x1  }
0x452: {  	v1 =	vmax.f32 v1, $0.0e+00  }
0x453: {  	[tilespmem:s8+$0x80] =	vst v1;
	v1 =	vld [tilespmem:s8+$0x90]  }
0x454: {  	v2 =	vld [tilespmem:s18+$0x90];
	_ =	sdelay $0x4  }
0x455: {  	v1 =	vadd.f32 v2, v1;
	_ =	sdelay $0x1  }
0x456: {  	v1 =	vmax.f32 v1, $0.0e+00  }
0x457: {  	[tilespmem:s8+$0x90] =	vst v1;
	v1 =	vld [tilespmem:s8+$0xA0]  }
0x458: {  	v2 =	vld [tilespmem:s18+$0xA0];
	_ =	sdelay $0x4  }
0x459: {  	v1 =	vadd.f32 v2, v1;
	_ =	sdelay $0x1  }
0x45a: {  	v1 =	vmax.f32 v1, $0.0e+00  }
0x45b: {  	[tilespmem:s8+$0xA0] =	vst v1;
	v1 =	vld [tilespmem:s8+$0xB0]  }
0x45c: {  	v2 =	vld [tilespmem:s18+$0xB0];
	_ =	sdelay $0x4  }
0x45d: {  	v1 =	vadd.f32 v2, v1;
	_ =	sdelay $0x1  }
0x45e: {  	v1 =	vmax.f32 v1, $0.0e+00  }
0x45f: {  	[tilespmem:s8+$0xB0] =	vst v1;
	v1 =	vld [tilespmem:s8+$0xC0]  }
0x460: {  	v2 =	vld [tilespmem:s18+$0xC0];
	_ =	sdelay $0x4  }
0x461: {  	v1 =	vadd.f32 v2, v1;
	_ =	sdelay $0x1  }
0x462: {  	v1 =	vmax.f32 v1, $0.0e+00  }
0x463: {  	[tilespmem:s8+$0xC0] =	vst v1;
	v1 =	vld [tilespmem:s8+$0xD0]  }
0x464: {  	v2 =	vld [tilespmem:s18+$0xD0];
	_ =	sdelay $0x4  }
0x465: {  	v1 =	vadd.f32 v2, v1;
	_ =	sdelay $0x1  }
0x466: {  	v1 =	vmax.f32 v1, $0.0e+00  }
0x467: {  	[tilespmem:s8+$0xD0] =	vst v1;
	v1 =	vld [tilespmem:s8+$0xE0]  }
0x468: {  	v2 =	vld [tilespmem:s18+$0xE0];
	_ =	sdelay $0x4  }
0x469: {  	v1 =	vadd.f32 v2, v1;
	_ =	sdelay $0x1  }
0x46a: {  	v1 =	vmax.f32 v1, $0.0e+00  }
0x46b: {  	[tilespmem:s8+$0xE0] =	vst v1;
	v1 =	vld [tilespmem:s8+$0xF0]  }
0x46c: {  	v2 =	vld [tilespmem:s18+$0xF0];
	_ =	sdelay $0x4  }
0x46d: {  	v1 =	vadd.f32 v2, v1;
	_ =	sdelay $0x1  }
0x46e: {  	s16 =	simm.s32 $0x0;
	s17 =	simm.s32 $0x2F00;
	v1 =	vmax.f32 v1, $0.0e+00  }
.LBB2_20:
0x46f: {  	v2 =	vld [tilespmem:s17+$0xFFFFFF00];
	[tilespmem:s8+$0xF0] =	vst v1;
	s18 =	sadd.s32 $0x200, s18;
	s8 =	smov.u32 s17  }
0x470: {  	s16 =	sadd.s32 $0x4, s16;
	v1 =	vld [tilespmem:s18+$0xFFFFFF00]  }
0x471: {  	p0 =	slt.u32 s16, $0x4C;
	_ =	sdelay $0x3  }
0x472: {  	v1 =	vadd.f32 v1, v2;
	_ =	sdelay $0x1  }
0x473: {  	v1 =	vmax.f32 v1, $0.0e+00  }
0x474: {  	[tilespmem:s17+$0xFFFFFF00] =	vst v1;
	v1 =	vld [tilespmem:s17+$0xFFFFFF10]  }
0x475: {  	v2 =	vld [tilespmem:s18+$0xFFFFFF10];
	_ =	sdelay $0x4  }
0x476: {  	v1 =	vadd.f32 v2, v1;
	_ =	sdelay $0x1  }
0x477: {  	v1 =	vmax.f32 v1, $0.0e+00  }
0x478: {  	[tilespmem:s17+$0xFFFFFF10] =	vst v1;
	v1 =	vld [tilespmem:s17+$0xFFFFFF20]  }
0x479: {  	v2 =	vld [tilespmem:s18+$0xFFFFFF20];
	_ =	sdelay $0x4  }
0x47a: {  	v1 =	vadd.f32 v2, v1;
	_ =	sdelay $0x1  }
0x47b: {  	v1 =	vmax.f32 v1, $0.0e+00  }
0x47c: {  	[tilespmem:s17+$0xFFFFFF20] =	vst v1;
	v1 =	vld [tilespmem:s17+$0xFFFFFF30]  }
0x47d: {  	v2 =	vld [tilespmem:s18+$0xFFFFFF30];
	_ =	sdelay $0x4  }
0x47e: {  	v1 =	vadd.f32 v2, v1;
	_ =	sdelay $0x1  }
0x47f: {  	v1 =	vmax.f32 v1, $0.0e+00  }
0x480: {  	[tilespmem:s17+$0xFFFFFF30] =	vst v1;
	v1 =	vld [tilespmem:s17+$0xFFFFFF40]  }
0x481: {  	v2 =	vld [tilespmem:s18+$0xFFFFFF40];
	_ =	sdelay $0x4  }
0x482: {  	v1 =	vadd.f32 v2, v1;
	_ =	sdelay $0x1  }
0x483: {  	v1 =	vmax.f32 v1, $0.0e+00  }
0x484: {  	[tilespmem:s17+$0xFFFFFF40] =	vst v1;
	v1 =	vld [tilespmem:s17+$0xFFFFFF50]  }
0x485: {  	v2 =	vld [tilespmem:s18+$0xFFFFFF50];
	_ =	sdelay $0x4  }
0x486: {  	v1 =	vadd.f32 v2, v1;
	_ =	sdelay $0x1  }
0x487: {  	v1 =	vmax.f32 v1, $0.0e+00  }
0x488: {  	[tilespmem:s17+$0xFFFFFF50] =	vst v1;
	v1 =	vld [tilespmem:s17+$0xFFFFFF60]  }
0x489: {  	v2 =	vld [tilespmem:s18+$0xFFFFFF60];
	_ =	sdelay $0x4  }
0x48a: {  	v1 =	vadd.f32 v2, v1;
	_ =	sdelay $0x1  }
0x48b: {  	v1 =	vmax.f32 v1, $0.0e+00  }
0x48c: {  	[tilespmem:s17+$0xFFFFFF60] =	vst v1;
	v1 =	vld [tilespmem:s17+$0xFFFFFF70]  }
0x48d: {  	v2 =	vld [tilespmem:s18+$0xFFFFFF70];
	_ =	sdelay $0x4  }
0x48e: {  	v1 =	vadd.f32 v2, v1;
	_ =	sdelay $0x1  }
0x48f: {  	v1 =	vmax.f32 v1, $0.0e+00  }
0x490: {  	[tilespmem:s17+$0xFFFFFF70] =	vst v1;
	v1 =	vld [tilespmem:s17+$0xFFFFFF80]  }
0x491: {  	v2 =	vld [tilespmem:s18+$0xFFFFFF80];
	_ =	sdelay $0x4  }
0x492: {  	v1 =	vadd.f32 v2, v1;
	_ =	sdelay $0x1  }
0x493: {  	v1 =	vmax.f32 v1, $0.0e+00  }
0x494: {  	[tilespmem:s17+$0xFFFFFF80] =	vst v1;
	v1 =	vld [tilespmem:s17+$0xFFFFFF90]  }
0x495: {  	v2 =	vld [tilespmem:s18+$0xFFFFFF90];
	_ =	sdelay $0x4  }
0x496: {  	v1 =	vadd.f32 v2, v1;
	_ =	sdelay $0x1  }
0x497: {  	v1 =	vmax.f32 v1, $0.0e+00  }
0x498: {  	[tilespmem:s17+$0xFFFFFF90] =	vst v1;
	v1 =	vld [tilespmem:s17+$0xFFFFFFA0]  }
0x499: {  	v2 =	vld [tilespmem:s18+$0xFFFFFFA0];
	_ =	sdelay $0x4  }
0x49a: {  	v1 =	vadd.f32 v2, v1;
	_ =	sdelay $0x1  }
0x49b: {  	v1 =	vmax.f32 v1, $0.0e+00  }
0x49c: {  	[tilespmem:s17+$0xFFFFFFA0] =	vst v1;
	v1 =	vld [tilespmem:s17+$0xFFFFFFB0]  }
0x49d: {  	v2 =	vld [tilespmem:s18+$0xFFFFFFB0];
	_ =	sdelay $0x4  }
0x49e: {  	v1 =	vadd.f32 v2, v1;
	_ =	sdelay $0x1  }
0x49f: {  	v1 =	vmax.f32 v1, $0.0e+00  }
0x4a0: {  	[tilespmem:s17+$0xFFFFFFB0] =	vst v1;
	v1 =	vld [tilespmem:s17+$0xFFFFFFC0]  }
0x4a1: {  	v2 =	vld [tilespmem:s18+$0xFFFFFFC0];
	_ =	sdelay $0x4  }
0x4a2: {  	v1 =	vadd.f32 v2, v1;
	_ =	sdelay $0x1  }
0x4a3: {  	v1 =	vmax.f32 v1, $0.0e+00  }
0x4a4: {  	[tilespmem:s17+$0xFFFFFFC0] =	vst v1;
	v1 =	vld [tilespmem:s17+$0xFFFFFFD0]  }
0x4a5: {  	v2 =	vld [tilespmem:s18+$0xFFFFFFD0];
	_ =	sdelay $0x4  }
0x4a6: {  	v1 =	vadd.f32 v2, v1;
	_ =	sdelay $0x1  }
0x4a7: {  	v1 =	vmax.f32 v1, $0.0e+00  }
0x4a8: {  	[tilespmem:s17+$0xFFFFFFD0] =	vst v1;
	v1 =	vld [tilespmem:s17+$0xFFFFFFE0]  }
0x4a9: {  	v2 =	vld [tilespmem:s18+$0xFFFFFFE0];
	_ =	sdelay $0x4  }
0x4aa: {  	v1 =	vadd.f32 v2, v1;
	_ =	sdelay $0x1  }
0x4ab: {  	v1 =	vmax.f32 v1, $0.0e+00  }
0x4ac: {  	[tilespmem:s17+$0xFFFFFFE0] =	vst v1;
	v1 =	vld [tilespmem:s17+$0xFFFFFFF0]  }
0x4ad: {  	v2 =	vld [tilespmem:s18+$0xFFFFFFF0];
	_ =	sdelay $0x4  }
0x4ae: {  	v1 =	vadd.f32 v2, v1;
	_ =	sdelay $0x1  }
0x4af: {  	v1 =	vmax.f32 v1, $0.0e+00  }
0x4b0: {  	[tilespmem:s17+$0xFFFFFFF0] =	vst v1;
	v1 =	vld [tilespmem:s17+$0x0]  }
0x4b1: {  	v2 =	vld [tilespmem:s18+$0x0];
	_ =	sdelay $0x4  }
0x4b2: {  	v1 =	vadd.f32 v2, v1;
	_ =	sdelay $0x1  }
0x4b3: {  	v1 =	vmax.f32 v1, $0.0e+00  }
0x4b4: {  	[tilespmem:s17+$0x0] =	vst v1;
	v1 =	vld [tilespmem:s17+$0x10]  }
0x4b5: {  	v2 =	vld [tilespmem:s18+$0x10];
	_ =	sdelay $0x4  }
0x4b6: {  	v1 =	vadd.f32 v2, v1;
	_ =	sdelay $0x1  }
0x4b7: {  	v1 =	vmax.f32 v1, $0.0e+00  }
0x4b8: {  	[tilespmem:s17+$0x10] =	vst v1;
	v1 =	vld [tilespmem:s17+$0x20]  }
0x4b9: {  	v2 =	vld [tilespmem:s18+$0x20];
	_ =	sdelay $0x4  }
0x4ba: {  	v1 =	vadd.f32 v2, v1;
	_ =	sdelay $0x1  }
0x4bb: {  	v1 =	vmax.f32 v1, $0.0e+00  }
0x4bc: {  	[tilespmem:s17+$0x20] =	vst v1;
	v1 =	vld [tilespmem:s17+$0x30]  }
0x4bd: {  	v2 =	vld [tilespmem:s18+$0x30];
	_ =	sdelay $0x4  }
0x4be: {  	v1 =	vadd.f32 v2, v1;
	_ =	sdelay $0x1  }
0x4bf: {  	v1 =	vmax.f32 v1, $0.0e+00  }
0x4c0: {  	[tilespmem:s17+$0x30] =	vst v1;
	v1 =	vld [tilespmem:s17+$0x40]  }
0x4c1: {  	v2 =	vld [tilespmem:s18+$0x40];
	_ =	sdelay $0x4  }
0x4c2: {  	v1 =	vadd.f32 v2, v1;
	_ =	sdelay $0x1  }
0x4c3: {  	v1 =	vmax.f32 v1, $0.0e+00  }
0x4c4: {  	[tilespmem:s17+$0x40] =	vst v1;
	v1 =	vld [tilespmem:s17+$0x50]  }
0x4c5: {  	v2 =	vld [tilespmem:s18+$0x50];
	_ =	sdelay $0x4  }
0x4c6: {  	v1 =	vadd.f32 v2, v1;
	_ =	sdelay $0x1  }
0x4c7: {  	v1 =	vmax.f32 v1, $0.0e+00  }
0x4c8: {  	[tilespmem:s17+$0x50] =	vst v1;
	v1 =	vld [tilespmem:s17+$0x60]  }
0x4c9: {  	v2 =	vld [tilespmem:s18+$0x60];
	_ =	sdelay $0x4  }
0x4ca: {  	v1 =	vadd.f32 v2, v1;
	_ =	sdelay $0x1  }
0x4cb: {  	v1 =	vmax.f32 v1, $0.0e+00  }
0x4cc: {  	[tilespmem:s17+$0x60] =	vst v1;
	v1 =	vld [tilespmem:s17+$0x70]  }
0x4cd: {  	v2 =	vld [tilespmem:s18+$0x70];
	_ =	sdelay $0x4  }
0x4ce: {  	v1 =	vadd.f32 v2, v1;
	_ =	sdelay $0x1  }
0x4cf: {  	v1 =	vmax.f32 v1, $0.0e+00  }
0x4d0: {  	[tilespmem:s17+$0x70] =	vst v1;
	v1 =	vld [tilespmem:s17+$0x80]  }
0x4d1: {  	v2 =	vld [tilespmem:s18+$0x80];
	_ =	sdelay $0x4  }
0x4d2: {  	v1 =	vadd.f32 v2, v1;
	_ =	sdelay $0x1  }
0x4d3: {  	v1 =	vmax.f32 v1, $0.0e+00  }
0x4d4: {  	[tilespmem:s17+$0x80] =	vst v1;
	v1 =	vld [tilespmem:s17+$0x90]  }
0x4d5: {  	v2 =	vld [tilespmem:s18+$0x90];
	_ =	sdelay $0x4  }
0x4d6: {  	v1 =	vadd.f32 v2, v1;
	_ =	sdelay $0x1  }
0x4d7: {  	v1 =	vmax.f32 v1, $0.0e+00  }
0x4d8: {  	[tilespmem:s17+$0x90] =	vst v1;
	v1 =	vld [tilespmem:s17+$0xA0]  }
0x4d9: {  	v2 =	vld [tilespmem:s18+$0xA0];
	_ =	sdelay $0x4  }
0x4da: {  	v1 =	vadd.f32 v2, v1;
	_ =	sdelay $0x1  }
0x4db: {  	v1 =	vmax.f32 v1, $0.0e+00  }
0x4dc: {  	[tilespmem:s17+$0xA0] =	vst v1;
	v1 =	vld [tilespmem:s17+$0xB0]  }
0x4dd: {  	v2 =	vld [tilespmem:s18+$0xB0];
	_ =	sdelay $0x4  }
0x4de: {  	v1 =	vadd.f32 v2, v1;
	_ =	sdelay $0x1  }
0x4df: {  	v1 =	vmax.f32 v1, $0.0e+00  }
0x4e0: {  	[tilespmem:s17+$0xB0] =	vst v1;
	v1 =	vld [tilespmem:s17+$0xC0]  }
0x4e1: {  	v2 =	vld [tilespmem:s18+$0xC0];
	_ =	sdelay $0x4  }
0x4e2: {  	v1 =	vadd.f32 v2, v1;
	_ =	sdelay $0x1  }
0x4e3: {  	v1 =	vmax.f32 v1, $0.0e+00  }
0x4e4: {  	[tilespmem:s17+$0xC0] =	vst v1;
	v1 =	vld [tilespmem:s17+$0xD0]  }
0x4e5: {  	v2 =	vld [tilespmem:s18+$0xD0];
	_ =	sdelay $0x4  }
0x4e6: {  	v1 =	vadd.f32 v2, v1;
	_ =	sdelay $0x1  }
0x4e7: {  	v1 =	vmax.f32 v1, $0.0e+00  }
0x4e8: {  	[tilespmem:s17+$0xD0] =	vst v1;
	v1 =	vld [tilespmem:s17+$0xE0]  }
0x4e9: {  	v2 =	vld [tilespmem:s18+$0xE0];
	_ =	sdelay $0x4  }
0x4ea: {  	v1 =	vadd.f32 v2, v1;
	_ =	sdelay $0x1  }
0x4eb: {  	v1 =	vmax.f32 v1, $0.0e+00  }
0x4ec: {  	[tilespmem:s17+$0xE0] =	vst v1;
	v1 =	vld [tilespmem:s17+$0xF0]  }
0x4ed: {  	v2 =	vld [tilespmem:s18+$0xF0];
	_ =	sdelay $0x2  }
.Ltmp14:
0x4ee: {  	(pc) =	sbr.rel @p0 .LBB2_20-.Ltmp14, $3  }
0x4ef: {  	_ = 	snop  }
0x4f0: {  	v1 =	vadd.f32 v2, v1;
	_ =	sdelay $0x1  }
0x4f1: {  	s17 =	sadd.s32 $0x200, s17;
	v1 =	vmax.f32 v1, $0.0e+00  }
.Ltmp15:
0x4f2: {  	[tilespmem:s8+$0xF0] =	vst v1;
	s24 =	simm.s32 $0x380;
	(pc) =	sbr.rel .LBB2_22-.Ltmp15, $4  }
0x4f3: {  	[spmem:s4] =	stream.indirect.scatter.add.f32 [tilespmem:s15], [sflag:$0x9], $0x80, s24, s1, $0xb8;
	[tilespmem:$0x1E400] =	vst v63  }
0x4f4: {  	_ =	swait.ge [sflag:s26], $0x2800  }
0x4f5: {  	[sflag:s26] =	ssyncset.done $0x0  }
0x4f6: {  	[sflag:s26] =	ssyncadd.s32 $0xFFFFD800  }
.LBB2_24:
0x4f7: {  	_ =	sfence.sel $0x180000  }
0x4f8: {  	[bflag:$0x0] =	sbarrier.arrive $0xFFFF  }
0x4f9: {  	_ =	strace $0x90000047  }
0x4fa: {  	s0 =	stileid.u32;
	[bflag:$0x2] =	sbarrier.arrive $0xFFFF  }
0x4fb: {  	p0 =	sne.s32 s0, $0x0;
	s0 =	rddreg [dreg:$0x4]  }
0x4fc: {  	s0 =	sadd.s32 @!p0 $0x100000, s0  }
0x4fd: {  	[sflag:s0] =	ssyncadd.tile.s32 @!p0 $0x1;
	_ =	shalt  }
.Lfunc_end2:
_tile_overlayer_lowered:
.L_overlay_start_2:
0x4fe: {  	(tag) =	ssettag $0x2  }
0x4ff: {  	s0 =	rddreg [dreg:$0x0];
	s2 =	stileid.u32  }
0x500: {  	s1 =	rddreg [dreg:$0x1];
	p0 =	sne.s32 s2, $0x0  }
0x501: {  	s3 =	rddreg [dreg:$0x2];
	[bflag:$0x3] =	sbarrier.arrive $0xFFFF;
	s2 =	simm.s32 @!p0 $0x1C09  }
0x502: {  	[timem:s3], [sflag:s2] =	dma.local @!p0 [hbm:s0], s1  }
0x503: {  	s0 =	simm.s32 @!p0 $0x9  }
0x504: {  	_ =	swait.ge @!p0 [sflag:s0], s1  }
0x505: {  	s1 =	ssub.s32 @!p0 $0x0, s1;
	[sflag:s0] =	ssyncset.done @!p0 $0x0  }
0x506: {  	[sflag:s0] =	ssyncadd.s32 @!p0 s1  }
0x507: {  	[bflag:$0x3] =	sbarrier.arrive $0xFFFF  }
0x508: {  	_ =	shalt  }

</sc_bundles>
